<compile_context>
chip_gen: v7x
topology: tpu7x:2x2x1
jax: 0.10.2.dev20260603
libtpu: 0.0.44.dev20260713+nightly
codegen_flags: <defaults>
</compile_context>

<pallas_src>
import functools

import jax
import jax.numpy as jnp
import numpy as np
from jax.experimental import pallas as pl
from jax.experimental.pallas import tpu as pltpu

_NPOINTS = [512, 128, 1]
_RADIUS = [[0.1, 0.2, 0.4], [0.2, 0.4, 0.8], [100.0]]
_NSAMPLE = [[16, 32, 128], [32, 64, 128], [128]]
_EPS = 1e-5


def _fps_body(xs_ref, ys_ref, zs_ref, idx_ref, *, npoint, n):
    B = xs_ref.shape[0]
    xs = xs_ref[...]
    ys = ys_ref[...]
    zs = zs_ref[...]
    lane = jax.lax.broadcasted_iota(jnp.int32, (B, n), 1)
    olane = jax.lax.broadcasted_iota(jnp.int32, (B, npoint), 1)

    def body(i, st):
        dist, last, idxs = st
        m = lane == last
        lx = jnp.sum(jnp.where(m, xs, 0.0), 1, keepdims=True)
        ly = jnp.sum(jnp.where(m, ys, 0.0), 1, keepdims=True)
        lz = jnp.sum(jnp.where(m, zs, 0.0), 1, keepdims=True)
        dx = xs - lx
        dy = ys - ly
        dz = zs - lz
        d = (dx * dx + dy * dy) + dz * dz
        dist = jnp.minimum(dist, d)
        mx = jnp.max(dist, 1, keepdims=True)
        nxt = jnp.min(jnp.where(dist == mx, lane, n), 1, keepdims=True)
        idxs = jnp.where(olane == i, nxt, idxs)
        return (dist, nxt, idxs)

    dist0 = jnp.full((B, n), 1e10, jnp.float32)
    last0 = jnp.zeros((B, 1), jnp.int32)
    idxs0 = jnp.zeros((B, npoint), jnp.int32)
    _, _, idxs = jax.lax.fori_loop(1, npoint, body, (dist0, last0, idxs0))
    idx_ref[...] = idxs


def _fps_pallas(xs, ys, zs, npoint):
    B, n = xs.shape
    return pl.pallas_call(
        functools.partial(_fps_body, npoint=npoint, n=n),
        out_shape=jax.ShapeDtypeStruct((B, npoint), jnp.int32),
    )(xs, ys, zs)


def _layer_body(x_ref, wt_ref, sb_ref, y_ref, s_ref, q_ref, *, relu_in):
    x = x_ref[...]
    if relu_in:
        sb = sb_ref[...]
        x = jnp.maximum(x * sb[0:1, :] + sb[1:2, :], 0.0)
    y = jnp.dot(x, wt_ref[...], preferred_element_type=jnp.float32)
    y_ref[...] = y

    @pl.when(pl.program_id(0) == 0)
    def _():
        s_ref[...] = jnp.zeros_like(s_ref)
        q_ref[...] = jnp.zeros_like(q_ref)

    s_ref[...] += jnp.sum(y, 0, keepdims=True)
    q_ref[...] += jnp.sum(y * y, 0, keepdims=True)


def _tc_layer(x, wt, sb, relu_in, block_p):
    P, C = x.shape
    Cout = wt.shape[1]
    grid = P // block_p
    y, s, q = pl.pallas_call(
        functools.partial(_layer_body, relu_in=relu_in),
        grid=(grid,),
        in_specs=[
            pl.BlockSpec((block_p, C), lambda i: (i, 0)),
            pl.BlockSpec((C, Cout), lambda i: (0, 0)),
            pl.BlockSpec((2, C), lambda i: (0, 0)),
        ],
        out_specs=[
            pl.BlockSpec((block_p, Cout), lambda i: (i, 0)),
            pl.BlockSpec((1, Cout), lambda i: (0, 0)),
            pl.BlockSpec((1, Cout), lambda i: (0, 0)),
        ],
        out_shape=[
            jax.ShapeDtypeStruct((P, Cout), jnp.float32),
            jax.ShapeDtypeStruct((1, Cout), jnp.float32),
            jax.ShapeDtypeStruct((1, Cout), jnp.float32),
        ],
    )(x, wt, sb)
    return y, s, q


def _layer1_body(g_ref, nx_ref, wt_ref, y_ref, s_ref, q_ref):
    g = g_ref[...] - nx_ref[...][:, None, :]
    x = g.reshape(-1, g.shape[-1])
    y = jnp.dot(x, wt_ref[...], preferred_element_type=jnp.float32)
    y_ref[...] = y

    @pl.when(pl.program_id(0) == 0)
    def _():
        s_ref[...] = jnp.zeros_like(s_ref)
        q_ref[...] = jnp.zeros_like(q_ref)

    s_ref[...] += jnp.sum(y, 0, keepdims=True)
    q_ref[...] += jnp.sum(y * y, 0, keepdims=True)


def _tc_layer1(g3, nx, wt, block_q):
    Q, n, D = g3.shape
    Cout = wt.shape[1]
    grid = Q // block_q
    P = Q * n
    y, s, q = pl.pallas_call(
        _layer1_body,
        grid=(grid,),
        in_specs=[
            pl.BlockSpec((block_q, n, D), lambda i: (i, 0, 0)),
            pl.BlockSpec((block_q, D), lambda i: (i, 0)),
            pl.BlockSpec((D, Cout), lambda i: (0, 0)),
        ],
        out_specs=[
            pl.BlockSpec((block_q * n, Cout), lambda i: (i, 0)),
            pl.BlockSpec((1, Cout), lambda i: (0, 0)),
            pl.BlockSpec((1, Cout), lambda i: (0, 0)),
        ],
        out_shape=[
            jax.ShapeDtypeStruct((P, Cout), jnp.float32),
            jax.ShapeDtypeStruct((1, Cout), jnp.float32),
            jax.ShapeDtypeStruct((1, Cout), jnp.float32),
        ],
    )(g3, nx, wt)
    return y, s, q


def _pool_body(y_ref, sb_ref, o_ref):
    y = y_ref[...]
    sb = sb_ref[...]
    z = jnp.maximum(y * sb[0:1, None, :] + sb[1:2, None, :], 0.0)
    o_ref[...] = jnp.max(z, axis=1)


def _tc_pool(y3, sb, block_q):
    Q, n, C = y3.shape
    grid = Q // block_q
    return pl.pallas_call(
        _pool_body,
        grid=(grid,),
        in_specs=[
            pl.BlockSpec((block_q, n, C), lambda i: (i, 0, 0)),
            pl.BlockSpec((2, C), lambda i: (0, 0)),
        ],
        out_specs=pl.BlockSpec((block_q, C), lambda i: (i, 0)),
        out_shape=jax.ShapeDtypeStruct((Q, C), jnp.float32),
    )(y3, sb)


def _norm_consts(s, q, P, gamma, beta):
    mean = s[0] / P
    var = q[0] / P - mean * mean
    scale = gamma / jnp.sqrt(var + _EPS)
    bias = beta - mean * scale
    return jnp.stack([scale, bias])


def _mlp_stack(x0, n, scale_params, block_p, block_q, nx=None):
    if nx is None:
        P = x0.shape[0]
    else:
        P = x0.shape[0] * n
    Q = P // n
    x = x0
    sb = None
    for li, (W, gamma, beta) in enumerate(scale_params):
        cin = W.shape[1]
        Din = x0.shape[-1] if li == 0 else x.shape[1]
        wt = jnp.zeros((Din, W.shape[0]), jnp.float32).at[:cin, :].set(W.T)
        if li == 0 and nx is not None:
            y, s, q = _tc_layer1(x0, nx, wt, block_p // n)
        elif li == 0:
            dummy = jnp.zeros((2, Din), jnp.float32)
            y, s, q = _tc_layer(x, wt, dummy, False, block_p)
        else:
            y, s, q = _tc_layer(x, wt, sb, True, block_p)
        sb = _norm_consts(s, q, float(P), gamma, beta)
        x = y
    y3 = x.reshape(Q, n, x.shape[1])
    return _tc_pool(y3, sb, block_q)


def _sc_group(xs, ys, zs, fpsidx, table, B, N, S, radii, nsamples):
    from jax.experimental.pallas import tpu_sc as plsc

    D = table.shape[-1]
    info = plsc.get_sparse_core_info()
    NC, NS = info.num_cores, info.num_subcores
    NW = NC * NS
    Q = B * S
    QW = Q // NW
    NCH = N // 16
    r2s = [np.float32(r * r) for r in radii]
    ns = list(nsamples)

    mesh = plsc.VectorSubcoreMesh(core_axis_name="c", subcore_axis_name="s")
    out_type = [jax.ShapeDtypeStruct((Q,), jnp.float32)] * 3 + [
        jax.ShapeDtypeStruct((Q, n, D), jnp.float32) for n in ns
    ]
    scratch = (
        [pltpu.VMEM((N,), jnp.float32)] * 3
        + [pltpu.VMEM((QW,), jnp.int32)]
        + [pltpu.VMEM((QW,), jnp.float32)] * 3
        + [pltpu.VMEM((2 * n + 16,), jnp.int32) for n in ns]
        + [pltpu.VMEM((n, D), jnp.float32) for n in ns]
        + [pltpu.SemaphoreType.DMA]
    )

    @functools.partial(
        pl.kernel, mesh=mesh, out_type=out_type, scratch_types=scratch,
        compiler_params=pltpu.CompilerParams(needs_layout_passes=False, use_tc_tiling_on_sc=False))
    def k(xs_h, ys_h, zs_h, idx_h, tab_h, qx_h, qy_h, qz_h, g0_h, g1_h, g2_h,
          xsv, ysv, zsv, idxv, qxv, qyv, qzv, b0, b1, b2, w0, w1, w2, sem):
        wid = jax.lax.axis_index("s") * NC + jax.lax.axis_index("c")
        b = (wid * QW) // S
        base = b * N
        pltpu.sync_copy(xs_h.at[pl.ds(base, N)], xsv)
        pltpu.sync_copy(ys_h.at[pl.ds(base, N)], ysv)
        pltpu.sync_copy(zs_h.at[pl.ds(base, N)], zsv)
        pltpu.sync_copy(idx_h.at[pl.ds(wid * QW, QW)], idxv)
        iota = jax.lax.iota(jnp.int32, 16)
        bufs = [b0, b1, b2]
        rows = [w0, w1, w2]
        gs = [g0_h, g1_h, g2_h]
        imax = jnp.int32(2147483647)

        def qchunk(kk, _):
            iq = idxv[pl.ds(kk * 16, 16)]
            qx16 = plsc.load_gather(xsv, [iq])
            qy16 = plsc.load_gather(ysv, [iq])
            qz16 = plsc.load_gather(zsv, [iq])
            qxv[pl.ds(kk * 16, 16)] = qx16
            qyv[pl.ds(kk * 16, 16)] = qy16
            qzv[pl.ds(kk * 16, 16)] = qz16

            def qlane(l, _):
                sel = jnp.full((16,), kk * 16 + l, jnp.int32)
                bqx = plsc.load_gather(qxv, [sel])
                bqy = plsc.load_gather(qyv, [sel])
                bqz = plsc.load_gather(qzv, [sel])

                def cond(st):
                    c, c1, c2 = st[0], st[2], st[3]
                    return (c < NCH) & ((c1 < ns[1]) | (c2 < ns[2]))

                def sbody(st):
                    c, c0, c1, c2, f0, f1, f2 = st
                    px = xsv[pl.ds(c * 16, 16)]
                    py = ysv[pl.ds(c * 16, 16)]
                    pz = zsv[pl.ds(c * 16, 16)]
                    dx = px - bqx
                    dy = py - bqy
                    dz = pz - bqz
                    d2 = (dx * dx + dy * dy) + dz * dz
                    giv = iota + (c * 16 + base)
                    cs = [c0, c1, c2]
                    fs = [f0, f1, f2]
                    ncs = []
                    nfs = []
                    for j in range(3):
                        mball = d2 < r2s[j]
                        mj = jnp.logical_and(mball, cs[j] < ns[j])
                        plsc.store_compressed(bufs[j].at[pl.ds(cs[j], 16)], giv, mask=mj)
                        pc = plsc.all_reduce_population_count(mj)
                        ncs.append(cs[j] + jnp.max(pc))
                        nfs.append(jnp.minimum(fs[j], jnp.min(jnp.where(mball, giv, imax))))
                    return (c + 1, ncs[0], ncs[1], ncs[2], nfs[0], nfs[1], nfs[2])

                z = jnp.int32(0)
                c, c0, c1, c2, f0, f1, f2 = jax.lax.while_loop(
                    cond, sbody, (z, z, z, z, imax, imax, imax))

                def cond0(st):
                    return (st[0] < NCH) & (st[1] < ns[0])

                def sbody0(st):
                    c, c0, f0 = st
                    px = xsv[pl.ds(c * 16, 16)]
                    py = ysv[pl.ds(c * 16, 16)]
                    pz = zsv[pl.ds(c * 16, 16)]
                    dx = px - bqx
                    dy = py - bqy
                    dz = pz - bqz
                    d2 = (dx * dx + dy * dy) + dz * dz
                    giv = iota + (c * 16 + base)
                    mball = d2 < r2s[0]
                    plsc.store_compressed(bufs[0].at[pl.ds(c0, 16)], giv, mask=mball)
                    pc = plsc.all_reduce_population_count(mball)
                    nf = jnp.minimum(f0, jnp.min(jnp.where(mball, giv, imax)))
                    return (c + 1, c0 + jnp.max(pc), nf)

                c, c0, f0 = jax.lax.while_loop(cond0, sbody0, (c, c0, f0))
                qg = wid * QW + kk * 16 + l
                cs = [c0, c1, c2]
                fs = [f0, f1, f2]
                for j in range(3):
                    fj = jnp.where(fs[j] == imax, base, fs[j])
                    firstvec = jnp.full((16,), fj, jnp.int32)
                    offc = jnp.minimum(cs[j], ns[j])
                    for k2 in range(ns[j] // 16):
                        bufs[j][pl.ds(offc + k2 * 16, 16)] = firstvec
                copies = [
                    pltpu.async_copy(
                        tab_h.at[bufs[j].at[pl.ds(0, ns[j])]], rows[j], sem)
                    for j in range(3)
                ]
                for cp in copies:
                    cp.wait()
                for j in range(3):
                    pltpu.sync_copy(rows[j], gs[j].at[qg])
                return 0

            jax.lax.fori_loop(0, 16, qlane, 0, unroll=False)
            return 0

        jax.lax.fori_loop(0, QW // 16, qchunk, 0, unroll=False)
        pltpu.sync_copy(qxv, qx_h.at[pl.ds(wid * QW, QW)])
        pltpu.sync_copy(qyv, qy_h.at[pl.ds(wid * QW, QW)])
        pltpu.sync_copy(qzv, qz_h.at[pl.ds(wid * QW, QW)])

    return k(xs, ys, zs, fpsidx, table)


def kernel(global_pts, left_gripper1_tactile, left_gripper2_tactile, params):
    B = global_pts.shape[0]
    pcd = jnp.pad(global_pts, ((0, 0), (0, 0), (0, 5)))
    B1, N1, _ = left_gripper1_tactile.shape
    pad01 = jnp.broadcast_to(jnp.array([0.0, 1.0], jnp.float32).reshape(1, 1, 2), (B1, N1, 2))
    t1 = jnp.concatenate([left_gripper1_tactile, pad01], -1)
    pad02 = jnp.broadcast_to(jnp.array([0.0, 1.0], jnp.float32).reshape(1, 1, 2), (B1, N1, 2))
    t2 = jnp.concatenate([left_gripper2_tactile, pad02], -1)
    combined = jnp.concatenate([pcd, t1, t2], axis=1)
    xyz = combined[..., :3]

    N0 = combined.shape[1]
    S0 = _NPOINTS[0]
    table0 = jnp.pad(combined, ((0, 0), (0, 0), (0, 16 - 8)))
    xs0 = xyz[..., 0]
    ys0 = xyz[..., 1]
    zs0 = xyz[..., 2]
    fps0 = _fps_pallas(xs0, ys0, zs0, S0)
    sc0 = _sc_group(
        xs0.reshape(-1), ys0.reshape(-1), zs0.reshape(-1), fps0.reshape(-1),
        table0.reshape(-1, 16), B, N0, S0, _RADIUS[0], _NSAMPLE[0])
    qx0, qy0, qz0 = sc0[0], sc0[1], sc0[2]
    nx0 = jnp.pad(jnp.stack([qx0, qy0, qz0], -1), ((0, 0), (0, 13)))
    outs0 = []
    blocks0 = [(512, 64), (512, 32), (1024, 8)]
    for j, (ns, sp) in enumerate(zip(_NSAMPLE[0], params[0])):
        bp, bq = blocks0[j]
        outs0.append(_mlp_stack(sc0[3 + j], ns, sp, bp, bq, nx=nx0))
    feat0 = jnp.concatenate(outs0, -1).reshape(B, S0, -1)

    S1 = _NPOINTS[1]
    xs1 = qx0.reshape(B, S0)
    ys1 = qy0.reshape(B, S0)
    zs1 = qz0.reshape(B, S0)
    xyz1 = jnp.stack([xs1, ys1, zs1], -1)
    table1 = jnp.concatenate(
        [xyz1, feat0, jnp.zeros((B, S0, 336 - 323), jnp.float32)], -1
    )
    fps1 = _fps_pallas(xs1, ys1, zs1, S1)
    sc1 = _sc_group(
        xs1.reshape(-1), ys1.reshape(-1), zs1.reshape(-1), fps1.reshape(-1),
        table1.reshape(-1, 336), B, S0, S1, _RADIUS[1], _NSAMPLE[1])
    qx1, qy1, qz1 = sc1[0], sc1[1], sc1[2]
    nx1 = jnp.pad(jnp.stack([qx1, qy1, qz1], -1), ((0, 0), (0, 333)))
    outs1 = []
    blocks1 = [(512, 16), (512, 8), (1024, 8)]
    for j, (ns, sp) in enumerate(zip(_NSAMPLE[1], params[1])):
        bp, bq = blocks1[j]
        outs1.append(_mlp_stack(sc1[3 + j], ns, sp, bp, bq, nx=nx1))
    feat1 = jnp.concatenate(outs1, -1).reshape(B, S1, -1)

    xyz2 = jnp.stack([qx1.reshape(B, S1), qy1.reshape(B, S1), qz1.reshape(B, S1)], -1)
    rel2 = xyz2 - xyz2[:, 0:1, :]
    x2 = jnp.concatenate(
        [rel2, feat1, jnp.zeros((B, _NPOINTS[1], 656 - 643), jnp.float32)], -1
    ).reshape(-1, 656)
    out = _mlp_stack(x2, _NPOINTS[1], params[2][0], 1024, 8)
    return out

# --- scband reference (transcript-rebuilt; emitter-appended) ---
"""Pipeline reference for scband-tactile3-dencoder-88931592831264 (READ-ONLY COPY).

The authoritative reference and input builder live on the scoring server;
editing this copy changes nothing except your own understanding.
"""

import jax, jax.numpy as jnp
import numpy as np

NPOINTS = [512, 128, 1]
RADIUS = [[0.1, 0.2, 0.4], [0.2, 0.4, 0.8], [100.0]]
NSAMPLE = [[16, 32, 128], [32, 64, 128], [128]]
MLPS = [[[32, 32, 64], [64, 64, 128], [64, 96, 128]], [[64, 64, 128], [128, 128, 256], [128, 128, 256]], [[256, 512, 1024]]]
IN_CH = 5

def make_params(key):
    params = []
    channel_in = IN_CH
    for k in range(len(NPOINTS)):
        stage = []
        channel_out = 0
        for s in range(len(MLPS[k])):
            dims = [channel_in + 3] + MLPS[k][s]
            scale = []
            for li in range(len(dims) - 1):
                key, k1 = jax.random.split(key)
                W = jax.random.normal(k1, (dims[li + 1], dims[li]), jnp.float32) / np.sqrt(dims[li])
                scale.append((W, jnp.ones((dims[li + 1],), jnp.float32), jnp.zeros((dims[li + 1],), jnp.float32)))
            stage.append(scale)
            channel_out += MLPS[k][s][-1]
        params.append(stage)
        channel_in = channel_out
    return params

def fps(xyz, npoint):
    xyz = jax.lax.stop_gradient(xyz)
    B, N, _ = xyz.shape
    def body(i, st):
        idxs, dist, last = st
        lastpt = xyz[jnp.arange(B), last][:, None, :]
        d = jnp.sum((xyz - lastpt) ** 2, -1)
        dist = jnp.minimum(dist, d)
        nxt = jnp.argmax(dist, -1).astype(jnp.int32)
        idxs = idxs.at[:, i].set(nxt)
        return (idxs, dist, nxt)
    idxs = jnp.zeros((B, npoint), jnp.int32)
    dist = jnp.full((B, N), 1e10, jnp.float32)
    last = jnp.zeros((B,), jnp.int32)
    idxs, _, _ = jax.lax.fori_loop(1, npoint, body, (idxs, dist, last))
    return idxs

def ball_query(radius, nsample, xyz, new_xyz):
    xyz = jax.lax.stop_gradient(xyz)
    new_xyz = jax.lax.stop_gradient(new_xyz)
    dist2 = jnp.sum((new_xyz[:, :, None, :] - xyz[:, None, :, :]) ** 2, -1)
    mask = dist2 < radius ** 2
    order = jnp.argsort(jnp.where(mask, 0, 1), axis=-1)[..., :nsample]
    cnt = jnp.sum(mask, -1)
    first = order[..., :1]
    valid = jnp.arange(nsample)[None, None, :] < cnt[..., None]
    return jnp.where(valid, order, first)

def sa_msg(xyz, features, npoint, radii, nsamples, stage_params):
    B = xyz.shape[0]
    fps_idx = fps(xyz, npoint)
    new_xyz = xyz[jnp.arange(B)[:, None], fps_idx]
    feat_nlc = None if features is None else jnp.transpose(features, (0, 2, 1))
    outs = []
    for radius, nsample, scale_params in zip(radii, nsamples, stage_params):
        idx = ball_query(radius, nsample, xyz, new_xyz)
        grouped_xyz = xyz[jnp.arange(B)[:, None, None], idx] - new_xyz[:, :, None, :]
        if feat_nlc is not None:
            grouped_feat = feat_nlc[jnp.arange(B)[:, None, None], idx]
            x = jnp.concatenate([grouped_xyz, grouped_feat], -1)
        else:
            x = grouped_xyz
        for (W, gamma, beta) in scale_params:
            x = jnp.einsum('bsnc,oc->bsno', x, W)
            mean = jnp.mean(x, axis=(0, 1, 2), keepdims=True)
            var = jnp.var(x, axis=(0, 1, 2), keepdims=True)
            x = gamma * (x - mean) / jnp.sqrt(var + 1e-5) + beta
            x = jax.nn.relu(x)
        outs.append(jnp.max(x, axis=2))
    new_features = jnp.concatenate(outs, -1)
    return new_xyz, jnp.transpose(new_features, (0, 2, 1))

def _forward(global_pts, t1_orig, t2_orig, params):
    pcd = jnp.pad(global_pts, ((0, 0), (0, 0), (0, 5)))
    B1, N1, _ = t1_orig.shape
    pad01 = jnp.broadcast_to(jnp.array([0.0, 1.0], dtype=t1_orig.dtype).reshape(1, 1, 2), (B1, N1, 2))
    t1 = jnp.concatenate([t1_orig, pad01], -1)
    B2, N2, _ = t2_orig.shape
    pad02 = jnp.broadcast_to(jnp.array([0.0, 1.0], dtype=t2_orig.dtype).reshape(1, 1, 2), (B2, N2, 2))
    t2 = jnp.concatenate([t2_orig, pad02], -1)
    combined = jnp.concatenate([pcd, t1, t2], axis=1)
    xyz = combined[..., :3]
    features = jnp.transpose(combined[..., 3:], (0, 2, 1))
    for k in range(len(NPOINTS)):
        xyz, features = sa_msg(xyz, features, NPOINTS[k], RADIUS[k], NSAMPLE[k], params[k])
    return jnp.squeeze(features, -1)

def setup_inputs(seed: int = 0):
    key = jax.random.key(seed)
    k1, k2, k3, k4 = jax.random.split(key, 4)
    return {
        'global_pts': jax.random.uniform(k1, (8, 8192, 3), dtype=jnp.float32),
        'left_gripper1_tactile': jax.random.uniform(k2, (8, 1024, 6), dtype=jnp.float32),
        'left_gripper2_tactile': jax.random.uniform(k3, (8, 1024, 6), dtype=jnp.float32),
        'params': make_params(k4),
    }

def reference(global_pts, left_gripper1_tactile, left_gripper2_tactile, params):
    return _forward(global_pts, left_gripper1_tactile, left_gripper2_tactile, params)

if __name__ == "__main__":
    import jax
    _d = setup_inputs()
    print(jax.jit(kernel)(*tuple(_d.values())))

</pallas_src>

<mosaic_0001>
#map = affine_map<(d0, d1) -> (0)>
#map1 = affine_map<(d0, d1) -> (0, 0)>
#map2 = affine_map<(d0, d1) -> (0, 0, 0)>
module attributes {stable_mosaic.version = 14 : i64} {
  func.func @k(%arg0: i32, %arg1: i32, %arg2: memref<4096xf32, #tpu.memory_space<hbm>>, %arg3: memref<4096xf32, #tpu.memory_space<hbm>>, %arg4: memref<4096xf32, #tpu.memory_space<hbm>>, %arg5: memref<1024xi32, #tpu.memory_space<hbm>>, %arg6: memref<4096x336xf32, #tpu.memory_space<hbm>>, %arg7: memref<1024xf32, #tpu.memory_space<hbm>>, %arg8: memref<1024xf32, #tpu.memory_space<hbm>>, %arg9: memref<1024xf32, #tpu.memory_space<hbm>>, %arg10: memref<1024x32x336xf32, #tpu.memory_space<hbm>>, %arg11: memref<1024x64x336xf32, #tpu.memory_space<hbm>>, %arg12: memref<1024x128x336xf32, #tpu.memory_space<hbm>>, %arg13: memref<512xf32, #tpu.memory_space<vmem>>, %arg14: memref<512xf32, #tpu.memory_space<vmem>>, %arg15: memref<512xf32, #tpu.memory_space<vmem>>, %arg16: memref<32xi32, #tpu.memory_space<vmem>>, %arg17: memref<32xf32, #tpu.memory_space<vmem>>, %arg18: memref<32xf32, #tpu.memory_space<vmem>>, %arg19: memref<32xf32, #tpu.memory_space<vmem>>, %arg20: memref<80xi32, #tpu.memory_space<vmem>>, %arg21: memref<144xi32, #tpu.memory_space<vmem>>, %arg22: memref<272xi32, #tpu.memory_space<vmem>>, %arg23: memref<32x336xf32, #tpu.memory_space<vmem>>, %arg24: memref<64x336xf32, #tpu.memory_space<vmem>>, %arg25: memref<128x336xf32, #tpu.memory_space<vmem>>, %arg26: memref<!tpu.dma_semaphore, #tpu.memory_space<semaphore_mem>>) attributes {dimension_semantics = [#tpu.dimension_semantics<core_parallel>, #tpu.dimension_semantics<subcore_parallel>], iteration_bounds = array<i64: 2, 16>, scalar_prefetch = 0 : i64, scratch_operands = 14 : i64, tpu.core_type = #tpu.core_type<sc_vector_subcore>, window_params = [{transform_indices = #map}, {transform_indices = #map}, {transform_indices = #map}, {transform_indices = #map}, {transform_indices = #map1}, {transform_indices = #map}, {transform_indices = #map}, {transform_indices = #map}, {transform_indices = #map2}, {transform_indices = #map2}, {transform_indices = #map2}]} {
    %mul3A = arith.constant 2 : i32
    %mul3A_0 = arith.muli %arg1, %mul3A : i32
    %add3A = arith.addi %mul3A_0, %arg0 : i32
    %mul3A_1 = arith.constant 32 : i32
    %mul3A_2 = arith.muli %add3A, %mul3A_1 : i32
    %jit3A = arith.constant 128 : i32
    %div3A = arith.divsi %mul3A_2, %jit3A : i32
    %sign3A = arith.constant 0 : i32
    %sign3A_3 = arith.cmpi sgt, %mul3A_2, %sign3A : i32
    %sign3A_4 = arith.extui %sign3A_3 : i1 to i32
    %sign3A_5 = arith.constant 0 : i32
    %sign3A_6 = arith.cmpi slt, %mul3A_2, %sign3A_5 : i32
    %sign3A_7 = arith.extui %sign3A_6 : i1 to i32
    %sign3A_8 = arith.subi %sign3A_4, %sign3A_7 : i32
    %sign3A_9 = arith.constant 0 : i32
    %sign3A_10 = arith.cmpi sgt, %jit3A, %sign3A_9 : i32
    %sign3A_11 = arith.extui %sign3A_10 : i1 to i32
    %sign3A_12 = arith.constant 0 : i32
    %sign3A_13 = arith.cmpi slt, %jit3A, %sign3A_12 : i32
    %sign3A_14 = arith.extui %sign3A_13 : i1 to i32
    %sign3A_15 = arith.subi %sign3A_11, %sign3A_14 : i32
    %ne3A = arith.cmpi ne, %sign3A_8, %sign3A_15 : i32
    %rem3A = arith.remsi %mul3A_2, %jit3A : i32
    %ne3A_16 = arith.constant 0 : i32
    %ne3A_17 = arith.cmpi ne, %rem3A, %ne3A_16 : i32
    %and3A = arith.andi %ne3A, %ne3A_17 : i1
    %sub3A = arith.constant 1 : i32
    %sub3A_18 = arith.subi %div3A, %sub3A : i32
    %select_n3A = arith.select %and3A, %sub3A_18, %div3A : i32
    %mul3A_19 = arith.constant 512 : i32
    %mul3A_20 = arith.muli %select_n3A, %mul3A_19 : i32
    "tpu.region"() ({
      %run_scoped3A = tpu.sem_alloc : memref<!tpu.dma_semaphore, #tpu.memory_space<semaphore_mem>>
      %dma_start3A = tpu.memref_slice %arg2[%mul3A_20] : memref<4096xf32, #tpu.memory_space<hbm>> -> memref<512xf32, #tpu.memory_space<hbm>>
      %dma_start3A_36 = tpu.memref_slice %arg2[%mul3A_20] : memref<4096xf32, #tpu.memory_space<hbm>> -> memref<512xf32, #tpu.memory_space<hbm>>
      tpu.enqueue_dma source(%dma_start3A_36 : memref<512xf32, #tpu.memory_space<hbm>>) target(%arg13 : memref<512xf32, #tpu.memory_space<vmem>>) target_semaphore(%run_scoped3A : memref<!tpu.dma_semaphore, #tpu.memory_space<semaphore_mem>>)
      %dma_wait3A = tpu.memref_slice %arg2[%mul3A_20] : memref<4096xf32, #tpu.memory_space<hbm>> -> memref<512xf32, #tpu.memory_space<hbm>>
      %dma_wait3A_37 = tpu.memref_slice %arg2[%mul3A_20] : memref<4096xf32, #tpu.memory_space<hbm>> -> memref<512xf32, #tpu.memory_space<hbm>>
      tpu.wait_dma2 semaphore(%run_scoped3A : memref<!tpu.dma_semaphore, #tpu.memory_space<semaphore_mem>>) src(%dma_wait3A_37 : memref<512xf32, #tpu.memory_space<hbm>>) dst(%arg13 : memref<512xf32, #tpu.memory_space<vmem>>)
      tpu.yield
    }) : () -> ()
    "tpu.region"() ({
      %run_scoped3A = tpu.sem_alloc : memref<!tpu.dma_semaphore, #tpu.memory_space<semaphore_mem>>
      %dma_start3A = tpu.memref_slice %arg3[%mul3A_20] : memref<4096xf32, #tpu.memory_space<hbm>> -> memref<512xf32, #tpu.memory_space<hbm>>
      %dma_start3A_36 = tpu.memref_slice %arg3[%mul3A_20] : memref<4096xf32, #tpu.memory_space<hbm>> -> memref<512xf32, #tpu.memory_space<hbm>>
      tpu.enqueue_dma source(%dma_start3A_36 : memref<512xf32, #tpu.memory_space<hbm>>) target(%arg14 : memref<512xf32, #tpu.memory_space<vmem>>) target_semaphore(%run_scoped3A : memref<!tpu.dma_semaphore, #tpu.memory_space<semaphore_mem>>)
      %dma_wait3A = tpu.memref_slice %arg3[%mul3A_20] : memref<4096xf32, #tpu.memory_space<hbm>> -> memref<512xf32, #tpu.memory_space<hbm>>
      %dma_wait3A_37 = tpu.memref_slice %arg3[%mul3A_20] : memref<4096xf32, #tpu.memory_space<hbm>> -> memref<512xf32, #tpu.memory_space<hbm>>
      tpu.wait_dma2 semaphore(%run_scoped3A : memref<!tpu.dma_semaphore, #tpu.memory_space<semaphore_mem>>) src(%dma_wait3A_37 : memref<512xf32, #tpu.memory_space<hbm>>) dst(%arg14 : memref<512xf32, #tpu.memory_space<vmem>>)
      tpu.yield
    }) : () -> ()
    "tpu.region"() ({
      %run_scoped3A = tpu.sem_alloc : memref<!tpu.dma_semaphore, #tpu.memory_space<semaphore_mem>>
      %dma_start3A = tpu.memref_slice %arg4[%mul3A_20] : memref<4096xf32, #tpu.memory_space<hbm>> -> memref<512xf32, #tpu.memory_space<hbm>>
      %dma_start3A_36 = tpu.memref_slice %arg4[%mul3A_20] : memref<4096xf32, #tpu.memory_space<hbm>> -> memref<512xf32, #tpu.memory_space<hbm>>
      tpu.enqueue_dma source(%dma_start3A_36 : memref<512xf32, #tpu.memory_space<hbm>>) target(%arg15 : memref<512xf32, #tpu.memory_space<vmem>>) target_semaphore(%run_scoped3A : memref<!tpu.dma_semaphore, #tpu.memory_space<semaphore_mem>>)
      %dma_wait3A = tpu.memref_slice %arg4[%mul3A_20] : memref<4096xf32, #tpu.memory_space<hbm>> -> memref<512xf32, #tpu.memory_space<hbm>>
      %dma_wait3A_37 = tpu.memref_slice %arg4[%mul3A_20] : memref<4096xf32, #tpu.memory_space<hbm>> -> memref<512xf32, #tpu.memory_space<hbm>>
      tpu.wait_dma2 semaphore(%run_scoped3A : memref<!tpu.dma_semaphore, #tpu.memory_space<semaphore_mem>>) src(%dma_wait3A_37 : memref<512xf32, #tpu.memory_space<hbm>>) dst(%arg15 : memref<512xf32, #tpu.memory_space<vmem>>)
      tpu.yield
    }) : () -> ()
    %mul3A_21 = arith.constant 32 : i32
    %mul3A_22 = arith.muli %add3A, %mul3A_21 : i32
    "tpu.region"() ({
      %run_scoped3A = tpu.sem_alloc : memref<!tpu.dma_semaphore, #tpu.memory_space<semaphore_mem>>
      %dma_start3A = tpu.memref_slice %arg5[%mul3A_22] : memref<1024xi32, #tpu.memory_space<hbm>> -> memref<32xi32, #tpu.memory_space<hbm>>
      %dma_start3A_36 = tpu.memref_slice %arg5[%mul3A_22] : memref<1024xi32, #tpu.memory_space<hbm>> -> memref<32xi32, #tpu.memory_space<hbm>>
      tpu.enqueue_dma source(%dma_start3A_36 : memref<32xi32, #tpu.memory_space<hbm>>) target(%arg16 : memref<32xi32, #tpu.memory_space<vmem>>) target_semaphore(%run_scoped3A : memref<!tpu.dma_semaphore, #tpu.memory_space<semaphore_mem>>)
      %dma_wait3A = tpu.memref_slice %arg5[%mul3A_22] : memref<1024xi32, #tpu.memory_space<hbm>> -> memref<32xi32, #tpu.memory_space<hbm>>
      %dma_wait3A_37 = tpu.memref_slice %arg5[%mul3A_22] : memref<1024xi32, #tpu.memory_space<hbm>> -> memref<32xi32, #tpu.memory_space<hbm>>
      tpu.wait_dma2 semaphore(%run_scoped3A : memref<!tpu.dma_semaphore, #tpu.memory_space<semaphore_mem>>) src(%dma_wait3A_37 : memref<32xi32, #tpu.memory_space<hbm>>) dst(%arg16 : memref<32xi32, #tpu.memory_space<vmem>>)
      tpu.yield
    }) : () -> ()
    %iota3A = tpu.iota {dimensions = array<i32: 0>} : vector<16xi32>
    %scan3A = arith.constant 2147483647 : i32
    %scan3A_23 = arith.constant 0 : i32
    %scan3A_24 = arith.constant 0 : i32
    %scan3A_25 = arith.constant 2 : i32
    %scan3A_26 = arith.addi %scan3A_24, %scan3A_25 : i32
    %scan3A_27 = arith.constant 1 : i32
    %scan3A_28 = scf.for %scan3A_36 = %scan3A_24 to %scan3A_26 step %scan3A_27 iter_args(%scan3A_37 = %scan3A_23) -> (i32)  : i32 {
      %mul3A_38 = arith.constant 16 : i32
      %mul3A_39 = arith.muli %scan3A_36, %mul3A_38 : i32
      %get3A = arith.index_cast %mul3A_39 : i32 to index
      %get3A_40 = tpu.vector_load %arg16[%get3A] {strides = array<i32>} : memref<32xi32, #tpu.memory_space<vmem>>, vector<16xi32>,
      %gather3A = tpu.vector_load_idx %arg13[%get3A_40] : memref<512xf32, #tpu.memory_space<vmem>>[vector<16xi32>], vector<16xf32>,
      %gather3A_41 = tpu.vector_load_idx %arg14[%get3A_40] : memref<512xf32, #tpu.memory_space<vmem>>[vector<16xi32>], vector<16xf32>,
      %gather3A_42 = tpu.vector_load_idx %arg15[%get3A_40] : memref<512xf32, #tpu.memory_space<vmem>>[vector<16xi32>], vector<16xf32>,
      %mul3A_43 = arith.constant 16 : i32
      %mul3A_44 = arith.muli %scan3A_36, %mul3A_43 : i32
      %swap3A = arith.index_cast %mul3A_44 : i32 to index
      %swap3A_45 = tpu.vector_load %arg17[%swap3A] {strides = array<i32>} : memref<32xf32, #tpu.memory_space<vmem>>, vector<16xf32>,
      tpu.vector_store %arg17[%swap3A], %gather3A {strides = array<i32>} : memref<32xf32, #tpu.memory_space<vmem>>, vector<16xf32>,
      %mul3A_46 = arith.constant 16 : i32
      %mul3A_47 = arith.muli %scan3A_36, %mul3A_46 : i32
      %swap3A_48 = arith.index_cast %mul3A_47 : i32 to index
      %swap3A_49 = tpu.vector_load %arg18[%swap3A_48] {strides = array<i32>} : memref<32xf32, #tpu.memory_space<vmem>>, vector<16xf32>,
      tpu.vector_store %arg18[%swap3A_48], %gather3A_41 {strides = array<i32>} : memref<32xf32, #tpu.memory_space<vmem>>, vector<16xf32>,
      %mul3A_50 = arith.constant 16 : i32
      %mul3A_51 = arith.muli %scan3A_36, %mul3A_50 : i32
      %swap3A_52 = arith.index_cast %mul3A_51 : i32 to index
      %swap3A_53 = tpu.vector_load %arg19[%swap3A_52] {strides = array<i32>} : memref<32xf32, #tpu.memory_space<vmem>>, vector<16xf32>,
      tpu.vector_store %arg19[%swap3A_52], %gather3A_42 {strides = array<i32>} : memref<32xf32, #tpu.memory_space<vmem>>, vector<16xf32>,
      %scan3A_54 = arith.constant 0 : i32
      %scan3A_55 = arith.constant 0 : i32
      %scan3A_56 = arith.constant 16 : i32
      %scan3A_57 = arith.addi %scan3A_55, %scan3A_56 : i32
      %scan3A_58 = arith.constant 1 : i32
      %scan3A_59 = scf.for %scan3A_62 = %scan3A_55 to %scan3A_57 step %scan3A_58 iter_args(%scan3A_63 = %scan3A_54) -> (i32)  : i32 {
        %mul3A_64 = arith.constant 16 : i32
        %mul3A_65 = arith.muli %scan3A_36, %mul3A_64 : i32
        %add3A_66 = arith.addi %mul3A_65, %scan3A_62 : i32
        %broadcast_in_dim3A = vector.broadcast %add3A_66 : i32 to vector<16xi32>
        %gather3A_67 = tpu.vector_load_idx %arg17[%broadcast_in_dim3A] : memref<32xf32, #tpu.memory_space<vmem>>[vector<16xi32>], vector<16xf32>,
        %gather3A_68 = tpu.vector_load_idx %arg18[%broadcast_in_dim3A] : memref<32xf32, #tpu.memory_space<vmem>>[vector<16xi32>], vector<16xf32>,
        %gather3A_69 = tpu.vector_load_idx %arg19[%broadcast_in_dim3A] : memref<32xf32, #tpu.memory_space<vmem>>[vector<16xi32>], vector<16xf32>,
        %while3A = arith.constant 0 : i32
        %while3A_70 = arith.constant 0 : i32
        %while3A_71 = arith.constant 0 : i32
        %while3A_72 = arith.constant 0 : i32
        %while3A_73:7 = scf.while (%while3A_179 = %while3A, %while3A_180 = %while3A_70, %while3A_181 = %while3A_71, %while3A_182 = %while3A_72, %while3A_183 = %scan3A, %while3A_184 = %scan3A, %while3A_185 = %scan3A) : (i32, i32, i32, i32, i32, i32, i32) -> (i32, i32, i32, i32, i32, i32, i32) {
          %lt3A = arith.constant 32 : i32
          %lt3A_186 = arith.cmpi slt, %while3A_179, %lt3A : i32
          %lt3A_187 = arith.constant 64 : i32
          %lt3A_188 = arith.cmpi slt, %while3A_181, %lt3A_187 : i32
          %lt3A_189 = arith.constant 128 : i32
          %lt3A_190 = arith.cmpi slt, %while3A_182, %lt3A_189 : i32
          %or3A = arith.ori %lt3A_188, %lt3A_190 : i1
          %and3A_191 = arith.andi %lt3A_186, %or3A : i1
          scf.condition(%and3A_191) %while3A_179, %while3A_180, %while3A_181, %while3A_182, %while3A_183, %while3A_184, %while3A_185 : i32, i32, i32, i32, i32, i32, i32
        } do {
        ^bb0(%while3A_179: i32, %while3A_180: i32, %while3A_181: i32, %while3A_182: i32, %while3A_183: i32, %while3A_184: i32, %while3A_185: i32):
          %mul3A_186 = arith.constant 16 : i32
          %mul3A_187 = arith.muli %while3A_179, %mul3A_186 : i32
          %get3A_188 = arith.index_cast %mul3A_187 : i32 to index
          %get3A_189 = tpu.vector_load %arg13[%get3A_188] {strides = array<i32>} : memref<512xf32, #tpu.memory_space<vmem>>, vector<16xf32>,
          %mul3A_190 = arith.constant 16 : i32
          %mul3A_191 = arith.muli %while3A_179, %mul3A_190 : i32
          %get3A_192 = arith.index_cast %mul3A_191 : i32 to index
          %get3A_193 = tpu.vector_load %arg14[%get3A_192] {strides = array<i32>} : memref<512xf32, #tpu.memory_space<vmem>>, vector<16xf32>,
          %mul3A_194 = arith.constant 16 : i32
          %mul3A_195 = arith.muli %while3A_179, %mul3A_194 : i32
          %get3A_196 = arith.index_cast %mul3A_195 : i32 to index
          %get3A_197 = tpu.vector_load %arg15[%get3A_196] {strides = array<i32>} : memref<512xf32, #tpu.memory_space<vmem>>, vector<16xf32>,
          %sub3A_198 = arith.subf %get3A_189, %gather3A_67 : vector<16xf32>
          %sub3A_199 = arith.subf %get3A_193, %gather3A_68 : vector<16xf32>
          %sub3A_200 = arith.subf %get3A_197, %gather3A_69 : vector<16xf32>
          %mul3A_201 = arith.mulf %sub3A_198, %sub3A_198 : vector<16xf32>
          %mul3A_202 = arith.mulf %sub3A_199, %sub3A_199 : vector<16xf32>
          %add3A_203 = arith.addf %mul3A_201, %mul3A_202 : vector<16xf32>
          %mul3A_204 = arith.mulf %sub3A_200, %sub3A_200 : vector<16xf32>
          %add3A_205 = arith.addf %add3A_203, %mul3A_204 : vector<16xf32>
          %mul3A_206 = arith.constant 16 : i32
          %mul3A_207 = arith.muli %while3A_179, %mul3A_206 : i32
          %add3A_208 = arith.addi %mul3A_207, %mul3A_20 : i32
          %add3A_209 = vector.broadcast %add3A_208 : i32 to vector<16xi32>
          %add3A_210 = arith.addi %iota3A, %add3A_209 : vector<16xi32>
          %lt3A = arith.constant 4.000000e-02 : f32
          %lt3A_211 = vector.broadcast %lt3A : f32 to vector<16xf32>
          %lt3A_212 = arith.cmpf olt, %add3A_205, %lt3A_211 : vector<16xf32>
          %lt3A_213 = arith.constant 32 : i32
          %lt3A_214 = arith.cmpi slt, %while3A_180, %lt3A_213 : i32
          %and3A_215 = vector.broadcast %lt3A_214 : i1 to vector<16xi1>
          %and3A_216 = arith.andi %lt3A_212, %and3A_215 : vector<16xi1>
          %swap3A_217 = arith.index_cast %while3A_180 : i32 to index
          %swap3A_218 = tpu.vector_load %arg20[%swap3A_217] masked %and3A_216 {strides = array<i32>} : memref<80xi32, #tpu.memory_space<vmem>>, vector<16xi32>, vector<16xi1>
          tpu.vector_store %arg20[%swap3A_217], %add3A_210 masked %and3A_216 {strides = array<i32>} : memref<80xi32, #tpu.memory_space<vmem>>, vector<16xi32>, vector<16xi1>
          %all_reduce_population_count3A = tpu.all_reduce %and3A_216 {dim = 0 : i64, kind = #tpu.reduction_kind<sum>} : vector<16xi1> -> vector<16xi32>
          %reduce_max3A = arith.constant true
          %reduce_max3A_219 = vector.broadcast %reduce_max3A : i1 to vector<16xi1>
          %reduce_max3A_220 = arith.constant -2147483648 : i32
          %reduce_max3A_221 = vector.broadcast %reduce_max3A_220 : i32 to vector<16xi32>
          %reduce_max3A_222 = arith.xori %all_reduce_population_count3A, %reduce_max3A_221 : vector<16xi32>
          %reduce_max3A_223 = tpu.scan <max>, %reduce_max3A_222 masked %reduce_max3A_219 : vector<16xi32>, vector<16xi1> -> vector<16xi32>
          %reduce_max3A_224 = arith.xori %reduce_max3A_223, %reduce_max3A_221 : vector<16xi32>
          %reduce_max3A_225 = vector.extract %reduce_max3A_224[15] : i32 from vector<16xi32>
          %add3A_226 = arith.addi %while3A_180, %reduce_max3A_225 : i32
          %broadcast_in_dim3A_227 = vector.broadcast %scan3A : i32 to vector<16xi32>
          %select_n3A_228 = arith.select %lt3A_212, %add3A_210, %broadcast_in_dim3A_227 : vector<16xi1>, vector<16xi32>
          %reduce_min3A = arith.constant true
          %reduce_min3A_229 = vector.broadcast %reduce_min3A : i1 to vector<16xi1>
          %reduce_min3A_230 = arith.constant -2147483648 : i32
          %reduce_min3A_231 = vector.broadcast %reduce_min3A_230 : i32 to vector<16xi32>
          %reduce_min3A_232 = arith.xori %select_n3A_228, %reduce_min3A_231 : vector<16xi32>
          %reduce_min3A_233 = tpu.scan <min>, %reduce_min3A_232 masked %reduce_min3A_229 : vector<16xi32>, vector<16xi1> -> vector<16xi32>
          %reduce_min3A_234 = arith.xori %reduce_min3A_233, %reduce_min3A_231 : vector<16xi32>
          %reduce_min3A_235 = vector.extract %reduce_min3A_234[15] : i32 from vector<16xi32>
          %min3A_236 = arith.minsi %while3A_183, %reduce_min3A_235 : i32
          %lt3A_237 = arith.constant 1.600000e-01 : f32
          %lt3A_238 = vector.broadcast %lt3A_237 : f32 to vector<16xf32>
          %lt3A_239 = arith.cmpf olt, %add3A_205, %lt3A_238 : vector<16xf32>
          %lt3A_240 = arith.constant 64 : i32
          %lt3A_241 = arith.cmpi slt, %while3A_181, %lt3A_240 : i32
          %and3A_242 = vector.broadcast %lt3A_241 : i1 to vector<16xi1>
          %and3A_243 = arith.andi %lt3A_239, %and3A_242 : vector<16xi1>
          %swap3A_244 = arith.index_cast %while3A_181 : i32 to index
          %swap3A_245 = tpu.vector_load %arg21[%swap3A_244] masked %and3A_243 {strides = array<i32>} : memref<144xi32, #tpu.memory_space<vmem>>, vector<16xi32>, vector<16xi1>
          tpu.vector_store %arg21[%swap3A_244], %add3A_210 masked %and3A_243 {strides = array<i32>} : memref<144xi32, #tpu.memory_space<vmem>>, vector<16xi32>, vector<16xi1>
          %all_reduce_population_count3A_246 = tpu.all_reduce %and3A_243 {dim = 0 : i64, kind = #tpu.reduction_kind<sum>} : vector<16xi1> -> vector<16xi32>
          %reduce_max3A_247 = arith.constant true
          %reduce_max3A_248 = vector.broadcast %reduce_max3A_247 : i1 to vector<16xi1>
          %reduce_max3A_249 = arith.constant -2147483648 : i32
          %reduce_max3A_250 = vector.broadcast %reduce_max3A_249 : i32 to vector<16xi32>
          %reduce_max3A_251 = arith.xori %all_reduce_population_count3A_246, %reduce_max3A_250 : vector<16xi32>
          %reduce_max3A_252 = tpu.scan <max>, %reduce_max3A_251 masked %reduce_max3A_248 : vector<16xi32>, vector<16xi1> -> vector<16xi32>
          %reduce_max3A_253 = arith.xori %reduce_max3A_252, %reduce_max3A_250 : vector<16xi32>
          %reduce_max3A_254 = vector.extract %reduce_max3A_253[15] : i32 from vector<16xi32>
          %add3A_255 = arith.addi %while3A_181, %reduce_max3A_254 : i32
          %broadcast_in_dim3A_256 = vector.broadcast %scan3A : i32 to vector<16xi32>
          %select_n3A_257 = arith.select %lt3A_239, %add3A_210, %broadcast_in_dim3A_256 : vector<16xi1>, vector<16xi32>
          %reduce_min3A_258 = arith.constant true
          %reduce_min3A_259 = vector.broadcast %reduce_min3A_258 : i1 to vector<16xi1>
          %reduce_min3A_260 = arith.constant -2147483648 : i32
          %reduce_min3A_261 = vector.broadcast %reduce_min3A_260 : i32 to vector<16xi32>
          %reduce_min3A_262 = arith.xori %select_n3A_257, %reduce_min3A_261 : vector<16xi32>
          %reduce_min3A_263 = tpu.scan <min>, %reduce_min3A_262 masked %reduce_min3A_259 : vector<16xi32>, vector<16xi1> -> vector<16xi32>
          %reduce_min3A_264 = arith.xori %reduce_min3A_263, %reduce_min3A_261 : vector<16xi32>
          %reduce_min3A_265 = vector.extract %reduce_min3A_264[15] : i32 from vector<16xi32>
          %min3A_266 = arith.minsi %while3A_184, %reduce_min3A_265 : i32
          %lt3A_267 = arith.constant 6.400000e-01 : f32
          %lt3A_268 = vector.broadcast %lt3A_267 : f32 to vector<16xf32>
          %lt3A_269 = arith.cmpf olt, %add3A_205, %lt3A_268 : vector<16xf32>
          %lt3A_270 = arith.constant 128 : i32
          %lt3A_271 = arith.cmpi slt, %while3A_182, %lt3A_270 : i32
          %and3A_272 = vector.broadcast %lt3A_271 : i1 to vector<16xi1>
          %and3A_273 = arith.andi %lt3A_269, %and3A_272 : vector<16xi1>
          %swap3A_274 = arith.index_cast %while3A_182 : i32 to index
          %swap3A_275 = tpu.vector_load %arg22[%swap3A_274] masked %and3A_273 {strides = array<i32>} : memref<272xi32, #tpu.memory_space<vmem>>, vector<16xi32>, vector<16xi1>
          tpu.vector_store %arg22[%swap3A_274], %add3A_210 masked %and3A_273 {strides = array<i32>} : memref<272xi32, #tpu.memory_space<vmem>>, vector<16xi32>, vector<16xi1>
          %all_reduce_population_count3A_276 = tpu.all_reduce %and3A_273 {dim = 0 : i64, kind = #tpu.reduction_kind<sum>} : vector<16xi1> -> vector<16xi32>
          %reduce_max3A_277 = arith.constant true
          %reduce_max3A_278 = vector.broadcast %reduce_max3A_277 : i1 to vector<16xi1>
          %reduce_max3A_279 = arith.constant -2147483648 : i32
          %reduce_max3A_280 = vector.broadcast %reduce_max3A_279 : i32 to vector<16xi32>
          %reduce_max3A_281 = arith.xori %all_reduce_population_count3A_276, %reduce_max3A_280 : vector<16xi32>
          %reduce_max3A_282 = tpu.scan <max>, %reduce_max3A_281 masked %reduce_max3A_278 : vector<16xi32>, vector<16xi1> -> vector<16xi32>
          %reduce_max3A_283 = arith.xori %reduce_max3A_282, %reduce_max3A_280 : vector<16xi32>
          %reduce_max3A_284 = vector.extract %reduce_max3A_283[15] : i32 from vector<16xi32>
          %add3A_285 = arith.addi %while3A_182, %reduce_max3A_284 : i32
          %broadcast_in_dim3A_286 = vector.broadcast %scan3A : i32 to vector<16xi32>
          %select_n3A_287 = arith.select %lt3A_269, %add3A_210, %broadcast_in_dim3A_286 : vector<16xi1>, vector<16xi32>
          %reduce_min3A_288 = arith.constant true
          %reduce_min3A_289 = vector.broadcast %reduce_min3A_288 : i1 to vector<16xi1>
          %reduce_min3A_290 = arith.constant -2147483648 : i32
          %reduce_min3A_291 = vector.broadcast %reduce_min3A_290 : i32 to vector<16xi32>
          %reduce_min3A_292 = arith.xori %select_n3A_287, %reduce_min3A_291 : vector<16xi32>
          %reduce_min3A_293 = tpu.scan <min>, %reduce_min3A_292 masked %reduce_min3A_289 : vector<16xi32>, vector<16xi1> -> vector<16xi32>
          %reduce_min3A_294 = arith.xori %reduce_min3A_293, %reduce_min3A_291 : vector<16xi32>
          %reduce_min3A_295 = vector.extract %reduce_min3A_294[15] : i32 from vector<16xi32>
          %min3A_296 = arith.minsi %while3A_185, %reduce_min3A_295 : i32
          %add3A_297 = arith.constant 1 : i32
          %add3A_298 = arith.addi %while3A_179, %add3A_297 : i32
          scf.yield %add3A_298, %add3A_226, %add3A_255, %add3A_285, %min3A_236, %min3A_266, %min3A_296 : i32, i32, i32, i32, i32, i32, i32
        }
        %while3A_74:3 = scf.while (%while3A_179 = %while3A_73#0, %while3A_180 = %while3A_73#1, %while3A_181 = %while3A_73#4) : (i32, i32, i32) -> (i32, i32, i32) {
          %lt3A = arith.constant 32 : i32
          %lt3A_182 = arith.cmpi slt, %while3A_179, %lt3A : i32
          %lt3A_183 = arith.constant 32 : i32
          %lt3A_184 = arith.cmpi slt, %while3A_180, %lt3A_183 : i32
          %and3A_185 = arith.andi %lt3A_182, %lt3A_184 : i1
          scf.condition(%and3A_185) %while3A_179, %while3A_180, %while3A_181 : i32, i32, i32
        } do {
        ^bb0(%while3A_179: i32, %while3A_180: i32, %while3A_181: i32):
          %mul3A_182 = arith.constant 16 : i32
          %mul3A_183 = arith.muli %while3A_179, %mul3A_182 : i32
          %get3A_184 = arith.index_cast %mul3A_183 : i32 to index
          %get3A_185 = tpu.vector_load %arg13[%get3A_184] {strides = array<i32>} : memref<512xf32, #tpu.memory_space<vmem>>, vector<16xf32>,
          %mul3A_186 = arith.constant 16 : i32
          %mul3A_187 = arith.muli %while3A_179, %mul3A_186 : i32
          %get3A_188 = arith.index_cast %mul3A_187 : i32 to index
          %get3A_189 = tpu.vector_load %arg14[%get3A_188] {strides = array<i32>} : memref<512xf32, #tpu.memory_space<vmem>>, vector<16xf32>,
          %mul3A_190 = arith.constant 16 : i32
          %mul3A_191 = arith.muli %while3A_179, %mul3A_190 : i32
          %get3A_192 = arith.index_cast %mul3A_191 : i32 to index
          %get3A_193 = tpu.vector_load %arg15[%get3A_192] {strides = array<i32>} : memref<512xf32, #tpu.memory_space<vmem>>, vector<16xf32>,
          %sub3A_194 = arith.subf %get3A_185, %gather3A_67 : vector<16xf32>
          %sub3A_195 = arith.subf %get3A_189, %gather3A_68 : vector<16xf32>
          %sub3A_196 = arith.subf %get3A_193, %gather3A_69 : vector<16xf32>
          %mul3A_197 = arith.mulf %sub3A_194, %sub3A_194 : vector<16xf32>
          %mul3A_198 = arith.mulf %sub3A_195, %sub3A_195 : vector<16xf32>
          %add3A_199 = arith.addf %mul3A_197, %mul3A_198 : vector<16xf32>
          %mul3A_200 = arith.mulf %sub3A_196, %sub3A_196 : vector<16xf32>
          %add3A_201 = arith.addf %add3A_199, %mul3A_200 : vector<16xf32>
          %mul3A_202 = arith.constant 16 : i32
          %mul3A_203 = arith.muli %while3A_179, %mul3A_202 : i32
          %add3A_204 = arith.addi %mul3A_203, %mul3A_20 : i32
          %add3A_205 = vector.broadcast %add3A_204 : i32 to vector<16xi32>
          %add3A_206 = arith.addi %iota3A, %add3A_205 : vector<16xi32>
          %lt3A = arith.constant 4.000000e-02 : f32
          %lt3A_207 = vector.broadcast %lt3A : f32 to vector<16xf32>
          %lt3A_208 = arith.cmpf olt, %add3A_201, %lt3A_207 : vector<16xf32>
          %swap3A_209 = arith.index_cast %while3A_180 : i32 to index
          %swap3A_210 = tpu.vector_load %arg20[%swap3A_209] masked %lt3A_208 {strides = array<i32>} : memref<80xi32, #tpu.memory_space<vmem>>, vector<16xi32>, vector<16xi1>
          tpu.vector_store %arg20[%swap3A_209], %add3A_206 masked %lt3A_208 {strides = array<i32>} : memref<80xi32, #tpu.memory_space<vmem>>, vector<16xi32>, vector<16xi1>
          %all_reduce_population_count3A = tpu.all_reduce %lt3A_208 {dim = 0 : i64, kind = #tpu.reduction_kind<sum>} : vector<16xi1> -> vector<16xi32>
          %broadcast_in_dim3A_211 = vector.broadcast %scan3A : i32 to vector<16xi32>
          %select_n3A_212 = arith.select %lt3A_208, %add3A_206, %broadcast_in_dim3A_211 : vector<16xi1>, vector<16xi32>
          %reduce_min3A = arith.constant true
          %reduce_min3A_213 = vector.broadcast %reduce_min3A : i1 to vector<16xi1>
          %reduce_min3A_214 = arith.constant -2147483648 : i32
          %reduce_min3A_215 = vector.broadcast %reduce_min3A_214 : i32 to vector<16xi32>
          %reduce_min3A_216 = arith.xori %select_n3A_212, %reduce_min3A_215 : vector<16xi32>
          %reduce_min3A_217 = tpu.scan <min>, %reduce_min3A_216 masked %reduce_min3A_213 : vector<16xi32>, vector<16xi1> -> vector<16xi32>
          %reduce_min3A_218 = arith.xori %reduce_min3A_217, %reduce_min3A_215 : vector<16xi32>
          %reduce_min3A_219 = vector.extract %reduce_min3A_218[15] : i32 from vector<16xi32>
          %min3A_220 = arith.minsi %while3A_181, %reduce_min3A_219 : i32
          %add3A_221 = arith.constant 1 : i32
          %add3A_222 = arith.addi %while3A_179, %add3A_221 : i32
          %reduce_max3A = arith.constant true
          %reduce_max3A_223 = vector.broadcast %reduce_max3A : i1 to vector<16xi1>
          %reduce_max3A_224 = arith.constant -2147483648 : i32
          %reduce_max3A_225 = vector.broadcast %reduce_max3A_224 : i32 to vector<16xi32>
          %reduce_max3A_226 = arith.xori %all_reduce_population_count3A, %reduce_max3A_225 : vector<16xi32>
          %reduce_max3A_227 = tpu.scan <max>, %reduce_max3A_226 masked %reduce_max3A_223 : vector<16xi32>, vector<16xi1> -> vector<16xi32>
          %reduce_max3A_228 = arith.xori %reduce_max3A_227, %reduce_max3A_225 : vector<16xi32>
          %reduce_max3A_229 = vector.extract %reduce_max3A_228[15] : i32 from vector<16xi32>
          %add3A_230 = arith.addi %while3A_180, %reduce_max3A_229 : i32
          scf.yield %add3A_222, %add3A_230, %min3A_220 : i32, i32, i32
        }
        %mul3A_75 = arith.constant 32 : i32
        %mul3A_76 = arith.muli %add3A, %mul3A_75 : i32
        %mul3A_77 = arith.constant 16 : i32
        %mul3A_78 = arith.muli %scan3A_36, %mul3A_77 : i32
        %add3A_79 = arith.addi %mul3A_76, %mul3A_78 : i32
        %add3A_80 = arith.addi %add3A_79, %scan3A_62 : i32
        %eq3A = arith.cmpi eq, %while3A_74#2, %scan3A : i32
        %select_n3A_81 = arith.select %eq3A, %mul3A_20, %while3A_74#2 : i32
        %broadcast_in_dim3A_82 = vector.broadcast %select_n3A_81 : i32 to vector<16xi32>
        %min3A = arith.constant 32 : i32
        %min3A_83 = arith.minsi %while3A_74#1, %min3A : i32
        %add3A_84 = arith.constant 0 : i32
        %add3A_85 = arith.addi %min3A_83, %add3A_84 : i32
        %swap3A_86 = arith.index_cast %add3A_85 : i32 to index
        %swap3A_87 = tpu.vector_load %arg20[%swap3A_86] {strides = array<i32>} : memref<80xi32, #tpu.memory_space<vmem>>, vector<16xi32>,
        tpu.vector_store %arg20[%swap3A_86], %broadcast_in_dim3A_82 {strides = array<i32>} : memref<80xi32, #tpu.memory_space<vmem>>, vector<16xi32>,
        %add3A_88 = arith.constant 16 : i32
        %add3A_89 = arith.addi %min3A_83, %add3A_88 : i32
        %swap3A_90 = arith.index_cast %add3A_89 : i32 to index
        %swap3A_91 = tpu.vector_load %arg20[%swap3A_90] {strides = array<i32>} : memref<80xi32, #tpu.memory_space<vmem>>, vector<16xi32>,
        tpu.vector_store %arg20[%swap3A_90], %broadcast_in_dim3A_82 {strides = array<i32>} : memref<80xi32, #tpu.memory_space<vmem>>, vector<16xi32>,
        %eq3A_92 = arith.cmpi eq, %while3A_73#5, %scan3A : i32
        %select_n3A_93 = arith.select %eq3A_92, %mul3A_20, %while3A_73#5 : i32
        %broadcast_in_dim3A_94 = vector.broadcast %select_n3A_93 : i32 to vector<16xi32>
        %min3A_95 = arith.constant 64 : i32
        %min3A_96 = arith.minsi %while3A_73#2, %min3A_95 : i32
        %add3A_97 = arith.constant 0 : i32
        %add3A_98 = arith.addi %min3A_96, %add3A_97 : i32
        %swap3A_99 = arith.index_cast %add3A_98 : i32 to index
        %swap3A_100 = tpu.vector_load %arg21[%swap3A_99] {strides = array<i32>} : memref<144xi32, #tpu.memory_space<vmem>>, vector<16xi32>,
        tpu.vector_store %arg21[%swap3A_99], %broadcast_in_dim3A_94 {strides = array<i32>} : memref<144xi32, #tpu.memory_space<vmem>>, vector<16xi32>,
        %add3A_101 = arith.constant 16 : i32
        %add3A_102 = arith.addi %min3A_96, %add3A_101 : i32
        %swap3A_103 = arith.index_cast %add3A_102 : i32 to index
        %swap3A_104 = tpu.vector_load %arg21[%swap3A_103] {strides = array<i32>} : memref<144xi32, #tpu.memory_space<vmem>>, vector<16xi32>,
        tpu.vector_store %arg21[%swap3A_103], %broadcast_in_dim3A_94 {strides = array<i32>} : memref<144xi32, #tpu.memory_space<vmem>>, vector<16xi32>,
        %add3A_105 = arith.constant 32 : i32
        %add3A_106 = arith.addi %min3A_96, %add3A_105 : i32
        %swap3A_107 = arith.index_cast %add3A_106 : i32 to index
        %swap3A_108 = tpu.vector_load %arg21[%swap3A_107] {strides = array<i32>} : memref<144xi32, #tpu.memory_space<vmem>>, vector<16xi32>,
        tpu.vector_store %arg21[%swap3A_107], %broadcast_in_dim3A_94 {strides = array<i32>} : memref<144xi32, #tpu.memory_space<vmem>>, vector<16xi32>,
        %add3A_109 = arith.constant 48 : i32
        %add3A_110 = arith.addi %min3A_96, %add3A_109 : i32
        %swap3A_111 = arith.index_cast %add3A_110 : i32 to index
        %swap3A_112 = tpu.vector_load %arg21[%swap3A_111] {strides = array<i32>} : memref<144xi32, #tpu.memory_space<vmem>>, vector<16xi32>,
        tpu.vector_store %arg21[%swap3A_111], %broadcast_in_dim3A_94 {strides = array<i32>} : memref<144xi32, #tpu.memory_space<vmem>>, vector<16xi32>,
        %eq3A_113 = arith.cmpi eq, %while3A_73#6, %scan3A : i32
        %select_n3A_114 = arith.select %eq3A_113, %mul3A_20, %while3A_73#6 : i32
        %broadcast_in_dim3A_115 = vector.broadcast %select_n3A_114 : i32 to vector<16xi32>
        %min3A_116 = arith.constant 128 : i32
        %min3A_117 = arith.minsi %while3A_73#3, %min3A_116 : i32
        %add3A_118 = arith.constant 0 : i32
        %add3A_119 = arith.addi %min3A_117, %add3A_118 : i32
        %swap3A_120 = arith.index_cast %add3A_119 : i32 to index
        %swap3A_121 = tpu.vector_load %arg22[%swap3A_120] {strides = array<i32>} : memref<272xi32, #tpu.memory_space<vmem>>, vector<16xi32>,
        tpu.vector_store %arg22[%swap3A_120], %broadcast_in_dim3A_115 {strides = array<i32>} : memref<272xi32, #tpu.memory_space<vmem>>, vector<16xi32>,
        %add3A_122 = arith.constant 16 : i32
        %add3A_123 = arith.addi %min3A_117, %add3A_122 : i32
        %swap3A_124 = arith.index_cast %add3A_123 : i32 to index
        %swap3A_125 = tpu.vector_load %arg22[%swap3A_124] {strides = array<i32>} : memref<272xi32, #tpu.memory_space<vmem>>, vector<16xi32>,
        tpu.vector_store %arg22[%swap3A_124], %broadcast_in_dim3A_115 {strides = array<i32>} : memref<272xi32, #tpu.memory_space<vmem>>, vector<16xi32>,
        %add3A_126 = arith.constant 32 : i32
        %add3A_127 = arith.addi %min3A_117, %add3A_126 : i32
        %swap3A_128 = arith.index_cast %add3A_127 : i32 to index
        %swap3A_129 = tpu.vector_load %arg22[%swap3A_128] {strides = array<i32>} : memref<272xi32, #tpu.memory_space<vmem>>, vector<16xi32>,
        tpu.vector_store %arg22[%swap3A_128], %broadcast_in_dim3A_115 {strides = array<i32>} : memref<272xi32, #tpu.memory_space<vmem>>, vector<16xi32>,
        %add3A_130 = arith.constant 48 : i32
        %add3A_131 = arith.addi %min3A_117, %add3A_130 : i32
        %swap3A_132 = arith.index_cast %add3A_131 : i32 to index
        %swap3A_133 = tpu.vector_load %arg22[%swap3A_132] {strides = array<i32>} : memref<272xi32, #tpu.memory_space<vmem>>, vector<16xi32>,
        tpu.vector_store %arg22[%swap3A_132], %broadcast_in_dim3A_115 {strides = array<i32>} : memref<272xi32, #tpu.memory_space<vmem>>, vector<16xi32>,
        %add3A_134 = arith.constant 64 : i32
        %add3A_135 = arith.addi %min3A_117, %add3A_134 : i32
        %swap3A_136 = arith.index_cast %add3A_135 : i32 to index
        %swap3A_137 = tpu.vector_load %arg22[%swap3A_136] {strides = array<i32>} : memref<272xi32, #tpu.memory_space<vmem>>, vector<16xi32>,
        tpu.vector_store %arg22[%swap3A_136], %broadcast_in_dim3A_115 {strides = array<i32>} : memref<272xi32, #tpu.memory_space<vmem>>, vector<16xi32>,
        %add3A_138 = arith.constant 80 : i32
        %add3A_139 = arith.addi %min3A_117, %add3A_138 : i32
        %swap3A_140 = arith.index_cast %add3A_139 : i32 to index
        %swap3A_141 = tpu.vector_load %arg22[%swap3A_140] {strides = array<i32>} : memref<272xi32, #tpu.memory_space<vmem>>, vector<16xi32>,
        tpu.vector_store %arg22[%swap3A_140], %broadcast_in_dim3A_115 {strides = array<i32>} : memref<272xi32, #tpu.memory_space<vmem>>, vector<16xi32>,
        %add3A_142 = arith.constant 96 : i32
        %add3A_143 = arith.addi %min3A_117, %add3A_142 : i32
        %swap3A_144 = arith.index_cast %add3A_143 : i32 to index
        %swap3A_145 = tpu.vector_load %arg22[%swap3A_144] {strides = array<i32>} : memref<272xi32, #tpu.memory_space<vmem>>, vector<16xi32>,
        tpu.vector_store %arg22[%swap3A_144], %broadcast_in_dim3A_115 {strides = array<i32>} : memref<272xi32, #tpu.memory_space<vmem>>, vector<16xi32>,
        %add3A_146 = arith.constant 112 : i32
        %add3A_147 = arith.addi %min3A_117, %add3A_146 : i32
        %swap3A_148 = arith.index_cast %add3A_147 : i32 to index
        %swap3A_149 = tpu.vector_load %arg22[%swap3A_148] {strides = array<i32>} : memref<272xi32, #tpu.memory_space<vmem>>, vector<16xi32>,
        tpu.vector_store %arg22[%swap3A_148], %broadcast_in_dim3A_115 {strides = array<i32>} : memref<272xi32, #tpu.memory_space<vmem>>, vector<16xi32>,
        %dma_start3A = arith.constant 0 : i32
        %dma_start3A_150 = tpu.memref_slice %arg20[%dma_start3A] : memref<80xi32, #tpu.memory_space<vmem>> -> memref<32xi32, #tpu.memory_space<vmem>>
        %dma_start3A_151 = arith.constant 0 : i32
        %dma_start3A_152 = arith.constant 0 : i32
        %dma_start3A_153 = tpu.memref_slice %arg6[%dma_start3A_151, %dma_start3A_152] : memref<4096x336xf32, #tpu.memory_space<hbm>> -> memref<4096x336xf32, #tpu.memory_space<hbm>>
        tpu.enqueue_indirect_dma source(%dma_start3A_153 : memref<4096x336xf32, #tpu.memory_space<hbm>>) target(%arg23 : memref<32x336xf32, #tpu.memory_space<vmem>>) offsets(%dma_start3A_150 : memref<32xi32, #tpu.memory_space<vmem>>) semaphore(%arg26 : memref<!tpu.dma_semaphore, #tpu.memory_space<semaphore_mem>>)
        %dma_start3A_154 = arith.constant 0 : i32
        %dma_start3A_155 = tpu.memref_slice %arg21[%dma_start3A_154] : memref<144xi32, #tpu.memory_space<vmem>> -> memref<64xi32, #tpu.memory_space<vmem>>
        %dma_start3A_156 = arith.constant 0 : i32
        %dma_start3A_157 = arith.constant 0 : i32
        %dma_start3A_158 = tpu.memref_slice %arg6[%dma_start3A_156, %dma_start3A_157] : memref<4096x336xf32, #tpu.memory_space<hbm>> -> memref<4096x336xf32, #tpu.memory_space<hbm>>
        tpu.enqueue_indirect_dma source(%dma_start3A_158 : memref<4096x336xf32, #tpu.memory_space<hbm>>) target(%arg24 : memref<64x336xf32, #tpu.memory_space<vmem>>) offsets(%dma_start3A_155 : memref<64xi32, #tpu.memory_space<vmem>>) semaphore(%arg26 : memref<!tpu.dma_semaphore, #tpu.memory_space<semaphore_mem>>)
        %dma_start3A_159 = arith.constant 0 : i32
        %dma_start3A_160 = tpu.memref_slice %arg22[%dma_start3A_159] : memref<272xi32, #tpu.memory_space<vmem>> -> memref<128xi32, #tpu.memory_space<vmem>>
        %dma_start3A_161 = arith.constant 0 : i32
        %dma_start3A_162 = arith.constant 0 : i32
        %dma_start3A_163 = tpu.memref_slice %arg6[%dma_start3A_161, %dma_start3A_162] : memref<4096x336xf32, #tpu.memory_space<hbm>> -> memref<4096x336xf32, #tpu.memory_space<hbm>>
        tpu.enqueue_indirect_dma source(%dma_start3A_163 : memref<4096x336xf32, #tpu.memory_space<hbm>>) target(%arg25 : memref<128x336xf32, #tpu.memory_space<vmem>>) offsets(%dma_start3A_160 : memref<128xi32, #tpu.memory_space<vmem>>) semaphore(%arg26 : memref<!tpu.dma_semaphore, #tpu.memory_space<semaphore_mem>>)
        %dma_wait3A = arith.constant 0 : i32
        %dma_wait3A_164 = tpu.memref_slice %arg20[%dma_wait3A] : memref<80xi32, #tpu.memory_space<vmem>> -> memref<32xi32, #tpu.memory_space<vmem>>
        %dma_wait3A_165 = arith.constant 0 : i32
        %dma_wait3A_166 = arith.constant 0 : i32
        %dma_wait3A_167 = tpu.memref_slice %arg6[%dma_wait3A_165, %dma_wait3A_166] : memref<4096x336xf32, #tpu.memory_space<hbm>> -> memref<4096x336xf32, #tpu.memory_space<hbm>>
        tpu.wait_indirect_dma semaphore(%arg26 : memref<!tpu.dma_semaphore, #tpu.memory_space<semaphore_mem>>) src(%dma_wait3A_167 : memref<4096x336xf32, #tpu.memory_space<hbm>>) dst(%arg23 : memref<32x336xf32, #tpu.memory_space<vmem>>)
        %dma_wait3A_168 = arith.constant 0 : i32
        %dma_wait3A_169 = tpu.memref_slice %arg21[%dma_wait3A_168] : memref<144xi32, #tpu.memory_space<vmem>> -> memref<64xi32, #tpu.memory_space<vmem>>
        %dma_wait3A_170 = arith.constant 0 : i32
        %dma_wait3A_171 = arith.constant 0 : i32
        %dma_wait3A_172 = tpu.memref_slice %arg6[%dma_wait3A_170, %dma_wait3A_171] : memref<4096x336xf32, #tpu.memory_space<hbm>> -> memref<4096x336xf32, #tpu.memory_space<hbm>>
        tpu.wait_indirect_dma semaphore(%arg26 : memref<!tpu.dma_semaphore, #tpu.memory_space<semaphore_mem>>) src(%dma_wait3A_172 : memref<4096x336xf32, #tpu.memory_space<hbm>>) dst(%arg24 : memref<64x336xf32, #tpu.memory_space<vmem>>)
        %dma_wait3A_173 = arith.constant 0 : i32
        %dma_wait3A_174 = tpu.memref_slice %arg22[%dma_wait3A_173] : memref<272xi32, #tpu.memory_space<vmem>> -> memref<128xi32, #tpu.memory_space<vmem>>
        %dma_wait3A_175 = arith.constant 0 : i32
        %dma_wait3A_176 = arith.constant 0 : i32
        %dma_wait3A_177 = tpu.memref_slice %arg6[%dma_wait3A_175, %dma_wait3A_176] : memref<4096x336xf32, #tpu.memory_space<hbm>> -> memref<4096x336xf32, #tpu.memory_space<hbm>>
        tpu.wait_indirect_dma semaphore(%arg26 : memref<!tpu.dma_semaphore, #tpu.memory_space<semaphore_mem>>) src(%dma_wait3A_177 : memref<4096x336xf32, #tpu.memory_space<hbm>>) dst(%arg25 : memref<128x336xf32, #tpu.memory_space<vmem>>)
        "tpu.region"() ({
          %run_scoped3A = tpu.sem_alloc : memref<!tpu.dma_semaphore, #tpu.memory_space<semaphore_mem>>
          %dma_start3A_179 = arith.constant 0 : i32
          %dma_start3A_180 = arith.constant 0 : i32
          %dma_start3A_181 = tpu.memref_slice %arg10[%add3A_80, %dma_start3A_179, %dma_start3A_180] : memref<1024x32x336xf32, #tpu.memory_space<hbm>> -> memref<1x32x336xf32, #tpu.memory_space<hbm>>
          %dma_start3A_182 = tpu.memref_squeeze %dma_start3A_181 : memref<1x32x336xf32, #tpu.memory_space<hbm>> -> memref<32x336xf32, #tpu.memory_space<hbm>>
          %dma_start3A_183 = arith.constant 0 : i32
          %dma_start3A_184 = arith.constant 0 : i32
          %dma_start3A_185 = tpu.memref_slice %arg10[%add3A_80, %dma_start3A_183, %dma_start3A_184] : memref<1024x32x336xf32, #tpu.memory_space<hbm>> -> memref<1x32x336xf32, #tpu.memory_space<hbm>>
          %dma_start3A_186 = tpu.memref_squeeze %dma_start3A_185 : memref<1x32x336xf32, #tpu.memory_space<hbm>> -> memref<32x336xf32, #tpu.memory_space<hbm>>
          tpu.enqueue_dma source(%arg23 : memref<32x336xf32, #tpu.memory_space<vmem>>) target(%dma_start3A_186 : memref<32x336xf32, #tpu.memory_space<hbm>>) target_semaphore(%run_scoped3A : memref<!tpu.dma_semaphore, #tpu.memory_space<semaphore_mem>>)
          %dma_wait3A_187 = arith.constant 0 : i32
          %dma_wait3A_188 = arith.constant 0 : i32
          %dma_wait3A_189 = tpu.memref_slice %arg10[%add3A_80, %dma_wait3A_187, %dma_wait3A_188] : memref<1024x32x336xf32, #tpu.memory_space<hbm>> -> memref<1x32x336xf32, #tpu.memory_space<hbm>>
          %dma_wait3A_190 = tpu.memref_squeeze %dma_wait3A_189 : memref<1x32x336xf32, #tpu.memory_space<hbm>> -> memref<32x336xf32, #tpu.memory_space<hbm>>
          %dma_wait3A_191 = arith.constant 0 : i32
          %dma_wait3A_192 = arith.constant 0 : i32
          %dma_wait3A_193 = tpu.memref_slice %arg10[%add3A_80, %dma_wait3A_191, %dma_wait3A_192] : memref<1024x32x336xf32, #tpu.memory_space<hbm>> -> memref<1x32x336xf32, #tpu.memory_space<hbm>>
          %dma_wait3A_194 = tpu.memref_squeeze %dma_wait3A_193 : memref<1x32x336xf32, #tpu.memory_space<hbm>> -> memref<32x336xf32, #tpu.memory_space<hbm>>
          tpu.wait_dma2 semaphore(%run_scoped3A : memref<!tpu.dma_semaphore, #tpu.memory_space<semaphore_mem>>) src(%arg23 : memref<32x336xf32, #tpu.memory_space<vmem>>) dst(%dma_wait3A_194 : memref<32x336xf32, #tpu.memory_space<hbm>>)
          tpu.yield
        }) : () -> ()
        "tpu.region"() ({
          %run_scoped3A = tpu.sem_alloc : memref<!tpu.dma_semaphore, #tpu.memory_space<semaphore_mem>>
          %dma_start3A_179 = arith.constant 0 : i32
          %dma_start3A_180 = arith.constant 0 : i32
          %dma_start3A_181 = tpu.memref_slice %arg11[%add3A_80, %dma_start3A_179, %dma_start3A_180] : memref<1024x64x336xf32, #tpu.memory_space<hbm>> -> memref<1x64x336xf32, #tpu.memory_space<hbm>>
          %dma_start3A_182 = tpu.memref_squeeze %dma_start3A_181 : memref<1x64x336xf32, #tpu.memory_space<hbm>> -> memref<64x336xf32, #tpu.memory_space<hbm>>
          %dma_start3A_183 = arith.constant 0 : i32
          %dma_start3A_184 = arith.constant 0 : i32
          %dma_start3A_185 = tpu.memref_slice %arg11[%add3A_80, %dma_start3A_183, %dma_start3A_184] : memref<1024x64x336xf32, #tpu.memory_space<hbm>> -> memref<1x64x336xf32, #tpu.memory_space<hbm>>
          %dma_start3A_186 = tpu.memref_squeeze %dma_start3A_185 : memref<1x64x336xf32, #tpu.memory_space<hbm>> -> memref<64x336xf32, #tpu.memory_space<hbm>>
          tpu.enqueue_dma source(%arg24 : memref<64x336xf32, #tpu.memory_space<vmem>>) target(%dma_start3A_186 : memref<64x336xf32, #tpu.memory_space<hbm>>) target_semaphore(%run_scoped3A : memref<!tpu.dma_semaphore, #tpu.memory_space<semaphore_mem>>)
          %dma_wait3A_187 = arith.constant 0 : i32
          %dma_wait3A_188 = arith.constant 0 : i32
          %dma_wait3A_189 = tpu.memref_slice %arg11[%add3A_80, %dma_wait3A_187, %dma_wait3A_188] : memref<1024x64x336xf32, #tpu.memory_space<hbm>> -> memref<1x64x336xf32, #tpu.memory_space<hbm>>
          %dma_wait3A_190 = tpu.memref_squeeze %dma_wait3A_189 : memref<1x64x336xf32, #tpu.memory_space<hbm>> -> memref<64x336xf32, #tpu.memory_space<hbm>>
          %dma_wait3A_191 = arith.constant 0 : i32
          %dma_wait3A_192 = arith.constant 0 : i32
          %dma_wait3A_193 = tpu.memref_slice %arg11[%add3A_80, %dma_wait3A_191, %dma_wait3A_192] : memref<1024x64x336xf32, #tpu.memory_space<hbm>> -> memref<1x64x336xf32, #tpu.memory_space<hbm>>
          %dma_wait3A_194 = tpu.memref_squeeze %dma_wait3A_193 : memref<1x64x336xf32, #tpu.memory_space<hbm>> -> memref<64x336xf32, #tpu.memory_space<hbm>>
          tpu.wait_dma2 semaphore(%run_scoped3A : memref<!tpu.dma_semaphore, #tpu.memory_space<semaphore_mem>>) src(%arg24 : memref<64x336xf32, #tpu.memory_space<vmem>>) dst(%dma_wait3A_194 : memref<64x336xf32, #tpu.memory_space<hbm>>)
          tpu.yield
        }) : () -> ()
        "tpu.region"() ({
          %run_scoped3A = tpu.sem_alloc : memref<!tpu.dma_semaphore, #tpu.memory_space<semaphore_mem>>
          %dma_start3A_179 = arith.constant 0 : i32
          %dma_start3A_180 = arith.constant 0 : i32
          %dma_start3A_181 = tpu.memref_slice %arg12[%add3A_80, %dma_start3A_179, %dma_start3A_180] : memref<1024x128x336xf32, #tpu.memory_space<hbm>> -> memref<1x128x336xf32, #tpu.memory_space<hbm>>
          %dma_start3A_182 = tpu.memref_squeeze %dma_start3A_181 : memref<1x128x336xf32, #tpu.memory_space<hbm>> -> memref<128x336xf32, #tpu.memory_space<hbm>>
          %dma_start3A_183 = arith.constant 0 : i32
          %dma_start3A_184 = arith.constant 0 : i32
          %dma_start3A_185 = tpu.memref_slice %arg12[%add3A_80, %dma_start3A_183, %dma_start3A_184] : memref<1024x128x336xf32, #tpu.memory_space<hbm>> -> memref<1x128x336xf32, #tpu.memory_space<hbm>>
          %dma_start3A_186 = tpu.memref_squeeze %dma_start3A_185 : memref<1x128x336xf32, #tpu.memory_space<hbm>> -> memref<128x336xf32, #tpu.memory_space<hbm>>
          tpu.enqueue_dma source(%arg25 : memref<128x336xf32, #tpu.memory_space<vmem>>) target(%dma_start3A_186 : memref<128x336xf32, #tpu.memory_space<hbm>>) target_semaphore(%run_scoped3A : memref<!tpu.dma_semaphore, #tpu.memory_space<semaphore_mem>>)
          %dma_wait3A_187 = arith.constant 0 : i32
          %dma_wait3A_188 = arith.constant 0 : i32
          %dma_wait3A_189 = tpu.memref_slice %arg12[%add3A_80, %dma_wait3A_187, %dma_wait3A_188] : memref<1024x128x336xf32, #tpu.memory_space<hbm>> -> memref<1x128x336xf32, #tpu.memory_space<hbm>>
          %dma_wait3A_190 = tpu.memref_squeeze %dma_wait3A_189 : memref<1x128x336xf32, #tpu.memory_space<hbm>> -> memref<128x336xf32, #tpu.memory_space<hbm>>
          %dma_wait3A_191 = arith.constant 0 : i32
          %dma_wait3A_192 = arith.constant 0 : i32
          %dma_wait3A_193 = tpu.memref_slice %arg12[%add3A_80, %dma_wait3A_191, %dma_wait3A_192] : memref<1024x128x336xf32, #tpu.memory_space<hbm>> -> memref<1x128x336xf32, #tpu.memory_space<hbm>>
          %dma_wait3A_194 = tpu.memref_squeeze %dma_wait3A_193 : memref<1x128x336xf32, #tpu.memory_space<hbm>> -> memref<128x336xf32, #tpu.memory_space<hbm>>
          tpu.wait_dma2 semaphore(%run_scoped3A : memref<!tpu.dma_semaphore, #tpu.memory_space<semaphore_mem>>) src(%arg25 : memref<128x336xf32, #tpu.memory_space<vmem>>) dst(%dma_wait3A_194 : memref<128x336xf32, #tpu.memory_space<hbm>>)
          tpu.yield
        }) : () -> ()
        %scan3A_178 = arith.constant 0 : i32
        scf.yield %scan3A_178 : i32
      }
      %scan3A_60 = arith.constant 16 : i32
      %scan3A_61 = arith.constant 0 : i32
      scf.yield %scan3A_61 : i32
    }
    %scan3A_29 = arith.constant 2 : i32
    %mul3A_30 = arith.constant 32 : i32
    %mul3A_31 = arith.muli %add3A, %mul3A_30 : i32
    "tpu.region"() ({
      %run_scoped3A = tpu.sem_alloc : memref<!tpu.dma_semaphore, #tpu.memory_space<semaphore_mem>>
      %dma_start3A = tpu.memref_slice %arg7[%mul3A_31] : memref<1024xf32, #tpu.memory_space<hbm>> -> memref<32xf32, #tpu.memory_space<hbm>>
      %dma_start3A_36 = tpu.memref_slice %arg7[%mul3A_31] : memref<1024xf32, #tpu.memory_space<hbm>> -> memref<32xf32, #tpu.memory_space<hbm>>
      tpu.enqueue_dma source(%arg17 : memref<32xf32, #tpu.memory_space<vmem>>) target(%dma_start3A_36 : memref<32xf32, #tpu.memory_space<hbm>>) target_semaphore(%run_scoped3A : memref<!tpu.dma_semaphore, #tpu.memory_space<semaphore_mem>>)
      %dma_wait3A = tpu.memref_slice %arg7[%mul3A_31] : memref<1024xf32, #tpu.memory_space<hbm>> -> memref<32xf32, #tpu.memory_space<hbm>>
      %dma_wait3A_37 = tpu.memref_slice %arg7[%mul3A_31] : memref<1024xf32, #tpu.memory_space<hbm>> -> memref<32xf32, #tpu.memory_space<hbm>>
      tpu.wait_dma2 semaphore(%run_scoped3A : memref<!tpu.dma_semaphore, #tpu.memory_space<semaphore_mem>>) src(%arg17 : memref<32xf32, #tpu.memory_space<vmem>>) dst(%dma_wait3A_37 : memref<32xf32, #tpu.memory_space<hbm>>)
      tpu.yield
    }) : () -> ()
    %mul3A_32 = arith.constant 32 : i32
    %mul3A_33 = arith.muli %add3A, %mul3A_32 : i32
    "tpu.region"() ({
      %run_scoped3A = tpu.sem_alloc : memref<!tpu.dma_semaphore, #tpu.memory_space<semaphore_mem>>
      %dma_start3A = tpu.memref_slice %arg8[%mul3A_33] : memref<1024xf32, #tpu.memory_space<hbm>> -> memref<32xf32, #tpu.memory_space<hbm>>
      %dma_start3A_36 = tpu.memref_slice %arg8[%mul3A_33] : memref<1024xf32, #tpu.memory_space<hbm>> -> memref<32xf32, #tpu.memory_space<hbm>>
      tpu.enqueue_dma source(%arg18 : memref<32xf32, #tpu.memory_space<vmem>>) target(%dma_start3A_36 : memref<32xf32, #tpu.memory_space<hbm>>) target_semaphore(%run_scoped3A : memref<!tpu.dma_semaphore, #tpu.memory_space<semaphore_mem>>)
      %dma_wait3A = tpu.memref_slice %arg8[%mul3A_33] : memref<1024xf32, #tpu.memory_space<hbm>> -> memref<32xf32, #tpu.memory_space<hbm>>
      %dma_wait3A_37 = tpu.memref_slice %arg8[%mul3A_33] : memref<1024xf32, #tpu.memory_space<hbm>> -> memref<32xf32, #tpu.memory_space<hbm>>
      tpu.wait_dma2 semaphore(%run_scoped3A : memref<!tpu.dma_semaphore, #tpu.memory_space<semaphore_mem>>) src(%arg18 : memref<32xf32, #tpu.memory_space<vmem>>) dst(%dma_wait3A_37 : memref<32xf32, #tpu.memory_space<hbm>>)
      tpu.yield
    }) : () -> ()
    %mul3A_34 = arith.constant 32 : i32
    %mul3A_35 = arith.muli %add3A, %mul3A_34 : i32
    "tpu.region"() ({
      %run_scoped3A = tpu.sem_alloc : memref<!tpu.dma_semaphore, #tpu.memory_space<semaphore_mem>>
      %dma_start3A = tpu.memref_slice %arg9[%mul3A_35] : memref<1024xf32, #tpu.memory_space<hbm>> -> memref<32xf32, #tpu.memory_space<hbm>>
      %dma_start3A_36 = tpu.memref_slice %arg9[%mul3A_35] : memref<1024xf32, #tpu.memory_space<hbm>> -> memref<32xf32, #tpu.memory_space<hbm>>
      tpu.enqueue_dma source(%arg19 : memref<32xf32, #tpu.memory_space<vmem>>) target(%dma_start3A_36 : memref<32xf32, #tpu.memory_space<hbm>>) target_semaphore(%run_scoped3A : memref<!tpu.dma_semaphore, #tpu.memory_space<semaphore_mem>>)
      %dma_wait3A = tpu.memref_slice %arg9[%mul3A_35] : memref<1024xf32, #tpu.memory_space<hbm>> -> memref<32xf32, #tpu.memory_space<hbm>>
      %dma_wait3A_37 = tpu.memref_slice %arg9[%mul3A_35] : memref<1024xf32, #tpu.memory_space<hbm>> -> memref<32xf32, #tpu.memory_space<hbm>>
      tpu.wait_dma2 semaphore(%run_scoped3A : memref<!tpu.dma_semaphore, #tpu.memory_space<semaphore_mem>>) src(%arg19 : memref<32xf32, #tpu.memory_space<vmem>>) dst(%dma_wait3A_37 : memref<32xf32, #tpu.memory_space<hbm>>)
      tpu.yield
    }) : () -> ()
    return
  }
}

#map = affine_map<(d0, d1) -> (0)>
#map1 = affine_map<(d0, d1) -> (0, 0)>
#map2 = affine_map<(d0, d1) -> (0, 0, 0)>
module attributes {stable_mosaic.version = 14 : i64} {
  func.func @k(%arg0: i32, %arg1: i32, %arg2: memref<81920xf32, #tpu.memory_space<hbm>>, %arg3: memref<81920xf32, #tpu.memory_space<hbm>>, %arg4: memref<81920xf32, #tpu.memory_space<hbm>>, %arg5: memref<4096xi32, #tpu.memory_space<hbm>>, %arg6: memref<81920x16xf32, #tpu.memory_space<hbm>>, %arg7: memref<4096xf32, #tpu.memory_space<hbm>>, %arg8: memref<4096xf32, #tpu.memory_space<hbm>>, %arg9: memref<4096xf32, #tpu.memory_space<hbm>>, %arg10: memref<4096x16x16xf32, #tpu.memory_space<hbm>>, %arg11: memref<4096x32x16xf32, #tpu.memory_space<hbm>>, %arg12: memref<4096x128x16xf32, #tpu.memory_space<hbm>>, %arg13: memref<10240xf32, #tpu.memory_space<vmem>>, %arg14: memref<10240xf32, #tpu.memory_space<vmem>>, %arg15: memref<10240xf32, #tpu.memory_space<vmem>>, %arg16: memref<128xi32, #tpu.memory_space<vmem>>, %arg17: memref<128xf32, #tpu.memory_space<vmem>>, %arg18: memref<128xf32, #tpu.memory_space<vmem>>, %arg19: memref<128xf32, #tpu.memory_space<vmem>>, %arg20: memref<48xi32, #tpu.memory_space<vmem>>, %arg21: memref<80xi32, #tpu.memory_space<vmem>>, %arg22: memref<272xi32, #tpu.memory_space<vmem>>, %arg23: memref<16x16xf32, #tpu.memory_space<vmem>>, %arg24: memref<32x16xf32, #tpu.memory_space<vmem>>, %arg25: memref<128x16xf32, #tpu.memory_space<vmem>>, %arg26: memref<!tpu.dma_semaphore, #tpu.memory_space<semaphore_mem>>) attributes {dimension_semantics = [#tpu.dimension_semantics<core_parallel>, #tpu.dimension_semantics<subcore_parallel>], iteration_bounds = array<i64: 2, 16>, scalar_prefetch = 0 : i64, scratch_operands = 14 : i64, tpu.core_type = #tpu.core_type<sc_vector_subcore>, window_params = [{transform_indices = #map}, {transform_indices = #map}, {transform_indices = #map}, {transform_indices = #map}, {transform_indices = #map1}, {transform_indices = #map}, {transform_indices = #map}, {transform_indices = #map}, {transform_indices = #map2}, {transform_indices = #map2}, {transform_indices = #map2}]} {
    %mul3A = arith.constant 2 : i32
    %mul3A_0 = arith.muli %arg1, %mul3A : i32
    %add3A = arith.addi %mul3A_0, %arg0 : i32
    %mul3A_1 = arith.constant 128 : i32
    %mul3A_2 = arith.muli %add3A, %mul3A_1 : i32
    %jit3A = arith.constant 512 : i32
    %div3A = arith.divsi %mul3A_2, %jit3A : i32
    %sign3A = arith.constant 0 : i32
    %sign3A_3 = arith.cmpi sgt, %mul3A_2, %sign3A : i32
    %sign3A_4 = arith.extui %sign3A_3 : i1 to i32
    %sign3A_5 = arith.constant 0 : i32
    %sign3A_6 = arith.cmpi slt, %mul3A_2, %sign3A_5 : i32
    %sign3A_7 = arith.extui %sign3A_6 : i1 to i32
    %sign3A_8 = arith.subi %sign3A_4, %sign3A_7 : i32
    %sign3A_9 = arith.constant 0 : i32
    %sign3A_10 = arith.cmpi sgt, %jit3A, %sign3A_9 : i32
    %sign3A_11 = arith.extui %sign3A_10 : i1 to i32
    %sign3A_12 = arith.constant 0 : i32
    %sign3A_13 = arith.cmpi slt, %jit3A, %sign3A_12 : i32
    %sign3A_14 = arith.extui %sign3A_13 : i1 to i32
    %sign3A_15 = arith.subi %sign3A_11, %sign3A_14 : i32
    %ne3A = arith.cmpi ne, %sign3A_8, %sign3A_15 : i32
    %rem3A = arith.remsi %mul3A_2, %jit3A : i32
    %ne3A_16 = arith.constant 0 : i32
    %ne3A_17 = arith.cmpi ne, %rem3A, %ne3A_16 : i32
    %and3A = arith.andi %ne3A, %ne3A_17 : i1
    %sub3A = arith.constant 1 : i32
    %sub3A_18 = arith.subi %div3A, %sub3A : i32
    %select_n3A = arith.select %and3A, %sub3A_18, %div3A : i32
    %mul3A_19 = arith.constant 10240 : i32
    %mul3A_20 = arith.muli %select_n3A, %mul3A_19 : i32
    "tpu.region"() ({
      %run_scoped3A = tpu.sem_alloc : memref<!tpu.dma_semaphore, #tpu.memory_space<semaphore_mem>>
      %dma_start3A = tpu.memref_slice %arg2[%mul3A_20] : memref<81920xf32, #tpu.memory_space<hbm>> -> memref<10240xf32, #tpu.memory_space<hbm>>
      %dma_start3A_36 = tpu.memref_slice %arg2[%mul3A_20] : memref<81920xf32, #tpu.memory_space<hbm>> -> memref<10240xf32, #tpu.memory_space<hbm>>
      tpu.enqueue_dma source(%dma_start3A_36 : memref<10240xf32, #tpu.memory_space<hbm>>) target(%arg13 : memref<10240xf32, #tpu.memory_space<vmem>>) target_semaphore(%run_scoped3A : memref<!tpu.dma_semaphore, #tpu.memory_space<semaphore_mem>>)
      %dma_wait3A = tpu.memref_slice %arg2[%mul3A_20] : memref<81920xf32, #tpu.memory_space<hbm>> -> memref<10240xf32, #tpu.memory_space<hbm>>
      %dma_wait3A_37 = tpu.memref_slice %arg2[%mul3A_20] : memref<81920xf32, #tpu.memory_space<hbm>> -> memref<10240xf32, #tpu.memory_space<hbm>>
      tpu.wait_dma2 semaphore(%run_scoped3A : memref<!tpu.dma_semaphore, #tpu.memory_space<semaphore_mem>>) src(%dma_wait3A_37 : memref<10240xf32, #tpu.memory_space<hbm>>) dst(%arg13 : memref<10240xf32, #tpu.memory_space<vmem>>)
      tpu.yield
    }) : () -> ()
    "tpu.region"() ({
      %run_scoped3A = tpu.sem_alloc : memref<!tpu.dma_semaphore, #tpu.memory_space<semaphore_mem>>
      %dma_start3A = tpu.memref_slice %arg3[%mul3A_20] : memref<81920xf32, #tpu.memory_space<hbm>> -> memref<10240xf32, #tpu.memory_space<hbm>>
      %dma_start3A_36 = tpu.memref_slice %arg3[%mul3A_20] : memref<81920xf32, #tpu.memory_space<hbm>> -> memref<10240xf32, #tpu.memory_space<hbm>>
      tpu.enqueue_dma source(%dma_start3A_36 : memref<10240xf32, #tpu.memory_space<hbm>>) target(%arg14 : memref<10240xf32, #tpu.memory_space<vmem>>) target_semaphore(%run_scoped3A : memref<!tpu.dma_semaphore, #tpu.memory_space<semaphore_mem>>)
      %dma_wait3A = tpu.memref_slice %arg3[%mul3A_20] : memref<81920xf32, #tpu.memory_space<hbm>> -> memref<10240xf32, #tpu.memory_space<hbm>>
      %dma_wait3A_37 = tpu.memref_slice %arg3[%mul3A_20] : memref<81920xf32, #tpu.memory_space<hbm>> -> memref<10240xf32, #tpu.memory_space<hbm>>
      tpu.wait_dma2 semaphore(%run_scoped3A : memref<!tpu.dma_semaphore, #tpu.memory_space<semaphore_mem>>) src(%dma_wait3A_37 : memref<10240xf32, #tpu.memory_space<hbm>>) dst(%arg14 : memref<10240xf32, #tpu.memory_space<vmem>>)
      tpu.yield
    }) : () -> ()
    "tpu.region"() ({
      %run_scoped3A = tpu.sem_alloc : memref<!tpu.dma_semaphore, #tpu.memory_space<semaphore_mem>>
      %dma_start3A = tpu.memref_slice %arg4[%mul3A_20] : memref<81920xf32, #tpu.memory_space<hbm>> -> memref<10240xf32, #tpu.memory_space<hbm>>
      %dma_start3A_36 = tpu.memref_slice %arg4[%mul3A_20] : memref<81920xf32, #tpu.memory_space<hbm>> -> memref<10240xf32, #tpu.memory_space<hbm>>
      tpu.enqueue_dma source(%dma_start3A_36 : memref<10240xf32, #tpu.memory_space<hbm>>) target(%arg15 : memref<10240xf32, #tpu.memory_space<vmem>>) target_semaphore(%run_scoped3A : memref<!tpu.dma_semaphore, #tpu.memory_space<semaphore_mem>>)
      %dma_wait3A = tpu.memref_slice %arg4[%mul3A_20] : memref<81920xf32, #tpu.memory_space<hbm>> -> memref<10240xf32, #tpu.memory_space<hbm>>
      %dma_wait3A_37 = tpu.memref_slice %arg4[%mul3A_20] : memref<81920xf32, #tpu.memory_space<hbm>> -> memref<10240xf32, #tpu.memory_space<hbm>>
      tpu.wait_dma2 semaphore(%run_scoped3A : memref<!tpu.dma_semaphore, #tpu.memory_space<semaphore_mem>>) src(%dma_wait3A_37 : memref<10240xf32, #tpu.memory_space<hbm>>) dst(%arg15 : memref<10240xf32, #tpu.memory_space<vmem>>)
      tpu.yield
    }) : () -> ()
    %mul3A_21 = arith.constant 128 : i32
    %mul3A_22 = arith.muli %add3A, %mul3A_21 : i32
    "tpu.region"() ({
      %run_scoped3A = tpu.sem_alloc : memref<!tpu.dma_semaphore, #tpu.memory_space<semaphore_mem>>
      %dma_start3A = tpu.memref_slice %arg5[%mul3A_22] : memref<4096xi32, #tpu.memory_space<hbm>> -> memref<128xi32, #tpu.memory_space<hbm>>
      %dma_start3A_36 = tpu.memref_slice %arg5[%mul3A_22] : memref<4096xi32, #tpu.memory_space<hbm>> -> memref<128xi32, #tpu.memory_space<hbm>>
      tpu.enqueue_dma source(%dma_start3A_36 : memref<128xi32, #tpu.memory_space<hbm>>) target(%arg16 : memref<128xi32, #tpu.memory_space<vmem>>) target_semaphore(%run_scoped3A : memref<!tpu.dma_semaphore, #tpu.memory_space<semaphore_mem>>)
      %dma_wait3A = tpu.memref_slice %arg5[%mul3A_22] : memref<4096xi32, #tpu.memory_space<hbm>> -> memref<128xi32, #tpu.memory_space<hbm>>
      %dma_wait3A_37 = tpu.memref_slice %arg5[%mul3A_22] : memref<4096xi32, #tpu.memory_space<hbm>> -> memref<128xi32, #tpu.memory_space<hbm>>
      tpu.wait_dma2 semaphore(%run_scoped3A : memref<!tpu.dma_semaphore, #tpu.memory_space<semaphore_mem>>) src(%dma_wait3A_37 : memref<128xi32, #tpu.memory_space<hbm>>) dst(%arg16 : memref<128xi32, #tpu.memory_space<vmem>>)
      tpu.yield
    }) : () -> ()
    %iota3A = tpu.iota {dimensions = array<i32: 0>} : vector<16xi32>
    %scan3A = arith.constant 2147483647 : i32
    %scan3A_23 = arith.constant 0 : i32
    %scan3A_24 = arith.constant 0 : i32
    %scan3A_25 = arith.constant 8 : i32
    %scan3A_26 = arith.addi %scan3A_24, %scan3A_25 : i32
    %scan3A_27 = arith.constant 1 : i32
    %scan3A_28 = scf.for %scan3A_36 = %scan3A_24 to %scan3A_26 step %scan3A_27 iter_args(%scan3A_37 = %scan3A_23) -> (i32)  : i32 {
      %mul3A_38 = arith.constant 16 : i32
      %mul3A_39 = arith.muli %scan3A_36, %mul3A_38 : i32
      %get3A = arith.index_cast %mul3A_39 : i32 to index
      %get3A_40 = tpu.vector_load %arg16[%get3A] {strides = array<i32>} : memref<128xi32, #tpu.memory_space<vmem>>, vector<16xi32>,
      %gather3A = tpu.vector_load_idx %arg13[%get3A_40] : memref<10240xf32, #tpu.memory_space<vmem>>[vector<16xi32>], vector<16xf32>,
      %gather3A_41 = tpu.vector_load_idx %arg14[%get3A_40] : memref<10240xf32, #tpu.memory_space<vmem>>[vector<16xi32>], vector<16xf32>,
      %gather3A_42 = tpu.vector_load_idx %arg15[%get3A_40] : memref<10240xf32, #tpu.memory_space<vmem>>[vector<16xi32>], vector<16xf32>,
      %mul3A_43 = arith.constant 16 : i32
      %mul3A_44 = arith.muli %scan3A_36, %mul3A_43 : i32
      %swap3A = arith.index_cast %mul3A_44 : i32 to index
      %swap3A_45 = tpu.vector_load %arg17[%swap3A] {strides = array<i32>} : memref<128xf32, #tpu.memory_space<vmem>>, vector<16xf32>,
      tpu.vector_store %arg17[%swap3A], %gather3A {strides = array<i32>} : memref<128xf32, #tpu.memory_space<vmem>>, vector<16xf32>,
      %mul3A_46 = arith.constant 16 : i32
      %mul3A_47 = arith.muli %scan3A_36, %mul3A_46 : i32
      %swap3A_48 = arith.index_cast %mul3A_47 : i32 to index
      %swap3A_49 = tpu.vector_load %arg18[%swap3A_48] {strides = array<i32>} : memref<128xf32, #tpu.memory_space<vmem>>, vector<16xf32>,
      tpu.vector_store %arg18[%swap3A_48], %gather3A_41 {strides = array<i32>} : memref<128xf32, #tpu.memory_space<vmem>>, vector<16xf32>,
      %mul3A_50 = arith.constant 16 : i32
      %mul3A_51 = arith.muli %scan3A_36, %mul3A_50 : i32
      %swap3A_52 = arith.index_cast %mul3A_51 : i32 to index
      %swap3A_53 = tpu.vector_load %arg19[%swap3A_52] {strides = array<i32>} : memref<128xf32, #tpu.memory_space<vmem>>, vector<16xf32>,
      tpu.vector_store %arg19[%swap3A_52], %gather3A_42 {strides = array<i32>} : memref<128xf32, #tpu.memory_space<vmem>>, vector<16xf32>,
      %scan3A_54 = arith.constant 0 : i32
      %scan3A_55 = arith.constant 0 : i32
      %scan3A_56 = arith.constant 16 : i32
      %scan3A_57 = arith.addi %scan3A_55, %scan3A_56 : i32
      %scan3A_58 = arith.constant 1 : i32
      %scan3A_59 = scf.for %scan3A_62 = %scan3A_55 to %scan3A_57 step %scan3A_58 iter_args(%scan3A_63 = %scan3A_54) -> (i32)  : i32 {
        %mul3A_64 = arith.constant 16 : i32
        %mul3A_65 = arith.muli %scan3A_36, %mul3A_64 : i32
        %add3A_66 = arith.addi %mul3A_65, %scan3A_62 : i32
        %broadcast_in_dim3A = vector.broadcast %add3A_66 : i32 to vector<16xi32>
        %gather3A_67 = tpu.vector_load_idx %arg17[%broadcast_in_dim3A] : memref<128xf32, #tpu.memory_space<vmem>>[vector<16xi32>], vector<16xf32>,
        %gather3A_68 = tpu.vector_load_idx %arg18[%broadcast_in_dim3A] : memref<128xf32, #tpu.memory_space<vmem>>[vector<16xi32>], vector<16xf32>,
        %gather3A_69 = tpu.vector_load_idx %arg19[%broadcast_in_dim3A] : memref<128xf32, #tpu.memory_space<vmem>>[vector<16xi32>], vector<16xf32>,
        %while3A = arith.constant 0 : i32
        %while3A_70 = arith.constant 0 : i32
        %while3A_71 = arith.constant 0 : i32
        %while3A_72 = arith.constant 0 : i32
        %while3A_73:7 = scf.while (%while3A_167 = %while3A, %while3A_168 = %while3A_70, %while3A_169 = %while3A_71, %while3A_170 = %while3A_72, %while3A_171 = %scan3A, %while3A_172 = %scan3A, %while3A_173 = %scan3A) : (i32, i32, i32, i32, i32, i32, i32) -> (i32, i32, i32, i32, i32, i32, i32) {
          %lt3A = arith.constant 640 : i32
          %lt3A_174 = arith.cmpi slt, %while3A_167, %lt3A : i32
          %lt3A_175 = arith.constant 32 : i32
          %lt3A_176 = arith.cmpi slt, %while3A_169, %lt3A_175 : i32
          %lt3A_177 = arith.constant 128 : i32
          %lt3A_178 = arith.cmpi slt, %while3A_170, %lt3A_177 : i32
          %or3A = arith.ori %lt3A_176, %lt3A_178 : i1
          %and3A_179 = arith.andi %lt3A_174, %or3A : i1
          scf.condition(%and3A_179) %while3A_167, %while3A_168, %while3A_169, %while3A_170, %while3A_171, %while3A_172, %while3A_173 : i32, i32, i32, i32, i32, i32, i32
        } do {
        ^bb0(%while3A_167: i32, %while3A_168: i32, %while3A_169: i32, %while3A_170: i32, %while3A_171: i32, %while3A_172: i32, %while3A_173: i32):
          %mul3A_174 = arith.constant 16 : i32
          %mul3A_175 = arith.muli %while3A_167, %mul3A_174 : i32
          %get3A_176 = arith.index_cast %mul3A_175 : i32 to index
          %get3A_177 = tpu.vector_load %arg13[%get3A_176] {strides = array<i32>} : memref<10240xf32, #tpu.memory_space<vmem>>, vector<16xf32>,
          %mul3A_178 = arith.constant 16 : i32
          %mul3A_179 = arith.muli %while3A_167, %mul3A_178 : i32
          %get3A_180 = arith.index_cast %mul3A_179 : i32 to index
          %get3A_181 = tpu.vector_load %arg14[%get3A_180] {strides = array<i32>} : memref<10240xf32, #tpu.memory_space<vmem>>, vector<16xf32>,
          %mul3A_182 = arith.constant 16 : i32
          %mul3A_183 = arith.muli %while3A_167, %mul3A_182 : i32
          %get3A_184 = arith.index_cast %mul3A_183 : i32 to index
          %get3A_185 = tpu.vector_load %arg15[%get3A_184] {strides = array<i32>} : memref<10240xf32, #tpu.memory_space<vmem>>, vector<16xf32>,
          %sub3A_186 = arith.subf %get3A_177, %gather3A_67 : vector<16xf32>
          %sub3A_187 = arith.subf %get3A_181, %gather3A_68 : vector<16xf32>
          %sub3A_188 = arith.subf %get3A_185, %gather3A_69 : vector<16xf32>
          %mul3A_189 = arith.mulf %sub3A_186, %sub3A_186 : vector<16xf32>
          %mul3A_190 = arith.mulf %sub3A_187, %sub3A_187 : vector<16xf32>
          %add3A_191 = arith.addf %mul3A_189, %mul3A_190 : vector<16xf32>
          %mul3A_192 = arith.mulf %sub3A_188, %sub3A_188 : vector<16xf32>
          %add3A_193 = arith.addf %add3A_191, %mul3A_192 : vector<16xf32>
          %mul3A_194 = arith.constant 16 : i32
          %mul3A_195 = arith.muli %while3A_167, %mul3A_194 : i32
          %add3A_196 = arith.addi %mul3A_195, %mul3A_20 : i32
          %add3A_197 = vector.broadcast %add3A_196 : i32 to vector<16xi32>
          %add3A_198 = arith.addi %iota3A, %add3A_197 : vector<16xi32>
          %lt3A = arith.constant 0.00999999977 : f32
          %lt3A_199 = vector.broadcast %lt3A : f32 to vector<16xf32>
          %lt3A_200 = arith.cmpf olt, %add3A_193, %lt3A_199 : vector<16xf32>
          %lt3A_201 = arith.constant 16 : i32
          %lt3A_202 = arith.cmpi slt, %while3A_168, %lt3A_201 : i32
          %and3A_203 = vector.broadcast %lt3A_202 : i1 to vector<16xi1>
          %and3A_204 = arith.andi %lt3A_200, %and3A_203 : vector<16xi1>
          %swap3A_205 = arith.index_cast %while3A_168 : i32 to index
          %swap3A_206 = tpu.vector_load %arg20[%swap3A_205] masked %and3A_204 {strides = array<i32>} : memref<48xi32, #tpu.memory_space<vmem>>, vector<16xi32>, vector<16xi1>
          tpu.vector_store %arg20[%swap3A_205], %add3A_198 masked %and3A_204 {strides = array<i32>} : memref<48xi32, #tpu.memory_space<vmem>>, vector<16xi32>, vector<16xi1>
          %all_reduce_population_count3A = tpu.all_reduce %and3A_204 {dim = 0 : i64, kind = #tpu.reduction_kind<sum>} : vector<16xi1> -> vector<16xi32>
          %reduce_max3A = arith.constant true
          %reduce_max3A_207 = vector.broadcast %reduce_max3A : i1 to vector<16xi1>
          %reduce_max3A_208 = arith.constant -2147483648 : i32
          %reduce_max3A_209 = vector.broadcast %reduce_max3A_208 : i32 to vector<16xi32>
          %reduce_max3A_210 = arith.xori %all_reduce_population_count3A, %reduce_max3A_209 : vector<16xi32>
          %reduce_max3A_211 = tpu.scan <max>, %reduce_max3A_210 masked %reduce_max3A_207 : vector<16xi32>, vector<16xi1> -> vector<16xi32>
          %reduce_max3A_212 = arith.xori %reduce_max3A_211, %reduce_max3A_209 : vector<16xi32>
          %reduce_max3A_213 = vector.extract %reduce_max3A_212[15] : i32 from vector<16xi32>
          %add3A_214 = arith.addi %while3A_168, %reduce_max3A_213 : i32
          %broadcast_in_dim3A_215 = vector.broadcast %scan3A : i32 to vector<16xi32>
          %select_n3A_216 = arith.select %lt3A_200, %add3A_198, %broadcast_in_dim3A_215 : vector<16xi1>, vector<16xi32>
          %reduce_min3A = arith.constant true
          %reduce_min3A_217 = vector.broadcast %reduce_min3A : i1 to vector<16xi1>
          %reduce_min3A_218 = arith.constant -2147483648 : i32
          %reduce_min3A_219 = vector.broadcast %reduce_min3A_218 : i32 to vector<16xi32>
          %reduce_min3A_220 = arith.xori %select_n3A_216, %reduce_min3A_219 : vector<16xi32>
          %reduce_min3A_221 = tpu.scan <min>, %reduce_min3A_220 masked %reduce_min3A_217 : vector<16xi32>, vector<16xi1> -> vector<16xi32>
          %reduce_min3A_222 = arith.xori %reduce_min3A_221, %reduce_min3A_219 : vector<16xi32>
          %reduce_min3A_223 = vector.extract %reduce_min3A_222[15] : i32 from vector<16xi32>
          %min3A_224 = arith.minsi %while3A_171, %reduce_min3A_223 : i32
          %lt3A_225 = arith.constant 4.000000e-02 : f32
          %lt3A_226 = vector.broadcast %lt3A_225 : f32 to vector<16xf32>
          %lt3A_227 = arith.cmpf olt, %add3A_193, %lt3A_226 : vector<16xf32>
          %lt3A_228 = arith.constant 32 : i32
          %lt3A_229 = arith.cmpi slt, %while3A_169, %lt3A_228 : i32
          %and3A_230 = vector.broadcast %lt3A_229 : i1 to vector<16xi1>
          %and3A_231 = arith.andi %lt3A_227, %and3A_230 : vector<16xi1>
          %swap3A_232 = arith.index_cast %while3A_169 : i32 to index
          %swap3A_233 = tpu.vector_load %arg21[%swap3A_232] masked %and3A_231 {strides = array<i32>} : memref<80xi32, #tpu.memory_space<vmem>>, vector<16xi32>, vector<16xi1>
          tpu.vector_store %arg21[%swap3A_232], %add3A_198 masked %and3A_231 {strides = array<i32>} : memref<80xi32, #tpu.memory_space<vmem>>, vector<16xi32>, vector<16xi1>
          %all_reduce_population_count3A_234 = tpu.all_reduce %and3A_231 {dim = 0 : i64, kind = #tpu.reduction_kind<sum>} : vector<16xi1> -> vector<16xi32>
          %reduce_max3A_235 = arith.constant true
          %reduce_max3A_236 = vector.broadcast %reduce_max3A_235 : i1 to vector<16xi1>
          %reduce_max3A_237 = arith.constant -2147483648 : i32
          %reduce_max3A_238 = vector.broadcast %reduce_max3A_237 : i32 to vector<16xi32>
          %reduce_max3A_239 = arith.xori %all_reduce_population_count3A_234, %reduce_max3A_238 : vector<16xi32>
          %reduce_max3A_240 = tpu.scan <max>, %reduce_max3A_239 masked %reduce_max3A_236 : vector<16xi32>, vector<16xi1> -> vector<16xi32>
          %reduce_max3A_241 = arith.xori %reduce_max3A_240, %reduce_max3A_238 : vector<16xi32>
          %reduce_max3A_242 = vector.extract %reduce_max3A_241[15] : i32 from vector<16xi32>
          %add3A_243 = arith.addi %while3A_169, %reduce_max3A_242 : i32
          %broadcast_in_dim3A_244 = vector.broadcast %scan3A : i32 to vector<16xi32>
          %select_n3A_245 = arith.select %lt3A_227, %add3A_198, %broadcast_in_dim3A_244 : vector<16xi1>, vector<16xi32>
          %reduce_min3A_246 = arith.constant true
          %reduce_min3A_247 = vector.broadcast %reduce_min3A_246 : i1 to vector<16xi1>
          %reduce_min3A_248 = arith.constant -2147483648 : i32
          %reduce_min3A_249 = vector.broadcast %reduce_min3A_248 : i32 to vector<16xi32>
          %reduce_min3A_250 = arith.xori %select_n3A_245, %reduce_min3A_249 : vector<16xi32>
          %reduce_min3A_251 = tpu.scan <min>, %reduce_min3A_250 masked %reduce_min3A_247 : vector<16xi32>, vector<16xi1> -> vector<16xi32>
          %reduce_min3A_252 = arith.xori %reduce_min3A_251, %reduce_min3A_249 : vector<16xi32>
          %reduce_min3A_253 = vector.extract %reduce_min3A_252[15] : i32 from vector<16xi32>
          %min3A_254 = arith.minsi %while3A_172, %reduce_min3A_253 : i32
          %lt3A_255 = arith.constant 1.600000e-01 : f32
          %lt3A_256 = vector.broadcast %lt3A_255 : f32 to vector<16xf32>
          %lt3A_257 = arith.cmpf olt, %add3A_193, %lt3A_256 : vector<16xf32>
          %lt3A_258 = arith.constant 128 : i32
          %lt3A_259 = arith.cmpi slt, %while3A_170, %lt3A_258 : i32
          %and3A_260 = vector.broadcast %lt3A_259 : i1 to vector<16xi1>
          %and3A_261 = arith.andi %lt3A_257, %and3A_260 : vector<16xi1>
          %swap3A_262 = arith.index_cast %while3A_170 : i32 to index
          %swap3A_263 = tpu.vector_load %arg22[%swap3A_262] masked %and3A_261 {strides = array<i32>} : memref<272xi32, #tpu.memory_space<vmem>>, vector<16xi32>, vector<16xi1>
          tpu.vector_store %arg22[%swap3A_262], %add3A_198 masked %and3A_261 {strides = array<i32>} : memref<272xi32, #tpu.memory_space<vmem>>, vector<16xi32>, vector<16xi1>
          %all_reduce_population_count3A_264 = tpu.all_reduce %and3A_261 {dim = 0 : i64, kind = #tpu.reduction_kind<sum>} : vector<16xi1> -> vector<16xi32>
          %reduce_max3A_265 = arith.constant true
          %reduce_max3A_266 = vector.broadcast %reduce_max3A_265 : i1 to vector<16xi1>
          %reduce_max3A_267 = arith.constant -2147483648 : i32
          %reduce_max3A_268 = vector.broadcast %reduce_max3A_267 : i32 to vector<16xi32>
          %reduce_max3A_269 = arith.xori %all_reduce_population_count3A_264, %reduce_max3A_268 : vector<16xi32>
          %reduce_max3A_270 = tpu.scan <max>, %reduce_max3A_269 masked %reduce_max3A_266 : vector<16xi32>, vector<16xi1> -> vector<16xi32>
          %reduce_max3A_271 = arith.xori %reduce_max3A_270, %reduce_max3A_268 : vector<16xi32>
          %reduce_max3A_272 = vector.extract %reduce_max3A_271[15] : i32 from vector<16xi32>
          %add3A_273 = arith.addi %while3A_170, %reduce_max3A_272 : i32
          %broadcast_in_dim3A_274 = vector.broadcast %scan3A : i32 to vector<16xi32>
          %select_n3A_275 = arith.select %lt3A_257, %add3A_198, %broadcast_in_dim3A_274 : vector<16xi1>, vector<16xi32>
          %reduce_min3A_276 = arith.constant true
          %reduce_min3A_277 = vector.broadcast %reduce_min3A_276 : i1 to vector<16xi1>
          %reduce_min3A_278 = arith.constant -2147483648 : i32
          %reduce_min3A_279 = vector.broadcast %reduce_min3A_278 : i32 to vector<16xi32>
          %reduce_min3A_280 = arith.xori %select_n3A_275, %reduce_min3A_279 : vector<16xi32>
          %reduce_min3A_281 = tpu.scan <min>, %reduce_min3A_280 masked %reduce_min3A_277 : vector<16xi32>, vector<16xi1> -> vector<16xi32>
          %reduce_min3A_282 = arith.xori %reduce_min3A_281, %reduce_min3A_279 : vector<16xi32>
          %reduce_min3A_283 = vector.extract %reduce_min3A_282[15] : i32 from vector<16xi32>
          %min3A_284 = arith.minsi %while3A_173, %reduce_min3A_283 : i32
          %add3A_285 = arith.constant 1 : i32
          %add3A_286 = arith.addi %while3A_167, %add3A_285 : i32
          scf.yield %add3A_286, %add3A_214, %add3A_243, %add3A_273, %min3A_224, %min3A_254, %min3A_284 : i32, i32, i32, i32, i32, i32, i32
        }
        %while3A_74:3 = scf.while (%while3A_167 = %while3A_73#0, %while3A_168 = %while3A_73#1, %while3A_169 = %while3A_73#4) : (i32, i32, i32) -> (i32, i32, i32) {
          %lt3A = arith.constant 640 : i32
          %lt3A_170 = arith.cmpi slt, %while3A_167, %lt3A : i32
          %lt3A_171 = arith.constant 16 : i32
          %lt3A_172 = arith.cmpi slt, %while3A_168, %lt3A_171 : i32
          %and3A_173 = arith.andi %lt3A_170, %lt3A_172 : i1
          scf.condition(%and3A_173) %while3A_167, %while3A_168, %while3A_169 : i32, i32, i32
        } do {
        ^bb0(%while3A_167: i32, %while3A_168: i32, %while3A_169: i32):
          %mul3A_170 = arith.constant 16 : i32
          %mul3A_171 = arith.muli %while3A_167, %mul3A_170 : i32
          %get3A_172 = arith.index_cast %mul3A_171 : i32 to index
          %get3A_173 = tpu.vector_load %arg13[%get3A_172] {strides = array<i32>} : memref<10240xf32, #tpu.memory_space<vmem>>, vector<16xf32>,
          %mul3A_174 = arith.constant 16 : i32
          %mul3A_175 = arith.muli %while3A_167, %mul3A_174 : i32
          %get3A_176 = arith.index_cast %mul3A_175 : i32 to index
          %get3A_177 = tpu.vector_load %arg14[%get3A_176] {strides = array<i32>} : memref<10240xf32, #tpu.memory_space<vmem>>, vector<16xf32>,
          %mul3A_178 = arith.constant 16 : i32
          %mul3A_179 = arith.muli %while3A_167, %mul3A_178 : i32
          %get3A_180 = arith.index_cast %mul3A_179 : i32 to index
          %get3A_181 = tpu.vector_load %arg15[%get3A_180] {strides = array<i32>} : memref<10240xf32, #tpu.memory_space<vmem>>, vector<16xf32>,
          %sub3A_182 = arith.subf %get3A_173, %gather3A_67 : vector<16xf32>
          %sub3A_183 = arith.subf %get3A_177, %gather3A_68 : vector<16xf32>
          %sub3A_184 = arith.subf %get3A_181, %gather3A_69 : vector<16xf32>
          %mul3A_185 = arith.mulf %sub3A_182, %sub3A_182 : vector<16xf32>
          %mul3A_186 = arith.mulf %sub3A_183, %sub3A_183 : vector<16xf32>
          %add3A_187 = arith.addf %mul3A_185, %mul3A_186 : vector<16xf32>
          %mul3A_188 = arith.mulf %sub3A_184, %sub3A_184 : vector<16xf32>
          %add3A_189 = arith.addf %add3A_187, %mul3A_188 : vector<16xf32>
          %mul3A_190 = arith.constant 16 : i32
          %mul3A_191 = arith.muli %while3A_167, %mul3A_190 : i32
          %add3A_192 = arith.addi %mul3A_191, %mul3A_20 : i32
          %add3A_193 = vector.broadcast %add3A_192 : i32 to vector<16xi32>
          %add3A_194 = arith.addi %iota3A, %add3A_193 : vector<16xi32>
          %lt3A = arith.constant 0.00999999977 : f32
          %lt3A_195 = vector.broadcast %lt3A : f32 to vector<16xf32>
          %lt3A_196 = arith.cmpf olt, %add3A_189, %lt3A_195 : vector<16xf32>
          %swap3A_197 = arith.index_cast %while3A_168 : i32 to index
          %swap3A_198 = tpu.vector_load %arg20[%swap3A_197] masked %lt3A_196 {strides = array<i32>} : memref<48xi32, #tpu.memory_space<vmem>>, vector<16xi32>, vector<16xi1>
          tpu.vector_store %arg20[%swap3A_197], %add3A_194 masked %lt3A_196 {strides = array<i32>} : memref<48xi32, #tpu.memory_space<vmem>>, vector<16xi32>, vector<16xi1>
          %all_reduce_population_count3A = tpu.all_reduce %lt3A_196 {dim = 0 : i64, kind = #tpu.reduction_kind<sum>} : vector<16xi1> -> vector<16xi32>
          %broadcast_in_dim3A_199 = vector.broadcast %scan3A : i32 to vector<16xi32>
          %select_n3A_200 = arith.select %lt3A_196, %add3A_194, %broadcast_in_dim3A_199 : vector<16xi1>, vector<16xi32>
          %reduce_min3A = arith.constant true
          %reduce_min3A_201 = vector.broadcast %reduce_min3A : i1 to vector<16xi1>
          %reduce_min3A_202 = arith.constant -2147483648 : i32
          %reduce_min3A_203 = vector.broadcast %reduce_min3A_202 : i32 to vector<16xi32>
          %reduce_min3A_204 = arith.xori %select_n3A_200, %reduce_min3A_203 : vector<16xi32>
          %reduce_min3A_205 = tpu.scan <min>, %reduce_min3A_204 masked %reduce_min3A_201 : vector<16xi32>, vector<16xi1> -> vector<16xi32>
          %reduce_min3A_206 = arith.xori %reduce_min3A_205, %reduce_min3A_203 : vector<16xi32>
          %reduce_min3A_207 = vector.extract %reduce_min3A_206[15] : i32 from vector<16xi32>
          %min3A_208 = arith.minsi %while3A_169, %reduce_min3A_207 : i32
          %add3A_209 = arith.constant 1 : i32
          %add3A_210 = arith.addi %while3A_167, %add3A_209 : i32
          %reduce_max3A = arith.constant true
          %reduce_max3A_211 = vector.broadcast %reduce_max3A : i1 to vector<16xi1>
          %reduce_max3A_212 = arith.constant -2147483648 : i32
          %reduce_max3A_213 = vector.broadcast %reduce_max3A_212 : i32 to vector<16xi32>
          %reduce_max3A_214 = arith.xori %all_reduce_population_count3A, %reduce_max3A_213 : vector<16xi32>
          %reduce_max3A_215 = tpu.scan <max>, %reduce_max3A_214 masked %reduce_max3A_211 : vector<16xi32>, vector<16xi1> -> vector<16xi32>
          %reduce_max3A_216 = arith.xori %reduce_max3A_215, %reduce_max3A_213 : vector<16xi32>
          %reduce_max3A_217 = vector.extract %reduce_max3A_216[15] : i32 from vector<16xi32>
          %add3A_218 = arith.addi %while3A_168, %reduce_max3A_217 : i32
          scf.yield %add3A_210, %add3A_218, %min3A_208 : i32, i32, i32
        }
        %mul3A_75 = arith.constant 128 : i32
        %mul3A_76 = arith.muli %add3A, %mul3A_75 : i32
        %mul3A_77 = arith.constant 16 : i32
        %mul3A_78 = arith.muli %scan3A_36, %mul3A_77 : i32
        %add3A_79 = arith.addi %mul3A_76, %mul3A_78 : i32
        %add3A_80 = arith.addi %add3A_79, %scan3A_62 : i32
        %eq3A = arith.cmpi eq, %while3A_74#2, %scan3A : i32
        %select_n3A_81 = arith.select %eq3A, %mul3A_20, %while3A_74#2 : i32
        %broadcast_in_dim3A_82 = vector.broadcast %select_n3A_81 : i32 to vector<16xi32>
        %min3A = arith.constant 16 : i32
        %min3A_83 = arith.minsi %while3A_74#1, %min3A : i32
        %add3A_84 = arith.constant 0 : i32
        %add3A_85 = arith.addi %min3A_83, %add3A_84 : i32
        %swap3A_86 = arith.index_cast %add3A_85 : i32 to index
        %swap3A_87 = tpu.vector_load %arg20[%swap3A_86] {strides = array<i32>} : memref<48xi32, #tpu.memory_space<vmem>>, vector<16xi32>,
        tpu.vector_store %arg20[%swap3A_86], %broadcast_in_dim3A_82 {strides = array<i32>} : memref<48xi32, #tpu.memory_space<vmem>>, vector<16xi32>,
        %eq3A_88 = arith.cmpi eq, %while3A_73#5, %scan3A : i32
        %select_n3A_89 = arith.select %eq3A_88, %mul3A_20, %while3A_73#5 : i32
        %broadcast_in_dim3A_90 = vector.broadcast %select_n3A_89 : i32 to vector<16xi32>
        %min3A_91 = arith.constant 32 : i32
        %min3A_92 = arith.minsi %while3A_73#2, %min3A_91 : i32
        %add3A_93 = arith.constant 0 : i32
        %add3A_94 = arith.addi %min3A_92, %add3A_93 : i32
        %swap3A_95 = arith.index_cast %add3A_94 : i32 to index
        %swap3A_96 = tpu.vector_load %arg21[%swap3A_95] {strides = array<i32>} : memref<80xi32, #tpu.memory_space<vmem>>, vector<16xi32>,
        tpu.vector_store %arg21[%swap3A_95], %broadcast_in_dim3A_90 {strides = array<i32>} : memref<80xi32, #tpu.memory_space<vmem>>, vector<16xi32>,
        %add3A_97 = arith.constant 16 : i32
        %add3A_98 = arith.addi %min3A_92, %add3A_97 : i32
        %swap3A_99 = arith.index_cast %add3A_98 : i32 to index
        %swap3A_100 = tpu.vector_load %arg21[%swap3A_99] {strides = array<i32>} : memref<80xi32, #tpu.memory_space<vmem>>, vector<16xi32>,
        tpu.vector_store %arg21[%swap3A_99], %broadcast_in_dim3A_90 {strides = array<i32>} : memref<80xi32, #tpu.memory_space<vmem>>, vector<16xi32>,
        %eq3A_101 = arith.cmpi eq, %while3A_73#6, %scan3A : i32
        %select_n3A_102 = arith.select %eq3A_101, %mul3A_20, %while3A_73#6 : i32
        %broadcast_in_dim3A_103 = vector.broadcast %select_n3A_102 : i32 to vector<16xi32>
        %min3A_104 = arith.constant 128 : i32
        %min3A_105 = arith.minsi %while3A_73#3, %min3A_104 : i32
        %add3A_106 = arith.constant 0 : i32
        %add3A_107 = arith.addi %min3A_105, %add3A_106 : i32
        %swap3A_108 = arith.index_cast %add3A_107 : i32 to index
        %swap3A_109 = tpu.vector_load %arg22[%swap3A_108] {strides = array<i32>} : memref<272xi32, #tpu.memory_space<vmem>>, vector<16xi32>,
        tpu.vector_store %arg22[%swap3A_108], %broadcast_in_dim3A_103 {strides = array<i32>} : memref<272xi32, #tpu.memory_space<vmem>>, vector<16xi32>,
        %add3A_110 = arith.constant 16 : i32
        %add3A_111 = arith.addi %min3A_105, %add3A_110 : i32
        %swap3A_112 = arith.index_cast %add3A_111 : i32 to index
        %swap3A_113 = tpu.vector_load %arg22[%swap3A_112] {strides = array<i32>} : memref<272xi32, #tpu.memory_space<vmem>>, vector<16xi32>,
        tpu.vector_store %arg22[%swap3A_112], %broadcast_in_dim3A_103 {strides = array<i32>} : memref<272xi32, #tpu.memory_space<vmem>>, vector<16xi32>,
        %add3A_114 = arith.constant 32 : i32
        %add3A_115 = arith.addi %min3A_105, %add3A_114 : i32
        %swap3A_116 = arith.index_cast %add3A_115 : i32 to index
        %swap3A_117 = tpu.vector_load %arg22[%swap3A_116] {strides = array<i32>} : memref<272xi32, #tpu.memory_space<vmem>>, vector<16xi32>,
        tpu.vector_store %arg22[%swap3A_116], %broadcast_in_dim3A_103 {strides = array<i32>} : memref<272xi32, #tpu.memory_space<vmem>>, vector<16xi32>,
        %add3A_118 = arith.constant 48 : i32
        %add3A_119 = arith.addi %min3A_105, %add3A_118 : i32
        %swap3A_120 = arith.index_cast %add3A_119 : i32 to index
        %swap3A_121 = tpu.vector_load %arg22[%swap3A_120] {strides = array<i32>} : memref<272xi32, #tpu.memory_space<vmem>>, vector<16xi32>,
        tpu.vector_store %arg22[%swap3A_120], %broadcast_in_dim3A_103 {strides = array<i32>} : memref<272xi32, #tpu.memory_space<vmem>>, vector<16xi32>,
        %add3A_122 = arith.constant 64 : i32
        %add3A_123 = arith.addi %min3A_105, %add3A_122 : i32
        %swap3A_124 = arith.index_cast %add3A_123 : i32 to index
        %swap3A_125 = tpu.vector_load %arg22[%swap3A_124] {strides = array<i32>} : memref<272xi32, #tpu.memory_space<vmem>>, vector<16xi32>,
        tpu.vector_store %arg22[%swap3A_124], %broadcast_in_dim3A_103 {strides = array<i32>} : memref<272xi32, #tpu.memory_space<vmem>>, vector<16xi32>,
        %add3A_126 = arith.constant 80 : i32
        %add3A_127 = arith.addi %min3A_105, %add3A_126 : i32
        %swap3A_128 = arith.index_cast %add3A_127 : i32 to index
        %swap3A_129 = tpu.vector_load %arg22[%swap3A_128] {strides = array<i32>} : memref<272xi32, #tpu.memory_space<vmem>>, vector<16xi32>,
        tpu.vector_store %arg22[%swap3A_128], %broadcast_in_dim3A_103 {strides = array<i32>} : memref<272xi32, #tpu.memory_space<vmem>>, vector<16xi32>,
        %add3A_130 = arith.constant 96 : i32
        %add3A_131 = arith.addi %min3A_105, %add3A_130 : i32
        %swap3A_132 = arith.index_cast %add3A_131 : i32 to index
        %swap3A_133 = tpu.vector_load %arg22[%swap3A_132] {strides = array<i32>} : memref<272xi32, #tpu.memory_space<vmem>>, vector<16xi32>,
        tpu.vector_store %arg22[%swap3A_132], %broadcast_in_dim3A_103 {strides = array<i32>} : memref<272xi32, #tpu.memory_space<vmem>>, vector<16xi32>,
        %add3A_134 = arith.constant 112 : i32
        %add3A_135 = arith.addi %min3A_105, %add3A_134 : i32
        %swap3A_136 = arith.index_cast %add3A_135 : i32 to index
        %swap3A_137 = tpu.vector_load %arg22[%swap3A_136] {strides = array<i32>} : memref<272xi32, #tpu.memory_space<vmem>>, vector<16xi32>,
        tpu.vector_store %arg22[%swap3A_136], %broadcast_in_dim3A_103 {strides = array<i32>} : memref<272xi32, #tpu.memory_space<vmem>>, vector<16xi32>,
        %dma_start3A = arith.constant 0 : i32
        %dma_start3A_138 = tpu.memref_slice %arg20[%dma_start3A] : memref<48xi32, #tpu.memory_space<vmem>> -> memref<16xi32, #tpu.memory_space<vmem>>
        %dma_start3A_139 = arith.constant 0 : i32
        %dma_start3A_140 = arith.constant 0 : i32
        %dma_start3A_141 = tpu.memref_slice %arg6[%dma_start3A_139, %dma_start3A_140] : memref<81920x16xf32, #tpu.memory_space<hbm>> -> memref<81920x16xf32, #tpu.memory_space<hbm>>
        tpu.enqueue_indirect_dma source(%dma_start3A_141 : memref<81920x16xf32, #tpu.memory_space<hbm>>) target(%arg23 : memref<16x16xf32, #tpu.memory_space<vmem>>) offsets(%dma_start3A_138 : memref<16xi32, #tpu.memory_space<vmem>>) semaphore(%arg26 : memref<!tpu.dma_semaphore, #tpu.memory_space<semaphore_mem>>)
        %dma_start3A_142 = arith.constant 0 : i32
        %dma_start3A_143 = tpu.memref_slice %arg21[%dma_start3A_142] : memref<80xi32, #tpu.memory_space<vmem>> -> memref<32xi32, #tpu.memory_space<vmem>>
        %dma_start3A_144 = arith.constant 0 : i32
        %dma_start3A_145 = arith.constant 0 : i32
        %dma_start3A_146 = tpu.memref_slice %arg6[%dma_start3A_144, %dma_start3A_145] : memref<81920x16xf32, #tpu.memory_space<hbm>> -> memref<81920x16xf32, #tpu.memory_space<hbm>>
        tpu.enqueue_indirect_dma source(%dma_start3A_146 : memref<81920x16xf32, #tpu.memory_space<hbm>>) target(%arg24 : memref<32x16xf32, #tpu.memory_space<vmem>>) offsets(%dma_start3A_143 : memref<32xi32, #tpu.memory_space<vmem>>) semaphore(%arg26 : memref<!tpu.dma_semaphore, #tpu.memory_space<semaphore_mem>>)
        %dma_start3A_147 = arith.constant 0 : i32
        %dma_start3A_148 = tpu.memref_slice %arg22[%dma_start3A_147] : memref<272xi32, #tpu.memory_space<vmem>> -> memref<128xi32, #tpu.memory_space<vmem>>
        %dma_start3A_149 = arith.constant 0 : i32
        %dma_start3A_150 = arith.constant 0 : i32
        %dma_start3A_151 = tpu.memref_slice %arg6[%dma_start3A_149, %dma_start3A_150] : memref<81920x16xf32, #tpu.memory_space<hbm>> -> memref<81920x16xf32, #tpu.memory_space<hbm>>
        tpu.enqueue_indirect_dma source(%dma_start3A_151 : memref<81920x16xf32, #tpu.memory_space<hbm>>) target(%arg25 : memref<128x16xf32, #tpu.memory_space<vmem>>) offsets(%dma_start3A_148 : memref<128xi32, #tpu.memory_space<vmem>>) semaphore(%arg26 : memref<!tpu.dma_semaphore, #tpu.memory_space<semaphore_mem>>)
        %dma_wait3A = arith.constant 0 : i32
        %dma_wait3A_152 = tpu.memref_slice %arg20[%dma_wait3A] : memref<48xi32, #tpu.memory_space<vmem>> -> memref<16xi32, #tpu.memory_space<vmem>>
        %dma_wait3A_153 = arith.constant 0 : i32
        %dma_wait3A_154 = arith.constant 0 : i32
        %dma_wait3A_155 = tpu.memref_slice %arg6[%dma_wait3A_153, %dma_wait3A_154] : memref<81920x16xf32, #tpu.memory_space<hbm>> -> memref<81920x16xf32, #tpu.memory_space<hbm>>
        tpu.wait_indirect_dma semaphore(%arg26 : memref<!tpu.dma_semaphore, #tpu.memory_space<semaphore_mem>>) src(%dma_wait3A_155 : memref<81920x16xf32, #tpu.memory_space<hbm>>) dst(%arg23 : memref<16x16xf32, #tpu.memory_space<vmem>>)
        %dma_wait3A_156 = arith.constant 0 : i32
        %dma_wait3A_157 = tpu.memref_slice %arg21[%dma_wait3A_156] : memref<80xi32, #tpu.memory_space<vmem>> -> memref<32xi32, #tpu.memory_space<vmem>>
        %dma_wait3A_158 = arith.constant 0 : i32
        %dma_wait3A_159 = arith.constant 0 : i32
        %dma_wait3A_160 = tpu.memref_slice %arg6[%dma_wait3A_158, %dma_wait3A_159] : memref<81920x16xf32, #tpu.memory_space<hbm>> -> memref<81920x16xf32, #tpu.memory_space<hbm>>
        tpu.wait_indirect_dma semaphore(%arg26 : memref<!tpu.dma_semaphore, #tpu.memory_space<semaphore_mem>>) src(%dma_wait3A_160 : memref<81920x16xf32, #tpu.memory_space<hbm>>) dst(%arg24 : memref<32x16xf32, #tpu.memory_space<vmem>>)
        %dma_wait3A_161 = arith.constant 0 : i32
        %dma_wait3A_162 = tpu.memref_slice %arg22[%dma_wait3A_161] : memref<272xi32, #tpu.memory_space<vmem>> -> memref<128xi32, #tpu.memory_space<vmem>>
        %dma_wait3A_163 = arith.constant 0 : i32
        %dma_wait3A_164 = arith.constant 0 : i32
        %dma_wait3A_165 = tpu.memref_slice %arg6[%dma_wait3A_163, %dma_wait3A_164] : memref<81920x16xf32, #tpu.memory_space<hbm>> -> memref<81920x16xf32, #tpu.memory_space<hbm>>
        tpu.wait_indirect_dma semaphore(%arg26 : memref<!tpu.dma_semaphore, #tpu.memory_space<semaphore_mem>>) src(%dma_wait3A_165 : memref<81920x16xf32, #tpu.memory_space<hbm>>) dst(%arg25 : memref<128x16xf32, #tpu.memory_space<vmem>>)
        "tpu.region"() ({
          %run_scoped3A = tpu.sem_alloc : memref<!tpu.dma_semaphore, #tpu.memory_space<semaphore_mem>>
          %dma_start3A_167 = arith.constant 0 : i32
          %dma_start3A_168 = arith.constant 0 : i32
          %dma_start3A_169 = tpu.memref_slice %arg10[%add3A_80, %dma_start3A_167, %dma_start3A_168] : memref<4096x16x16xf32, #tpu.memory_space<hbm>> -> memref<1x16x16xf32, #tpu.memory_space<hbm>>
          %dma_start3A_170 = tpu.memref_squeeze %dma_start3A_169 : memref<1x16x16xf32, #tpu.memory_space<hbm>> -> memref<16x16xf32, #tpu.memory_space<hbm>>
          %dma_start3A_171 = arith.constant 0 : i32
          %dma_start3A_172 = arith.constant 0 : i32
          %dma_start3A_173 = tpu.memref_slice %arg10[%add3A_80, %dma_start3A_171, %dma_start3A_172] : memref<4096x16x16xf32, #tpu.memory_space<hbm>> -> memref<1x16x16xf32, #tpu.memory_space<hbm>>
          %dma_start3A_174 = tpu.memref_squeeze %dma_start3A_173 : memref<1x16x16xf32, #tpu.memory_space<hbm>> -> memref<16x16xf32, #tpu.memory_space<hbm>>
          tpu.enqueue_dma source(%arg23 : memref<16x16xf32, #tpu.memory_space<vmem>>) target(%dma_start3A_174 : memref<16x16xf32, #tpu.memory_space<hbm>>) target_semaphore(%run_scoped3A : memref<!tpu.dma_semaphore, #tpu.memory_space<semaphore_mem>>)
          %dma_wait3A_175 = arith.constant 0 : i32
          %dma_wait3A_176 = arith.constant 0 : i32
          %dma_wait3A_177 = tpu.memref_slice %arg10[%add3A_80, %dma_wait3A_175, %dma_wait3A_176] : memref<4096x16x16xf32, #tpu.memory_space<hbm>> -> memref<1x16x16xf32, #tpu.memory_space<hbm>>
          %dma_wait3A_178 = tpu.memref_squeeze %dma_wait3A_177 : memref<1x16x16xf32, #tpu.memory_space<hbm>> -> memref<16x16xf32, #tpu.memory_space<hbm>>
          %dma_wait3A_179 = arith.constant 0 : i32
          %dma_wait3A_180 = arith.constant 0 : i32
          %dma_wait3A_181 = tpu.memref_slice %arg10[%add3A_80, %dma_wait3A_179, %dma_wait3A_180] : memref<4096x16x16xf32, #tpu.memory_space<hbm>> -> memref<1x16x16xf32, #tpu.memory_space<hbm>>
          %dma_wait3A_182 = tpu.memref_squeeze %dma_wait3A_181 : memref<1x16x16xf32, #tpu.memory_space<hbm>> -> memref<16x16xf32, #tpu.memory_space<hbm>>
          tpu.wait_dma2 semaphore(%run_scoped3A : memref<!tpu.dma_semaphore, #tpu.memory_space<semaphore_mem>>) src(%arg23 : memref<16x16xf32, #tpu.memory_space<vmem>>) dst(%dma_wait3A_182 : memref<16x16xf32, #tpu.memory_space<hbm>>)
          tpu.yield
        }) : () -> ()
        "tpu.region"() ({
          %run_scoped3A = tpu.sem_alloc : memref<!tpu.dma_semaphore, #tpu.memory_space<semaphore_mem>>
          %dma_start3A_167 = arith.constant 0 : i32
          %dma_start3A_168 = arith.constant 0 : i32
          %dma_start3A_169 = tpu.memref_slice %arg11[%add3A_80, %dma_start3A_167, %dma_start3A_168] : memref<4096x32x16xf32, #tpu.memory_space<hbm>> -> memref<1x32x16xf32, #tpu.memory_space<hbm>>
          %dma_start3A_170 = tpu.memref_squeeze %dma_start3A_169 : memref<1x32x16xf32, #tpu.memory_space<hbm>> -> memref<32x16xf32, #tpu.memory_space<hbm>>
          %dma_start3A_171 = arith.constant 0 : i32
          %dma_start3A_172 = arith.constant 0 : i32
          %dma_start3A_173 = tpu.memref_slice %arg11[%add3A_80, %dma_start3A_171, %dma_start3A_172] : memref<4096x32x16xf32, #tpu.memory_space<hbm>> -> memref<1x32x16xf32, #tpu.memory_space<hbm>>
          %dma_start3A_174 = tpu.memref_squeeze %dma_start3A_173 : memref<1x32x16xf32, #tpu.memory_space<hbm>> -> memref<32x16xf32, #tpu.memory_space<hbm>>
          tpu.enqueue_dma source(%arg24 : memref<32x16xf32, #tpu.memory_space<vmem>>) target(%dma_start3A_174 : memref<32x16xf32, #tpu.memory_space<hbm>>) target_semaphore(%run_scoped3A : memref<!tpu.dma_semaphore, #tpu.memory_space<semaphore_mem>>)
          %dma_wait3A_175 = arith.constant 0 : i32
          %dma_wait3A_176 = arith.constant 0 : i32
          %dma_wait3A_177 = tpu.memref_slice %arg11[%add3A_80, %dma_wait3A_175, %dma_wait3A_176] : memref<4096x32x16xf32, #tpu.memory_space<hbm>> -> memref<1x32x16xf32, #tpu.memory_space<hbm>>
          %dma_wait3A_178 = tpu.memref_squeeze %dma_wait3A_177 : memref<1x32x16xf32, #tpu.memory_space<hbm>> -> memref<32x16xf32, #tpu.memory_space<hbm>>
          %dma_wait3A_179 = arith.constant 0 : i32
          %dma_wait3A_180 = arith.constant 0 : i32
          %dma_wait3A_181 = tpu.memref_slice %arg11[%add3A_80, %dma_wait3A_179, %dma_wait3A_180] : memref<4096x32x16xf32, #tpu.memory_space<hbm>> -> memref<1x32x16xf32, #tpu.memory_space<hbm>>
          %dma_wait3A_182 = tpu.memref_squeeze %dma_wait3A_181 : memref<1x32x16xf32, #tpu.memory_space<hbm>> -> memref<32x16xf32, #tpu.memory_space<hbm>>
          tpu.wait_dma2 semaphore(%run_scoped3A : memref<!tpu.dma_semaphore, #tpu.memory_space<semaphore_mem>>) src(%arg24 : memref<32x16xf32, #tpu.memory_space<vmem>>) dst(%dma_wait3A_182 : memref<32x16xf32, #tpu.memory_space<hbm>>)
          tpu.yield
        }) : () -> ()
        "tpu.region"() ({
          %run_scoped3A = tpu.sem_alloc : memref<!tpu.dma_semaphore, #tpu.memory_space<semaphore_mem>>
          %dma_start3A_167 = arith.constant 0 : i32
          %dma_start3A_168 = arith.constant 0 : i32
          %dma_start3A_169 = tpu.memref_slice %arg12[%add3A_80, %dma_start3A_167, %dma_start3A_168] : memref<4096x128x16xf32, #tpu.memory_space<hbm>> -> memref<1x128x16xf32, #tpu.memory_space<hbm>>
          %dma_start3A_170 = tpu.memref_squeeze %dma_start3A_169 : memref<1x128x16xf32, #tpu.memory_space<hbm>> -> memref<128x16xf32, #tpu.memory_space<hbm>>
          %dma_start3A_171 = arith.constant 0 : i32
          %dma_start3A_172 = arith.constant 0 : i32
          %dma_start3A_173 = tpu.memref_slice %arg12[%add3A_80, %dma_start3A_171, %dma_start3A_172] : memref<4096x128x16xf32, #tpu.memory_space<hbm>> -> memref<1x128x16xf32, #tpu.memory_space<hbm>>
          %dma_start3A_174 = tpu.memref_squeeze %dma_start3A_173 : memref<1x128x16xf32, #tpu.memory_space<hbm>> -> memref<128x16xf32, #tpu.memory_space<hbm>>
          tpu.enqueue_dma source(%arg25 : memref<128x16xf32, #tpu.memory_space<vmem>>) target(%dma_start3A_174 : memref<128x16xf32, #tpu.memory_space<hbm>>) target_semaphore(%run_scoped3A : memref<!tpu.dma_semaphore, #tpu.memory_space<semaphore_mem>>)
          %dma_wait3A_175 = arith.constant 0 : i32
          %dma_wait3A_176 = arith.constant 0 : i32
          %dma_wait3A_177 = tpu.memref_slice %arg12[%add3A_80, %dma_wait3A_175, %dma_wait3A_176] : memref<4096x128x16xf32, #tpu.memory_space<hbm>> -> memref<1x128x16xf32, #tpu.memory_space<hbm>>
          %dma_wait3A_178 = tpu.memref_squeeze %dma_wait3A_177 : memref<1x128x16xf32, #tpu.memory_space<hbm>> -> memref<128x16xf32, #tpu.memory_space<hbm>>
          %dma_wait3A_179 = arith.constant 0 : i32
          %dma_wait3A_180 = arith.constant 0 : i32
          %dma_wait3A_181 = tpu.memref_slice %arg12[%add3A_80, %dma_wait3A_179, %dma_wait3A_180] : memref<4096x128x16xf32, #tpu.memory_space<hbm>> -> memref<1x128x16xf32, #tpu.memory_space<hbm>>
          %dma_wait3A_182 = tpu.memref_squeeze %dma_wait3A_181 : memref<1x128x16xf32, #tpu.memory_space<hbm>> -> memref<128x16xf32, #tpu.memory_space<hbm>>
          tpu.wait_dma2 semaphore(%run_scoped3A : memref<!tpu.dma_semaphore, #tpu.memory_space<semaphore_mem>>) src(%arg25 : memref<128x16xf32, #tpu.memory_space<vmem>>) dst(%dma_wait3A_182 : memref<128x16xf32, #tpu.memory_space<hbm>>)
          tpu.yield
        }) : () -> ()
        %scan3A_166 = arith.constant 0 : i32
        scf.yield %scan3A_166 : i32
      }
      %scan3A_60 = arith.constant 16 : i32
      %scan3A_61 = arith.constant 0 : i32
      scf.yield %scan3A_61 : i32
    }
    %scan3A_29 = arith.constant 8 : i32
    %mul3A_30 = arith.constant 128 : i32
    %mul3A_31 = arith.muli %add3A, %mul3A_30 : i32
    "tpu.region"() ({
      %run_scoped3A = tpu.sem_alloc : memref<!tpu.dma_semaphore, #tpu.memory_space<semaphore_mem>>
      %dma_start3A = tpu.memref_slice %arg7[%mul3A_31] : memref<4096xf32, #tpu.memory_space<hbm>> -> memref<128xf32, #tpu.memory_space<hbm>>
      %dma_start3A_36 = tpu.memref_slice %arg7[%mul3A_31] : memref<4096xf32, #tpu.memory_space<hbm>> -> memref<128xf32, #tpu.memory_space<hbm>>
      tpu.enqueue_dma source(%arg17 : memref<128xf32, #tpu.memory_space<vmem>>) target(%dma_start3A_36 : memref<128xf32, #tpu.memory_space<hbm>>) target_semaphore(%run_scoped3A : memref<!tpu.dma_semaphore, #tpu.memory_space<semaphore_mem>>)
      %dma_wait3A = tpu.memref_slice %arg7[%mul3A_31] : memref<4096xf32, #tpu.memory_space<hbm>> -> memref<128xf32, #tpu.memory_space<hbm>>
      %dma_wait3A_37 = tpu.memref_slice %arg7[%mul3A_31] : memref<4096xf32, #tpu.memory_space<hbm>> -> memref<128xf32, #tpu.memory_space<hbm>>
      tpu.wait_dma2 semaphore(%run_scoped3A : memref<!tpu.dma_semaphore, #tpu.memory_space<semaphore_mem>>) src(%arg17 : memref<128xf32, #tpu.memory_space<vmem>>) dst(%dma_wait3A_37 : memref<128xf32, #tpu.memory_space<hbm>>)
      tpu.yield
    }) : () -> ()
    %mul3A_32 = arith.constant 128 : i32
    %mul3A_33 = arith.muli %add3A, %mul3A_32 : i32
    "tpu.region"() ({
      %run_scoped3A = tpu.sem_alloc : memref<!tpu.dma_semaphore, #tpu.memory_space<semaphore_mem>>
      %dma_start3A = tpu.memref_slice %arg8[%mul3A_33] : memref<4096xf32, #tpu.memory_space<hbm>> -> memref<128xf32, #tpu.memory_space<hbm>>
      %dma_start3A_36 = tpu.memref_slice %arg8[%mul3A_33] : memref<4096xf32, #tpu.memory_space<hbm>> -> memref<128xf32, #tpu.memory_space<hbm>>
      tpu.enqueue_dma source(%arg18 : memref<128xf32, #tpu.memory_space<vmem>>) target(%dma_start3A_36 : memref<128xf32, #tpu.memory_space<hbm>>) target_semaphore(%run_scoped3A : memref<!tpu.dma_semaphore, #tpu.memory_space<semaphore_mem>>)
      %dma_wait3A = tpu.memref_slice %arg8[%mul3A_33] : memref<4096xf32, #tpu.memory_space<hbm>> -> memref<128xf32, #tpu.memory_space<hbm>>
      %dma_wait3A_37 = tpu.memref_slice %arg8[%mul3A_33] : memref<4096xf32, #tpu.memory_space<hbm>> -> memref<128xf32, #tpu.memory_space<hbm>>
      tpu.wait_dma2 semaphore(%run_scoped3A : memref<!tpu.dma_semaphore, #tpu.memory_space<semaphore_mem>>) src(%arg18 : memref<128xf32, #tpu.memory_space<vmem>>) dst(%dma_wait3A_37 : memref<128xf32, #tpu.memory_space<hbm>>)
      tpu.yield
    }) : () -> ()
    %mul3A_34 = arith.constant 128 : i32
    %mul3A_35 = arith.muli %add3A, %mul3A_34 : i32
    "tpu.region"() ({
      %run_scoped3A = tpu.sem_alloc : memref<!tpu.dma_semaphore, #tpu.memory_space<semaphore_mem>>
      %dma_start3A = tpu.memref_slice %arg9[%mul3A_35] : memref<4096xf32, #tpu.memory_space<hbm>> -> memref<128xf32, #tpu.memory_space<hbm>>
      %dma_start3A_36 = tpu.memref_slice %arg9[%mul3A_35] : memref<4096xf32, #tpu.memory_space<hbm>> -> memref<128xf32, #tpu.memory_space<hbm>>
      tpu.enqueue_dma source(%arg19 : memref<128xf32, #tpu.memory_space<vmem>>) target(%dma_start3A_36 : memref<128xf32, #tpu.memory_space<hbm>>) target_semaphore(%run_scoped3A : memref<!tpu.dma_semaphore, #tpu.memory_space<semaphore_mem>>)
      %dma_wait3A = tpu.memref_slice %arg9[%mul3A_35] : memref<4096xf32, #tpu.memory_space<hbm>> -> memref<128xf32, #tpu.memory_space<hbm>>
      %dma_wait3A_37 = tpu.memref_slice %arg9[%mul3A_35] : memref<4096xf32, #tpu.memory_space<hbm>> -> memref<128xf32, #tpu.memory_space<hbm>>
      tpu.wait_dma2 semaphore(%run_scoped3A : memref<!tpu.dma_semaphore, #tpu.memory_space<semaphore_mem>>) src(%arg19 : memref<128xf32, #tpu.memory_space<vmem>>) dst(%dma_wait3A_37 : memref<128xf32, #tpu.memory_space<hbm>>)
      tpu.yield
    }) : () -> ()
    return
  }
}

module attributes {stable_mosaic.version = 14 : i64} {
  func.func @_fps_body(%arg0: memref<8x10240xf32, #tpu.memory_space<vmem>>, %arg1: memref<8x10240xf32, #tpu.memory_space<vmem>>, %arg2: memref<8x10240xf32, #tpu.memory_space<vmem>>, %arg3: memref<8x512xi32, #tpu.memory_space<vmem>>) attributes {dimension_semantics = [], scalar_prefetch = 0 : i64, scratch_operands = 0 : i64, tpu.core_type = #tpu.core_type<tc>} {
    %get3A = arith.constant 0 : index
    %get3A_0 = arith.constant 0 : index
    %get3A_1 = vector.load %arg0[%get3A, %get3A_0] : memref<8x10240xf32, #tpu.memory_space<vmem>>, vector<8x10240xf32>
    %get3A_2 = arith.constant 0 : index
    %get3A_3 = arith.constant 0 : index
    %get3A_4 = vector.load %arg1[%get3A_2, %get3A_3] : memref<8x10240xf32, #tpu.memory_space<vmem>>, vector<8x10240xf32>
    %get3A_5 = arith.constant 0 : index
    %get3A_6 = arith.constant 0 : index
    %get3A_7 = vector.load %arg2[%get3A_5, %get3A_6] : memref<8x10240xf32, #tpu.memory_space<vmem>>, vector<8x10240xf32>
    %iota3A = tpu.iota {dimensions = array<i32: 1>} : vector<8x10240xi32>
    %iota3A_8 = tpu.iota {dimensions = array<i32: 1>} : vector<8x512xi32>
    %broadcast_in_dim3A = arith.constant 1.000000e+10 : f32
    %broadcast_in_dim3A_9 = vector.broadcast %broadcast_in_dim3A : f32 to vector<8x10240xf32>
    %broadcast_in_dim3A_10 = arith.constant 0 : i32
    %broadcast_in_dim3A_11 = vector.broadcast %broadcast_in_dim3A_10 : i32 to vector<8x1xi32>
    %broadcast_in_dim3A_12 = arith.constant 0 : i32
    %broadcast_in_dim3A_13 = vector.broadcast %broadcast_in_dim3A_12 : i32 to vector<8x512xi32>
    %scan3A = arith.constant 1 : i32
    %scan3A_14 = arith.constant 511 : i32
    %scan3A_15 = arith.addi %scan3A, %scan3A_14 : i32
    %scan3A_16 = arith.constant 1 : i32
    %scan3A_17:3 = scf.for %scan3A_21 = %scan3A to %scan3A_15 step %scan3A_16 iter_args(%scan3A_22 = %broadcast_in_dim3A_9, %scan3A_23 = %broadcast_in_dim3A_11, %scan3A_24 = %broadcast_in_dim3A_13) -> (vector<8x10240xf32>, vector<8x1xi32>, vector<8x512xi32>)  : i32 {
      %eq3A = vector.broadcast %scan3A_23 : vector<8x1xi32> to vector<8x10240xi32>
      %eq3A_25 = arith.cmpi eq, %iota3A, %eq3A : vector<8x10240xi32>
      %jit3A = arith.constant 0.000000e+00 : f32
      %broadcast_in_dim3A_26 = vector.broadcast %jit3A : f32 to vector<8x10240xf32>
      %select_n3A = arith.select %eq3A_25, %get3A_1, %broadcast_in_dim3A_26 : vector<8x10240xi1>, vector<8x10240xf32>
      %reduce_sum3A = arith.constant dense<0.000000e+00> : vector<8xf32>
      %reduce_sum3A_27 = vector.multi_reduction <add>, %select_n3A, %reduce_sum3A [1] : vector<8x10240xf32> to vector<8xf32>
      %broadcast_in_dim3A_28 = vector.shape_cast %reduce_sum3A_27 : vector<8xf32> to vector<8x1xf32>
      %jit3A_29 = arith.constant 0.000000e+00 : f32
      %broadcast_in_dim3A_30 = vector.broadcast %jit3A_29 : f32 to vector<8x10240xf32>
      %select_n3A_31 = arith.select %eq3A_25, %get3A_4, %broadcast_in_dim3A_30 : vector<8x10240xi1>, vector<8x10240xf32>
      %reduce_sum3A_32 = arith.constant dense<0.000000e+00> : vector<8xf32>
      %reduce_sum3A_33 = vector.multi_reduction <add>, %select_n3A_31, %reduce_sum3A_32 [1] : vector<8x10240xf32> to vector<8xf32>
      %broadcast_in_dim3A_34 = vector.shape_cast %reduce_sum3A_33 : vector<8xf32> to vector<8x1xf32>
      %jit3A_35 = arith.constant 0.000000e+00 : f32
      %broadcast_in_dim3A_36 = vector.broadcast %jit3A_35 : f32 to vector<8x10240xf32>
      %select_n3A_37 = arith.select %eq3A_25, %get3A_7, %broadcast_in_dim3A_36 : vector<8x10240xi1>, vector<8x10240xf32>
      %reduce_sum3A_38 = arith.constant dense<0.000000e+00> : vector<8xf32>
      %reduce_sum3A_39 = vector.multi_reduction <add>, %select_n3A_37, %reduce_sum3A_38 [1] : vector<8x10240xf32> to vector<8xf32>
      %broadcast_in_dim3A_40 = vector.shape_cast %reduce_sum3A_39 : vector<8xf32> to vector<8x1xf32>
      %sub3A = vector.broadcast %broadcast_in_dim3A_28 : vector<8x1xf32> to vector<8x10240xf32>
      %sub3A_41 = arith.subf %get3A_1, %sub3A : vector<8x10240xf32>
      %sub3A_42 = vector.broadcast %broadcast_in_dim3A_34 : vector<8x1xf32> to vector<8x10240xf32>
      %sub3A_43 = arith.subf %get3A_4, %sub3A_42 : vector<8x10240xf32>
      %sub3A_44 = vector.broadcast %broadcast_in_dim3A_40 : vector<8x1xf32> to vector<8x10240xf32>
      %sub3A_45 = arith.subf %get3A_7, %sub3A_44 : vector<8x10240xf32>
      %mul3A = arith.mulf %sub3A_41, %sub3A_41 : vector<8x10240xf32>
      %mul3A_46 = arith.mulf %sub3A_43, %sub3A_43 : vector<8x10240xf32>
      %add3A = arith.addf %mul3A, %mul3A_46 : vector<8x10240xf32>
      %mul3A_47 = arith.mulf %sub3A_45, %sub3A_45 : vector<8x10240xf32>
      %add3A_48 = arith.addf %add3A, %mul3A_47 : vector<8x10240xf32>
      %min3A = arith.minimumf %scan3A_22, %add3A_48 : vector<8x10240xf32>
      %reduce_max3A = arith.constant dense<0xFF800000> : vector<8xf32>
      %reduce_max3A_49 = vector.multi_reduction <maximumf>, %min3A, %reduce_max3A [1] : vector<8x10240xf32> to vector<8xf32>
      %broadcast_in_dim3A_50 = vector.shape_cast %reduce_max3A_49 : vector<8xf32> to vector<8x1xf32>
      %eq3A_51 = vector.broadcast %broadcast_in_dim3A_50 : vector<8x1xf32> to vector<8x10240xf32>
      %eq3A_52 = arith.cmpf oeq, %min3A, %eq3A_51 : vector<8x10240xf32>
      %jit3A_53 = arith.constant 10240 : i32
      %broadcast_in_dim3A_54 = vector.broadcast %jit3A_53 : i32 to vector<8x10240xi32>
      %select_n3A_55 = arith.select %eq3A_52, %iota3A, %broadcast_in_dim3A_54 : vector<8x10240xi1>, vector<8x10240xi32>
      %reduce_min3A = arith.constant dense<2147483647> : vector<8xi32>
      %reduce_min3A_56 = vector.multi_reduction <minsi>, %select_n3A_55, %reduce_min3A [1] : vector<8x10240xi32> to vector<8xi32>
      %broadcast_in_dim3A_57 = vector.shape_cast %reduce_min3A_56 : vector<8xi32> to vector<8x1xi32>
      %eq3A_58 = vector.broadcast %scan3A_21 : i32 to vector<8x512xi32>
      %eq3A_59 = arith.cmpi eq, %iota3A_8, %eq3A_58 : vector<8x512xi32>
      %broadcast_in_dim3A_60 = vector.shape_cast %broadcast_in_dim3A_57 : vector<8x1xi32> to vector<8x1xi32>
      %broadcast_in_dim3A_61 = vector.broadcast %broadcast_in_dim3A_60 : vector<8x1xi32> to vector<8x512xi32>
      %select_n3A_62 = arith.select %eq3A_59, %broadcast_in_dim3A_61, %scan3A_24 : vector<8x512xi1>, vector<8x512xi32>
      scf.yield %min3A, %broadcast_in_dim3A_57, %select_n3A_62 : vector<8x10240xf32>, vector<8x1xi32>, vector<8x512xi32>
    }
    %scan3A_18 = arith.constant 511 : i32
    %swap3A = arith.constant 0 : index
    %swap3A_19 = arith.constant 0 : index
    %swap3A_20 = vector.load %arg3[%swap3A, %swap3A_19] : memref<8x512xi32, #tpu.memory_space<vmem>>, vector<8x512xi32>
    tpu.vector_store %arg3[%swap3A, %swap3A_19], %scan3A_17#2 {strides = array<i32>} : memref<8x512xi32, #tpu.memory_space<vmem>>, vector<8x512xi32>,
    return
  }
}

module attributes {stable_mosaic.version = 14 : i64} {
  func.func @_layer1_body(%arg0: i32, %arg1: memref<32x16x16xf32, #tpu.memory_space<vmem>>, %arg2: memref<32x16xf32, #tpu.memory_space<vmem>>, %arg3: memref<16x32xf32, #tpu.memory_space<vmem>>, %arg4: memref<512x32xf32, #tpu.memory_space<vmem>>, %arg5: memref<1x32xf32, #tpu.memory_space<vmem>>, %arg6: memref<1x32xf32, #tpu.memory_space<vmem>>) attributes {dimension_semantics = [#tpu.dimension_semantics<arbitrary>], iteration_bounds = array<i64: 128>, scalar_prefetch = 0 : i64, scratch_operands = 0 : i64, tpu.core_type = #tpu.core_type<tc>, window_params = [{transform_indices = @transform_0, window_bounds = array<i64: 32, 16, 16>}, {transform_indices = @transform_1, window_bounds = array<i64: 32, 16>}, {pipeline_mode = #tpu.pipeline_mode<synchronous>, transform_indices = @transform_2, window_bounds = array<i64: 16, 32>}, {transform_indices = @transform_3, window_bounds = array<i64: 512, 32>}, {pipeline_mode = #tpu.pipeline_mode<synchronous>, transform_indices = @transform_4, window_bounds = array<i64: 1, 32>}, {pipeline_mode = #tpu.pipeline_mode<synchronous>, transform_indices = @transform_5, window_bounds = array<i64: 1, 32>}]} {
    %get3A = arith.constant 0 : index
    %get3A_0 = arith.constant 0 : index
    %get3A_1 = arith.constant 0 : index
    %get3A_2 = vector.load %arg1[%get3A, %get3A_0, %get3A_1] : memref<32x16x16xf32, #tpu.memory_space<vmem>>, vector<32x16x16xf32>
    %get3A_3 = arith.constant 0 : index
    %get3A_4 = arith.constant 0 : index
    %get3A_5 = vector.load %arg2[%get3A_3, %get3A_4] : memref<32x16xf32, #tpu.memory_space<vmem>>, vector<32x16xf32>
    %broadcast_in_dim3A = vector.shape_cast %get3A_5 : vector<32x16xf32> to vector<32x1x16xf32>
    %sub3A = vector.broadcast %broadcast_in_dim3A : vector<32x1x16xf32> to vector<32x16x16xf32>
    %sub3A_6 = arith.subf %get3A_2, %sub3A : vector<32x16x16xf32>
    %reshape3A = vector.shape_cast %sub3A_6 : vector<32x16x16xf32> to vector<512x16xf32>
    %get3A_7 = arith.constant 0 : index
    %get3A_8 = arith.constant 0 : index
    %get3A_9 = vector.load %arg3[%get3A_7, %get3A_8] : memref<16x32xf32, #tpu.memory_space<vmem>>, vector<16x32xf32>
    %dot_general3A = arith.constant dense<0.000000e+00> : vector<512x32xf32>
    %dot_general3A_10 = tpu.matmul %reshape3A, %get3A_9, %dot_general3A {dimension_numbers = #tpu.dot_dimension_numbers<[1], [0], [0], [1], [0, 0, 1, 1], [], []>, transpose_lhs_hint = false} : vector<512x16xf32>, vector<16x32xf32>, vector<512x32xf32> -> vector<512x32xf32>
    %swap3A = arith.constant 0 : index
    %swap3A_11 = arith.constant 0 : index
    %swap3A_12 = vector.load %arg4[%swap3A, %swap3A_11] : memref<512x32xf32, #tpu.memory_space<vmem>>, vector<512x32xf32>
    tpu.vector_store %arg4[%swap3A, %swap3A_11], %dot_general3A_10 {strides = array<i32>} : memref<512x32xf32, #tpu.memory_space<vmem>>, vector<512x32xf32>,
    %eq3A = arith.constant 0 : i32
    %eq3A_13 = arith.cmpi eq, %arg0, %eq3A : i32
    %convert_element_type3A = arith.extui %eq3A_13 : i1 to i32
    %cond3A = arith.constant 0 : i32
    %cond3A_14 = arith.cmpi ne, %convert_element_type3A, %cond3A : i32
    scf.if %cond3A_14 {
      %broadcast_in_dim3A_33 = arith.constant 0.000000e+00 : f32
      %broadcast_in_dim3A_34 = vector.broadcast %broadcast_in_dim3A_33 : f32 to vector<1x32xf32>
      %swap3A_35 = arith.constant 0 : index
      %swap3A_36 = arith.constant 0 : index
      %swap3A_37 = vector.load %arg5[%swap3A_35, %swap3A_36] : memref<1x32xf32, #tpu.memory_space<vmem>>, vector<1x32xf32>
      tpu.vector_store %arg5[%swap3A_35, %swap3A_36], %broadcast_in_dim3A_34 {strides = array<i32>} : memref<1x32xf32, #tpu.memory_space<vmem>>, vector<1x32xf32>,
      %broadcast_in_dim3A_38 = arith.constant 0.000000e+00 : f32
      %broadcast_in_dim3A_39 = vector.broadcast %broadcast_in_dim3A_38 : f32 to vector<1x32xf32>
      %swap3A_40 = arith.constant 0 : index
      %swap3A_41 = arith.constant 0 : index
      %swap3A_42 = vector.load %arg6[%swap3A_40, %swap3A_41] : memref<1x32xf32, #tpu.memory_space<vmem>>, vector<1x32xf32>
      tpu.vector_store %arg6[%swap3A_40, %swap3A_41], %broadcast_in_dim3A_39 {strides = array<i32>} : memref<1x32xf32, #tpu.memory_space<vmem>>, vector<1x32xf32>,
    } else {
    }
    %get3A_15 = arith.constant 0 : index
    %get3A_16 = arith.constant 0 : index
    %get3A_17 = vector.load %arg5[%get3A_15, %get3A_16] : memref<1x32xf32, #tpu.memory_space<vmem>>, vector<1x32xf32>
    %reduce_sum3A = arith.constant dense<0.000000e+00> : vector<32xf32>
    %reduce_sum3A_18 = vector.multi_reduction <add>, %dot_general3A_10, %reduce_sum3A [0] : vector<512x32xf32> to vector<32xf32>
    %broadcast_in_dim3A_19 = vector.shape_cast %reduce_sum3A_18 : vector<32xf32> to vector<1x32xf32>
    %add3A = arith.addf %get3A_17, %broadcast_in_dim3A_19 : vector<1x32xf32>
    %swap3A_20 = arith.constant 0 : index
    %swap3A_21 = arith.constant 0 : index
    %swap3A_22 = vector.load %arg5[%swap3A_20, %swap3A_21] : memref<1x32xf32, #tpu.memory_space<vmem>>, vector<1x32xf32>
    tpu.vector_store %arg5[%swap3A_20, %swap3A_21], %add3A {strides = array<i32>} : memref<1x32xf32, #tpu.memory_space<vmem>>, vector<1x32xf32>,
    %get3A_23 = arith.constant 0 : index
    %get3A_24 = arith.constant 0 : index
    %get3A_25 = vector.load %arg6[%get3A_23, %get3A_24] : memref<1x32xf32, #tpu.memory_space<vmem>>, vector<1x32xf32>
    %mul3A = arith.mulf %dot_general3A_10, %dot_general3A_10 : vector<512x32xf32>
    %reduce_sum3A_26 = arith.constant dense<0.000000e+00> : vector<32xf32>
    %reduce_sum3A_27 = vector.multi_reduction <add>, %mul3A, %reduce_sum3A_26 [0] : vector<512x32xf32> to vector<32xf32>
    %broadcast_in_dim3A_28 = vector.shape_cast %reduce_sum3A_27 : vector<32xf32> to vector<1x32xf32>
    %add3A_29 = arith.addf %get3A_25, %broadcast_in_dim3A_28 : vector<1x32xf32>
    %swap3A_30 = arith.constant 0 : index
    %swap3A_31 = arith.constant 0 : index
    %swap3A_32 = vector.load %arg6[%swap3A_30, %swap3A_31] : memref<1x32xf32, #tpu.memory_space<vmem>>, vector<1x32xf32>
    tpu.vector_store %arg6[%swap3A_30, %swap3A_31], %add3A_29 {strides = array<i32>} : memref<1x32xf32, #tpu.memory_space<vmem>>, vector<1x32xf32>,
    return
  }
  func.func @transform_0(%arg0: i32) -> (i32, i32, i32) {
    %c0_i32 = arith.constant 0 : i32
    %c0_i32_0 = arith.constant 0 : i32
    %c0_i32_1 = arith.constant 0 : i32
    return %arg0, %c0_i32, %c0_i32_0 : i32, i32, i32
  }
  func.func @transform_1(%arg0: i32) -> (i32, i32) {
    %c0_i32 = arith.constant 0 : i32
    %c0_i32_0 = arith.constant 0 : i32
    return %arg0, %c0_i32 : i32, i32
  }
  func.func @transform_2(%arg0: i32) -> (i32, i32) {
    %c0_i32 = arith.constant 0 : i32
    %c0_i32_0 = arith.constant 0 : i32
    %c0_i32_1 = arith.constant 0 : i32
    return %c0_i32, %c0_i32_0 : i32, i32
  }
  func.func @transform_3(%arg0: i32) -> (i32, i32) {
    %c0_i32 = arith.constant 0 : i32
    %c0_i32_0 = arith.constant 0 : i32
    return %arg0, %c0_i32 : i32, i32
  }
  func.func @transform_4(%arg0: i32) -> (i32, i32) {
    %c0_i32 = arith.constant 0 : i32
    %c0_i32_0 = arith.constant 0 : i32
    %c0_i32_1 = arith.constant 0 : i32
    return %c0_i32, %c0_i32_0 : i32, i32
  }
  func.func @transform_5(%arg0: i32) -> (i32, i32) {
    %c0_i32 = arith.constant 0 : i32
    %c0_i32_0 = arith.constant 0 : i32
    %c0_i32_1 = arith.constant 0 : i32
    return %c0_i32, %c0_i32_0 : i32, i32
  }
}

module attributes {stable_mosaic.version = 14 : i64} {
  func.func @_layer_body(%arg0: i32, %arg1: memref<512x32xf32, #tpu.memory_space<vmem>>, %arg2: memref<32x32xf32, #tpu.memory_space<vmem>>, %arg3: memref<2x32xf32, #tpu.memory_space<vmem>>, %arg4: memref<512x32xf32, #tpu.memory_space<vmem>>, %arg5: memref<1x32xf32, #tpu.memory_space<vmem>>, %arg6: memref<1x32xf32, #tpu.memory_space<vmem>>) attributes {dimension_semantics = [#tpu.dimension_semantics<arbitrary>], iteration_bounds = array<i64: 128>, scalar_prefetch = 0 : i64, scratch_operands = 0 : i64, tpu.core_type = #tpu.core_type<tc>, window_params = [{transform_indices = @transform_0, window_bounds = array<i64: 512, 32>}, {pipeline_mode = #tpu.pipeline_mode<synchronous>, transform_indices = @transform_1, window_bounds = array<i64: 32, 32>}, {pipeline_mode = #tpu.pipeline_mode<synchronous>, transform_indices = @transform_2, window_bounds = array<i64: 2, 32>}, {transform_indices = @transform_3, window_bounds = array<i64: 512, 32>}, {pipeline_mode = #tpu.pipeline_mode<synchronous>, transform_indices = @transform_4, window_bounds = array<i64: 1, 32>}, {pipeline_mode = #tpu.pipeline_mode<synchronous>, transform_indices = @transform_5, window_bounds = array<i64: 1, 32>}]} {
    %get3A = arith.constant 0 : index
    %get3A_0 = arith.constant 0 : index
    %get3A_1 = vector.load %arg1[%get3A, %get3A_0] : memref<512x32xf32, #tpu.memory_space<vmem>>, vector<512x32xf32>
    %get3A_2 = arith.constant 0 : index
    %get3A_3 = arith.constant 0 : index
    %get3A_4 = vector.load %arg3[%get3A_2, %get3A_3] : memref<2x32xf32, #tpu.memory_space<vmem>>, vector<2x32xf32>
    %slice3A = vector.extract_strided_slice %get3A_4 {offsets = [0, 0], sizes = [1, 32], strides = [1, 1]} : vector<2x32xf32> to vector<1x32xf32>
    %mul3A = vector.broadcast %slice3A : vector<1x32xf32> to vector<512x32xf32>
    %mul3A_5 = arith.mulf %get3A_1, %mul3A : vector<512x32xf32>
    %slice3A_6 = vector.extract_strided_slice %get3A_4 {offsets = [1, 0], sizes = [1, 32], strides = [1, 1]} : vector<2x32xf32> to vector<1x32xf32>
    %add3A = vector.broadcast %slice3A_6 : vector<1x32xf32> to vector<512x32xf32>
    %add3A_7 = arith.addf %mul3A_5, %add3A : vector<512x32xf32>
    %max3A = arith.constant 0.000000e+00 : f32
    %max3A_8 = vector.broadcast %max3A : f32 to vector<512x32xf32>
    %max3A_9 = arith.maximumf %add3A_7, %max3A_8 : vector<512x32xf32>
    %get3A_10 = arith.constant 0 : index
    %get3A_11 = arith.constant 0 : index
    %get3A_12 = vector.load %arg2[%get3A_10, %get3A_11] : memref<32x32xf32, #tpu.memory_space<vmem>>, vector<32x32xf32>
    %dot_general3A = arith.constant dense<0.000000e+00> : vector<512x32xf32>
    %dot_general3A_13 = tpu.matmul %max3A_9, %get3A_12, %dot_general3A {dimension_numbers = #tpu.dot_dimension_numbers<[1], [0], [0], [1], [0, 0, 1, 1], [], []>, transpose_lhs_hint = false} : vector<512x32xf32>, vector<32x32xf32>, vector<512x32xf32> -> vector<512x32xf32>
    %swap3A = arith.constant 0 : index
    %swap3A_14 = arith.constant 0 : index
    %swap3A_15 = vector.load %arg4[%swap3A, %swap3A_14] : memref<512x32xf32, #tpu.memory_space<vmem>>, vector<512x32xf32>
    tpu.vector_store %arg4[%swap3A, %swap3A_14], %dot_general3A_13 {strides = array<i32>} : memref<512x32xf32, #tpu.memory_space<vmem>>, vector<512x32xf32>,
    %eq3A = arith.constant 0 : i32
    %eq3A_16 = arith.cmpi eq, %arg0, %eq3A : i32
    %convert_element_type3A = arith.extui %eq3A_16 : i1 to i32
    %cond3A = arith.constant 0 : i32
    %cond3A_17 = arith.cmpi ne, %convert_element_type3A, %cond3A : i32
    scf.if %cond3A_17 {
      %broadcast_in_dim3A_37 = arith.constant 0.000000e+00 : f32
      %broadcast_in_dim3A_38 = vector.broadcast %broadcast_in_dim3A_37 : f32 to vector<1x32xf32>
      %swap3A_39 = arith.constant 0 : index
      %swap3A_40 = arith.constant 0 : index
      %swap3A_41 = vector.load %arg5[%swap3A_39, %swap3A_40] : memref<1x32xf32, #tpu.memory_space<vmem>>, vector<1x32xf32>
      tpu.vector_store %arg5[%swap3A_39, %swap3A_40], %broadcast_in_dim3A_38 {strides = array<i32>} : memref<1x32xf32, #tpu.memory_space<vmem>>, vector<1x32xf32>,
      %broadcast_in_dim3A_42 = arith.constant 0.000000e+00 : f32
      %broadcast_in_dim3A_43 = vector.broadcast %broadcast_in_dim3A_42 : f32 to vector<1x32xf32>
      %swap3A_44 = arith.constant 0 : index
      %swap3A_45 = arith.constant 0 : index
      %swap3A_46 = vector.load %arg6[%swap3A_44, %swap3A_45] : memref<1x32xf32, #tpu.memory_space<vmem>>, vector<1x32xf32>
      tpu.vector_store %arg6[%swap3A_44, %swap3A_45], %broadcast_in_dim3A_43 {strides = array<i32>} : memref<1x32xf32, #tpu.memory_space<vmem>>, vector<1x32xf32>,
    } else {
    }
    %get3A_18 = arith.constant 0 : index
    %get3A_19 = arith.constant 0 : index
    %get3A_20 = vector.load %arg5[%get3A_18, %get3A_19] : memref<1x32xf32, #tpu.memory_space<vmem>>, vector<1x32xf32>
    %reduce_sum3A = arith.constant dense<0.000000e+00> : vector<32xf32>
    %reduce_sum3A_21 = vector.multi_reduction <add>, %dot_general3A_13, %reduce_sum3A [0] : vector<512x32xf32> to vector<32xf32>
    %broadcast_in_dim3A = vector.shape_cast %reduce_sum3A_21 : vector<32xf32> to vector<1x32xf32>
    %add3A_22 = arith.addf %get3A_20, %broadcast_in_dim3A : vector<1x32xf32>
    %swap3A_23 = arith.constant 0 : index
    %swap3A_24 = arith.constant 0 : index
    %swap3A_25 = vector.load %arg5[%swap3A_23, %swap3A_24] : memref<1x32xf32, #tpu.memory_space<vmem>>, vector<1x32xf32>
    tpu.vector_store %arg5[%swap3A_23, %swap3A_24], %add3A_22 {strides = array<i32>} : memref<1x32xf32, #tpu.memory_space<vmem>>, vector<1x32xf32>,
    %get3A_26 = arith.constant 0 : index
    %get3A_27 = arith.constant 0 : index
    %get3A_28 = vector.load %arg6[%get3A_26, %get3A_27] : memref<1x32xf32, #tpu.memory_space<vmem>>, vector<1x32xf32>
    %mul3A_29 = arith.mulf %dot_general3A_13, %dot_general3A_13 : vector<512x32xf32>
    %reduce_sum3A_30 = arith.constant dense<0.000000e+00> : vector<32xf32>
    %reduce_sum3A_31 = vector.multi_reduction <add>, %mul3A_29, %reduce_sum3A_30 [0] : vector<512x32xf32> to vector<32xf32>
    %broadcast_in_dim3A_32 = vector.shape_cast %reduce_sum3A_31 : vector<32xf32> to vector<1x32xf32>
    %add3A_33 = arith.addf %get3A_28, %broadcast_in_dim3A_32 : vector<1x32xf32>
    %swap3A_34 = arith.constant 0 : index
    %swap3A_35 = arith.constant 0 : index
    %swap3A_36 = vector.load %arg6[%swap3A_34, %swap3A_35] : memref<1x32xf32, #tpu.memory_space<vmem>>, vector<1x32xf32>
    tpu.vector_store %arg6[%swap3A_34, %swap3A_35], %add3A_33 {strides = array<i32>} : memref<1x32xf32, #tpu.memory_space<vmem>>, vector<1x32xf32>,
    return
  }
  func.func @transform_0(%arg0: i32) -> (i32, i32) {
    %c0_i32 = arith.constant 0 : i32
    %c0_i32_0 = arith.constant 0 : i32
    return %arg0, %c0_i32 : i32, i32
  }
  func.func @transform_1(%arg0: i32) -> (i32, i32) {
    %c0_i32 = arith.constant 0 : i32
    %c0_i32_0 = arith.constant 0 : i32
    %c0_i32_1 = arith.constant 0 : i32
    return %c0_i32, %c0_i32_0 : i32, i32
  }
  func.func @transform_2(%arg0: i32) -> (i32, i32) {
    %c0_i32 = arith.constant 0 : i32
    %c0_i32_0 = arith.constant 0 : i32
    %c0_i32_1 = arith.constant 0 : i32
    return %c0_i32, %c0_i32_0 : i32, i32
  }
  func.func @transform_3(%arg0: i32) -> (i32, i32) {
    %c0_i32 = arith.constant 0 : i32
    %c0_i32_0 = arith.constant 0 : i32
    return %arg0, %c0_i32 : i32, i32
  }
  func.func @transform_4(%arg0: i32) -> (i32, i32) {
    %c0_i32 = arith.constant 0 : i32
    %c0_i32_0 = arith.constant 0 : i32
    %c0_i32_1 = arith.constant 0 : i32
    return %c0_i32, %c0_i32_0 : i32, i32
  }
  func.func @transform_5(%arg0: i32) -> (i32, i32) {
    %c0_i32 = arith.constant 0 : i32
    %c0_i32_0 = arith.constant 0 : i32
    %c0_i32_1 = arith.constant 0 : i32
    return %c0_i32, %c0_i32_0 : i32, i32
  }
}

module attributes {stable_mosaic.version = 14 : i64} {
  func.func @_layer_body(%arg0: i32, %arg1: memref<512x32xf32, #tpu.memory_space<vmem>>, %arg2: memref<32x64xf32, #tpu.memory_space<vmem>>, %arg3: memref<2x32xf32, #tpu.memory_space<vmem>>, %arg4: memref<512x64xf32, #tpu.memory_space<vmem>>, %arg5: memref<1x64xf32, #tpu.memory_space<vmem>>, %arg6: memref<1x64xf32, #tpu.memory_space<vmem>>) attributes {dimension_semantics = [#tpu.dimension_semantics<arbitrary>], iteration_bounds = array<i64: 128>, scalar_prefetch = 0 : i64, scratch_operands = 0 : i64, tpu.core_type = #tpu.core_type<tc>, window_params = [{transform_indices = @transform_0, window_bounds = array<i64: 512, 32>}, {pipeline_mode = #tpu.pipeline_mode<synchronous>, transform_indices = @transform_1, window_bounds = array<i64: 32, 64>}, {pipeline_mode = #tpu.pipeline_mode<synchronous>, transform_indices = @transform_2, window_bounds = array<i64: 2, 32>}, {transform_indices = @transform_3, window_bounds = array<i64: 512, 64>}, {pipeline_mode = #tpu.pipeline_mode<synchronous>, transform_indices = @transform_4, window_bounds = array<i64: 1, 64>}, {pipeline_mode = #tpu.pipeline_mode<synchronous>, transform_indices = @transform_5, window_bounds = array<i64: 1, 64>}]} {
    %get3A = arith.constant 0 : index
    %get3A_0 = arith.constant 0 : index
    %get3A_1 = vector.load %arg1[%get3A, %get3A_0] : memref<512x32xf32, #tpu.memory_space<vmem>>, vector<512x32xf32>
    %get3A_2 = arith.constant 0 : index
    %get3A_3 = arith.constant 0 : index
    %get3A_4 = vector.load %arg3[%get3A_2, %get3A_3] : memref<2x32xf32, #tpu.memory_space<vmem>>, vector<2x32xf32>
    %slice3A = vector.extract_strided_slice %get3A_4 {offsets = [0, 0], sizes = [1, 32], strides = [1, 1]} : vector<2x32xf32> to vector<1x32xf32>
    %mul3A = vector.broadcast %slice3A : vector<1x32xf32> to vector<512x32xf32>
    %mul3A_5 = arith.mulf %get3A_1, %mul3A : vector<512x32xf32>
    %slice3A_6 = vector.extract_strided_slice %get3A_4 {offsets = [1, 0], sizes = [1, 32], strides = [1, 1]} : vector<2x32xf32> to vector<1x32xf32>
    %add3A = vector.broadcast %slice3A_6 : vector<1x32xf32> to vector<512x32xf32>
    %add3A_7 = arith.addf %mul3A_5, %add3A : vector<512x32xf32>
    %max3A = arith.constant 0.000000e+00 : f32
    %max3A_8 = vector.broadcast %max3A : f32 to vector<512x32xf32>
    %max3A_9 = arith.maximumf %add3A_7, %max3A_8 : vector<512x32xf32>
    %get3A_10 = arith.constant 0 : index
    %get3A_11 = arith.constant 0 : index
    %get3A_12 = vector.load %arg2[%get3A_10, %get3A_11] : memref<32x64xf32, #tpu.memory_space<vmem>>, vector<32x64xf32>
    %dot_general3A = arith.constant dense<0.000000e+00> : vector<512x64xf32>
    %dot_general3A_13 = tpu.matmul %max3A_9, %get3A_12, %dot_general3A {dimension_numbers = #tpu.dot_dimension_numbers<[1], [0], [0], [1], [0, 0, 1, 1], [], []>, transpose_lhs_hint = false} : vector<512x32xf32>, vector<32x64xf32>, vector<512x64xf32> -> vector<512x64xf32>
    %swap3A = arith.constant 0 : index
    %swap3A_14 = arith.constant 0 : index
    %swap3A_15 = vector.load %arg4[%swap3A, %swap3A_14] : memref<512x64xf32, #tpu.memory_space<vmem>>, vector<512x64xf32>
    tpu.vector_store %arg4[%swap3A, %swap3A_14], %dot_general3A_13 {strides = array<i32>} : memref<512x64xf32, #tpu.memory_space<vmem>>, vector<512x64xf32>,
    %eq3A = arith.constant 0 : i32
    %eq3A_16 = arith.cmpi eq, %arg0, %eq3A : i32
    %convert_element_type3A = arith.extui %eq3A_16 : i1 to i32
    %cond3A = arith.constant 0 : i32
    %cond3A_17 = arith.cmpi ne, %convert_element_type3A, %cond3A : i32
    scf.if %cond3A_17 {
      %broadcast_in_dim3A_37 = arith.constant 0.000000e+00 : f32
      %broadcast_in_dim3A_38 = vector.broadcast %broadcast_in_dim3A_37 : f32 to vector<1x64xf32>
      %swap3A_39 = arith.constant 0 : index
      %swap3A_40 = arith.constant 0 : index
      %swap3A_41 = vector.load %arg5[%swap3A_39, %swap3A_40] : memref<1x64xf32, #tpu.memory_space<vmem>>, vector<1x64xf32>
      tpu.vector_store %arg5[%swap3A_39, %swap3A_40], %broadcast_in_dim3A_38 {strides = array<i32>} : memref<1x64xf32, #tpu.memory_space<vmem>>, vector<1x64xf32>,
      %broadcast_in_dim3A_42 = arith.constant 0.000000e+00 : f32
      %broadcast_in_dim3A_43 = vector.broadcast %broadcast_in_dim3A_42 : f32 to vector<1x64xf32>
      %swap3A_44 = arith.constant 0 : index
      %swap3A_45 = arith.constant 0 : index
      %swap3A_46 = vector.load %arg6[%swap3A_44, %swap3A_45] : memref<1x64xf32, #tpu.memory_space<vmem>>, vector<1x64xf32>
      tpu.vector_store %arg6[%swap3A_44, %swap3A_45], %broadcast_in_dim3A_43 {strides = array<i32>} : memref<1x64xf32, #tpu.memory_space<vmem>>, vector<1x64xf32>,
    } else {
    }
    %get3A_18 = arith.constant 0 : index
    %get3A_19 = arith.constant 0 : index
    %get3A_20 = vector.load %arg5[%get3A_18, %get3A_19] : memref<1x64xf32, #tpu.memory_space<vmem>>, vector<1x64xf32>
    %reduce_sum3A = arith.constant dense<0.000000e+00> : vector<64xf32>
    %reduce_sum3A_21 = vector.multi_reduction <add>, %dot_general3A_13, %reduce_sum3A [0] : vector<512x64xf32> to vector<64xf32>
    %broadcast_in_dim3A = vector.shape_cast %reduce_sum3A_21 : vector<64xf32> to vector<1x64xf32>
    %add3A_22 = arith.addf %get3A_20, %broadcast_in_dim3A : vector<1x64xf32>
    %swap3A_23 = arith.constant 0 : index
    %swap3A_24 = arith.constant 0 : index
    %swap3A_25 = vector.load %arg5[%swap3A_23, %swap3A_24] : memref<1x64xf32, #tpu.memory_space<vmem>>, vector<1x64xf32>
    tpu.vector_store %arg5[%swap3A_23, %swap3A_24], %add3A_22 {strides = array<i32>} : memref<1x64xf32, #tpu.memory_space<vmem>>, vector<1x64xf32>,
    %get3A_26 = arith.constant 0 : index
    %get3A_27 = arith.constant 0 : index
    %get3A_28 = vector.load %arg6[%get3A_26, %get3A_27] : memref<1x64xf32, #tpu.memory_space<vmem>>, vector<1x64xf32>
    %mul3A_29 = arith.mulf %dot_general3A_13, %dot_general3A_13 : vector<512x64xf32>
    %reduce_sum3A_30 = arith.constant dense<0.000000e+00> : vector<64xf32>
    %reduce_sum3A_31 = vector.multi_reduction <add>, %mul3A_29, %reduce_sum3A_30 [0] : vector<512x64xf32> to vector<64xf32>
    %broadcast_in_dim3A_32 = vector.shape_cast %reduce_sum3A_31 : vector<64xf32> to vector<1x64xf32>
    %add3A_33 = arith.addf %get3A_28, %broadcast_in_dim3A_32 : vector<1x64xf32>
    %swap3A_34 = arith.constant 0 : index
    %swap3A_35 = arith.constant 0 : index
    %swap3A_36 = vector.load %arg6[%swap3A_34, %swap3A_35] : memref<1x64xf32, #tpu.memory_space<vmem>>, vector<1x64xf32>
    tpu.vector_store %arg6[%swap3A_34, %swap3A_35], %add3A_33 {strides = array<i32>} : memref<1x64xf32, #tpu.memory_space<vmem>>, vector<1x64xf32>,
    return
  }
  func.func @transform_0(%arg0: i32) -> (i32, i32) {
    %c0_i32 = arith.constant 0 : i32
    %c0_i32_0 = arith.constant 0 : i32
    return %arg0, %c0_i32 : i32, i32
  }
  func.func @transform_1(%arg0: i32) -> (i32, i32) {
    %c0_i32 = arith.constant 0 : i32
    %c0_i32_0 = arith.constant 0 : i32
    %c0_i32_1 = arith.constant 0 : i32
    return %c0_i32, %c0_i32_0 : i32, i32
  }
  func.func @transform_2(%arg0: i32) -> (i32, i32) {
    %c0_i32 = arith.constant 0 : i32
    %c0_i32_0 = arith.constant 0 : i32
    %c0_i32_1 = arith.constant 0 : i32
    return %c0_i32, %c0_i32_0 : i32, i32
  }
  func.func @transform_3(%arg0: i32) -> (i32, i32) {
    %c0_i32 = arith.constant 0 : i32
    %c0_i32_0 = arith.constant 0 : i32
    return %arg0, %c0_i32 : i32, i32
  }
  func.func @transform_4(%arg0: i32) -> (i32, i32) {
    %c0_i32 = arith.constant 0 : i32
    %c0_i32_0 = arith.constant 0 : i32
    %c0_i32_1 = arith.constant 0 : i32
    return %c0_i32, %c0_i32_0 : i32, i32
  }
  func.func @transform_5(%arg0: i32) -> (i32, i32) {
    %c0_i32 = arith.constant 0 : i32
    %c0_i32_0 = arith.constant 0 : i32
    %c0_i32_1 = arith.constant 0 : i32
    return %c0_i32, %c0_i32_0 : i32, i32
  }
}

module attributes {stable_mosaic.version = 14 : i64} {
  func.func @_pool_body(%arg0: i32, %arg1: memref<64x16x64xf32, #tpu.memory_space<vmem>>, %arg2: memref<2x64xf32, #tpu.memory_space<vmem>>, %arg3: memref<64x64xf32, #tpu.memory_space<vmem>>) attributes {dimension_semantics = [#tpu.dimension_semantics<arbitrary>], iteration_bounds = array<i64: 64>, scalar_prefetch = 0 : i64, scratch_operands = 0 : i64, tpu.core_type = #tpu.core_type<tc>, window_params = [{transform_indices = @transform_0, window_bounds = array<i64: 64, 16, 64>}, {pipeline_mode = #tpu.pipeline_mode<synchronous>, transform_indices = @transform_1, window_bounds = array<i64: 2, 64>}, {transform_indices = @transform_2, window_bounds = array<i64: 64, 64>}]} {
    %get3A = arith.constant 0 : index
    %get3A_0 = arith.constant 0 : index
    %get3A_1 = arith.constant 0 : index
    %get3A_2 = vector.load %arg1[%get3A, %get3A_0, %get3A_1] : memref<64x16x64xf32, #tpu.memory_space<vmem>>, vector<64x16x64xf32>
    %get3A_3 = arith.constant 0 : index
    %get3A_4 = arith.constant 0 : index
    %get3A_5 = vector.load %arg2[%get3A_3, %get3A_4] : memref<2x64xf32, #tpu.memory_space<vmem>>, vector<2x64xf32>
    %slice3A = vector.extract_strided_slice %get3A_5 {offsets = [0, 0], sizes = [1, 64], strides = [1, 1]} : vector<2x64xf32> to vector<1x64xf32>
    %broadcast_in_dim3A = vector.shape_cast %slice3A : vector<1x64xf32> to vector<1x1x64xf32>
    %mul3A = vector.broadcast %broadcast_in_dim3A : vector<1x1x64xf32> to vector<64x16x64xf32>
    %mul3A_6 = arith.mulf %get3A_2, %mul3A : vector<64x16x64xf32>
    %slice3A_7 = vector.extract_strided_slice %get3A_5 {offsets = [1, 0], sizes = [1, 64], strides = [1, 1]} : vector<2x64xf32> to vector<1x64xf32>
    %broadcast_in_dim3A_8 = vector.shape_cast %slice3A_7 : vector<1x64xf32> to vector<1x1x64xf32>
    %add3A = vector.broadcast %broadcast_in_dim3A_8 : vector<1x1x64xf32> to vector<64x16x64xf32>
    %add3A_9 = arith.addf %mul3A_6, %add3A : vector<64x16x64xf32>
    %max3A = arith.constant 0.000000e+00 : f32
    %max3A_10 = vector.broadcast %max3A : f32 to vector<64x16x64xf32>
    %max3A_11 = arith.maximumf %add3A_9, %max3A_10 : vector<64x16x64xf32>
    %reduce_max3A = arith.constant dense<0xFF800000> : vector<64x64xf32>
    %reduce_max3A_12 = vector.multi_reduction <maximumf>, %max3A_11, %reduce_max3A [1] : vector<64x16x64xf32> to vector<64x64xf32>
    %swap3A = arith.constant 0 : index
    %swap3A_13 = arith.constant 0 : index
    %swap3A_14 = vector.load %arg3[%swap3A, %swap3A_13] : memref<64x64xf32, #tpu.memory_space<vmem>>, vector<64x64xf32>
    tpu.vector_store %arg3[%swap3A, %swap3A_13], %reduce_max3A_12 {strides = array<i32>} : memref<64x64xf32, #tpu.memory_space<vmem>>, vector<64x64xf32>,
    return
  }
  func.func @transform_0(%arg0: i32) -> (i32, i32, i32) {
    %c0_i32 = arith.constant 0 : i32
    %c0_i32_0 = arith.constant 0 : i32
    %c0_i32_1 = arith.constant 0 : i32
    return %arg0, %c0_i32, %c0_i32_0 : i32, i32, i32
  }
  func.func @transform_1(%arg0: i32) -> (i32, i32) {
    %c0_i32 = arith.constant 0 : i32
    %c0_i32_0 = arith.constant 0 : i32
    %c0_i32_1 = arith.constant 0 : i32
    return %c0_i32, %c0_i32_0 : i32, i32
  }
  func.func @transform_2(%arg0: i32) -> (i32, i32) {
    %c0_i32 = arith.constant 0 : i32
    %c0_i32_0 = arith.constant 0 : i32
    return %arg0, %c0_i32 : i32, i32
  }
}

module attributes {stable_mosaic.version = 14 : i64} {
  func.func @_layer1_body(%arg0: i32, %arg1: memref<16x32x16xf32, #tpu.memory_space<vmem>>, %arg2: memref<16x16xf32, #tpu.memory_space<vmem>>, %arg3: memref<16x64xf32, #tpu.memory_space<vmem>>, %arg4: memref<512x64xf32, #tpu.memory_space<vmem>>, %arg5: memref<1x64xf32, #tpu.memory_space<vmem>>, %arg6: memref<1x64xf32, #tpu.memory_space<vmem>>) attributes {dimension_semantics = [#tpu.dimension_semantics<arbitrary>], iteration_bounds = array<i64: 256>, scalar_prefetch = 0 : i64, scratch_operands = 0 : i64, tpu.core_type = #tpu.core_type<tc>, window_params = [{transform_indices = @transform_0, window_bounds = array<i64: 16, 32, 16>}, {transform_indices = @transform_1, window_bounds = array<i64: 16, 16>}, {pipeline_mode = #tpu.pipeline_mode<synchronous>, transform_indices = @transform_2, window_bounds = array<i64: 16, 64>}, {transform_indices = @transform_3, window_bounds = array<i64: 512, 64>}, {pipeline_mode = #tpu.pipeline_mode<synchronous>, transform_indices = @transform_4, window_bounds = array<i64: 1, 64>}, {pipeline_mode = #tpu.pipeline_mode<synchronous>, transform_indices = @transform_5, window_bounds = array<i64: 1, 64>}]} {
    %get3A = arith.constant 0 : index
    %get3A_0 = arith.constant 0 : index
    %get3A_1 = arith.constant 0 : index
    %get3A_2 = vector.load %arg1[%get3A, %get3A_0, %get3A_1] : memref<16x32x16xf32, #tpu.memory_space<vmem>>, vector<16x32x16xf32>
    %get3A_3 = arith.constant 0 : index
    %get3A_4 = arith.constant 0 : index
    %get3A_5 = vector.load %arg2[%get3A_3, %get3A_4] : memref<16x16xf32, #tpu.memory_space<vmem>>, vector<16x16xf32>
    %broadcast_in_dim3A = vector.shape_cast %get3A_5 : vector<16x16xf32> to vector<16x1x16xf32>
    %sub3A = vector.broadcast %broadcast_in_dim3A : vector<16x1x16xf32> to vector<16x32x16xf32>
    %sub3A_6 = arith.subf %get3A_2, %sub3A : vector<16x32x16xf32>
    %reshape3A = vector.shape_cast %sub3A_6 : vector<16x32x16xf32> to vector<512x16xf32>
    %get3A_7 = arith.constant 0 : index
    %get3A_8 = arith.constant 0 : index
    %get3A_9 = vector.load %arg3[%get3A_7, %get3A_8] : memref<16x64xf32, #tpu.memory_space<vmem>>, vector<16x64xf32>
    %dot_general3A = arith.constant dense<0.000000e+00> : vector<512x64xf32>
    %dot_general3A_10 = tpu.matmul %reshape3A, %get3A_9, %dot_general3A {dimension_numbers = #tpu.dot_dimension_numbers<[1], [0], [0], [1], [0, 0, 1, 1], [], []>, transpose_lhs_hint = false} : vector<512x16xf32>, vector<16x64xf32>, vector<512x64xf32> -> vector<512x64xf32>
    %swap3A = arith.constant 0 : index
    %swap3A_11 = arith.constant 0 : index
    %swap3A_12 = vector.load %arg4[%swap3A, %swap3A_11] : memref<512x64xf32, #tpu.memory_space<vmem>>, vector<512x64xf32>
    tpu.vector_store %arg4[%swap3A, %swap3A_11], %dot_general3A_10 {strides = array<i32>} : memref<512x64xf32, #tpu.memory_space<vmem>>, vector<512x64xf32>,
    %eq3A = arith.constant 0 : i32
    %eq3A_13 = arith.cmpi eq, %arg0, %eq3A : i32
    %convert_element_type3A = arith.extui %eq3A_13 : i1 to i32
    %cond3A = arith.constant 0 : i32
    %cond3A_14 = arith.cmpi ne, %convert_element_type3A, %cond3A : i32
    scf.if %cond3A_14 {
      %broadcast_in_dim3A_33 = arith.constant 0.000000e+00 : f32
      %broadcast_in_dim3A_34 = vector.broadcast %broadcast_in_dim3A_33 : f32 to vector<1x64xf32>
      %swap3A_35 = arith.constant 0 : index
      %swap3A_36 = arith.constant 0 : index
      %swap3A_37 = vector.load %arg5[%swap3A_35, %swap3A_36] : memref<1x64xf32, #tpu.memory_space<vmem>>, vector<1x64xf32>
      tpu.vector_store %arg5[%swap3A_35, %swap3A_36], %broadcast_in_dim3A_34 {strides = array<i32>} : memref<1x64xf32, #tpu.memory_space<vmem>>, vector<1x64xf32>,
      %broadcast_in_dim3A_38 = arith.constant 0.000000e+00 : f32
      %broadcast_in_dim3A_39 = vector.broadcast %broadcast_in_dim3A_38 : f32 to vector<1x64xf32>
      %swap3A_40 = arith.constant 0 : index
      %swap3A_41 = arith.constant 0 : index
      %swap3A_42 = vector.load %arg6[%swap3A_40, %swap3A_41] : memref<1x64xf32, #tpu.memory_space<vmem>>, vector<1x64xf32>
      tpu.vector_store %arg6[%swap3A_40, %swap3A_41], %broadcast_in_dim3A_39 {strides = array<i32>} : memref<1x64xf32, #tpu.memory_space<vmem>>, vector<1x64xf32>,
    } else {
    }
    %get3A_15 = arith.constant 0 : index
    %get3A_16 = arith.constant 0 : index
    %get3A_17 = vector.load %arg5[%get3A_15, %get3A_16] : memref<1x64xf32, #tpu.memory_space<vmem>>, vector<1x64xf32>
    %reduce_sum3A = arith.constant dense<0.000000e+00> : vector<64xf32>
    %reduce_sum3A_18 = vector.multi_reduction <add>, %dot_general3A_10, %reduce_sum3A [0] : vector<512x64xf32> to vector<64xf32>
    %broadcast_in_dim3A_19 = vector.shape_cast %reduce_sum3A_18 : vector<64xf32> to vector<1x64xf32>
    %add3A = arith.addf %get3A_17, %broadcast_in_dim3A_19 : vector<1x64xf32>
    %swap3A_20 = arith.constant 0 : index
    %swap3A_21 = arith.constant 0 : index
    %swap3A_22 = vector.load %arg5[%swap3A_20, %swap3A_21] : memref<1x64xf32, #tpu.memory_space<vmem>>, vector<1x64xf32>
    tpu.vector_store %arg5[%swap3A_20, %swap3A_21], %add3A {strides = array<i32>} : memref<1x64xf32, #tpu.memory_space<vmem>>, vector<1x64xf32>,
    %get3A_23 = arith.constant 0 : index
    %get3A_24 = arith.constant 0 : index
    %get3A_25 = vector.load %arg6[%get3A_23, %get3A_24] : memref<1x64xf32, #tpu.memory_space<vmem>>, vector<1x64xf32>
    %mul3A = arith.mulf %dot_general3A_10, %dot_general3A_10 : vector<512x64xf32>
    %reduce_sum3A_26 = arith.constant dense<0.000000e+00> : vector<64xf32>
    %reduce_sum3A_27 = vector.multi_reduction <add>, %mul3A, %reduce_sum3A_26 [0] : vector<512x64xf32> to vector<64xf32>
    %broadcast_in_dim3A_28 = vector.shape_cast %reduce_sum3A_27 : vector<64xf32> to vector<1x64xf32>
    %add3A_29 = arith.addf %get3A_25, %broadcast_in_dim3A_28 : vector<1x64xf32>
    %swap3A_30 = arith.constant 0 : index
    %swap3A_31 = arith.constant 0 : index
    %swap3A_32 = vector.load %arg6[%swap3A_30, %swap3A_31] : memref<1x64xf32, #tpu.memory_space<vmem>>, vector<1x64xf32>
    tpu.vector_store %arg6[%swap3A_30, %swap3A_31], %add3A_29 {strides = array<i32>} : memref<1x64xf32, #tpu.memory_space<vmem>>, vector<1x64xf32>,
    return
  }
  func.func @transform_0(%arg0: i32) -> (i32, i32, i32) {
    %c0_i32 = arith.constant 0 : i32
    %c0_i32_0 = arith.constant 0 : i32
    %c0_i32_1 = arith.constant 0 : i32
    return %arg0, %c0_i32, %c0_i32_0 : i32, i32, i32
  }
  func.func @transform_1(%arg0: i32) -> (i32, i32) {
    %c0_i32 = arith.constant 0 : i32
    %c0_i32_0 = arith.constant 0 : i32
    return %arg0, %c0_i32 : i32, i32
  }
  func.func @transform_2(%arg0: i32) -> (i32, i32) {
    %c0_i32 = arith.constant 0 : i32
    %c0_i32_0 = arith.constant 0 : i32
    %c0_i32_1 = arith.constant 0 : i32
    return %c0_i32, %c0_i32_0 : i32, i32
  }
  func.func @transform_3(%arg0: i32) -> (i32, i32) {
    %c0_i32 = arith.constant 0 : i32
    %c0_i32_0 = arith.constant 0 : i32
    return %arg0, %c0_i32 : i32, i32
  }
  func.func @transform_4(%arg0: i32) -> (i32, i32) {
    %c0_i32 = arith.constant 0 : i32
    %c0_i32_0 = arith.constant 0 : i32
    %c0_i32_1 = arith.constant 0 : i32
    return %c0_i32, %c0_i32_0 : i32, i32
  }
  func.func @transform_5(%arg0: i32) -> (i32, i32) {
    %c0_i32 = arith.constant 0 : i32
    %c0_i32_0 = arith.constant 0 : i32
    %c0_i32_1 = arith.constant 0 : i32
    return %c0_i32, %c0_i32_0 : i32, i32
  }
}

module attributes {stable_mosaic.version = 14 : i64} {
  func.func @_layer_body(%arg0: i32, %arg1: memref<512x64xf32, #tpu.memory_space<vmem>>, %arg2: memref<64x64xf32, #tpu.memory_space<vmem>>, %arg3: memref<2x64xf32, #tpu.memory_space<vmem>>, %arg4: memref<512x64xf32, #tpu.memory_space<vmem>>, %arg5: memref<1x64xf32, #tpu.memory_space<vmem>>, %arg6: memref<1x64xf32, #tpu.memory_space<vmem>>) attributes {dimension_semantics = [#tpu.dimension_semantics<arbitrary>], iteration_bounds = array<i64: 256>, scalar_prefetch = 0 : i64, scratch_operands = 0 : i64, tpu.core_type = #tpu.core_type<tc>, window_params = [{transform_indices = @transform_0, window_bounds = array<i64: 512, 64>}, {pipeline_mode = #tpu.pipeline_mode<synchronous>, transform_indices = @transform_1, window_bounds = array<i64: 64, 64>}, {pipeline_mode = #tpu.pipeline_mode<synchronous>, transform_indices = @transform_2, window_bounds = array<i64: 2, 64>}, {transform_indices = @transform_3, window_bounds = array<i64: 512, 64>}, {pipeline_mode = #tpu.pipeline_mode<synchronous>, transform_indices = @transform_4, window_bounds = array<i64: 1, 64>}, {pipeline_mode = #tpu.pipeline_mode<synchronous>, transform_indices = @transform_5, window_bounds = array<i64: 1, 64>}]} {
    %get3A = arith.constant 0 : index
    %get3A_0 = arith.constant 0 : index
    %get3A_1 = vector.load %arg1[%get3A, %get3A_0] : memref<512x64xf32, #tpu.memory_space<vmem>>, vector<512x64xf32>
    %get3A_2 = arith.constant 0 : index
    %get3A_3 = arith.constant 0 : index
    %get3A_4 = vector.load %arg3[%get3A_2, %get3A_3] : memref<2x64xf32, #tpu.memory_space<vmem>>, vector<2x64xf32>
    %slice3A = vector.extract_strided_slice %get3A_4 {offsets = [0, 0], sizes = [1, 64], strides = [1, 1]} : vector<2x64xf32> to vector<1x64xf32>
    %mul3A = vector.broadcast %slice3A : vector<1x64xf32> to vector<512x64xf32>
    %mul3A_5 = arith.mulf %get3A_1, %mul3A : vector<512x64xf32>
    %slice3A_6 = vector.extract_strided_slice %get3A_4 {offsets = [1, 0], sizes = [1, 64], strides = [1, 1]} : vector<2x64xf32> to vector<1x64xf32>
    %add3A = vector.broadcast %slice3A_6 : vector<1x64xf32> to vector<512x64xf32>
    %add3A_7 = arith.addf %mul3A_5, %add3A : vector<512x64xf32>
    %max3A = arith.constant 0.000000e+00 : f32
    %max3A_8 = vector.broadcast %max3A : f32 to vector<512x64xf32>
    %max3A_9 = arith.maximumf %add3A_7, %max3A_8 : vector<512x64xf32>
    %get3A_10 = arith.constant 0 : index
    %get3A_11 = arith.constant 0 : index
    %get3A_12 = vector.load %arg2[%get3A_10, %get3A_11] : memref<64x64xf32, #tpu.memory_space<vmem>>, vector<64x64xf32>
    %dot_general3A = arith.constant dense<0.000000e+00> : vector<512x64xf32>
    %dot_general3A_13 = tpu.matmul %max3A_9, %get3A_12, %dot_general3A {dimension_numbers = #tpu.dot_dimension_numbers<[1], [0], [0], [1], [0, 0, 1, 1], [], []>, transpose_lhs_hint = false} : vector<512x64xf32>, vector<64x64xf32>, vector<512x64xf32> -> vector<512x64xf32>
    %swap3A = arith.constant 0 : index
    %swap3A_14 = arith.constant 0 : index
    %swap3A_15 = vector.load %arg4[%swap3A, %swap3A_14] : memref<512x64xf32, #tpu.memory_space<vmem>>, vector<512x64xf32>
    tpu.vector_store %arg4[%swap3A, %swap3A_14], %dot_general3A_13 {strides = array<i32>} : memref<512x64xf32, #tpu.memory_space<vmem>>, vector<512x64xf32>,
    %eq3A = arith.constant 0 : i32
    %eq3A_16 = arith.cmpi eq, %arg0, %eq3A : i32
    %convert_element_type3A = arith.extui %eq3A_16 : i1 to i32
    %cond3A = arith.constant 0 : i32
    %cond3A_17 = arith.cmpi ne, %convert_element_type3A, %cond3A : i32
    scf.if %cond3A_17 {
      %broadcast_in_dim3A_37 = arith.constant 0.000000e+00 : f32
      %broadcast_in_dim3A_38 = vector.broadcast %broadcast_in_dim3A_37 : f32 to vector<1x64xf32>
      %swap3A_39 = arith.constant 0 : index
      %swap3A_40 = arith.constant 0 : index
      %swap3A_41 = vector.load %arg5[%swap3A_39, %swap3A_40] : memref<1x64xf32, #tpu.memory_space<vmem>>, vector<1x64xf32>
      tpu.vector_store %arg5[%swap3A_39, %swap3A_40], %broadcast_in_dim3A_38 {strides = array<i32>} : memref<1x64xf32, #tpu.memory_space<vmem>>, vector<1x64xf32>,
      %broadcast_in_dim3A_42 = arith.constant 0.000000e+00 : f32
      %broadcast_in_dim3A_43 = vector.broadcast %broadcast_in_dim3A_42 : f32 to vector<1x64xf32>
      %swap3A_44 = arith.constant 0 : index
      %swap3A_45 = arith.constant 0 : index
      %swap3A_46 = vector.load %arg6[%swap3A_44, %swap3A_45] : memref<1x64xf32, #tpu.memory_space<vmem>>, vector<1x64xf32>
      tpu.vector_store %arg6[%swap3A_44, %swap3A_45], %broadcast_in_dim3A_43 {strides = array<i32>} : memref<1x64xf32, #tpu.memory_space<vmem>>, vector<1x64xf32>,
    } else {
    }
    %get3A_18 = arith.constant 0 : index
    %get3A_19 = arith.constant 0 : index
    %get3A_20 = vector.load %arg5[%get3A_18, %get3A_19] : memref<1x64xf32, #tpu.memory_space<vmem>>, vector<1x64xf32>
    %reduce_sum3A = arith.constant dense<0.000000e+00> : vector<64xf32>
    %reduce_sum3A_21 = vector.multi_reduction <add>, %dot_general3A_13, %reduce_sum3A [0] : vector<512x64xf32> to vector<64xf32>
    %broadcast_in_dim3A = vector.shape_cast %reduce_sum3A_21 : vector<64xf32> to vector<1x64xf32>
    %add3A_22 = arith.addf %get3A_20, %broadcast_in_dim3A : vector<1x64xf32>
    %swap3A_23 = arith.constant 0 : index
    %swap3A_24 = arith.constant 0 : index
    %swap3A_25 = vector.load %arg5[%swap3A_23, %swap3A_24] : memref<1x64xf32, #tpu.memory_space<vmem>>, vector<1x64xf32>
    tpu.vector_store %arg5[%swap3A_23, %swap3A_24], %add3A_22 {strides = array<i32>} : memref<1x64xf32, #tpu.memory_space<vmem>>, vector<1x64xf32>,
    %get3A_26 = arith.constant 0 : index
    %get3A_27 = arith.constant 0 : index
    %get3A_28 = vector.load %arg6[%get3A_26, %get3A_27] : memref<1x64xf32, #tpu.memory_space<vmem>>, vector<1x64xf32>
    %mul3A_29 = arith.mulf %dot_general3A_13, %dot_general3A_13 : vector<512x64xf32>
    %reduce_sum3A_30 = arith.constant dense<0.000000e+00> : vector<64xf32>
    %reduce_sum3A_31 = vector.multi_reduction <add>, %mul3A_29, %reduce_sum3A_30 [0] : vector<512x64xf32> to vector<64xf32>
    %broadcast_in_dim3A_32 = vector.shape_cast %reduce_sum3A_31 : vector<64xf32> to vector<1x64xf32>
    %add3A_33 = arith.addf %get3A_28, %broadcast_in_dim3A_32 : vector<1x64xf32>
    %swap3A_34 = arith.constant 0 : index
    %swap3A_35 = arith.constant 0 : index
    %swap3A_36 = vector.load %arg6[%swap3A_34, %swap3A_35] : memref<1x64xf32, #tpu.memory_space<vmem>>, vector<1x64xf32>
    tpu.vector_store %arg6[%swap3A_34, %swap3A_35], %add3A_33 {strides = array<i32>} : memref<1x64xf32, #tpu.memory_space<vmem>>, vector<1x64xf32>,
    return
  }
  func.func @transform_0(%arg0: i32) -> (i32, i32) {
    %c0_i32 = arith.constant 0 : i32
    %c0_i32_0 = arith.constant 0 : i32
    return %arg0, %c0_i32 : i32, i32
  }
  func.func @transform_1(%arg0: i32) -> (i32, i32) {
    %c0_i32 = arith.constant 0 : i32
    %c0_i32_0 = arith.constant 0 : i32
    %c0_i32_1 = arith.constant 0 : i32
    return %c0_i32, %c0_i32_0 : i32, i32
  }
  func.func @transform_2(%arg0: i32) -> (i32, i32) {
    %c0_i32 = arith.constant 0 : i32
    %c0_i32_0 = arith.constant 0 : i32
    %c0_i32_1 = arith.constant 0 : i32
    return %c0_i32, %c0_i32_0 : i32, i32
  }
  func.func @transform_3(%arg0: i32) -> (i32, i32) {
    %c0_i32 = arith.constant 0 : i32
    %c0_i32_0 = arith.constant 0 : i32
    return %arg0, %c0_i32 : i32, i32
  }
  func.func @transform_4(%arg0: i32) -> (i32, i32) {
    %c0_i32 = arith.constant 0 : i32
    %c0_i32_0 = arith.constant 0 : i32
    %c0_i32_1 = arith.constant 0 : i32
    return %c0_i32, %c0_i32_0 : i32, i32
  }
  func.func @transform_5(%arg0: i32) -> (i32, i32) {
    %c0_i32 = arith.constant 0 : i32
    %c0_i32_0 = arith.constant 0 : i32
    %c0_i32_1 = arith.constant 0 : i32
    return %c0_i32, %c0_i32_0 : i32, i32
  }
}

module attributes {stable_mosaic.version = 14 : i64} {
  func.func @_layer_body(%arg0: i32, %arg1: memref<512x64xf32, #tpu.memory_space<vmem>>, %arg2: memref<64x128xf32, #tpu.memory_space<vmem>>, %arg3: memref<2x64xf32, #tpu.memory_space<vmem>>, %arg4: memref<512x128xf32, #tpu.memory_space<vmem>>, %arg5: memref<1x128xf32, #tpu.memory_space<vmem>>, %arg6: memref<1x128xf32, #tpu.memory_space<vmem>>) attributes {dimension_semantics = [#tpu.dimension_semantics<arbitrary>], iteration_bounds = array<i64: 256>, scalar_prefetch = 0 : i64, scratch_operands = 0 : i64, tpu.core_type = #tpu.core_type<tc>, window_params = [{transform_indices = @transform_0, window_bounds = array<i64: 512, 64>}, {pipeline_mode = #tpu.pipeline_mode<synchronous>, transform_indices = @transform_1, window_bounds = array<i64: 64, 128>}, {pipeline_mode = #tpu.pipeline_mode<synchronous>, transform_indices = @transform_2, window_bounds = array<i64: 2, 64>}, {transform_indices = @transform_3, window_bounds = array<i64: 512, 128>}, {pipeline_mode = #tpu.pipeline_mode<synchronous>, transform_indices = @transform_4, window_bounds = array<i64: 1, 128>}, {pipeline_mode = #tpu.pipeline_mode<synchronous>, transform_indices = @transform_5, window_bounds = array<i64: 1, 128>}]} {
    %get3A = arith.constant 0 : index
    %get3A_0 = arith.constant 0 : index
    %get3A_1 = vector.load %arg1[%get3A, %get3A_0] : memref<512x64xf32, #tpu.memory_space<vmem>>, vector<512x64xf32>
    %get3A_2 = arith.constant 0 : index
    %get3A_3 = arith.constant 0 : index
    %get3A_4 = vector.load %arg3[%get3A_2, %get3A_3] : memref<2x64xf32, #tpu.memory_space<vmem>>, vector<2x64xf32>
    %slice3A = vector.extract_strided_slice %get3A_4 {offsets = [0, 0], sizes = [1, 64], strides = [1, 1]} : vector<2x64xf32> to vector<1x64xf32>
    %mul3A = vector.broadcast %slice3A : vector<1x64xf32> to vector<512x64xf32>
    %mul3A_5 = arith.mulf %get3A_1, %mul3A : vector<512x64xf32>
    %slice3A_6 = vector.extract_strided_slice %get3A_4 {offsets = [1, 0], sizes = [1, 64], strides = [1, 1]} : vector<2x64xf32> to vector<1x64xf32>
    %add3A = vector.broadcast %slice3A_6 : vector<1x64xf32> to vector<512x64xf32>
    %add3A_7 = arith.addf %mul3A_5, %add3A : vector<512x64xf32>
    %max3A = arith.constant 0.000000e+00 : f32
    %max3A_8 = vector.broadcast %max3A : f32 to vector<512x64xf32>
    %max3A_9 = arith.maximumf %add3A_7, %max3A_8 : vector<512x64xf32>
    %get3A_10 = arith.constant 0 : index
    %get3A_11 = arith.constant 0 : index
    %get3A_12 = vector.load %arg2[%get3A_10, %get3A_11] : memref<64x128xf32, #tpu.memory_space<vmem>>, vector<64x128xf32>
    %dot_general3A = arith.constant dense<0.000000e+00> : vector<512x128xf32>
    %dot_general3A_13 = tpu.matmul %max3A_9, %get3A_12, %dot_general3A {dimension_numbers = #tpu.dot_dimension_numbers<[1], [0], [0], [1], [0, 0, 1, 1], [], []>, transpose_lhs_hint = false} : vector<512x64xf32>, vector<64x128xf32>, vector<512x128xf32> -> vector<512x128xf32>
    %swap3A = arith.constant 0 : index
    %swap3A_14 = arith.constant 0 : index
    %swap3A_15 = vector.load %arg4[%swap3A, %swap3A_14] : memref<512x128xf32, #tpu.memory_space<vmem>>, vector<512x128xf32>
    tpu.vector_store %arg4[%swap3A, %swap3A_14], %dot_general3A_13 {strides = array<i32>} : memref<512x128xf32, #tpu.memory_space<vmem>>, vector<512x128xf32>,
    %eq3A = arith.constant 0 : i32
    %eq3A_16 = arith.cmpi eq, %arg0, %eq3A : i32
    %convert_element_type3A = arith.extui %eq3A_16 : i1 to i32
    %cond3A = arith.constant 0 : i32
    %cond3A_17 = arith.cmpi ne, %convert_element_type3A, %cond3A : i32
    scf.if %cond3A_17 {
      %broadcast_in_dim3A_37 = arith.constant 0.000000e+00 : f32
      %broadcast_in_dim3A_38 = vector.broadcast %broadcast_in_dim3A_37 : f32 to vector<1x128xf32>
      %swap3A_39 = arith.constant 0 : index
      %swap3A_40 = arith.constant 0 : index
      %swap3A_41 = vector.load %arg5[%swap3A_39, %swap3A_40] : memref<1x128xf32, #tpu.memory_space<vmem>>, vector<1x128xf32>
      tpu.vector_store %arg5[%swap3A_39, %swap3A_40], %broadcast_in_dim3A_38 {strides = array<i32>} : memref<1x128xf32, #tpu.memory_space<vmem>>, vector<1x128xf32>,
      %broadcast_in_dim3A_42 = arith.constant 0.000000e+00 : f32
      %broadcast_in_dim3A_43 = vector.broadcast %broadcast_in_dim3A_42 : f32 to vector<1x128xf32>
      %swap3A_44 = arith.constant 0 : index
      %swap3A_45 = arith.constant 0 : index
      %swap3A_46 = vector.load %arg6[%swap3A_44, %swap3A_45] : memref<1x128xf32, #tpu.memory_space<vmem>>, vector<1x128xf32>
      tpu.vector_store %arg6[%swap3A_44, %swap3A_45], %broadcast_in_dim3A_43 {strides = array<i32>} : memref<1x128xf32, #tpu.memory_space<vmem>>, vector<1x128xf32>,
    } else {
    }
    %get3A_18 = arith.constant 0 : index
    %get3A_19 = arith.constant 0 : index
    %get3A_20 = vector.load %arg5[%get3A_18, %get3A_19] : memref<1x128xf32, #tpu.memory_space<vmem>>, vector<1x128xf32>
    %reduce_sum3A = arith.constant dense<0.000000e+00> : vector<128xf32>
    %reduce_sum3A_21 = vector.multi_reduction <add>, %dot_general3A_13, %reduce_sum3A [0] : vector<512x128xf32> to vector<128xf32>
    %broadcast_in_dim3A = vector.shape_cast %reduce_sum3A_21 : vector<128xf32> to vector<1x128xf32>
    %add3A_22 = arith.addf %get3A_20, %broadcast_in_dim3A : vector<1x128xf32>
    %swap3A_23 = arith.constant 0 : index
    %swap3A_24 = arith.constant 0 : index
    %swap3A_25 = vector.load %arg5[%swap3A_23, %swap3A_24] : memref<1x128xf32, #tpu.memory_space<vmem>>, vector<1x128xf32>
    tpu.vector_store %arg5[%swap3A_23, %swap3A_24], %add3A_22 {strides = array<i32>} : memref<1x128xf32, #tpu.memory_space<vmem>>, vector<1x128xf32>,
    %get3A_26 = arith.constant 0 : index
    %get3A_27 = arith.constant 0 : index
    %get3A_28 = vector.load %arg6[%get3A_26, %get3A_27] : memref<1x128xf32, #tpu.memory_space<vmem>>, vector<1x128xf32>
    %mul3A_29 = arith.mulf %dot_general3A_13, %dot_general3A_13 : vector<512x128xf32>
    %reduce_sum3A_30 = arith.constant dense<0.000000e+00> : vector<128xf32>
    %reduce_sum3A_31 = vector.multi_reduction <add>, %mul3A_29, %reduce_sum3A_30 [0] : vector<512x128xf32> to vector<128xf32>
    %broadcast_in_dim3A_32 = vector.shape_cast %reduce_sum3A_31 : vector<128xf32> to vector<1x128xf32>
    %add3A_33 = arith.addf %get3A_28, %broadcast_in_dim3A_32 : vector<1x128xf32>
    %swap3A_34 = arith.constant 0 : index
    %swap3A_35 = arith.constant 0 : index
    %swap3A_36 = vector.load %arg6[%swap3A_34, %swap3A_35] : memref<1x128xf32, #tpu.memory_space<vmem>>, vector<1x128xf32>
    tpu.vector_store %arg6[%swap3A_34, %swap3A_35], %add3A_33 {strides = array<i32>} : memref<1x128xf32, #tpu.memory_space<vmem>>, vector<1x128xf32>,
    return
  }
  func.func @transform_0(%arg0: i32) -> (i32, i32) {
    %c0_i32 = arith.constant 0 : i32
    %c0_i32_0 = arith.constant 0 : i32
    return %arg0, %c0_i32 : i32, i32
  }
  func.func @transform_1(%arg0: i32) -> (i32, i32) {
    %c0_i32 = arith.constant 0 : i32
    %c0_i32_0 = arith.constant 0 : i32
    %c0_i32_1 = arith.constant 0 : i32
    return %c0_i32, %c0_i32_0 : i32, i32
  }
  func.func @transform_2(%arg0: i32) -> (i32, i32) {
    %c0_i32 = arith.constant 0 : i32
    %c0_i32_0 = arith.constant 0 : i32
    %c0_i32_1 = arith.constant 0 : i32
    return %c0_i32, %c0_i32_0 : i32, i32
  }
  func.func @transform_3(%arg0: i32) -> (i32, i32) {
    %c0_i32 = arith.constant 0 : i32
    %c0_i32_0 = arith.constant 0 : i32
    return %arg0, %c0_i32 : i32, i32
  }
  func.func @transform_4(%arg0: i32) -> (i32, i32) {
    %c0_i32 = arith.constant 0 : i32
    %c0_i32_0 = arith.constant 0 : i32
    %c0_i32_1 = arith.constant 0 : i32
    return %c0_i32, %c0_i32_0 : i32, i32
  }
  func.func @transform_5(%arg0: i32) -> (i32, i32) {
    %c0_i32 = arith.constant 0 : i32
    %c0_i32_0 = arith.constant 0 : i32
    %c0_i32_1 = arith.constant 0 : i32
    return %c0_i32, %c0_i32_0 : i32, i32
  }
}

module attributes {stable_mosaic.version = 14 : i64} {
  func.func @_pool_body(%arg0: i32, %arg1: memref<32x32x128xf32, #tpu.memory_space<vmem>>, %arg2: memref<2x128xf32, #tpu.memory_space<vmem>>, %arg3: memref<32x128xf32, #tpu.memory_space<vmem>>) attributes {dimension_semantics = [#tpu.dimension_semantics<arbitrary>], iteration_bounds = array<i64: 128>, scalar_prefetch = 0 : i64, scratch_operands = 0 : i64, tpu.core_type = #tpu.core_type<tc>, window_params = [{transform_indices = @transform_0, window_bounds = array<i64: 32, 32, 128>}, {pipeline_mode = #tpu.pipeline_mode<synchronous>, transform_indices = @transform_1, window_bounds = array<i64: 2, 128>}, {transform_indices = @transform_2, window_bounds = array<i64: 32, 128>}]} {
    %get3A = arith.constant 0 : index
    %get3A_0 = arith.constant 0 : index
    %get3A_1 = arith.constant 0 : index
    %get3A_2 = vector.load %arg1[%get3A, %get3A_0, %get3A_1] : memref<32x32x128xf32, #tpu.memory_space<vmem>>, vector<32x32x128xf32>
    %get3A_3 = arith.constant 0 : index
    %get3A_4 = arith.constant 0 : index
    %get3A_5 = vector.load %arg2[%get3A_3, %get3A_4] : memref<2x128xf32, #tpu.memory_space<vmem>>, vector<2x128xf32>
    %slice3A = vector.extract_strided_slice %get3A_5 {offsets = [0, 0], sizes = [1, 128], strides = [1, 1]} : vector<2x128xf32> to vector<1x128xf32>
    %broadcast_in_dim3A = vector.shape_cast %slice3A : vector<1x128xf32> to vector<1x1x128xf32>
    %mul3A = vector.broadcast %broadcast_in_dim3A : vector<1x1x128xf32> to vector<32x32x128xf32>
    %mul3A_6 = arith.mulf %get3A_2, %mul3A : vector<32x32x128xf32>
    %slice3A_7 = vector.extract_strided_slice %get3A_5 {offsets = [1, 0], sizes = [1, 128], strides = [1, 1]} : vector<2x128xf32> to vector<1x128xf32>
    %broadcast_in_dim3A_8 = vector.shape_cast %slice3A_7 : vector<1x128xf32> to vector<1x1x128xf32>
    %add3A = vector.broadcast %broadcast_in_dim3A_8 : vector<1x1x128xf32> to vector<32x32x128xf32>
    %add3A_9 = arith.addf %mul3A_6, %add3A : vector<32x32x128xf32>
    %max3A = arith.constant 0.000000e+00 : f32
    %max3A_10 = vector.broadcast %max3A : f32 to vector<32x32x128xf32>
    %max3A_11 = arith.maximumf %add3A_9, %max3A_10 : vector<32x32x128xf32>
    %reduce_max3A = arith.constant dense<0xFF800000> : vector<32x128xf32>
    %reduce_max3A_12 = vector.multi_reduction <maximumf>, %max3A_11, %reduce_max3A [1] : vector<32x32x128xf32> to vector<32x128xf32>
    %swap3A = arith.constant 0 : index
    %swap3A_13 = arith.constant 0 : index
    %swap3A_14 = vector.load %arg3[%swap3A, %swap3A_13] : memref<32x128xf32, #tpu.memory_space<vmem>>, vector<32x128xf32>
    tpu.vector_store %arg3[%swap3A, %swap3A_13], %reduce_max3A_12 {strides = array<i32>} : memref<32x128xf32, #tpu.memory_space<vmem>>, vector<32x128xf32>,
    return
  }
  func.func @transform_0(%arg0: i32) -> (i32, i32, i32) {
    %c0_i32 = arith.constant 0 : i32
    %c0_i32_0 = arith.constant 0 : i32
    %c0_i32_1 = arith.constant 0 : i32
    return %arg0, %c0_i32, %c0_i32_0 : i32, i32, i32
  }
  func.func @transform_1(%arg0: i32) -> (i32, i32) {
    %c0_i32 = arith.constant 0 : i32
    %c0_i32_0 = arith.constant 0 : i32
    %c0_i32_1 = arith.constant 0 : i32
    return %c0_i32, %c0_i32_0 : i32, i32
  }
  func.func @transform_2(%arg0: i32) -> (i32, i32) {
    %c0_i32 = arith.constant 0 : i32
    %c0_i32_0 = arith.constant 0 : i32
    return %arg0, %c0_i32 : i32, i32
  }
}

module attributes {stable_mosaic.version = 14 : i64} {
  func.func @_layer1_body(%arg0: i32, %arg1: memref<8x128x16xf32, #tpu.memory_space<vmem>>, %arg2: memref<8x16xf32, #tpu.memory_space<vmem>>, %arg3: memref<16x64xf32, #tpu.memory_space<vmem>>, %arg4: memref<1024x64xf32, #tpu.memory_space<vmem>>, %arg5: memref<1x64xf32, #tpu.memory_space<vmem>>, %arg6: memref<1x64xf32, #tpu.memory_space<vmem>>) attributes {dimension_semantics = [#tpu.dimension_semantics<arbitrary>], iteration_bounds = array<i64: 512>, scalar_prefetch = 0 : i64, scratch_operands = 0 : i64, tpu.core_type = #tpu.core_type<tc>, window_params = [{transform_indices = @transform_0, window_bounds = array<i64: 8, 128, 16>}, {transform_indices = @transform_1, window_bounds = array<i64: 8, 16>}, {pipeline_mode = #tpu.pipeline_mode<synchronous>, transform_indices = @transform_2, window_bounds = array<i64: 16, 64>}, {transform_indices = @transform_3, window_bounds = array<i64: 1024, 64>}, {pipeline_mode = #tpu.pipeline_mode<synchronous>, transform_indices = @transform_4, window_bounds = array<i64: 1, 64>}, {pipeline_mode = #tpu.pipeline_mode<synchronous>, transform_indices = @transform_5, window_bounds = array<i64: 1, 64>}]} {
    %get3A = arith.constant 0 : index
    %get3A_0 = arith.constant 0 : index
    %get3A_1 = arith.constant 0 : index
    %get3A_2 = vector.load %arg1[%get3A, %get3A_0, %get3A_1] : memref<8x128x16xf32, #tpu.memory_space<vmem>>, vector<8x128x16xf32>
    %get3A_3 = arith.constant 0 : index
    %get3A_4 = arith.constant 0 : index
    %get3A_5 = vector.load %arg2[%get3A_3, %get3A_4] : memref<8x16xf32, #tpu.memory_space<vmem>>, vector<8x16xf32>
    %broadcast_in_dim3A = vector.shape_cast %get3A_5 : vector<8x16xf32> to vector<8x1x16xf32>
    %sub3A = vector.broadcast %broadcast_in_dim3A : vector<8x1x16xf32> to vector<8x128x16xf32>
    %sub3A_6 = arith.subf %get3A_2, %sub3A : vector<8x128x16xf32>
    %reshape3A = vector.shape_cast %sub3A_6 : vector<8x128x16xf32> to vector<1024x16xf32>
    %get3A_7 = arith.constant 0 : index
    %get3A_8 = arith.constant 0 : index
    %get3A_9 = vector.load %arg3[%get3A_7, %get3A_8] : memref<16x64xf32, #tpu.memory_space<vmem>>, vector<16x64xf32>
    %dot_general3A = arith.constant dense<0.000000e+00> : vector<1024x64xf32>
    %dot_general3A_10 = tpu.matmul %reshape3A, %get3A_9, %dot_general3A {dimension_numbers = #tpu.dot_dimension_numbers<[1], [0], [0], [1], [0, 0, 1, 1], [], []>, transpose_lhs_hint = false} : vector<1024x16xf32>, vector<16x64xf32>, vector<1024x64xf32> -> vector<1024x64xf32>
    %swap3A = arith.constant 0 : index
    %swap3A_11 = arith.constant 0 : index
    %swap3A_12 = vector.load %arg4[%swap3A, %swap3A_11] : memref<1024x64xf32, #tpu.memory_space<vmem>>, vector<1024x64xf32>
    tpu.vector_store %arg4[%swap3A, %swap3A_11], %dot_general3A_10 {strides = array<i32>} : memref<1024x64xf32, #tpu.memory_space<vmem>>, vector<1024x64xf32>,
    %eq3A = arith.constant 0 : i32
    %eq3A_13 = arith.cmpi eq, %arg0, %eq3A : i32
    %convert_element_type3A = arith.extui %eq3A_13 : i1 to i32
    %cond3A = arith.constant 0 : i32
    %cond3A_14 = arith.cmpi ne, %convert_element_type3A, %cond3A : i32
    scf.if %cond3A_14 {
      %broadcast_in_dim3A_33 = arith.constant 0.000000e+00 : f32
      %broadcast_in_dim3A_34 = vector.broadcast %broadcast_in_dim3A_33 : f32 to vector<1x64xf32>
      %swap3A_35 = arith.constant 0 : index
      %swap3A_36 = arith.constant 0 : index
      %swap3A_37 = vector.load %arg5[%swap3A_35, %swap3A_36] : memref<1x64xf32, #tpu.memory_space<vmem>>, vector<1x64xf32>
      tpu.vector_store %arg5[%swap3A_35, %swap3A_36], %broadcast_in_dim3A_34 {strides = array<i32>} : memref<1x64xf32, #tpu.memory_space<vmem>>, vector<1x64xf32>,
      %broadcast_in_dim3A_38 = arith.constant 0.000000e+00 : f32
      %broadcast_in_dim3A_39 = vector.broadcast %broadcast_in_dim3A_38 : f32 to vector<1x64xf32>
      %swap3A_40 = arith.constant 0 : index
      %swap3A_41 = arith.constant 0 : index
      %swap3A_42 = vector.load %arg6[%swap3A_40, %swap3A_41] : memref<1x64xf32, #tpu.memory_space<vmem>>, vector<1x64xf32>
      tpu.vector_store %arg6[%swap3A_40, %swap3A_41], %broadcast_in_dim3A_39 {strides = array<i32>} : memref<1x64xf32, #tpu.memory_space<vmem>>, vector<1x64xf32>,
    } else {
    }
    %get3A_15 = arith.constant 0 : index
    %get3A_16 = arith.constant 0 : index
    %get3A_17 = vector.load %arg5[%get3A_15, %get3A_16] : memref<1x64xf32, #tpu.memory_space<vmem>>, vector<1x64xf32>
    %reduce_sum3A = arith.constant dense<0.000000e+00> : vector<64xf32>
    %reduce_sum3A_18 = vector.multi_reduction <add>, %dot_general3A_10, %reduce_sum3A [0] : vector<1024x64xf32> to vector<64xf32>
    %broadcast_in_dim3A_19 = vector.shape_cast %reduce_sum3A_18 : vector<64xf32> to vector<1x64xf32>
    %add3A = arith.addf %get3A_17, %broadcast_in_dim3A_19 : vector<1x64xf32>
    %swap3A_20 = arith.constant 0 : index
    %swap3A_21 = arith.constant 0 : index
    %swap3A_22 = vector.load %arg5[%swap3A_20, %swap3A_21] : memref<1x64xf32, #tpu.memory_space<vmem>>, vector<1x64xf32>
    tpu.vector_store %arg5[%swap3A_20, %swap3A_21], %add3A {strides = array<i32>} : memref<1x64xf32, #tpu.memory_space<vmem>>, vector<1x64xf32>,
    %get3A_23 = arith.constant 0 : index
    %get3A_24 = arith.constant 0 : index
    %get3A_25 = vector.load %arg6[%get3A_23, %get3A_24] : memref<1x64xf32, #tpu.memory_space<vmem>>, vector<1x64xf32>
    %mul3A = arith.mulf %dot_general3A_10, %dot_general3A_10 : vector<1024x64xf32>
    %reduce_sum3A_26 = arith.constant dense<0.000000e+00> : vector<64xf32>
    %reduce_sum3A_27 = vector.multi_reduction <add>, %mul3A, %reduce_sum3A_26 [0] : vector<1024x64xf32> to vector<64xf32>
    %broadcast_in_dim3A_28 = vector.shape_cast %reduce_sum3A_27 : vector<64xf32> to vector<1x64xf32>
    %add3A_29 = arith.addf %get3A_25, %broadcast_in_dim3A_28 : vector<1x64xf32>
    %swap3A_30 = arith.constant 0 : index
    %swap3A_31 = arith.constant 0 : index
    %swap3A_32 = vector.load %arg6[%swap3A_30, %swap3A_31] : memref<1x64xf32, #tpu.memory_space<vmem>>, vector<1x64xf32>
    tpu.vector_store %arg6[%swap3A_30, %swap3A_31], %add3A_29 {strides = array<i32>} : memref<1x64xf32, #tpu.memory_space<vmem>>, vector<1x64xf32>,
    return
  }
  func.func @transform_0(%arg0: i32) -> (i32, i32, i32) {
    %c0_i32 = arith.constant 0 : i32
    %c0_i32_0 = arith.constant 0 : i32
    %c0_i32_1 = arith.constant 0 : i32
    return %arg0, %c0_i32, %c0_i32_0 : i32, i32, i32
  }
  func.func @transform_1(%arg0: i32) -> (i32, i32) {
    %c0_i32 = arith.constant 0 : i32
    %c0_i32_0 = arith.constant 0 : i32
    return %arg0, %c0_i32 : i32, i32
  }
  func.func @transform_2(%arg0: i32) -> (i32, i32) {
    %c0_i32 = arith.constant 0 : i32
    %c0_i32_0 = arith.constant 0 : i32
    %c0_i32_1 = arith.constant 0 : i32
    return %c0_i32, %c0_i32_0 : i32, i32
  }
  func.func @transform_3(%arg0: i32) -> (i32, i32) {
    %c0_i32 = arith.constant 0 : i32
    %c0_i32_0 = arith.constant 0 : i32
    return %arg0, %c0_i32 : i32, i32
  }
  func.func @transform_4(%arg0: i32) -> (i32, i32) {
    %c0_i32 = arith.constant 0 : i32
    %c0_i32_0 = arith.constant 0 : i32
    %c0_i32_1 = arith.constant 0 : i32
    return %c0_i32, %c0_i32_0 : i32, i32
  }
  func.func @transform_5(%arg0: i32) -> (i32, i32) {
    %c0_i32 = arith.constant 0 : i32
    %c0_i32_0 = arith.constant 0 : i32
    %c0_i32_1 = arith.constant 0 : i32
    return %c0_i32, %c0_i32_0 : i32, i32
  }
}

module attributes {stable_mosaic.version = 14 : i64} {
  func.func @_layer_body(%arg0: i32, %arg1: memref<1024x64xf32, #tpu.memory_space<vmem>>, %arg2: memref<64x96xf32, #tpu.memory_space<vmem>>, %arg3: memref<2x64xf32, #tpu.memory_space<vmem>>, %arg4: memref<1024x96xf32, #tpu.memory_space<vmem>>, %arg5: memref<1x96xf32, #tpu.memory_space<vmem>>, %arg6: memref<1x96xf32, #tpu.memory_space<vmem>>) attributes {dimension_semantics = [#tpu.dimension_semantics<arbitrary>], iteration_bounds = array<i64: 512>, scalar_prefetch = 0 : i64, scratch_operands = 0 : i64, tpu.core_type = #tpu.core_type<tc>, window_params = [{transform_indices = @transform_0, window_bounds = array<i64: 1024, 64>}, {pipeline_mode = #tpu.pipeline_mode<synchronous>, transform_indices = @transform_1, window_bounds = array<i64: 64, 96>}, {pipeline_mode = #tpu.pipeline_mode<synchronous>, transform_indices = @transform_2, window_bounds = array<i64: 2, 64>}, {transform_indices = @transform_3, window_bounds = array<i64: 1024, 96>}, {pipeline_mode = #tpu.pipeline_mode<synchronous>, transform_indices = @transform_4, window_bounds = array<i64: 1, 96>}, {pipeline_mode = #tpu.pipeline_mode<synchronous>, transform_indices = @transform_5, window_bounds = array<i64: 1, 96>}]} {
    %get3A = arith.constant 0 : index
    %get3A_0 = arith.constant 0 : index
    %get3A_1 = vector.load %arg1[%get3A, %get3A_0] : memref<1024x64xf32, #tpu.memory_space<vmem>>, vector<1024x64xf32>
    %get3A_2 = arith.constant 0 : index
    %get3A_3 = arith.constant 0 : index
    %get3A_4 = vector.load %arg3[%get3A_2, %get3A_3] : memref<2x64xf32, #tpu.memory_space<vmem>>, vector<2x64xf32>
    %slice3A = vector.extract_strided_slice %get3A_4 {offsets = [0, 0], sizes = [1, 64], strides = [1, 1]} : vector<2x64xf32> to vector<1x64xf32>
    %mul3A = vector.broadcast %slice3A : vector<1x64xf32> to vector<1024x64xf32>
    %mul3A_5 = arith.mulf %get3A_1, %mul3A : vector<1024x64xf32>
    %slice3A_6 = vector.extract_strided_slice %get3A_4 {offsets = [1, 0], sizes = [1, 64], strides = [1, 1]} : vector<2x64xf32> to vector<1x64xf32>
    %add3A = vector.broadcast %slice3A_6 : vector<1x64xf32> to vector<1024x64xf32>
    %add3A_7 = arith.addf %mul3A_5, %add3A : vector<1024x64xf32>
    %max3A = arith.constant 0.000000e+00 : f32
    %max3A_8 = vector.broadcast %max3A : f32 to vector<1024x64xf32>
    %max3A_9 = arith.maximumf %add3A_7, %max3A_8 : vector<1024x64xf32>
    %get3A_10 = arith.constant 0 : index
    %get3A_11 = arith.constant 0 : index
    %get3A_12 = vector.load %arg2[%get3A_10, %get3A_11] : memref<64x96xf32, #tpu.memory_space<vmem>>, vector<64x96xf32>
    %dot_general3A = arith.constant dense<0.000000e+00> : vector<1024x96xf32>
    %dot_general3A_13 = tpu.matmul %max3A_9, %get3A_12, %dot_general3A {dimension_numbers = #tpu.dot_dimension_numbers<[1], [0], [0], [1], [0, 0, 1, 1], [], []>, transpose_lhs_hint = false} : vector<1024x64xf32>, vector<64x96xf32>, vector<1024x96xf32> -> vector<1024x96xf32>
    %swap3A = arith.constant 0 : index
    %swap3A_14 = arith.constant 0 : index
    %swap3A_15 = vector.load %arg4[%swap3A, %swap3A_14] : memref<1024x96xf32, #tpu.memory_space<vmem>>, vector<1024x96xf32>
    tpu.vector_store %arg4[%swap3A, %swap3A_14], %dot_general3A_13 {strides = array<i32>} : memref<1024x96xf32, #tpu.memory_space<vmem>>, vector<1024x96xf32>,
    %eq3A = arith.constant 0 : i32
    %eq3A_16 = arith.cmpi eq, %arg0, %eq3A : i32
    %convert_element_type3A = arith.extui %eq3A_16 : i1 to i32
    %cond3A = arith.constant 0 : i32
    %cond3A_17 = arith.cmpi ne, %convert_element_type3A, %cond3A : i32
    scf.if %cond3A_17 {
      %broadcast_in_dim3A_37 = arith.constant 0.000000e+00 : f32
      %broadcast_in_dim3A_38 = vector.broadcast %broadcast_in_dim3A_37 : f32 to vector<1x96xf32>
      %swap3A_39 = arith.constant 0 : index
      %swap3A_40 = arith.constant 0 : index
      %swap3A_41 = vector.load %arg5[%swap3A_39, %swap3A_40] : memref<1x96xf32, #tpu.memory_space<vmem>>, vector<1x96xf32>
      tpu.vector_store %arg5[%swap3A_39, %swap3A_40], %broadcast_in_dim3A_38 {strides = array<i32>} : memref<1x96xf32, #tpu.memory_space<vmem>>, vector<1x96xf32>,
      %broadcast_in_dim3A_42 = arith.constant 0.000000e+00 : f32
      %broadcast_in_dim3A_43 = vector.broadcast %broadcast_in_dim3A_42 : f32 to vector<1x96xf32>
      %swap3A_44 = arith.constant 0 : index
      %swap3A_45 = arith.constant 0 : index
      %swap3A_46 = vector.load %arg6[%swap3A_44, %swap3A_45] : memref<1x96xf32, #tpu.memory_space<vmem>>, vector<1x96xf32>
      tpu.vector_store %arg6[%swap3A_44, %swap3A_45], %broadcast_in_dim3A_43 {strides = array<i32>} : memref<1x96xf32, #tpu.memory_space<vmem>>, vector<1x96xf32>,
    } else {
    }
    %get3A_18 = arith.constant 0 : index
    %get3A_19 = arith.constant 0 : index
    %get3A_20 = vector.load %arg5[%get3A_18, %get3A_19] : memref<1x96xf32, #tpu.memory_space<vmem>>, vector<1x96xf32>
    %reduce_sum3A = arith.constant dense<0.000000e+00> : vector<96xf32>
    %reduce_sum3A_21 = vector.multi_reduction <add>, %dot_general3A_13, %reduce_sum3A [0] : vector<1024x96xf32> to vector<96xf32>
    %broadcast_in_dim3A = vector.shape_cast %reduce_sum3A_21 : vector<96xf32> to vector<1x96xf32>
    %add3A_22 = arith.addf %get3A_20, %broadcast_in_dim3A : vector<1x96xf32>
    %swap3A_23 = arith.constant 0 : index
    %swap3A_24 = arith.constant 0 : index
    %swap3A_25 = vector.load %arg5[%swap3A_23, %swap3A_24] : memref<1x96xf32, #tpu.memory_space<vmem>>, vector<1x96xf32>
    tpu.vector_store %arg5[%swap3A_23, %swap3A_24], %add3A_22 {strides = array<i32>} : memref<1x96xf32, #tpu.memory_space<vmem>>, vector<1x96xf32>,
    %get3A_26 = arith.constant 0 : index
    %get3A_27 = arith.constant 0 : index
    %get3A_28 = vector.load %arg6[%get3A_26, %get3A_27] : memref<1x96xf32, #tpu.memory_space<vmem>>, vector<1x96xf32>
    %mul3A_29 = arith.mulf %dot_general3A_13, %dot_general3A_13 : vector<1024x96xf32>
    %reduce_sum3A_30 = arith.constant dense<0.000000e+00> : vector<96xf32>
    %reduce_sum3A_31 = vector.multi_reduction <add>, %mul3A_29, %reduce_sum3A_30 [0] : vector<1024x96xf32> to vector<96xf32>
    %broadcast_in_dim3A_32 = vector.shape_cast %reduce_sum3A_31 : vector<96xf32> to vector<1x96xf32>
    %add3A_33 = arith.addf %get3A_28, %broadcast_in_dim3A_32 : vector<1x96xf32>
    %swap3A_34 = arith.constant 0 : index
    %swap3A_35 = arith.constant 0 : index
    %swap3A_36 = vector.load %arg6[%swap3A_34, %swap3A_35] : memref<1x96xf32, #tpu.memory_space<vmem>>, vector<1x96xf32>
    tpu.vector_store %arg6[%swap3A_34, %swap3A_35], %add3A_33 {strides = array<i32>} : memref<1x96xf32, #tpu.memory_space<vmem>>, vector<1x96xf32>,
    return
  }
  func.func @transform_0(%arg0: i32) -> (i32, i32) {
    %c0_i32 = arith.constant 0 : i32
    %c0_i32_0 = arith.constant 0 : i32
    return %arg0, %c0_i32 : i32, i32
  }
  func.func @transform_1(%arg0: i32) -> (i32, i32) {
    %c0_i32 = arith.constant 0 : i32
    %c0_i32_0 = arith.constant 0 : i32
    %c0_i32_1 = arith.constant 0 : i32
    return %c0_i32, %c0_i32_0 : i32, i32
  }
  func.func @transform_2(%arg0: i32) -> (i32, i32) {
    %c0_i32 = arith.constant 0 : i32
    %c0_i32_0 = arith.constant 0 : i32
    %c0_i32_1 = arith.constant 0 : i32
    return %c0_i32, %c0_i32_0 : i32, i32
  }
  func.func @transform_3(%arg0: i32) -> (i32, i32) {
    %c0_i32 = arith.constant 0 : i32
    %c0_i32_0 = arith.constant 0 : i32
    return %arg0, %c0_i32 : i32, i32
  }
  func.func @transform_4(%arg0: i32) -> (i32, i32) {
    %c0_i32 = arith.constant 0 : i32
    %c0_i32_0 = arith.constant 0 : i32
    %c0_i32_1 = arith.constant 0 : i32
    return %c0_i32, %c0_i32_0 : i32, i32
  }
  func.func @transform_5(%arg0: i32) -> (i32, i32) {
    %c0_i32 = arith.constant 0 : i32
    %c0_i32_0 = arith.constant 0 : i32
    %c0_i32_1 = arith.constant 0 : i32
    return %c0_i32, %c0_i32_0 : i32, i32
  }
}

module attributes {stable_mosaic.version = 14 : i64} {
  func.func @_layer_body(%arg0: i32, %arg1: memref<1024x96xf32, #tpu.memory_space<vmem>>, %arg2: memref<96x128xf32, #tpu.memory_space<vmem>>, %arg3: memref<2x96xf32, #tpu.memory_space<vmem>>, %arg4: memref<1024x128xf32, #tpu.memory_space<vmem>>, %arg5: memref<1x128xf32, #tpu.memory_space<vmem>>, %arg6: memref<1x128xf32, #tpu.memory_space<vmem>>) attributes {dimension_semantics = [#tpu.dimension_semantics<arbitrary>], iteration_bounds = array<i64: 512>, scalar_prefetch = 0 : i64, scratch_operands = 0 : i64, tpu.core_type = #tpu.core_type<tc>, window_params = [{transform_indices = @transform_0, window_bounds = array<i64: 1024, 96>}, {pipeline_mode = #tpu.pipeline_mode<synchronous>, transform_indices = @transform_1, window_bounds = array<i64: 96, 128>}, {pipeline_mode = #tpu.pipeline_mode<synchronous>, transform_indices = @transform_2, window_bounds = array<i64: 2, 96>}, {transform_indices = @transform_3, window_bounds = array<i64: 1024, 128>}, {pipeline_mode = #tpu.pipeline_mode<synchronous>, transform_indices = @transform_4, window_bounds = array<i64: 1, 128>}, {pipeline_mode = #tpu.pipeline_mode<synchronous>, transform_indices = @transform_5, window_bounds = array<i64: 1, 128>}]} {
    %get3A = arith.constant 0 : index
    %get3A_0 = arith.constant 0 : index
    %get3A_1 = vector.load %arg1[%get3A, %get3A_0] : memref<1024x96xf32, #tpu.memory_space<vmem>>, vector<1024x96xf32>
    %get3A_2 = arith.constant 0 : index
    %get3A_3 = arith.constant 0 : index
    %get3A_4 = vector.load %arg3[%get3A_2, %get3A_3] : memref<2x96xf32, #tpu.memory_space<vmem>>, vector<2x96xf32>
    %slice3A = vector.extract_strided_slice %get3A_4 {offsets = [0, 0], sizes = [1, 96], strides = [1, 1]} : vector<2x96xf32> to vector<1x96xf32>
    %mul3A = vector.broadcast %slice3A : vector<1x96xf32> to vector<1024x96xf32>
    %mul3A_5 = arith.mulf %get3A_1, %mul3A : vector<1024x96xf32>
    %slice3A_6 = vector.extract_strided_slice %get3A_4 {offsets = [1, 0], sizes = [1, 96], strides = [1, 1]} : vector<2x96xf32> to vector<1x96xf32>
    %add3A = vector.broadcast %slice3A_6 : vector<1x96xf32> to vector<1024x96xf32>
    %add3A_7 = arith.addf %mul3A_5, %add3A : vector<1024x96xf32>
    %max3A = arith.constant 0.000000e+00 : f32
    %max3A_8 = vector.broadcast %max3A : f32 to vector<1024x96xf32>
    %max3A_9 = arith.maximumf %add3A_7, %max3A_8 : vector<1024x96xf32>
    %get3A_10 = arith.constant 0 : index
    %get3A_11 = arith.constant 0 : index
    %get3A_12 = vector.load %arg2[%get3A_10, %get3A_11] : memref<96x128xf32, #tpu.memory_space<vmem>>, vector<96x128xf32>
    %dot_general3A = arith.constant dense<0.000000e+00> : vector<1024x128xf32>
    %dot_general3A_13 = tpu.matmul %max3A_9, %get3A_12, %dot_general3A {dimension_numbers = #tpu.dot_dimension_numbers<[1], [0], [0], [1], [0, 0, 1, 1], [], []>, transpose_lhs_hint = false} : vector<1024x96xf32>, vector<96x128xf32>, vector<1024x128xf32> -> vector<1024x128xf32>
    %swap3A = arith.constant 0 : index
    %swap3A_14 = arith.constant 0 : index
    %swap3A_15 = vector.load %arg4[%swap3A, %swap3A_14] : memref<1024x128xf32, #tpu.memory_space<vmem>>, vector<1024x128xf32>
    tpu.vector_store %arg4[%swap3A, %swap3A_14], %dot_general3A_13 {strides = array<i32>} : memref<1024x128xf32, #tpu.memory_space<vmem>>, vector<1024x128xf32>,
    %eq3A = arith.constant 0 : i32
    %eq3A_16 = arith.cmpi eq, %arg0, %eq3A : i32
    %convert_element_type3A = arith.extui %eq3A_16 : i1 to i32
    %cond3A = arith.constant 0 : i32
    %cond3A_17 = arith.cmpi ne, %convert_element_type3A, %cond3A : i32
    scf.if %cond3A_17 {
      %broadcast_in_dim3A_37 = arith.constant 0.000000e+00 : f32
      %broadcast_in_dim3A_38 = vector.broadcast %broadcast_in_dim3A_37 : f32 to vector<1x128xf32>
      %swap3A_39 = arith.constant 0 : index
      %swap3A_40 = arith.constant 0 : index
      %swap3A_41 = vector.load %arg5[%swap3A_39, %swap3A_40] : memref<1x128xf32, #tpu.memory_space<vmem>>, vector<1x128xf32>
      tpu.vector_store %arg5[%swap3A_39, %swap3A_40], %broadcast_in_dim3A_38 {strides = array<i32>} : memref<1x128xf32, #tpu.memory_space<vmem>>, vector<1x128xf32>,
      %broadcast_in_dim3A_42 = arith.constant 0.000000e+00 : f32
      %broadcast_in_dim3A_43 = vector.broadcast %broadcast_in_dim3A_42 : f32 to vector<1x128xf32>
      %swap3A_44 = arith.constant 0 : index
      %swap3A_45 = arith.constant 0 : index
      %swap3A_46 = vector.load %arg6[%swap3A_44, %swap3A_45] : memref<1x128xf32, #tpu.memory_space<vmem>>, vector<1x128xf32>
      tpu.vector_store %arg6[%swap3A_44, %swap3A_45], %broadcast_in_dim3A_43 {strides = array<i32>} : memref<1x128xf32, #tpu.memory_space<vmem>>, vector<1x128xf32>,
    } else {
    }
    %get3A_18 = arith.constant 0 : index
    %get3A_19 = arith.constant 0 : index
    %get3A_20 = vector.load %arg5[%get3A_18, %get3A_19] : memref<1x128xf32, #tpu.memory_space<vmem>>, vector<1x128xf32>
    %reduce_sum3A = arith.constant dense<0.000000e+00> : vector<128xf32>
    %reduce_sum3A_21 = vector.multi_reduction <add>, %dot_general3A_13, %reduce_sum3A [0] : vector<1024x128xf32> to vector<128xf32>
    %broadcast_in_dim3A = vector.shape_cast %reduce_sum3A_21 : vector<128xf32> to vector<1x128xf32>
    %add3A_22 = arith.addf %get3A_20, %broadcast_in_dim3A : vector<1x128xf32>
    %swap3A_23 = arith.constant 0 : index
    %swap3A_24 = arith.constant 0 : index
    %swap3A_25 = vector.load %arg5[%swap3A_23, %swap3A_24] : memref<1x128xf32, #tpu.memory_space<vmem>>, vector<1x128xf32>
    tpu.vector_store %arg5[%swap3A_23, %swap3A_24], %add3A_22 {strides = array<i32>} : memref<1x128xf32, #tpu.memory_space<vmem>>, vector<1x128xf32>,
    %get3A_26 = arith.constant 0 : index
    %get3A_27 = arith.constant 0 : index
    %get3A_28 = vector.load %arg6[%get3A_26, %get3A_27] : memref<1x128xf32, #tpu.memory_space<vmem>>, vector<1x128xf32>
    %mul3A_29 = arith.mulf %dot_general3A_13, %dot_general3A_13 : vector<1024x128xf32>
    %reduce_sum3A_30 = arith.constant dense<0.000000e+00> : vector<128xf32>
    %reduce_sum3A_31 = vector.multi_reduction <add>, %mul3A_29, %reduce_sum3A_30 [0] : vector<1024x128xf32> to vector<128xf32>
    %broadcast_in_dim3A_32 = vector.shape_cast %reduce_sum3A_31 : vector<128xf32> to vector<1x128xf32>
    %add3A_33 = arith.addf %get3A_28, %broadcast_in_dim3A_32 : vector<1x128xf32>
    %swap3A_34 = arith.constant 0 : index
    %swap3A_35 = arith.constant 0 : index
    %swap3A_36 = vector.load %arg6[%swap3A_34, %swap3A_35] : memref<1x128xf32, #tpu.memory_space<vmem>>, vector<1x128xf32>
    tpu.vector_store %arg6[%swap3A_34, %swap3A_35], %add3A_33 {strides = array<i32>} : memref<1x128xf32, #tpu.memory_space<vmem>>, vector<1x128xf32>,
    return
  }
  func.func @transform_0(%arg0: i32) -> (i32, i32) {
    %c0_i32 = arith.constant 0 : i32
    %c0_i32_0 = arith.constant 0 : i32
    return %arg0, %c0_i32 : i32, i32
  }
  func.func @transform_1(%arg0: i32) -> (i32, i32) {
    %c0_i32 = arith.constant 0 : i32
    %c0_i32_0 = arith.constant 0 : i32
    %c0_i32_1 = arith.constant 0 : i32
    return %c0_i32, %c0_i32_0 : i32, i32
  }
  func.func @transform_2(%arg0: i32) -> (i32, i32) {
    %c0_i32 = arith.constant 0 : i32
    %c0_i32_0 = arith.constant 0 : i32
    %c0_i32_1 = arith.constant 0 : i32
    return %c0_i32, %c0_i32_0 : i32, i32
  }
  func.func @transform_3(%arg0: i32) -> (i32, i32) {
    %c0_i32 = arith.constant 0 : i32
    %c0_i32_0 = arith.constant 0 : i32
    return %arg0, %c0_i32 : i32, i32
  }
  func.func @transform_4(%arg0: i32) -> (i32, i32) {
    %c0_i32 = arith.constant 0 : i32
    %c0_i32_0 = arith.constant 0 : i32
    %c0_i32_1 = arith.constant 0 : i32
    return %c0_i32, %c0_i32_0 : i32, i32
  }
  func.func @transform_5(%arg0: i32) -> (i32, i32) {
    %c0_i32 = arith.constant 0 : i32
    %c0_i32_0 = arith.constant 0 : i32
    %c0_i32_1 = arith.constant 0 : i32
    return %c0_i32, %c0_i32_0 : i32, i32
  }
}

module attributes {stable_mosaic.version = 14 : i64} {
  func.func @_pool_body(%arg0: i32, %arg1: memref<8x128x128xf32, #tpu.memory_space<vmem>>, %arg2: memref<2x128xf32, #tpu.memory_space<vmem>>, %arg3: memref<8x128xf32, #tpu.memory_space<vmem>>) attributes {dimension_semantics = [#tpu.dimension_semantics<arbitrary>], iteration_bounds = array<i64: 512>, scalar_prefetch = 0 : i64, scratch_operands = 0 : i64, tpu.core_type = #tpu.core_type<tc>, window_params = [{transform_indices = @transform_0, window_bounds = array<i64: 8, 128, 128>}, {pipeline_mode = #tpu.pipeline_mode<synchronous>, transform_indices = @transform_1, window_bounds = array<i64: 2, 128>}, {transform_indices = @transform_2, window_bounds = array<i64: 8, 128>}]} {
    %get3A = arith.constant 0 : index
    %get3A_0 = arith.constant 0 : index
    %get3A_1 = arith.constant 0 : index
    %get3A_2 = vector.load %arg1[%get3A, %get3A_0, %get3A_1] : memref<8x128x128xf32, #tpu.memory_space<vmem>>, vector<8x128x128xf32>
    %get3A_3 = arith.constant 0 : index
    %get3A_4 = arith.constant 0 : index
    %get3A_5 = vector.load %arg2[%get3A_3, %get3A_4] : memref<2x128xf32, #tpu.memory_space<vmem>>, vector<2x128xf32>
    %slice3A = vector.extract_strided_slice %get3A_5 {offsets = [0, 0], sizes = [1, 128], strides = [1, 1]} : vector<2x128xf32> to vector<1x128xf32>
    %broadcast_in_dim3A = vector.shape_cast %slice3A : vector<1x128xf32> to vector<1x1x128xf32>
    %mul3A = vector.broadcast %broadcast_in_dim3A : vector<1x1x128xf32> to vector<8x128x128xf32>
    %mul3A_6 = arith.mulf %get3A_2, %mul3A : vector<8x128x128xf32>
    %slice3A_7 = vector.extract_strided_slice %get3A_5 {offsets = [1, 0], sizes = [1, 128], strides = [1, 1]} : vector<2x128xf32> to vector<1x128xf32>
    %broadcast_in_dim3A_8 = vector.shape_cast %slice3A_7 : vector<1x128xf32> to vector<1x1x128xf32>
    %add3A = vector.broadcast %broadcast_in_dim3A_8 : vector<1x1x128xf32> to vector<8x128x128xf32>
    %add3A_9 = arith.addf %mul3A_6, %add3A : vector<8x128x128xf32>
    %max3A = arith.constant 0.000000e+00 : f32
    %max3A_10 = vector.broadcast %max3A : f32 to vector<8x128x128xf32>
    %max3A_11 = arith.maximumf %add3A_9, %max3A_10 : vector<8x128x128xf32>
    %reduce_max3A = arith.constant dense<0xFF800000> : vector<8x128xf32>
    %reduce_max3A_12 = vector.multi_reduction <maximumf>, %max3A_11, %reduce_max3A [1] : vector<8x128x128xf32> to vector<8x128xf32>
    %swap3A = arith.constant 0 : index
    %swap3A_13 = arith.constant 0 : index
    %swap3A_14 = vector.load %arg3[%swap3A, %swap3A_13] : memref<8x128xf32, #tpu.memory_space<vmem>>, vector<8x128xf32>
    tpu.vector_store %arg3[%swap3A, %swap3A_13], %reduce_max3A_12 {strides = array<i32>} : memref<8x128xf32, #tpu.memory_space<vmem>>, vector<8x128xf32>,
    return
  }
  func.func @transform_0(%arg0: i32) -> (i32, i32, i32) {
    %c0_i32 = arith.constant 0 : i32
    %c0_i32_0 = arith.constant 0 : i32
    %c0_i32_1 = arith.constant 0 : i32
    return %arg0, %c0_i32, %c0_i32_0 : i32, i32, i32
  }
  func.func @transform_1(%arg0: i32) -> (i32, i32) {
    %c0_i32 = arith.constant 0 : i32
    %c0_i32_0 = arith.constant 0 : i32
    %c0_i32_1 = arith.constant 0 : i32
    return %c0_i32, %c0_i32_0 : i32, i32
  }
  func.func @transform_2(%arg0: i32) -> (i32, i32) {
    %c0_i32 = arith.constant 0 : i32
    %c0_i32_0 = arith.constant 0 : i32
    return %arg0, %c0_i32 : i32, i32
  }
}

module attributes {stable_mosaic.version = 14 : i64} {
  func.func @_fps_body(%arg0: memref<8x512xf32, #tpu.memory_space<vmem>>, %arg1: memref<8x512xf32, #tpu.memory_space<vmem>>, %arg2: memref<8x512xf32, #tpu.memory_space<vmem>>, %arg3: memref<8x128xi32, #tpu.memory_space<vmem>>) attributes {dimension_semantics = [], scalar_prefetch = 0 : i64, scratch_operands = 0 : i64, tpu.core_type = #tpu.core_type<tc>} {
    %get3A = arith.constant 0 : index
    %get3A_0 = arith.constant 0 : index
    %get3A_1 = vector.load %arg0[%get3A, %get3A_0] : memref<8x512xf32, #tpu.memory_space<vmem>>, vector<8x512xf32>
    %get3A_2 = arith.constant 0 : index
    %get3A_3 = arith.constant 0 : index
    %get3A_4 = vector.load %arg1[%get3A_2, %get3A_3] : memref<8x512xf32, #tpu.memory_space<vmem>>, vector<8x512xf32>
    %get3A_5 = arith.constant 0 : index
    %get3A_6 = arith.constant 0 : index
    %get3A_7 = vector.load %arg2[%get3A_5, %get3A_6] : memref<8x512xf32, #tpu.memory_space<vmem>>, vector<8x512xf32>
    %iota3A = tpu.iota {dimensions = array<i32: 1>} : vector<8x512xi32>
    %iota3A_8 = tpu.iota {dimensions = array<i32: 1>} : vector<8x128xi32>
    %broadcast_in_dim3A = arith.constant 1.000000e+10 : f32
    %broadcast_in_dim3A_9 = vector.broadcast %broadcast_in_dim3A : f32 to vector<8x512xf32>
    %broadcast_in_dim3A_10 = arith.constant 0 : i32
    %broadcast_in_dim3A_11 = vector.broadcast %broadcast_in_dim3A_10 : i32 to vector<8x1xi32>
    %broadcast_in_dim3A_12 = arith.constant 0 : i32
    %broadcast_in_dim3A_13 = vector.broadcast %broadcast_in_dim3A_12 : i32 to vector<8x128xi32>
    %scan3A = arith.constant 1 : i32
    %scan3A_14 = arith.constant 127 : i32
    %scan3A_15 = arith.addi %scan3A, %scan3A_14 : i32
    %scan3A_16 = arith.constant 1 : i32
    %scan3A_17:3 = scf.for %scan3A_21 = %scan3A to %scan3A_15 step %scan3A_16 iter_args(%scan3A_22 = %broadcast_in_dim3A_9, %scan3A_23 = %broadcast_in_dim3A_11, %scan3A_24 = %broadcast_in_dim3A_13) -> (vector<8x512xf32>, vector<8x1xi32>, vector<8x128xi32>)  : i32 {
      %eq3A = vector.broadcast %scan3A_23 : vector<8x1xi32> to vector<8x512xi32>
      %eq3A_25 = arith.cmpi eq, %iota3A, %eq3A : vector<8x512xi32>
      %jit3A = arith.constant 0.000000e+00 : f32
      %broadcast_in_dim3A_26 = vector.broadcast %jit3A : f32 to vector<8x512xf32>
      %select_n3A = arith.select %eq3A_25, %get3A_1, %broadcast_in_dim3A_26 : vector<8x512xi1>, vector<8x512xf32>
      %reduce_sum3A = arith.constant dense<0.000000e+00> : vector<8xf32>
      %reduce_sum3A_27 = vector.multi_reduction <add>, %select_n3A, %reduce_sum3A [1] : vector<8x512xf32> to vector<8xf32>
      %broadcast_in_dim3A_28 = vector.shape_cast %reduce_sum3A_27 : vector<8xf32> to vector<8x1xf32>
      %jit3A_29 = arith.constant 0.000000e+00 : f32
      %broadcast_in_dim3A_30 = vector.broadcast %jit3A_29 : f32 to vector<8x512xf32>
      %select_n3A_31 = arith.select %eq3A_25, %get3A_4, %broadcast_in_dim3A_30 : vector<8x512xi1>, vector<8x512xf32>
      %reduce_sum3A_32 = arith.constant dense<0.000000e+00> : vector<8xf32>
      %reduce_sum3A_33 = vector.multi_reduction <add>, %select_n3A_31, %reduce_sum3A_32 [1] : vector<8x512xf32> to vector<8xf32>
      %broadcast_in_dim3A_34 = vector.shape_cast %reduce_sum3A_33 : vector<8xf32> to vector<8x1xf32>
      %jit3A_35 = arith.constant 0.000000e+00 : f32
      %broadcast_in_dim3A_36 = vector.broadcast %jit3A_35 : f32 to vector<8x512xf32>
      %select_n3A_37 = arith.select %eq3A_25, %get3A_7, %broadcast_in_dim3A_36 : vector<8x512xi1>, vector<8x512xf32>
      %reduce_sum3A_38 = arith.constant dense<0.000000e+00> : vector<8xf32>
      %reduce_sum3A_39 = vector.multi_reduction <add>, %select_n3A_37, %reduce_sum3A_38 [1] : vector<8x512xf32> to vector<8xf32>
      %broadcast_in_dim3A_40 = vector.shape_cast %reduce_sum3A_39 : vector<8xf32> to vector<8x1xf32>
      %sub3A = vector.broadcast %broadcast_in_dim3A_28 : vector<8x1xf32> to vector<8x512xf32>
      %sub3A_41 = arith.subf %get3A_1, %sub3A : vector<8x512xf32>
      %sub3A_42 = vector.broadcast %broadcast_in_dim3A_34 : vector<8x1xf32> to vector<8x512xf32>
      %sub3A_43 = arith.subf %get3A_4, %sub3A_42 : vector<8x512xf32>
      %sub3A_44 = vector.broadcast %broadcast_in_dim3A_40 : vector<8x1xf32> to vector<8x512xf32>
      %sub3A_45 = arith.subf %get3A_7, %sub3A_44 : vector<8x512xf32>
      %mul3A = arith.mulf %sub3A_41, %sub3A_41 : vector<8x512xf32>
      %mul3A_46 = arith.mulf %sub3A_43, %sub3A_43 : vector<8x512xf32>
      %add3A = arith.addf %mul3A, %mul3A_46 : vector<8x512xf32>
      %mul3A_47 = arith.mulf %sub3A_45, %sub3A_45 : vector<8x512xf32>
      %add3A_48 = arith.addf %add3A, %mul3A_47 : vector<8x512xf32>
      %min3A = arith.minimumf %scan3A_22, %add3A_48 : vector<8x512xf32>
      %reduce_max3A = arith.constant dense<0xFF800000> : vector<8xf32>
      %reduce_max3A_49 = vector.multi_reduction <maximumf>, %min3A, %reduce_max3A [1] : vector<8x512xf32> to vector<8xf32>
      %broadcast_in_dim3A_50 = vector.shape_cast %reduce_max3A_49 : vector<8xf32> to vector<8x1xf32>
      %eq3A_51 = vector.broadcast %broadcast_in_dim3A_50 : vector<8x1xf32> to vector<8x512xf32>
      %eq3A_52 = arith.cmpf oeq, %min3A, %eq3A_51 : vector<8x512xf32>
      %jit3A_53 = arith.constant 512 : i32
      %broadcast_in_dim3A_54 = vector.broadcast %jit3A_53 : i32 to vector<8x512xi32>
      %select_n3A_55 = arith.select %eq3A_52, %iota3A, %broadcast_in_dim3A_54 : vector<8x512xi1>, vector<8x512xi32>
      %reduce_min3A = arith.constant dense<2147483647> : vector<8xi32>
      %reduce_min3A_56 = vector.multi_reduction <minsi>, %select_n3A_55, %reduce_min3A [1] : vector<8x512xi32> to vector<8xi32>
      %broadcast_in_dim3A_57 = vector.shape_cast %reduce_min3A_56 : vector<8xi32> to vector<8x1xi32>
      %eq3A_58 = vector.broadcast %scan3A_21 : i32 to vector<8x128xi32>
      %eq3A_59 = arith.cmpi eq, %iota3A_8, %eq3A_58 : vector<8x128xi32>
      %broadcast_in_dim3A_60 = vector.shape_cast %broadcast_in_dim3A_57 : vector<8x1xi32> to vector<8x1xi32>
      %broadcast_in_dim3A_61 = vector.broadcast %broadcast_in_dim3A_60 : vector<8x1xi32> to vector<8x128xi32>
      %select_n3A_62 = arith.select %eq3A_59, %broadcast_in_dim3A_61, %scan3A_24 : vector<8x128xi1>, vector<8x128xi32>
      scf.yield %min3A, %broadcast_in_dim3A_57, %select_n3A_62 : vector<8x512xf32>, vector<8x1xi32>, vector<8x128xi32>
    }
    %scan3A_18 = arith.constant 127 : i32
    %swap3A = arith.constant 0 : index
    %swap3A_19 = arith.constant 0 : index
    %swap3A_20 = vector.load %arg3[%swap3A, %swap3A_19] : memref<8x128xi32, #tpu.memory_space<vmem>>, vector<8x128xi32>
    tpu.vector_store %arg3[%swap3A, %swap3A_19], %scan3A_17#2 {strides = array<i32>} : memref<8x128xi32, #tpu.memory_space<vmem>>, vector<8x128xi32>,
    return
  }
}

module attributes {stable_mosaic.version = 14 : i64} {
  func.func @_layer1_body(%arg0: i32, %arg1: memref<16x32x336xf32, #tpu.memory_space<vmem>>, %arg2: memref<16x336xf32, #tpu.memory_space<vmem>>, %arg3: memref<336x64xf32, #tpu.memory_space<vmem>>, %arg4: memref<512x64xf32, #tpu.memory_space<vmem>>, %arg5: memref<1x64xf32, #tpu.memory_space<vmem>>, %arg6: memref<1x64xf32, #tpu.memory_space<vmem>>) attributes {dimension_semantics = [#tpu.dimension_semantics<arbitrary>], iteration_bounds = array<i64: 64>, scalar_prefetch = 0 : i64, scratch_operands = 0 : i64, tpu.core_type = #tpu.core_type<tc>, window_params = [{transform_indices = @transform_0, window_bounds = array<i64: 16, 32, 336>}, {transform_indices = @transform_1, window_bounds = array<i64: 16, 336>}, {pipeline_mode = #tpu.pipeline_mode<synchronous>, transform_indices = @transform_2, window_bounds = array<i64: 336, 64>}, {transform_indices = @transform_3, window_bounds = array<i64: 512, 64>}, {pipeline_mode = #tpu.pipeline_mode<synchronous>, transform_indices = @transform_4, window_bounds = array<i64: 1, 64>}, {pipeline_mode = #tpu.pipeline_mode<synchronous>, transform_indices = @transform_5, window_bounds = array<i64: 1, 64>}]} {
    %get3A = arith.constant 0 : index
    %get3A_0 = arith.constant 0 : index
    %get3A_1 = arith.constant 0 : index
    %get3A_2 = vector.load %arg1[%get3A, %get3A_0, %get3A_1] : memref<16x32x336xf32, #tpu.memory_space<vmem>>, vector<16x32x336xf32>
    %get3A_3 = arith.constant 0 : index
    %get3A_4 = arith.constant 0 : index
    %get3A_5 = vector.load %arg2[%get3A_3, %get3A_4] : memref<16x336xf32, #tpu.memory_space<vmem>>, vector<16x336xf32>
    %broadcast_in_dim3A = vector.shape_cast %get3A_5 : vector<16x336xf32> to vector<16x1x336xf32>
    %sub3A = vector.broadcast %broadcast_in_dim3A : vector<16x1x336xf32> to vector<16x32x336xf32>
    %sub3A_6 = arith.subf %get3A_2, %sub3A : vector<16x32x336xf32>
    %reshape3A = vector.shape_cast %sub3A_6 : vector<16x32x336xf32> to vector<512x336xf32>
    %get3A_7 = arith.constant 0 : index
    %get3A_8 = arith.constant 0 : index
    %get3A_9 = vector.load %arg3[%get3A_7, %get3A_8] : memref<336x64xf32, #tpu.memory_space<vmem>>, vector<336x64xf32>
    %dot_general3A = arith.constant dense<0.000000e+00> : vector<512x64xf32>
    %dot_general3A_10 = tpu.matmul %reshape3A, %get3A_9, %dot_general3A {dimension_numbers = #tpu.dot_dimension_numbers<[1], [0], [0], [1], [0, 0, 1, 1], [], []>, transpose_lhs_hint = false} : vector<512x336xf32>, vector<336x64xf32>, vector<512x64xf32> -> vector<512x64xf32>
    %swap3A = arith.constant 0 : index
    %swap3A_11 = arith.constant 0 : index
    %swap3A_12 = vector.load %arg4[%swap3A, %swap3A_11] : memref<512x64xf32, #tpu.memory_space<vmem>>, vector<512x64xf32>
    tpu.vector_store %arg4[%swap3A, %swap3A_11], %dot_general3A_10 {strides = array<i32>} : memref<512x64xf32, #tpu.memory_space<vmem>>, vector<512x64xf32>,
    %eq3A = arith.constant 0 : i32
    %eq3A_13 = arith.cmpi eq, %arg0, %eq3A : i32
    %convert_element_type3A = arith.extui %eq3A_13 : i1 to i32
    %cond3A = arith.constant 0 : i32
    %cond3A_14 = arith.cmpi ne, %convert_element_type3A, %cond3A : i32
    scf.if %cond3A_14 {
      %broadcast_in_dim3A_33 = arith.constant 0.000000e+00 : f32
      %broadcast_in_dim3A_34 = vector.broadcast %broadcast_in_dim3A_33 : f32 to vector<1x64xf32>
      %swap3A_35 = arith.constant 0 : index
      %swap3A_36 = arith.constant 0 : index
      %swap3A_37 = vector.load %arg5[%swap3A_35, %swap3A_36] : memref<1x64xf32, #tpu.memory_space<vmem>>, vector<1x64xf32>
      tpu.vector_store %arg5[%swap3A_35, %swap3A_36], %broadcast_in_dim3A_34 {strides = array<i32>} : memref<1x64xf32, #tpu.memory_space<vmem>>, vector<1x64xf32>,
      %broadcast_in_dim3A_38 = arith.constant 0.000000e+00 : f32
      %broadcast_in_dim3A_39 = vector.broadcast %broadcast_in_dim3A_38 : f32 to vector<1x64xf32>
      %swap3A_40 = arith.constant 0 : index
      %swap3A_41 = arith.constant 0 : index
      %swap3A_42 = vector.load %arg6[%swap3A_40, %swap3A_41] : memref<1x64xf32, #tpu.memory_space<vmem>>, vector<1x64xf32>
      tpu.vector_store %arg6[%swap3A_40, %swap3A_41], %broadcast_in_dim3A_39 {strides = array<i32>} : memref<1x64xf32, #tpu.memory_space<vmem>>, vector<1x64xf32>,
    } else {
    }
    %get3A_15 = arith.constant 0 : index
    %get3A_16 = arith.constant 0 : index
    %get3A_17 = vector.load %arg5[%get3A_15, %get3A_16] : memref<1x64xf32, #tpu.memory_space<vmem>>, vector<1x64xf32>
    %reduce_sum3A = arith.constant dense<0.000000e+00> : vector<64xf32>
    %reduce_sum3A_18 = vector.multi_reduction <add>, %dot_general3A_10, %reduce_sum3A [0] : vector<512x64xf32> to vector<64xf32>
    %broadcast_in_dim3A_19 = vector.shape_cast %reduce_sum3A_18 : vector<64xf32> to vector<1x64xf32>
    %add3A = arith.addf %get3A_17, %broadcast_in_dim3A_19 : vector<1x64xf32>
    %swap3A_20 = arith.constant 0 : index
    %swap3A_21 = arith.constant 0 : index
    %swap3A_22 = vector.load %arg5[%swap3A_20, %swap3A_21] : memref<1x64xf32, #tpu.memory_space<vmem>>, vector<1x64xf32>
    tpu.vector_store %arg5[%swap3A_20, %swap3A_21], %add3A {strides = array<i32>} : memref<1x64xf32, #tpu.memory_space<vmem>>, vector<1x64xf32>,
    %get3A_23 = arith.constant 0 : index
    %get3A_24 = arith.constant 0 : index
    %get3A_25 = vector.load %arg6[%get3A_23, %get3A_24] : memref<1x64xf32, #tpu.memory_space<vmem>>, vector<1x64xf32>
    %mul3A = arith.mulf %dot_general3A_10, %dot_general3A_10 : vector<512x64xf32>
    %reduce_sum3A_26 = arith.constant dense<0.000000e+00> : vector<64xf32>
    %reduce_sum3A_27 = vector.multi_reduction <add>, %mul3A, %reduce_sum3A_26 [0] : vector<512x64xf32> to vector<64xf32>
    %broadcast_in_dim3A_28 = vector.shape_cast %reduce_sum3A_27 : vector<64xf32> to vector<1x64xf32>
    %add3A_29 = arith.addf %get3A_25, %broadcast_in_dim3A_28 : vector<1x64xf32>
    %swap3A_30 = arith.constant 0 : index
    %swap3A_31 = arith.constant 0 : index
    %swap3A_32 = vector.load %arg6[%swap3A_30, %swap3A_31] : memref<1x64xf32, #tpu.memory_space<vmem>>, vector<1x64xf32>
    tpu.vector_store %arg6[%swap3A_30, %swap3A_31], %add3A_29 {strides = array<i32>} : memref<1x64xf32, #tpu.memory_space<vmem>>, vector<1x64xf32>,
    return
  }
  func.func @transform_0(%arg0: i32) -> (i32, i32, i32) {
    %c0_i32 = arith.constant 0 : i32
    %c0_i32_0 = arith.constant 0 : i32
    %c0_i32_1 = arith.constant 0 : i32
    return %arg0, %c0_i32, %c0_i32_0 : i32, i32, i32
  }
  func.func @transform_1(%arg0: i32) -> (i32, i32) {
    %c0_i32 = arith.constant 0 : i32
    %c0_i32_0 = arith.constant 0 : i32
    return %arg0, %c0_i32 : i32, i32
  }
  func.func @transform_2(%arg0: i32) -> (i32, i32) {
    %c0_i32 = arith.constant 0 : i32
    %c0_i32_0 = arith.constant 0 : i32
    %c0_i32_1 = arith.constant 0 : i32
    return %c0_i32, %c0_i32_0 : i32, i32
  }
  func.func @transform_3(%arg0: i32) -> (i32, i32) {
    %c0_i32 = arith.constant 0 : i32
    %c0_i32_0 = arith.constant 0 : i32
    return %arg0, %c0_i32 : i32, i32
  }
  func.func @transform_4(%arg0: i32) -> (i32, i32) {
    %c0_i32 = arith.constant 0 : i32
    %c0_i32_0 = arith.constant 0 : i32
    %c0_i32_1 = arith.constant 0 : i32
    return %c0_i32, %c0_i32_0 : i32, i32
  }
  func.func @transform_5(%arg0: i32) -> (i32, i32) {
    %c0_i32 = arith.constant 0 : i32
    %c0_i32_0 = arith.constant 0 : i32
    %c0_i32_1 = arith.constant 0 : i32
    return %c0_i32, %c0_i32_0 : i32, i32
  }
}

module attributes {stable_mosaic.version = 14 : i64} {
  func.func @_layer_body(%arg0: i32, %arg1: memref<512x64xf32, #tpu.memory_space<vmem>>, %arg2: memref<64x64xf32, #tpu.memory_space<vmem>>, %arg3: memref<2x64xf32, #tpu.memory_space<vmem>>, %arg4: memref<512x64xf32, #tpu.memory_space<vmem>>, %arg5: memref<1x64xf32, #tpu.memory_space<vmem>>, %arg6: memref<1x64xf32, #tpu.memory_space<vmem>>) attributes {dimension_semantics = [#tpu.dimension_semantics<arbitrary>], iteration_bounds = array<i64: 64>, scalar_prefetch = 0 : i64, scratch_operands = 0 : i64, tpu.core_type = #tpu.core_type<tc>, window_params = [{transform_indices = @transform_0, window_bounds = array<i64: 512, 64>}, {pipeline_mode = #tpu.pipeline_mode<synchronous>, transform_indices = @transform_1, window_bounds = array<i64: 64, 64>}, {pipeline_mode = #tpu.pipeline_mode<synchronous>, transform_indices = @transform_2, window_bounds = array<i64: 2, 64>}, {transform_indices = @transform_3, window_bounds = array<i64: 512, 64>}, {pipeline_mode = #tpu.pipeline_mode<synchronous>, transform_indices = @transform_4, window_bounds = array<i64: 1, 64>}, {pipeline_mode = #tpu.pipeline_mode<synchronous>, transform_indices = @transform_5, window_bounds = array<i64: 1, 64>}]} {
    %get3A = arith.constant 0 : index
    %get3A_0 = arith.constant 0 : index
    %get3A_1 = vector.load %arg1[%get3A, %get3A_0] : memref<512x64xf32, #tpu.memory_space<vmem>>, vector<512x64xf32>
    %get3A_2 = arith.constant 0 : index
    %get3A_3 = arith.constant 0 : index
    %get3A_4 = vector.load %arg3[%get3A_2, %get3A_3] : memref<2x64xf32, #tpu.memory_space<vmem>>, vector<2x64xf32>
    %slice3A = vector.extract_strided_slice %get3A_4 {offsets = [0, 0], sizes = [1, 64], strides = [1, 1]} : vector<2x64xf32> to vector<1x64xf32>
    %mul3A = vector.broadcast %slice3A : vector<1x64xf32> to vector<512x64xf32>
    %mul3A_5 = arith.mulf %get3A_1, %mul3A : vector<512x64xf32>
    %slice3A_6 = vector.extract_strided_slice %get3A_4 {offsets = [1, 0], sizes = [1, 64], strides = [1, 1]} : vector<2x64xf32> to vector<1x64xf32>
    %add3A = vector.broadcast %slice3A_6 : vector<1x64xf32> to vector<512x64xf32>
    %add3A_7 = arith.addf %mul3A_5, %add3A : vector<512x64xf32>
    %max3A = arith.constant 0.000000e+00 : f32
    %max3A_8 = vector.broadcast %max3A : f32 to vector<512x64xf32>
    %max3A_9 = arith.maximumf %add3A_7, %max3A_8 : vector<512x64xf32>
    %get3A_10 = arith.constant 0 : index
    %get3A_11 = arith.constant 0 : index
    %get3A_12 = vector.load %arg2[%get3A_10, %get3A_11] : memref<64x64xf32, #tpu.memory_space<vmem>>, vector<64x64xf32>
    %dot_general3A = arith.constant dense<0.000000e+00> : vector<512x64xf32>
    %dot_general3A_13 = tpu.matmul %max3A_9, %get3A_12, %dot_general3A {dimension_numbers = #tpu.dot_dimension_numbers<[1], [0], [0], [1], [0, 0, 1, 1], [], []>, transpose_lhs_hint = false} : vector<512x64xf32>, vector<64x64xf32>, vector<512x64xf32> -> vector<512x64xf32>
    %swap3A = arith.constant 0 : index
    %swap3A_14 = arith.constant 0 : index
    %swap3A_15 = vector.load %arg4[%swap3A, %swap3A_14] : memref<512x64xf32, #tpu.memory_space<vmem>>, vector<512x64xf32>
    tpu.vector_store %arg4[%swap3A, %swap3A_14], %dot_general3A_13 {strides = array<i32>} : memref<512x64xf32, #tpu.memory_space<vmem>>, vector<512x64xf32>,
    %eq3A = arith.constant 0 : i32
    %eq3A_16 = arith.cmpi eq, %arg0, %eq3A : i32
    %convert_element_type3A = arith.extui %eq3A_16 : i1 to i32
    %cond3A = arith.constant 0 : i32
    %cond3A_17 = arith.cmpi ne, %convert_element_type3A, %cond3A : i32
    scf.if %cond3A_17 {
      %broadcast_in_dim3A_37 = arith.constant 0.000000e+00 : f32
      %broadcast_in_dim3A_38 = vector.broadcast %broadcast_in_dim3A_37 : f32 to vector<1x64xf32>
      %swap3A_39 = arith.constant 0 : index
      %swap3A_40 = arith.constant 0 : index
      %swap3A_41 = vector.load %arg5[%swap3A_39, %swap3A_40] : memref<1x64xf32, #tpu.memory_space<vmem>>, vector<1x64xf32>
      tpu.vector_store %arg5[%swap3A_39, %swap3A_40], %broadcast_in_dim3A_38 {strides = array<i32>} : memref<1x64xf32, #tpu.memory_space<vmem>>, vector<1x64xf32>,
      %broadcast_in_dim3A_42 = arith.constant 0.000000e+00 : f32
      %broadcast_in_dim3A_43 = vector.broadcast %broadcast_in_dim3A_42 : f32 to vector<1x64xf32>
      %swap3A_44 = arith.constant 0 : index
      %swap3A_45 = arith.constant 0 : index
      %swap3A_46 = vector.load %arg6[%swap3A_44, %swap3A_45] : memref<1x64xf32, #tpu.memory_space<vmem>>, vector<1x64xf32>
      tpu.vector_store %arg6[%swap3A_44, %swap3A_45], %broadcast_in_dim3A_43 {strides = array<i32>} : memref<1x64xf32, #tpu.memory_space<vmem>>, vector<1x64xf32>,
    } else {
    }
    %get3A_18 = arith.constant 0 : index
    %get3A_19 = arith.constant 0 : index
    %get3A_20 = vector.load %arg5[%get3A_18, %get3A_19] : memref<1x64xf32, #tpu.memory_space<vmem>>, vector<1x64xf32>
    %reduce_sum3A = arith.constant dense<0.000000e+00> : vector<64xf32>
    %reduce_sum3A_21 = vector.multi_reduction <add>, %dot_general3A_13, %reduce_sum3A [0] : vector<512x64xf32> to vector<64xf32>
    %broadcast_in_dim3A = vector.shape_cast %reduce_sum3A_21 : vector<64xf32> to vector<1x64xf32>
    %add3A_22 = arith.addf %get3A_20, %broadcast_in_dim3A : vector<1x64xf32>
    %swap3A_23 = arith.constant 0 : index
    %swap3A_24 = arith.constant 0 : index
    %swap3A_25 = vector.load %arg5[%swap3A_23, %swap3A_24] : memref<1x64xf32, #tpu.memory_space<vmem>>, vector<1x64xf32>
    tpu.vector_store %arg5[%swap3A_23, %swap3A_24], %add3A_22 {strides = array<i32>} : memref<1x64xf32, #tpu.memory_space<vmem>>, vector<1x64xf32>,
    %get3A_26 = arith.constant 0 : index
    %get3A_27 = arith.constant 0 : index
    %get3A_28 = vector.load %arg6[%get3A_26, %get3A_27] : memref<1x64xf32, #tpu.memory_space<vmem>>, vector<1x64xf32>
    %mul3A_29 = arith.mulf %dot_general3A_13, %dot_general3A_13 : vector<512x64xf32>
    %reduce_sum3A_30 = arith.constant dense<0.000000e+00> : vector<64xf32>
    %reduce_sum3A_31 = vector.multi_reduction <add>, %mul3A_29, %reduce_sum3A_30 [0] : vector<512x64xf32> to vector<64xf32>
    %broadcast_in_dim3A_32 = vector.shape_cast %reduce_sum3A_31 : vector<64xf32> to vector<1x64xf32>
    %add3A_33 = arith.addf %get3A_28, %broadcast_in_dim3A_32 : vector<1x64xf32>
    %swap3A_34 = arith.constant 0 : index
    %swap3A_35 = arith.constant 0 : index
    %swap3A_36 = vector.load %arg6[%swap3A_34, %swap3A_35] : memref<1x64xf32, #tpu.memory_space<vmem>>, vector<1x64xf32>
    tpu.vector_store %arg6[%swap3A_34, %swap3A_35], %add3A_33 {strides = array<i32>} : memref<1x64xf32, #tpu.memory_space<vmem>>, vector<1x64xf32>,
    return
  }
  func.func @transform_0(%arg0: i32) -> (i32, i32) {
    %c0_i32 = arith.constant 0 : i32
    %c0_i32_0 = arith.constant 0 : i32
    return %arg0, %c0_i32 : i32, i32
  }
  func.func @transform_1(%arg0: i32) -> (i32, i32) {
    %c0_i32 = arith.constant 0 : i32
    %c0_i32_0 = arith.constant 0 : i32
    %c0_i32_1 = arith.constant 0 : i32
    return %c0_i32, %c0_i32_0 : i32, i32
  }
  func.func @transform_2(%arg0: i32) -> (i32, i32) {
    %c0_i32 = arith.constant 0 : i32
    %c0_i32_0 = arith.constant 0 : i32
    %c0_i32_1 = arith.constant 0 : i32
    return %c0_i32, %c0_i32_0 : i32, i32
  }
  func.func @transform_3(%arg0: i32) -> (i32, i32) {
    %c0_i32 = arith.constant 0 : i32
    %c0_i32_0 = arith.constant 0 : i32
    return %arg0, %c0_i32 : i32, i32
  }
  func.func @transform_4(%arg0: i32) -> (i32, i32) {
    %c0_i32 = arith.constant 0 : i32
    %c0_i32_0 = arith.constant 0 : i32
    %c0_i32_1 = arith.constant 0 : i32
    return %c0_i32, %c0_i32_0 : i32, i32
  }
  func.func @transform_5(%arg0: i32) -> (i32, i32) {
    %c0_i32 = arith.constant 0 : i32
    %c0_i32_0 = arith.constant 0 : i32
    %c0_i32_1 = arith.constant 0 : i32
    return %c0_i32, %c0_i32_0 : i32, i32
  }
}

module attributes {stable_mosaic.version = 14 : i64} {
  func.func @_layer_body(%arg0: i32, %arg1: memref<512x64xf32, #tpu.memory_space<vmem>>, %arg2: memref<64x128xf32, #tpu.memory_space<vmem>>, %arg3: memref<2x64xf32, #tpu.memory_space<vmem>>, %arg4: memref<512x128xf32, #tpu.memory_space<vmem>>, %arg5: memref<1x128xf32, #tpu.memory_space<vmem>>, %arg6: memref<1x128xf32, #tpu.memory_space<vmem>>) attributes {dimension_semantics = [#tpu.dimension_semantics<arbitrary>], iteration_bounds = array<i64: 64>, scalar_prefetch = 0 : i64, scratch_operands = 0 : i64, tpu.core_type = #tpu.core_type<tc>, window_params = [{transform_indices = @transform_0, window_bounds = array<i64: 512, 64>}, {pipeline_mode = #tpu.pipeline_mode<synchronous>, transform_indices = @transform_1, window_bounds = array<i64: 64, 128>}, {pipeline_mode = #tpu.pipeline_mode<synchronous>, transform_indices = @transform_2, window_bounds = array<i64: 2, 64>}, {transform_indices = @transform_3, window_bounds = array<i64: 512, 128>}, {pipeline_mode = #tpu.pipeline_mode<synchronous>, transform_indices = @transform_4, window_bounds = array<i64: 1, 128>}, {pipeline_mode = #tpu.pipeline_mode<synchronous>, transform_indices = @transform_5, window_bounds = array<i64: 1, 128>}]} {
    %get3A = arith.constant 0 : index
    %get3A_0 = arith.constant 0 : index
    %get3A_1 = vector.load %arg1[%get3A, %get3A_0] : memref<512x64xf32, #tpu.memory_space<vmem>>, vector<512x64xf32>
    %get3A_2 = arith.constant 0 : index
    %get3A_3 = arith.constant 0 : index
    %get3A_4 = vector.load %arg3[%get3A_2, %get3A_3] : memref<2x64xf32, #tpu.memory_space<vmem>>, vector<2x64xf32>
    %slice3A = vector.extract_strided_slice %get3A_4 {offsets = [0, 0], sizes = [1, 64], strides = [1, 1]} : vector<2x64xf32> to vector<1x64xf32>
    %mul3A = vector.broadcast %slice3A : vector<1x64xf32> to vector<512x64xf32>
    %mul3A_5 = arith.mulf %get3A_1, %mul3A : vector<512x64xf32>
    %slice3A_6 = vector.extract_strided_slice %get3A_4 {offsets = [1, 0], sizes = [1, 64], strides = [1, 1]} : vector<2x64xf32> to vector<1x64xf32>
    %add3A = vector.broadcast %slice3A_6 : vector<1x64xf32> to vector<512x64xf32>
    %add3A_7 = arith.addf %mul3A_5, %add3A : vector<512x64xf32>
    %max3A = arith.constant 0.000000e+00 : f32
    %max3A_8 = vector.broadcast %max3A : f32 to vector<512x64xf32>
    %max3A_9 = arith.maximumf %add3A_7, %max3A_8 : vector<512x64xf32>
    %get3A_10 = arith.constant 0 : index
    %get3A_11 = arith.constant 0 : index
    %get3A_12 = vector.load %arg2[%get3A_10, %get3A_11] : memref<64x128xf32, #tpu.memory_space<vmem>>, vector<64x128xf32>
    %dot_general3A = arith.constant dense<0.000000e+00> : vector<512x128xf32>
    %dot_general3A_13 = tpu.matmul %max3A_9, %get3A_12, %dot_general3A {dimension_numbers = #tpu.dot_dimension_numbers<[1], [0], [0], [1], [0, 0, 1, 1], [], []>, transpose_lhs_hint = false} : vector<512x64xf32>, vector<64x128xf32>, vector<512x128xf32> -> vector<512x128xf32>
    %swap3A = arith.constant 0 : index
    %swap3A_14 = arith.constant 0 : index
    %swap3A_15 = vector.load %arg4[%swap3A, %swap3A_14] : memref<512x128xf32, #tpu.memory_space<vmem>>, vector<512x128xf32>
    tpu.vector_store %arg4[%swap3A, %swap3A_14], %dot_general3A_13 {strides = array<i32>} : memref<512x128xf32, #tpu.memory_space<vmem>>, vector<512x128xf32>,
    %eq3A = arith.constant 0 : i32
    %eq3A_16 = arith.cmpi eq, %arg0, %eq3A : i32
    %convert_element_type3A = arith.extui %eq3A_16 : i1 to i32
    %cond3A = arith.constant 0 : i32
    %cond3A_17 = arith.cmpi ne, %convert_element_type3A, %cond3A : i32
    scf.if %cond3A_17 {
      %broadcast_in_dim3A_37 = arith.constant 0.000000e+00 : f32
      %broadcast_in_dim3A_38 = vector.broadcast %broadcast_in_dim3A_37 : f32 to vector<1x128xf32>
      %swap3A_39 = arith.constant 0 : index
      %swap3A_40 = arith.constant 0 : index
      %swap3A_41 = vector.load %arg5[%swap3A_39, %swap3A_40] : memref<1x128xf32, #tpu.memory_space<vmem>>, vector<1x128xf32>
      tpu.vector_store %arg5[%swap3A_39, %swap3A_40], %broadcast_in_dim3A_38 {strides = array<i32>} : memref<1x128xf32, #tpu.memory_space<vmem>>, vector<1x128xf32>,
      %broadcast_in_dim3A_42 = arith.constant 0.000000e+00 : f32
      %broadcast_in_dim3A_43 = vector.broadcast %broadcast_in_dim3A_42 : f32 to vector<1x128xf32>
      %swap3A_44 = arith.constant 0 : index
      %swap3A_45 = arith.constant 0 : index
      %swap3A_46 = vector.load %arg6[%swap3A_44, %swap3A_45] : memref<1x128xf32, #tpu.memory_space<vmem>>, vector<1x128xf32>
      tpu.vector_store %arg6[%swap3A_44, %swap3A_45], %broadcast_in_dim3A_43 {strides = array<i32>} : memref<1x128xf32, #tpu.memory_space<vmem>>, vector<1x128xf32>,
    } else {
    }
    %get3A_18 = arith.constant 0 : index
    %get3A_19 = arith.constant 0 : index
    %get3A_20 = vector.load %arg5[%get3A_18, %get3A_19] : memref<1x128xf32, #tpu.memory_space<vmem>>, vector<1x128xf32>
    %reduce_sum3A = arith.constant dense<0.000000e+00> : vector<128xf32>
    %reduce_sum3A_21 = vector.multi_reduction <add>, %dot_general3A_13, %reduce_sum3A [0] : vector<512x128xf32> to vector<128xf32>
    %broadcast_in_dim3A = vector.shape_cast %reduce_sum3A_21 : vector<128xf32> to vector<1x128xf32>
    %add3A_22 = arith.addf %get3A_20, %broadcast_in_dim3A : vector<1x128xf32>
    %swap3A_23 = arith.constant 0 : index
    %swap3A_24 = arith.constant 0 : index
    %swap3A_25 = vector.load %arg5[%swap3A_23, %swap3A_24] : memref<1x128xf32, #tpu.memory_space<vmem>>, vector<1x128xf32>
    tpu.vector_store %arg5[%swap3A_23, %swap3A_24], %add3A_22 {strides = array<i32>} : memref<1x128xf32, #tpu.memory_space<vmem>>, vector<1x128xf32>,
    %get3A_26 = arith.constant 0 : index
    %get3A_27 = arith.constant 0 : index
    %get3A_28 = vector.load %arg6[%get3A_26, %get3A_27] : memref<1x128xf32, #tpu.memory_space<vmem>>, vector<1x128xf32>
    %mul3A_29 = arith.mulf %dot_general3A_13, %dot_general3A_13 : vector<512x128xf32>
    %reduce_sum3A_30 = arith.constant dense<0.000000e+00> : vector<128xf32>
    %reduce_sum3A_31 = vector.multi_reduction <add>, %mul3A_29, %reduce_sum3A_30 [0] : vector<512x128xf32> to vector<128xf32>
    %broadcast_in_dim3A_32 = vector.shape_cast %reduce_sum3A_31 : vector<128xf32> to vector<1x128xf32>
    %add3A_33 = arith.addf %get3A_28, %broadcast_in_dim3A_32 : vector<1x128xf32>
    %swap3A_34 = arith.constant 0 : index
    %swap3A_35 = arith.constant 0 : index
    %swap3A_36 = vector.load %arg6[%swap3A_34, %swap3A_35] : memref<1x128xf32, #tpu.memory_space<vmem>>, vector<1x128xf32>
    tpu.vector_store %arg6[%swap3A_34, %swap3A_35], %add3A_33 {strides = array<i32>} : memref<1x128xf32, #tpu.memory_space<vmem>>, vector<1x128xf32>,
    return
  }
  func.func @transform_0(%arg0: i32) -> (i32, i32) {
    %c0_i32 = arith.constant 0 : i32
    %c0_i32_0 = arith.constant 0 : i32
    return %arg0, %c0_i32 : i32, i32
  }
  func.func @transform_1(%arg0: i32) -> (i32, i32) {
    %c0_i32 = arith.constant 0 : i32
    %c0_i32_0 = arith.constant 0 : i32
    %c0_i32_1 = arith.constant 0 : i32
    return %c0_i32, %c0_i32_0 : i32, i32
  }
  func.func @transform_2(%arg0: i32) -> (i32, i32) {
    %c0_i32 = arith.constant 0 : i32
    %c0_i32_0 = arith.constant 0 : i32
    %c0_i32_1 = arith.constant 0 : i32
    return %c0_i32, %c0_i32_0 : i32, i32
  }
  func.func @transform_3(%arg0: i32) -> (i32, i32) {
    %c0_i32 = arith.constant 0 : i32
    %c0_i32_0 = arith.constant 0 : i32
    return %arg0, %c0_i32 : i32, i32
  }
  func.func @transform_4(%arg0: i32) -> (i32, i32) {
    %c0_i32 = arith.constant 0 : i32
    %c0_i32_0 = arith.constant 0 : i32
    %c0_i32_1 = arith.constant 0 : i32
    return %c0_i32, %c0_i32_0 : i32, i32
  }
  func.func @transform_5(%arg0: i32) -> (i32, i32) {
    %c0_i32 = arith.constant 0 : i32
    %c0_i32_0 = arith.constant 0 : i32
    %c0_i32_1 = arith.constant 0 : i32
    return %c0_i32, %c0_i32_0 : i32, i32
  }
}

module attributes {stable_mosaic.version = 14 : i64} {
  func.func @_pool_body(%arg0: i32, %arg1: memref<16x32x128xf32, #tpu.memory_space<vmem>>, %arg2: memref<2x128xf32, #tpu.memory_space<vmem>>, %arg3: memref<16x128xf32, #tpu.memory_space<vmem>>) attributes {dimension_semantics = [#tpu.dimension_semantics<arbitrary>], iteration_bounds = array<i64: 64>, scalar_prefetch = 0 : i64, scratch_operands = 0 : i64, tpu.core_type = #tpu.core_type<tc>, window_params = [{transform_indices = @transform_0, window_bounds = array<i64: 16, 32, 128>}, {pipeline_mode = #tpu.pipeline_mode<synchronous>, transform_indices = @transform_1, window_bounds = array<i64: 2, 128>}, {transform_indices = @transform_2, window_bounds = array<i64: 16, 128>}]} {
    %get3A = arith.constant 0 : index
    %get3A_0 = arith.constant 0 : index
    %get3A_1 = arith.constant 0 : index
    %get3A_2 = vector.load %arg1[%get3A, %get3A_0, %get3A_1] : memref<16x32x128xf32, #tpu.memory_space<vmem>>, vector<16x32x128xf32>
    %get3A_3 = arith.constant 0 : index
    %get3A_4 = arith.constant 0 : index
    %get3A_5 = vector.load %arg2[%get3A_3, %get3A_4] : memref<2x128xf32, #tpu.memory_space<vmem>>, vector<2x128xf32>
    %slice3A = vector.extract_strided_slice %get3A_5 {offsets = [0, 0], sizes = [1, 128], strides = [1, 1]} : vector<2x128xf32> to vector<1x128xf32>
    %broadcast_in_dim3A = vector.shape_cast %slice3A : vector<1x128xf32> to vector<1x1x128xf32>
    %mul3A = vector.broadcast %broadcast_in_dim3A : vector<1x1x128xf32> to vector<16x32x128xf32>
    %mul3A_6 = arith.mulf %get3A_2, %mul3A : vector<16x32x128xf32>
    %slice3A_7 = vector.extract_strided_slice %get3A_5 {offsets = [1, 0], sizes = [1, 128], strides = [1, 1]} : vector<2x128xf32> to vector<1x128xf32>
    %broadcast_in_dim3A_8 = vector.shape_cast %slice3A_7 : vector<1x128xf32> to vector<1x1x128xf32>
    %add3A = vector.broadcast %broadcast_in_dim3A_8 : vector<1x1x128xf32> to vector<16x32x128xf32>
    %add3A_9 = arith.addf %mul3A_6, %add3A : vector<16x32x128xf32>
    %max3A = arith.constant 0.000000e+00 : f32
    %max3A_10 = vector.broadcast %max3A : f32 to vector<16x32x128xf32>
    %max3A_11 = arith.maximumf %add3A_9, %max3A_10 : vector<16x32x128xf32>
    %reduce_max3A = arith.constant dense<0xFF800000> : vector<16x128xf32>
    %reduce_max3A_12 = vector.multi_reduction <maximumf>, %max3A_11, %reduce_max3A [1] : vector<16x32x128xf32> to vector<16x128xf32>
    %swap3A = arith.constant 0 : index
    %swap3A_13 = arith.constant 0 : index
    %swap3A_14 = vector.load %arg3[%swap3A, %swap3A_13] : memref<16x128xf32, #tpu.memory_space<vmem>>, vector<16x128xf32>
    tpu.vector_store %arg3[%swap3A, %swap3A_13], %reduce_max3A_12 {strides = array<i32>} : memref<16x128xf32, #tpu.memory_space<vmem>>, vector<16x128xf32>,
    return
  }
  func.func @transform_0(%arg0: i32) -> (i32, i32, i32) {
    %c0_i32 = arith.constant 0 : i32
    %c0_i32_0 = arith.constant 0 : i32
    %c0_i32_1 = arith.constant 0 : i32
    return %arg0, %c0_i32, %c0_i32_0 : i32, i32, i32
  }
  func.func @transform_1(%arg0: i32) -> (i32, i32) {
    %c0_i32 = arith.constant 0 : i32
    %c0_i32_0 = arith.constant 0 : i32
    %c0_i32_1 = arith.constant 0 : i32
    return %c0_i32, %c0_i32_0 : i32, i32
  }
  func.func @transform_2(%arg0: i32) -> (i32, i32) {
    %c0_i32 = arith.constant 0 : i32
    %c0_i32_0 = arith.constant 0 : i32
    return %arg0, %c0_i32 : i32, i32
  }
}

module attributes {stable_mosaic.version = 14 : i64} {
  func.func @_layer1_body(%arg0: i32, %arg1: memref<8x64x336xf32, #tpu.memory_space<vmem>>, %arg2: memref<8x336xf32, #tpu.memory_space<vmem>>, %arg3: memref<336x128xf32, #tpu.memory_space<vmem>>, %arg4: memref<512x128xf32, #tpu.memory_space<vmem>>, %arg5: memref<1x128xf32, #tpu.memory_space<vmem>>, %arg6: memref<1x128xf32, #tpu.memory_space<vmem>>) attributes {dimension_semantics = [#tpu.dimension_semantics<arbitrary>], iteration_bounds = array<i64: 128>, scalar_prefetch = 0 : i64, scratch_operands = 0 : i64, tpu.core_type = #tpu.core_type<tc>, window_params = [{transform_indices = @transform_0, window_bounds = array<i64: 8, 64, 336>}, {transform_indices = @transform_1, window_bounds = array<i64: 8, 336>}, {pipeline_mode = #tpu.pipeline_mode<synchronous>, transform_indices = @transform_2, window_bounds = array<i64: 336, 128>}, {transform_indices = @transform_3, window_bounds = array<i64: 512, 128>}, {pipeline_mode = #tpu.pipeline_mode<synchronous>, transform_indices = @transform_4, window_bounds = array<i64: 1, 128>}, {pipeline_mode = #tpu.pipeline_mode<synchronous>, transform_indices = @transform_5, window_bounds = array<i64: 1, 128>}]} {
    %get3A = arith.constant 0 : index
    %get3A_0 = arith.constant 0 : index
    %get3A_1 = arith.constant 0 : index
    %get3A_2 = vector.load %arg1[%get3A, %get3A_0, %get3A_1] : memref<8x64x336xf32, #tpu.memory_space<vmem>>, vector<8x64x336xf32>
    %get3A_3 = arith.constant 0 : index
    %get3A_4 = arith.constant 0 : index
    %get3A_5 = vector.load %arg2[%get3A_3, %get3A_4] : memref<8x336xf32, #tpu.memory_space<vmem>>, vector<8x336xf32>
    %broadcast_in_dim3A = vector.shape_cast %get3A_5 : vector<8x336xf32> to vector<8x1x336xf32>
    %sub3A = vector.broadcast %broadcast_in_dim3A : vector<8x1x336xf32> to vector<8x64x336xf32>
    %sub3A_6 = arith.subf %get3A_2, %sub3A : vector<8x64x336xf32>
    %reshape3A = vector.shape_cast %sub3A_6 : vector<8x64x336xf32> to vector<512x336xf32>
    %get3A_7 = arith.constant 0 : index
    %get3A_8 = arith.constant 0 : index
    %get3A_9 = vector.load %arg3[%get3A_7, %get3A_8] : memref<336x128xf32, #tpu.memory_space<vmem>>, vector<336x128xf32>
    %dot_general3A = arith.constant dense<0.000000e+00> : vector<512x128xf32>
    %dot_general3A_10 = tpu.matmul %reshape3A, %get3A_9, %dot_general3A {dimension_numbers = #tpu.dot_dimension_numbers<[1], [0], [0], [1], [0, 0, 1, 1], [], []>, transpose_lhs_hint = false} : vector<512x336xf32>, vector<336x128xf32>, vector<512x128xf32> -> vector<512x128xf32>
    %swap3A = arith.constant 0 : index
    %swap3A_11 = arith.constant 0 : index
    %swap3A_12 = vector.load %arg4[%swap3A, %swap3A_11] : memref<512x128xf32, #tpu.memory_space<vmem>>, vector<512x128xf32>
    tpu.vector_store %arg4[%swap3A, %swap3A_11], %dot_general3A_10 {strides = array<i32>} : memref<512x128xf32, #tpu.memory_space<vmem>>, vector<512x128xf32>,
    %eq3A = arith.constant 0 : i32
    %eq3A_13 = arith.cmpi eq, %arg0, %eq3A : i32
    %convert_element_type3A = arith.extui %eq3A_13 : i1 to i32
    %cond3A = arith.constant 0 : i32
    %cond3A_14 = arith.cmpi ne, %convert_element_type3A, %cond3A : i32
    scf.if %cond3A_14 {
      %broadcast_in_dim3A_33 = arith.constant 0.000000e+00 : f32
      %broadcast_in_dim3A_34 = vector.broadcast %broadcast_in_dim3A_33 : f32 to vector<1x128xf32>
      %swap3A_35 = arith.constant 0 : index
      %swap3A_36 = arith.constant 0 : index
      %swap3A_37 = vector.load %arg5[%swap3A_35, %swap3A_36] : memref<1x128xf32, #tpu.memory_space<vmem>>, vector<1x128xf32>
      tpu.vector_store %arg5[%swap3A_35, %swap3A_36], %broadcast_in_dim3A_34 {strides = array<i32>} : memref<1x128xf32, #tpu.memory_space<vmem>>, vector<1x128xf32>,
      %broadcast_in_dim3A_38 = arith.constant 0.000000e+00 : f32
      %broadcast_in_dim3A_39 = vector.broadcast %broadcast_in_dim3A_38 : f32 to vector<1x128xf32>
      %swap3A_40 = arith.constant 0 : index
      %swap3A_41 = arith.constant 0 : index
      %swap3A_42 = vector.load %arg6[%swap3A_40, %swap3A_41] : memref<1x128xf32, #tpu.memory_space<vmem>>, vector<1x128xf32>
      tpu.vector_store %arg6[%swap3A_40, %swap3A_41], %broadcast_in_dim3A_39 {strides = array<i32>} : memref<1x128xf32, #tpu.memory_space<vmem>>, vector<1x128xf32>,
    } else {
    }
    %get3A_15 = arith.constant 0 : index
    %get3A_16 = arith.constant 0 : index
    %get3A_17 = vector.load %arg5[%get3A_15, %get3A_16] : memref<1x128xf32, #tpu.memory_space<vmem>>, vector<1x128xf32>
    %reduce_sum3A = arith.constant dense<0.000000e+00> : vector<128xf32>
    %reduce_sum3A_18 = vector.multi_reduction <add>, %dot_general3A_10, %reduce_sum3A [0] : vector<512x128xf32> to vector<128xf32>
    %broadcast_in_dim3A_19 = vector.shape_cast %reduce_sum3A_18 : vector<128xf32> to vector<1x128xf32>
    %add3A = arith.addf %get3A_17, %broadcast_in_dim3A_19 : vector<1x128xf32>
    %swap3A_20 = arith.constant 0 : index
    %swap3A_21 = arith.constant 0 : index
    %swap3A_22 = vector.load %arg5[%swap3A_20, %swap3A_21] : memref<1x128xf32, #tpu.memory_space<vmem>>, vector<1x128xf32>
    tpu.vector_store %arg5[%swap3A_20, %swap3A_21], %add3A {strides = array<i32>} : memref<1x128xf32, #tpu.memory_space<vmem>>, vector<1x128xf32>,
    %get3A_23 = arith.constant 0 : index
    %get3A_24 = arith.constant 0 : index
    %get3A_25 = vector.load %arg6[%get3A_23, %get3A_24] : memref<1x128xf32, #tpu.memory_space<vmem>>, vector<1x128xf32>
    %mul3A = arith.mulf %dot_general3A_10, %dot_general3A_10 : vector<512x128xf32>
    %reduce_sum3A_26 = arith.constant dense<0.000000e+00> : vector<128xf32>
    %reduce_sum3A_27 = vector.multi_reduction <add>, %mul3A, %reduce_sum3A_26 [0] : vector<512x128xf32> to vector<128xf32>
    %broadcast_in_dim3A_28 = vector.shape_cast %reduce_sum3A_27 : vector<128xf32> to vector<1x128xf32>
    %add3A_29 = arith.addf %get3A_25, %broadcast_in_dim3A_28 : vector<1x128xf32>
    %swap3A_30 = arith.constant 0 : index
    %swap3A_31 = arith.constant 0 : index
    %swap3A_32 = vector.load %arg6[%swap3A_30, %swap3A_31] : memref<1x128xf32, #tpu.memory_space<vmem>>, vector<1x128xf32>
    tpu.vector_store %arg6[%swap3A_30, %swap3A_31], %add3A_29 {strides = array<i32>} : memref<1x128xf32, #tpu.memory_space<vmem>>, vector<1x128xf32>,
    return
  }
  func.func @transform_0(%arg0: i32) -> (i32, i32, i32) {
    %c0_i32 = arith.constant 0 : i32
    %c0_i32_0 = arith.constant 0 : i32
    %c0_i32_1 = arith.constant 0 : i32
    return %arg0, %c0_i32, %c0_i32_0 : i32, i32, i32
  }
  func.func @transform_1(%arg0: i32) -> (i32, i32) {
    %c0_i32 = arith.constant 0 : i32
    %c0_i32_0 = arith.constant 0 : i32
    return %arg0, %c0_i32 : i32, i32
  }
  func.func @transform_2(%arg0: i32) -> (i32, i32) {
    %c0_i32 = arith.constant 0 : i32
    %c0_i32_0 = arith.constant 0 : i32
    %c0_i32_1 = arith.constant 0 : i32
    return %c0_i32, %c0_i32_0 : i32, i32
  }
  func.func @transform_3(%arg0: i32) -> (i32, i32) {
    %c0_i32 = arith.constant 0 : i32
    %c0_i32_0 = arith.constant 0 : i32
    return %arg0, %c0_i32 : i32, i32
  }
  func.func @transform_4(%arg0: i32) -> (i32, i32) {
    %c0_i32 = arith.constant 0 : i32
    %c0_i32_0 = arith.constant 0 : i32
    %c0_i32_1 = arith.constant 0 : i32
    return %c0_i32, %c0_i32_0 : i32, i32
  }
  func.func @transform_5(%arg0: i32) -> (i32, i32) {
    %c0_i32 = arith.constant 0 : i32
    %c0_i32_0 = arith.constant 0 : i32
    %c0_i32_1 = arith.constant 0 : i32
    return %c0_i32, %c0_i32_0 : i32, i32
  }
}

module attributes {stable_mosaic.version = 14 : i64} {
  func.func @_layer_body(%arg0: i32, %arg1: memref<512x128xf32, #tpu.memory_space<vmem>>, %arg2: memref<128x128xf32, #tpu.memory_space<vmem>>, %arg3: memref<2x128xf32, #tpu.memory_space<vmem>>, %arg4: memref<512x128xf32, #tpu.memory_space<vmem>>, %arg5: memref<1x128xf32, #tpu.memory_space<vmem>>, %arg6: memref<1x128xf32, #tpu.memory_space<vmem>>) attributes {dimension_semantics = [#tpu.dimension_semantics<arbitrary>], iteration_bounds = array<i64: 128>, scalar_prefetch = 0 : i64, scratch_operands = 0 : i64, tpu.core_type = #tpu.core_type<tc>, window_params = [{transform_indices = @transform_0, window_bounds = array<i64: 512, 128>}, {pipeline_mode = #tpu.pipeline_mode<synchronous>, transform_indices = @transform_1, window_bounds = array<i64: 128, 128>}, {pipeline_mode = #tpu.pipeline_mode<synchronous>, transform_indices = @transform_2, window_bounds = array<i64: 2, 128>}, {transform_indices = @transform_3, window_bounds = array<i64: 512, 128>}, {pipeline_mode = #tpu.pipeline_mode<synchronous>, transform_indices = @transform_4, window_bounds = array<i64: 1, 128>}, {pipeline_mode = #tpu.pipeline_mode<synchronous>, transform_indices = @transform_5, window_bounds = array<i64: 1, 128>}]} {
    %get3A = arith.constant 0 : index
    %get3A_0 = arith.constant 0 : index
    %get3A_1 = vector.load %arg1[%get3A, %get3A_0] : memref<512x128xf32, #tpu.memory_space<vmem>>, vector<512x128xf32>
    %get3A_2 = arith.constant 0 : index
    %get3A_3 = arith.constant 0 : index
    %get3A_4 = vector.load %arg3[%get3A_2, %get3A_3] : memref<2x128xf32, #tpu.memory_space<vmem>>, vector<2x128xf32>
    %slice3A = vector.extract_strided_slice %get3A_4 {offsets = [0, 0], sizes = [1, 128], strides = [1, 1]} : vector<2x128xf32> to vector<1x128xf32>
    %mul3A = vector.broadcast %slice3A : vector<1x128xf32> to vector<512x128xf32>
    %mul3A_5 = arith.mulf %get3A_1, %mul3A : vector<512x128xf32>
    %slice3A_6 = vector.extract_strided_slice %get3A_4 {offsets = [1, 0], sizes = [1, 128], strides = [1, 1]} : vector<2x128xf32> to vector<1x128xf32>
    %add3A = vector.broadcast %slice3A_6 : vector<1x128xf32> to vector<512x128xf32>
    %add3A_7 = arith.addf %mul3A_5, %add3A : vector<512x128xf32>
    %max3A = arith.constant 0.000000e+00 : f32
    %max3A_8 = vector.broadcast %max3A : f32 to vector<512x128xf32>
    %max3A_9 = arith.maximumf %add3A_7, %max3A_8 : vector<512x128xf32>
    %get3A_10 = arith.constant 0 : index
    %get3A_11 = arith.constant 0 : index
    %get3A_12 = vector.load %arg2[%get3A_10, %get3A_11] : memref<128x128xf32, #tpu.memory_space<vmem>>, vector<128x128xf32>
    %dot_general3A = arith.constant dense<0.000000e+00> : vector<512x128xf32>
    %dot_general3A_13 = tpu.matmul %max3A_9, %get3A_12, %dot_general3A {dimension_numbers = #tpu.dot_dimension_numbers<[1], [0], [0], [1], [0, 0, 1, 1], [], []>, transpose_lhs_hint = false} : vector<512x128xf32>, vector<128x128xf32>, vector<512x128xf32> -> vector<512x128xf32>
    %swap3A = arith.constant 0 : index
    %swap3A_14 = arith.constant 0 : index
    %swap3A_15 = vector.load %arg4[%swap3A, %swap3A_14] : memref<512x128xf32, #tpu.memory_space<vmem>>, vector<512x128xf32>
    tpu.vector_store %arg4[%swap3A, %swap3A_14], %dot_general3A_13 {strides = array<i32>} : memref<512x128xf32, #tpu.memory_space<vmem>>, vector<512x128xf32>,
    %eq3A = arith.constant 0 : i32
    %eq3A_16 = arith.cmpi eq, %arg0, %eq3A : i32
    %convert_element_type3A = arith.extui %eq3A_16 : i1 to i32
    %cond3A = arith.constant 0 : i32
    %cond3A_17 = arith.cmpi ne, %convert_element_type3A, %cond3A : i32
    scf.if %cond3A_17 {
      %broadcast_in_dim3A_37 = arith.constant 0.000000e+00 : f32
      %broadcast_in_dim3A_38 = vector.broadcast %broadcast_in_dim3A_37 : f32 to vector<1x128xf32>
      %swap3A_39 = arith.constant 0 : index
      %swap3A_40 = arith.constant 0 : index
      %swap3A_41 = vector.load %arg5[%swap3A_39, %swap3A_40] : memref<1x128xf32, #tpu.memory_space<vmem>>, vector<1x128xf32>
      tpu.vector_store %arg5[%swap3A_39, %swap3A_40], %broadcast_in_dim3A_38 {strides = array<i32>} : memref<1x128xf32, #tpu.memory_space<vmem>>, vector<1x128xf32>,
      %broadcast_in_dim3A_42 = arith.constant 0.000000e+00 : f32
      %broadcast_in_dim3A_43 = vector.broadcast %broadcast_in_dim3A_42 : f32 to vector<1x128xf32>
      %swap3A_44 = arith.constant 0 : index
      %swap3A_45 = arith.constant 0 : index
      %swap3A_46 = vector.load %arg6[%swap3A_44, %swap3A_45] : memref<1x128xf32, #tpu.memory_space<vmem>>, vector<1x128xf32>
      tpu.vector_store %arg6[%swap3A_44, %swap3A_45], %broadcast_in_dim3A_43 {strides = array<i32>} : memref<1x128xf32, #tpu.memory_space<vmem>>, vector<1x128xf32>,
    } else {
    }
    %get3A_18 = arith.constant 0 : index
    %get3A_19 = arith.constant 0 : index
    %get3A_20 = vector.load %arg5[%get3A_18, %get3A_19] : memref<1x128xf32, #tpu.memory_space<vmem>>, vector<1x128xf32>
    %reduce_sum3A = arith.constant dense<0.000000e+00> : vector<128xf32>
    %reduce_sum3A_21 = vector.multi_reduction <add>, %dot_general3A_13, %reduce_sum3A [0] : vector<512x128xf32> to vector<128xf32>
    %broadcast_in_dim3A = vector.shape_cast %reduce_sum3A_21 : vector<128xf32> to vector<1x128xf32>
    %add3A_22 = arith.addf %get3A_20, %broadcast_in_dim3A : vector<1x128xf32>
    %swap3A_23 = arith.constant 0 : index
    %swap3A_24 = arith.constant 0 : index
    %swap3A_25 = vector.load %arg5[%swap3A_23, %swap3A_24] : memref<1x128xf32, #tpu.memory_space<vmem>>, vector<1x128xf32>
    tpu.vector_store %arg5[%swap3A_23, %swap3A_24], %add3A_22 {strides = array<i32>} : memref<1x128xf32, #tpu.memory_space<vmem>>, vector<1x128xf32>,
    %get3A_26 = arith.constant 0 : index
    %get3A_27 = arith.constant 0 : index
    %get3A_28 = vector.load %arg6[%get3A_26, %get3A_27] : memref<1x128xf32, #tpu.memory_space<vmem>>, vector<1x128xf32>
    %mul3A_29 = arith.mulf %dot_general3A_13, %dot_general3A_13 : vector<512x128xf32>
    %reduce_sum3A_30 = arith.constant dense<0.000000e+00> : vector<128xf32>
    %reduce_sum3A_31 = vector.multi_reduction <add>, %mul3A_29, %reduce_sum3A_30 [0] : vector<512x128xf32> to vector<128xf32>
    %broadcast_in_dim3A_32 = vector.shape_cast %reduce_sum3A_31 : vector<128xf32> to vector<1x128xf32>
    %add3A_33 = arith.addf %get3A_28, %broadcast_in_dim3A_32 : vector<1x128xf32>
    %swap3A_34 = arith.constant 0 : index
    %swap3A_35 = arith.constant 0 : index
    %swap3A_36 = vector.load %arg6[%swap3A_34, %swap3A_35] : memref<1x128xf32, #tpu.memory_space<vmem>>, vector<1x128xf32>
    tpu.vector_store %arg6[%swap3A_34, %swap3A_35], %add3A_33 {strides = array<i32>} : memref<1x128xf32, #tpu.memory_space<vmem>>, vector<1x128xf32>,
    return
  }
  func.func @transform_0(%arg0: i32) -> (i32, i32) {
    %c0_i32 = arith.constant 0 : i32
    %c0_i32_0 = arith.constant 0 : i32
    return %arg0, %c0_i32 : i32, i32
  }
  func.func @transform_1(%arg0: i32) -> (i32, i32) {
    %c0_i32 = arith.constant 0 : i32
    %c0_i32_0 = arith.constant 0 : i32
    %c0_i32_1 = arith.constant 0 : i32
    return %c0_i32, %c0_i32_0 : i32, i32
  }
  func.func @transform_2(%arg0: i32) -> (i32, i32) {
    %c0_i32 = arith.constant 0 : i32
    %c0_i32_0 = arith.constant 0 : i32
    %c0_i32_1 = arith.constant 0 : i32
    return %c0_i32, %c0_i32_0 : i32, i32
  }
  func.func @transform_3(%arg0: i32) -> (i32, i32) {
    %c0_i32 = arith.constant 0 : i32
    %c0_i32_0 = arith.constant 0 : i32
    return %arg0, %c0_i32 : i32, i32
  }
  func.func @transform_4(%arg0: i32) -> (i32, i32) {
    %c0_i32 = arith.constant 0 : i32
    %c0_i32_0 = arith.constant 0 : i32
    %c0_i32_1 = arith.constant 0 : i32
    return %c0_i32, %c0_i32_0 : i32, i32
  }
  func.func @transform_5(%arg0: i32) -> (i32, i32) {
    %c0_i32 = arith.constant 0 : i32
    %c0_i32_0 = arith.constant 0 : i32
    %c0_i32_1 = arith.constant 0 : i32
    return %c0_i32, %c0_i32_0 : i32, i32
  }
}

module attributes {stable_mosaic.version = 14 : i64} {
  func.func @_layer_body(%arg0: i32, %arg1: memref<512x128xf32, #tpu.memory_space<vmem>>, %arg2: memref<128x256xf32, #tpu.memory_space<vmem>>, %arg3: memref<2x128xf32, #tpu.memory_space<vmem>>, %arg4: memref<512x256xf32, #tpu.memory_space<vmem>>, %arg5: memref<1x256xf32, #tpu.memory_space<vmem>>, %arg6: memref<1x256xf32, #tpu.memory_space<vmem>>) attributes {dimension_semantics = [#tpu.dimension_semantics<arbitrary>], iteration_bounds = array<i64: 128>, scalar_prefetch = 0 : i64, scratch_operands = 0 : i64, tpu.core_type = #tpu.core_type<tc>, window_params = [{transform_indices = @transform_0, window_bounds = array<i64: 512, 128>}, {pipeline_mode = #tpu.pipeline_mode<synchronous>, transform_indices = @transform_1, window_bounds = array<i64: 128, 256>}, {pipeline_mode = #tpu.pipeline_mode<synchronous>, transform_indices = @transform_2, window_bounds = array<i64: 2, 128>}, {transform_indices = @transform_3, window_bounds = array<i64: 512, 256>}, {pipeline_mode = #tpu.pipeline_mode<synchronous>, transform_indices = @transform_4, window_bounds = array<i64: 1, 256>}, {pipeline_mode = #tpu.pipeline_mode<synchronous>, transform_indices = @transform_5, window_bounds = array<i64: 1, 256>}]} {
    %get3A = arith.constant 0 : index
    %get3A_0 = arith.constant 0 : index
    %get3A_1 = vector.load %arg1[%get3A, %get3A_0] : memref<512x128xf32, #tpu.memory_space<vmem>>, vector<512x128xf32>
    %get3A_2 = arith.constant 0 : index
    %get3A_3 = arith.constant 0 : index
    %get3A_4 = vector.load %arg3[%get3A_2, %get3A_3] : memref<2x128xf32, #tpu.memory_space<vmem>>, vector<2x128xf32>
    %slice3A = vector.extract_strided_slice %get3A_4 {offsets = [0, 0], sizes = [1, 128], strides = [1, 1]} : vector<2x128xf32> to vector<1x128xf32>
    %mul3A = vector.broadcast %slice3A : vector<1x128xf32> to vector<512x128xf32>
    %mul3A_5 = arith.mulf %get3A_1, %mul3A : vector<512x128xf32>
    %slice3A_6 = vector.extract_strided_slice %get3A_4 {offsets = [1, 0], sizes = [1, 128], strides = [1, 1]} : vector<2x128xf32> to vector<1x128xf32>
    %add3A = vector.broadcast %slice3A_6 : vector<1x128xf32> to vector<512x128xf32>
    %add3A_7 = arith.addf %mul3A_5, %add3A : vector<512x128xf32>
    %max3A = arith.constant 0.000000e+00 : f32
    %max3A_8 = vector.broadcast %max3A : f32 to vector<512x128xf32>
    %max3A_9 = arith.maximumf %add3A_7, %max3A_8 : vector<512x128xf32>
    %get3A_10 = arith.constant 0 : index
    %get3A_11 = arith.constant 0 : index
    %get3A_12 = vector.load %arg2[%get3A_10, %get3A_11] : memref<128x256xf32, #tpu.memory_space<vmem>>, vector<128x256xf32>
    %dot_general3A = arith.constant dense<0.000000e+00> : vector<512x256xf32>
    %dot_general3A_13 = tpu.matmul %max3A_9, %get3A_12, %dot_general3A {dimension_numbers = #tpu.dot_dimension_numbers<[1], [0], [0], [1], [0, 0, 1, 1], [], []>, transpose_lhs_hint = false} : vector<512x128xf32>, vector<128x256xf32>, vector<512x256xf32> -> vector<512x256xf32>
    %swap3A = arith.constant 0 : index
    %swap3A_14 = arith.constant 0 : index
    %swap3A_15 = vector.load %arg4[%swap3A, %swap3A_14] : memref<512x256xf32, #tpu.memory_space<vmem>>, vector<512x256xf32>
    tpu.vector_store %arg4[%swap3A, %swap3A_14], %dot_general3A_13 {strides = array<i32>} : memref<512x256xf32, #tpu.memory_space<vmem>>, vector<512x256xf32>,
    %eq3A = arith.constant 0 : i32
    %eq3A_16 = arith.cmpi eq, %arg0, %eq3A : i32
    %convert_element_type3A = arith.extui %eq3A_16 : i1 to i32
    %cond3A = arith.constant 0 : i32
    %cond3A_17 = arith.cmpi ne, %convert_element_type3A, %cond3A : i32
    scf.if %cond3A_17 {
      %broadcast_in_dim3A_37 = arith.constant 0.000000e+00 : f32
      %broadcast_in_dim3A_38 = vector.broadcast %broadcast_in_dim3A_37 : f32 to vector<1x256xf32>
      %swap3A_39 = arith.constant 0 : index
      %swap3A_40 = arith.constant 0 : index
      %swap3A_41 = vector.load %arg5[%swap3A_39, %swap3A_40] : memref<1x256xf32, #tpu.memory_space<vmem>>, vector<1x256xf32>
      tpu.vector_store %arg5[%swap3A_39, %swap3A_40], %broadcast_in_dim3A_38 {strides = array<i32>} : memref<1x256xf32, #tpu.memory_space<vmem>>, vector<1x256xf32>,
      %broadcast_in_dim3A_42 = arith.constant 0.000000e+00 : f32
      %broadcast_in_dim3A_43 = vector.broadcast %broadcast_in_dim3A_42 : f32 to vector<1x256xf32>
      %swap3A_44 = arith.constant 0 : index
      %swap3A_45 = arith.constant 0 : index
      %swap3A_46 = vector.load %arg6[%swap3A_44, %swap3A_45] : memref<1x256xf32, #tpu.memory_space<vmem>>, vector<1x256xf32>
      tpu.vector_store %arg6[%swap3A_44, %swap3A_45], %broadcast_in_dim3A_43 {strides = array<i32>} : memref<1x256xf32, #tpu.memory_space<vmem>>, vector<1x256xf32>,
    } else {
    }
    %get3A_18 = arith.constant 0 : index
    %get3A_19 = arith.constant 0 : index
    %get3A_20 = vector.load %arg5[%get3A_18, %get3A_19] : memref<1x256xf32, #tpu.memory_space<vmem>>, vector<1x256xf32>
    %reduce_sum3A = arith.constant dense<0.000000e+00> : vector<256xf32>
    %reduce_sum3A_21 = vector.multi_reduction <add>, %dot_general3A_13, %reduce_sum3A [0] : vector<512x256xf32> to vector<256xf32>
    %broadcast_in_dim3A = vector.shape_cast %reduce_sum3A_21 : vector<256xf32> to vector<1x256xf32>
    %add3A_22 = arith.addf %get3A_20, %broadcast_in_dim3A : vector<1x256xf32>
    %swap3A_23 = arith.constant 0 : index
    %swap3A_24 = arith.constant 0 : index
    %swap3A_25 = vector.load %arg5[%swap3A_23, %swap3A_24] : memref<1x256xf32, #tpu.memory_space<vmem>>, vector<1x256xf32>
    tpu.vector_store %arg5[%swap3A_23, %swap3A_24], %add3A_22 {strides = array<i32>} : memref<1x256xf32, #tpu.memory_space<vmem>>, vector<1x256xf32>,
    %get3A_26 = arith.constant 0 : index
    %get3A_27 = arith.constant 0 : index
    %get3A_28 = vector.load %arg6[%get3A_26, %get3A_27] : memref<1x256xf32, #tpu.memory_space<vmem>>, vector<1x256xf32>
    %mul3A_29 = arith.mulf %dot_general3A_13, %dot_general3A_13 : vector<512x256xf32>
    %reduce_sum3A_30 = arith.constant dense<0.000000e+00> : vector<256xf32>
    %reduce_sum3A_31 = vector.multi_reduction <add>, %mul3A_29, %reduce_sum3A_30 [0] : vector<512x256xf32> to vector<256xf32>
    %broadcast_in_dim3A_32 = vector.shape_cast %reduce_sum3A_31 : vector<256xf32> to vector<1x256xf32>
    %add3A_33 = arith.addf %get3A_28, %broadcast_in_dim3A_32 : vector<1x256xf32>
    %swap3A_34 = arith.constant 0 : index
    %swap3A_35 = arith.constant 0 : index
    %swap3A_36 = vector.load %arg6[%swap3A_34, %swap3A_35] : memref<1x256xf32, #tpu.memory_space<vmem>>, vector<1x256xf32>
    tpu.vector_store %arg6[%swap3A_34, %swap3A_35], %add3A_33 {strides = array<i32>} : memref<1x256xf32, #tpu.memory_space<vmem>>, vector<1x256xf32>,
    return
  }
  func.func @transform_0(%arg0: i32) -> (i32, i32) {
    %c0_i32 = arith.constant 0 : i32
    %c0_i32_0 = arith.constant 0 : i32
    return %arg0, %c0_i32 : i32, i32
  }
  func.func @transform_1(%arg0: i32) -> (i32, i32) {
    %c0_i32 = arith.constant 0 : i32
    %c0_i32_0 = arith.constant 0 : i32
    %c0_i32_1 = arith.constant 0 : i32
    return %c0_i32, %c0_i32_0 : i32, i32
  }
  func.func @transform_2(%arg0: i32) -> (i32, i32) {
    %c0_i32 = arith.constant 0 : i32
    %c0_i32_0 = arith.constant 0 : i32
    %c0_i32_1 = arith.constant 0 : i32
    return %c0_i32, %c0_i32_0 : i32, i32
  }
  func.func @transform_3(%arg0: i32) -> (i32, i32) {
    %c0_i32 = arith.constant 0 : i32
    %c0_i32_0 = arith.constant 0 : i32
    return %arg0, %c0_i32 : i32, i32
  }
  func.func @transform_4(%arg0: i32) -> (i32, i32) {
    %c0_i32 = arith.constant 0 : i32
    %c0_i32_0 = arith.constant 0 : i32
    %c0_i32_1 = arith.constant 0 : i32
    return %c0_i32, %c0_i32_0 : i32, i32
  }
  func.func @transform_5(%arg0: i32) -> (i32, i32) {
    %c0_i32 = arith.constant 0 : i32
    %c0_i32_0 = arith.constant 0 : i32
    %c0_i32_1 = arith.constant 0 : i32
    return %c0_i32, %c0_i32_0 : i32, i32
  }
}

module attributes {stable_mosaic.version = 14 : i64} {
  func.func @_pool_body(%arg0: i32, %arg1: memref<8x64x256xf32, #tpu.memory_space<vmem>>, %arg2: memref<2x256xf32, #tpu.memory_space<vmem>>, %arg3: memref<8x256xf32, #tpu.memory_space<vmem>>) attributes {dimension_semantics = [#tpu.dimension_semantics<arbitrary>], iteration_bounds = array<i64: 128>, scalar_prefetch = 0 : i64, scratch_operands = 0 : i64, tpu.core_type = #tpu.core_type<tc>, window_params = [{transform_indices = @transform_0, window_bounds = array<i64: 8, 64, 256>}, {pipeline_mode = #tpu.pipeline_mode<synchronous>, transform_indices = @transform_1, window_bounds = array<i64: 2, 256>}, {transform_indices = @transform_2, window_bounds = array<i64: 8, 256>}]} {
    %get3A = arith.constant 0 : index
    %get3A_0 = arith.constant 0 : index
    %get3A_1 = arith.constant 0 : index
    %get3A_2 = vector.load %arg1[%get3A, %get3A_0, %get3A_1] : memref<8x64x256xf32, #tpu.memory_space<vmem>>, vector<8x64x256xf32>
    %get3A_3 = arith.constant 0 : index
    %get3A_4 = arith.constant 0 : index
    %get3A_5 = vector.load %arg2[%get3A_3, %get3A_4] : memref<2x256xf32, #tpu.memory_space<vmem>>, vector<2x256xf32>
    %slice3A = vector.extract_strided_slice %get3A_5 {offsets = [0, 0], sizes = [1, 256], strides = [1, 1]} : vector<2x256xf32> to vector<1x256xf32>
    %broadcast_in_dim3A = vector.shape_cast %slice3A : vector<1x256xf32> to vector<1x1x256xf32>
    %mul3A = vector.broadcast %broadcast_in_dim3A : vector<1x1x256xf32> to vector<8x64x256xf32>
    %mul3A_6 = arith.mulf %get3A_2, %mul3A : vector<8x64x256xf32>
    %slice3A_7 = vector.extract_strided_slice %get3A_5 {offsets = [1, 0], sizes = [1, 256], strides = [1, 1]} : vector<2x256xf32> to vector<1x256xf32>
    %broadcast_in_dim3A_8 = vector.shape_cast %slice3A_7 : vector<1x256xf32> to vector<1x1x256xf32>
    %add3A = vector.broadcast %broadcast_in_dim3A_8 : vector<1x1x256xf32> to vector<8x64x256xf32>
    %add3A_9 = arith.addf %mul3A_6, %add3A : vector<8x64x256xf32>
    %max3A = arith.constant 0.000000e+00 : f32
    %max3A_10 = vector.broadcast %max3A : f32 to vector<8x64x256xf32>
    %max3A_11 = arith.maximumf %add3A_9, %max3A_10 : vector<8x64x256xf32>
    %reduce_max3A = arith.constant dense<0xFF800000> : vector<8x256xf32>
    %reduce_max3A_12 = vector.multi_reduction <maximumf>, %max3A_11, %reduce_max3A [1] : vector<8x64x256xf32> to vector<8x256xf32>
    %swap3A = arith.constant 0 : index
    %swap3A_13 = arith.constant 0 : index
    %swap3A_14 = vector.load %arg3[%swap3A, %swap3A_13] : memref<8x256xf32, #tpu.memory_space<vmem>>, vector<8x256xf32>
    tpu.vector_store %arg3[%swap3A, %swap3A_13], %reduce_max3A_12 {strides = array<i32>} : memref<8x256xf32, #tpu.memory_space<vmem>>, vector<8x256xf32>,
    return
  }
  func.func @transform_0(%arg0: i32) -> (i32, i32, i32) {
    %c0_i32 = arith.constant 0 : i32
    %c0_i32_0 = arith.constant 0 : i32
    %c0_i32_1 = arith.constant 0 : i32
    return %arg0, %c0_i32, %c0_i32_0 : i32, i32, i32
  }
  func.func @transform_1(%arg0: i32) -> (i32, i32) {
    %c0_i32 = arith.constant 0 : i32
    %c0_i32_0 = arith.constant 0 : i32
    %c0_i32_1 = arith.constant 0 : i32
    return %c0_i32, %c0_i32_0 : i32, i32
  }
  func.func @transform_2(%arg0: i32) -> (i32, i32) {
    %c0_i32 = arith.constant 0 : i32
    %c0_i32_0 = arith.constant 0 : i32
    return %arg0, %c0_i32 : i32, i32
  }
}

module attributes {stable_mosaic.version = 14 : i64} {
  func.func @_layer1_body(%arg0: i32, %arg1: memref<8x128x336xf32, #tpu.memory_space<vmem>>, %arg2: memref<8x336xf32, #tpu.memory_space<vmem>>, %arg3: memref<336x128xf32, #tpu.memory_space<vmem>>, %arg4: memref<1024x128xf32, #tpu.memory_space<vmem>>, %arg5: memref<1x128xf32, #tpu.memory_space<vmem>>, %arg6: memref<1x128xf32, #tpu.memory_space<vmem>>) attributes {dimension_semantics = [#tpu.dimension_semantics<arbitrary>], iteration_bounds = array<i64: 128>, scalar_prefetch = 0 : i64, scratch_operands = 0 : i64, tpu.core_type = #tpu.core_type<tc>, window_params = [{transform_indices = @transform_0, window_bounds = array<i64: 8, 128, 336>}, {transform_indices = @transform_1, window_bounds = array<i64: 8, 336>}, {pipeline_mode = #tpu.pipeline_mode<synchronous>, transform_indices = @transform_2, window_bounds = array<i64: 336, 128>}, {transform_indices = @transform_3, window_bounds = array<i64: 1024, 128>}, {pipeline_mode = #tpu.pipeline_mode<synchronous>, transform_indices = @transform_4, window_bounds = array<i64: 1, 128>}, {pipeline_mode = #tpu.pipeline_mode<synchronous>, transform_indices = @transform_5, window_bounds = array<i64: 1, 128>}]} {
    %get3A = arith.constant 0 : index
    %get3A_0 = arith.constant 0 : index
    %get3A_1 = arith.constant 0 : index
    %get3A_2 = vector.load %arg1[%get3A, %get3A_0, %get3A_1] : memref<8x128x336xf32, #tpu.memory_space<vmem>>, vector<8x128x336xf32>
    %get3A_3 = arith.constant 0 : index
    %get3A_4 = arith.constant 0 : index
    %get3A_5 = vector.load %arg2[%get3A_3, %get3A_4] : memref<8x336xf32, #tpu.memory_space<vmem>>, vector<8x336xf32>
    %broadcast_in_dim3A = vector.shape_cast %get3A_5 : vector<8x336xf32> to vector<8x1x336xf32>
    %sub3A = vector.broadcast %broadcast_in_dim3A : vector<8x1x336xf32> to vector<8x128x336xf32>
    %sub3A_6 = arith.subf %get3A_2, %sub3A : vector<8x128x336xf32>
    %reshape3A = vector.shape_cast %sub3A_6 : vector<8x128x336xf32> to vector<1024x336xf32>
    %get3A_7 = arith.constant 0 : index
    %get3A_8 = arith.constant 0 : index
    %get3A_9 = vector.load %arg3[%get3A_7, %get3A_8] : memref<336x128xf32, #tpu.memory_space<vmem>>, vector<336x128xf32>
    %dot_general3A = arith.constant dense<0.000000e+00> : vector<1024x128xf32>
    %dot_general3A_10 = tpu.matmul %reshape3A, %get3A_9, %dot_general3A {dimension_numbers = #tpu.dot_dimension_numbers<[1], [0], [0], [1], [0, 0, 1, 1], [], []>, transpose_lhs_hint = false} : vector<1024x336xf32>, vector<336x128xf32>, vector<1024x128xf32> -> vector<1024x128xf32>
    %swap3A = arith.constant 0 : index
    %swap3A_11 = arith.constant 0 : index
    %swap3A_12 = vector.load %arg4[%swap3A, %swap3A_11] : memref<1024x128xf32, #tpu.memory_space<vmem>>, vector<1024x128xf32>
    tpu.vector_store %arg4[%swap3A, %swap3A_11], %dot_general3A_10 {strides = array<i32>} : memref<1024x128xf32, #tpu.memory_space<vmem>>, vector<1024x128xf32>,
    %eq3A = arith.constant 0 : i32
    %eq3A_13 = arith.cmpi eq, %arg0, %eq3A : i32
    %convert_element_type3A = arith.extui %eq3A_13 : i1 to i32
    %cond3A = arith.constant 0 : i32
    %cond3A_14 = arith.cmpi ne, %convert_element_type3A, %cond3A : i32
    scf.if %cond3A_14 {
      %broadcast_in_dim3A_33 = arith.constant 0.000000e+00 : f32
      %broadcast_in_dim3A_34 = vector.broadcast %broadcast_in_dim3A_33 : f32 to vector<1x128xf32>
      %swap3A_35 = arith.constant 0 : index
      %swap3A_36 = arith.constant 0 : index
      %swap3A_37 = vector.load %arg5[%swap3A_35, %swap3A_36] : memref<1x128xf32, #tpu.memory_space<vmem>>, vector<1x128xf32>
      tpu.vector_store %arg5[%swap3A_35, %swap3A_36], %broadcast_in_dim3A_34 {strides = array<i32>} : memref<1x128xf32, #tpu.memory_space<vmem>>, vector<1x128xf32>,
      %broadcast_in_dim3A_38 = arith.constant 0.000000e+00 : f32
      %broadcast_in_dim3A_39 = vector.broadcast %broadcast_in_dim3A_38 : f32 to vector<1x128xf32>
      %swap3A_40 = arith.constant 0 : index
      %swap3A_41 = arith.constant 0 : index
      %swap3A_42 = vector.load %arg6[%swap3A_40, %swap3A_41] : memref<1x128xf32, #tpu.memory_space<vmem>>, vector<1x128xf32>
      tpu.vector_store %arg6[%swap3A_40, %swap3A_41], %broadcast_in_dim3A_39 {strides = array<i32>} : memref<1x128xf32, #tpu.memory_space<vmem>>, vector<1x128xf32>,
    } else {
    }
    %get3A_15 = arith.constant 0 : index
    %get3A_16 = arith.constant 0 : index
    %get3A_17 = vector.load %arg5[%get3A_15, %get3A_16] : memref<1x128xf32, #tpu.memory_space<vmem>>, vector<1x128xf32>
    %reduce_sum3A = arith.constant dense<0.000000e+00> : vector<128xf32>
    %reduce_sum3A_18 = vector.multi_reduction <add>, %dot_general3A_10, %reduce_sum3A [0] : vector<1024x128xf32> to vector<128xf32>
    %broadcast_in_dim3A_19 = vector.shape_cast %reduce_sum3A_18 : vector<128xf32> to vector<1x128xf32>
    %add3A = arith.addf %get3A_17, %broadcast_in_dim3A_19 : vector<1x128xf32>
    %swap3A_20 = arith.constant 0 : index
    %swap3A_21 = arith.constant 0 : index
    %swap3A_22 = vector.load %arg5[%swap3A_20, %swap3A_21] : memref<1x128xf32, #tpu.memory_space<vmem>>, vector<1x128xf32>
    tpu.vector_store %arg5[%swap3A_20, %swap3A_21], %add3A {strides = array<i32>} : memref<1x128xf32, #tpu.memory_space<vmem>>, vector<1x128xf32>,
    %get3A_23 = arith.constant 0 : index
    %get3A_24 = arith.constant 0 : index
    %get3A_25 = vector.load %arg6[%get3A_23, %get3A_24] : memref<1x128xf32, #tpu.memory_space<vmem>>, vector<1x128xf32>
    %mul3A = arith.mulf %dot_general3A_10, %dot_general3A_10 : vector<1024x128xf32>
    %reduce_sum3A_26 = arith.constant dense<0.000000e+00> : vector<128xf32>
    %reduce_sum3A_27 = vector.multi_reduction <add>, %mul3A, %reduce_sum3A_26 [0] : vector<1024x128xf32> to vector<128xf32>
    %broadcast_in_dim3A_28 = vector.shape_cast %reduce_sum3A_27 : vector<128xf32> to vector<1x128xf32>
    %add3A_29 = arith.addf %get3A_25, %broadcast_in_dim3A_28 : vector<1x128xf32>
    %swap3A_30 = arith.constant 0 : index
    %swap3A_31 = arith.constant 0 : index
    %swap3A_32 = vector.load %arg6[%swap3A_30, %swap3A_31] : memref<1x128xf32, #tpu.memory_space<vmem>>, vector<1x128xf32>
    tpu.vector_store %arg6[%swap3A_30, %swap3A_31], %add3A_29 {strides = array<i32>} : memref<1x128xf32, #tpu.memory_space<vmem>>, vector<1x128xf32>,
    return
  }
  func.func @transform_0(%arg0: i32) -> (i32, i32, i32) {
    %c0_i32 = arith.constant 0 : i32
    %c0_i32_0 = arith.constant 0 : i32
    %c0_i32_1 = arith.constant 0 : i32
    return %arg0, %c0_i32, %c0_i32_0 : i32, i32, i32
  }
  func.func @transform_1(%arg0: i32) -> (i32, i32) {
    %c0_i32 = arith.constant 0 : i32
    %c0_i32_0 = arith.constant 0 : i32
    return %arg0, %c0_i32 : i32, i32
  }
  func.func @transform_2(%arg0: i32) -> (i32, i32) {
    %c0_i32 = arith.constant 0 : i32
    %c0_i32_0 = arith.constant 0 : i32
    %c0_i32_1 = arith.constant 0 : i32
    return %c0_i32, %c0_i32_0 : i32, i32
  }
  func.func @transform_3(%arg0: i32) -> (i32, i32) {
    %c0_i32 = arith.constant 0 : i32
    %c0_i32_0 = arith.constant 0 : i32
    return %arg0, %c0_i32 : i32, i32
  }
  func.func @transform_4(%arg0: i32) -> (i32, i32) {
    %c0_i32 = arith.constant 0 : i32
    %c0_i32_0 = arith.constant 0 : i32
    %c0_i32_1 = arith.constant 0 : i32
    return %c0_i32, %c0_i32_0 : i32, i32
  }
  func.func @transform_5(%arg0: i32) -> (i32, i32) {
    %c0_i32 = arith.constant 0 : i32
    %c0_i32_0 = arith.constant 0 : i32
    %c0_i32_1 = arith.constant 0 : i32
    return %c0_i32, %c0_i32_0 : i32, i32
  }
}

module attributes {stable_mosaic.version = 14 : i64} {
  func.func @_layer_body(%arg0: i32, %arg1: memref<1024x128xf32, #tpu.memory_space<vmem>>, %arg2: memref<128x128xf32, #tpu.memory_space<vmem>>, %arg3: memref<2x128xf32, #tpu.memory_space<vmem>>, %arg4: memref<1024x128xf32, #tpu.memory_space<vmem>>, %arg5: memref<1x128xf32, #tpu.memory_space<vmem>>, %arg6: memref<1x128xf32, #tpu.memory_space<vmem>>) attributes {dimension_semantics = [#tpu.dimension_semantics<arbitrary>], iteration_bounds = array<i64: 128>, scalar_prefetch = 0 : i64, scratch_operands = 0 : i64, tpu.core_type = #tpu.core_type<tc>, window_params = [{transform_indices = @transform_0, window_bounds = array<i64: 1024, 128>}, {pipeline_mode = #tpu.pipeline_mode<synchronous>, transform_indices = @transform_1, window_bounds = array<i64: 128, 128>}, {pipeline_mode = #tpu.pipeline_mode<synchronous>, transform_indices = @transform_2, window_bounds = array<i64: 2, 128>}, {transform_indices = @transform_3, window_bounds = array<i64: 1024, 128>}, {pipeline_mode = #tpu.pipeline_mode<synchronous>, transform_indices = @transform_4, window_bounds = array<i64: 1, 128>}, {pipeline_mode = #tpu.pipeline_mode<synchronous>, transform_indices = @transform_5, window_bounds = array<i64: 1, 128>}]} {
    %get3A = arith.constant 0 : index
    %get3A_0 = arith.constant 0 : index
    %get3A_1 = vector.load %arg1[%get3A, %get3A_0] : memref<1024x128xf32, #tpu.memory_space<vmem>>, vector<1024x128xf32>
    %get3A_2 = arith.constant 0 : index
    %get3A_3 = arith.constant 0 : index
    %get3A_4 = vector.load %arg3[%get3A_2, %get3A_3] : memref<2x128xf32, #tpu.memory_space<vmem>>, vector<2x128xf32>
    %slice3A = vector.extract_strided_slice %get3A_4 {offsets = [0, 0], sizes = [1, 128], strides = [1, 1]} : vector<2x128xf32> to vector<1x128xf32>
    %mul3A = vector.broadcast %slice3A : vector<1x128xf32> to vector<1024x128xf32>
    %mul3A_5 = arith.mulf %get3A_1, %mul3A : vector<1024x128xf32>
    %slice3A_6 = vector.extract_strided_slice %get3A_4 {offsets = [1, 0], sizes = [1, 128], strides = [1, 1]} : vector<2x128xf32> to vector<1x128xf32>
    %add3A = vector.broadcast %slice3A_6 : vector<1x128xf32> to vector<1024x128xf32>
    %add3A_7 = arith.addf %mul3A_5, %add3A : vector<1024x128xf32>
    %max3A = arith.constant 0.000000e+00 : f32
    %max3A_8 = vector.broadcast %max3A : f32 to vector<1024x128xf32>
    %max3A_9 = arith.maximumf %add3A_7, %max3A_8 : vector<1024x128xf32>
    %get3A_10 = arith.constant 0 : index
    %get3A_11 = arith.constant 0 : index
    %get3A_12 = vector.load %arg2[%get3A_10, %get3A_11] : memref<128x128xf32, #tpu.memory_space<vmem>>, vector<128x128xf32>
    %dot_general3A = arith.constant dense<0.000000e+00> : vector<1024x128xf32>
    %dot_general3A_13 = tpu.matmul %max3A_9, %get3A_12, %dot_general3A {dimension_numbers = #tpu.dot_dimension_numbers<[1], [0], [0], [1], [0, 0, 1, 1], [], []>, transpose_lhs_hint = false} : vector<1024x128xf32>, vector<128x128xf32>, vector<1024x128xf32> -> vector<1024x128xf32>
    %swap3A = arith.constant 0 : index
    %swap3A_14 = arith.constant 0 : index
    %swap3A_15 = vector.load %arg4[%swap3A, %swap3A_14] : memref<1024x128xf32, #tpu.memory_space<vmem>>, vector<1024x128xf32>
    tpu.vector_store %arg4[%swap3A, %swap3A_14], %dot_general3A_13 {strides = array<i32>} : memref<1024x128xf32, #tpu.memory_space<vmem>>, vector<1024x128xf32>,
    %eq3A = arith.constant 0 : i32
    %eq3A_16 = arith.cmpi eq, %arg0, %eq3A : i32
    %convert_element_type3A = arith.extui %eq3A_16 : i1 to i32
    %cond3A = arith.constant 0 : i32
    %cond3A_17 = arith.cmpi ne, %convert_element_type3A, %cond3A : i32
    scf.if %cond3A_17 {
      %broadcast_in_dim3A_37 = arith.constant 0.000000e+00 : f32
      %broadcast_in_dim3A_38 = vector.broadcast %broadcast_in_dim3A_37 : f32 to vector<1x128xf32>
      %swap3A_39 = arith.constant 0 : index
      %swap3A_40 = arith.constant 0 : index
      %swap3A_41 = vector.load %arg5[%swap3A_39, %swap3A_40] : memref<1x128xf32, #tpu.memory_space<vmem>>, vector<1x128xf32>
      tpu.vector_store %arg5[%swap3A_39, %swap3A_40], %broadcast_in_dim3A_38 {strides = array<i32>} : memref<1x128xf32, #tpu.memory_space<vmem>>, vector<1x128xf32>,
      %broadcast_in_dim3A_42 = arith.constant 0.000000e+00 : f32
      %broadcast_in_dim3A_43 = vector.broadcast %broadcast_in_dim3A_42 : f32 to vector<1x128xf32>
      %swap3A_44 = arith.constant 0 : index
      %swap3A_45 = arith.constant 0 : index
      %swap3A_46 = vector.load %arg6[%swap3A_44, %swap3A_45] : memref<1x128xf32, #tpu.memory_space<vmem>>, vector<1x128xf32>
      tpu.vector_store %arg6[%swap3A_44, %swap3A_45], %broadcast_in_dim3A_43 {strides = array<i32>} : memref<1x128xf32, #tpu.memory_space<vmem>>, vector<1x128xf32>,
    } else {
    }
    %get3A_18 = arith.constant 0 : index
    %get3A_19 = arith.constant 0 : index
    %get3A_20 = vector.load %arg5[%get3A_18, %get3A_19] : memref<1x128xf32, #tpu.memory_space<vmem>>, vector<1x128xf32>
    %reduce_sum3A = arith.constant dense<0.000000e+00> : vector<128xf32>
    %reduce_sum3A_21 = vector.multi_reduction <add>, %dot_general3A_13, %reduce_sum3A [0] : vector<1024x128xf32> to vector<128xf32>
    %broadcast_in_dim3A = vector.shape_cast %reduce_sum3A_21 : vector<128xf32> to vector<1x128xf32>
    %add3A_22 = arith.addf %get3A_20, %broadcast_in_dim3A : vector<1x128xf32>
    %swap3A_23 = arith.constant 0 : index
    %swap3A_24 = arith.constant 0 : index
    %swap3A_25 = vector.load %arg5[%swap3A_23, %swap3A_24] : memref<1x128xf32, #tpu.memory_space<vmem>>, vector<1x128xf32>
    tpu.vector_store %arg5[%swap3A_23, %swap3A_24], %add3A_22 {strides = array<i32>} : memref<1x128xf32, #tpu.memory_space<vmem>>, vector<1x128xf32>,
    %get3A_26 = arith.constant 0 : index
    %get3A_27 = arith.constant 0 : index
    %get3A_28 = vector.load %arg6[%get3A_26, %get3A_27] : memref<1x128xf32, #tpu.memory_space<vmem>>, vector<1x128xf32>
    %mul3A_29 = arith.mulf %dot_general3A_13, %dot_general3A_13 : vector<1024x128xf32>
    %reduce_sum3A_30 = arith.constant dense<0.000000e+00> : vector<128xf32>
    %reduce_sum3A_31 = vector.multi_reduction <add>, %mul3A_29, %reduce_sum3A_30 [0] : vector<1024x128xf32> to vector<128xf32>
    %broadcast_in_dim3A_32 = vector.shape_cast %reduce_sum3A_31 : vector<128xf32> to vector<1x128xf32>
    %add3A_33 = arith.addf %get3A_28, %broadcast_in_dim3A_32 : vector<1x128xf32>
    %swap3A_34 = arith.constant 0 : index
    %swap3A_35 = arith.constant 0 : index
    %swap3A_36 = vector.load %arg6[%swap3A_34, %swap3A_35] : memref<1x128xf32, #tpu.memory_space<vmem>>, vector<1x128xf32>
    tpu.vector_store %arg6[%swap3A_34, %swap3A_35], %add3A_33 {strides = array<i32>} : memref<1x128xf32, #tpu.memory_space<vmem>>, vector<1x128xf32>,
    return
  }
  func.func @transform_0(%arg0: i32) -> (i32, i32) {
    %c0_i32 = arith.constant 0 : i32
    %c0_i32_0 = arith.constant 0 : i32
    return %arg0, %c0_i32 : i32, i32
  }
  func.func @transform_1(%arg0: i32) -> (i32, i32) {
    %c0_i32 = arith.constant 0 : i32
    %c0_i32_0 = arith.constant 0 : i32
    %c0_i32_1 = arith.constant 0 : i32
    return %c0_i32, %c0_i32_0 : i32, i32
  }
  func.func @transform_2(%arg0: i32) -> (i32, i32) {
    %c0_i32 = arith.constant 0 : i32
    %c0_i32_0 = arith.constant 0 : i32
    %c0_i32_1 = arith.constant 0 : i32
    return %c0_i32, %c0_i32_0 : i32, i32
  }
  func.func @transform_3(%arg0: i32) -> (i32, i32) {
    %c0_i32 = arith.constant 0 : i32
    %c0_i32_0 = arith.constant 0 : i32
    return %arg0, %c0_i32 : i32, i32
  }
  func.func @transform_4(%arg0: i32) -> (i32, i32) {
    %c0_i32 = arith.constant 0 : i32
    %c0_i32_0 = arith.constant 0 : i32
    %c0_i32_1 = arith.constant 0 : i32
    return %c0_i32, %c0_i32_0 : i32, i32
  }
  func.func @transform_5(%arg0: i32) -> (i32, i32) {
    %c0_i32 = arith.constant 0 : i32
    %c0_i32_0 = arith.constant 0 : i32
    %c0_i32_1 = arith.constant 0 : i32
    return %c0_i32, %c0_i32_0 : i32, i32
  }
}

module attributes {stable_mosaic.version = 14 : i64} {
  func.func @_layer_body(%arg0: i32, %arg1: memref<1024x128xf32, #tpu.memory_space<vmem>>, %arg2: memref<128x256xf32, #tpu.memory_space<vmem>>, %arg3: memref<2x128xf32, #tpu.memory_space<vmem>>, %arg4: memref<1024x256xf32, #tpu.memory_space<vmem>>, %arg5: memref<1x256xf32, #tpu.memory_space<vmem>>, %arg6: memref<1x256xf32, #tpu.memory_space<vmem>>) attributes {dimension_semantics = [#tpu.dimension_semantics<arbitrary>], iteration_bounds = array<i64: 128>, scalar_prefetch = 0 : i64, scratch_operands = 0 : i64, tpu.core_type = #tpu.core_type<tc>, window_params = [{transform_indices = @transform_0, window_bounds = array<i64: 1024, 128>}, {pipeline_mode = #tpu.pipeline_mode<synchronous>, transform_indices = @transform_1, window_bounds = array<i64: 128, 256>}, {pipeline_mode = #tpu.pipeline_mode<synchronous>, transform_indices = @transform_2, window_bounds = array<i64: 2, 128>}, {transform_indices = @transform_3, window_bounds = array<i64: 1024, 256>}, {pipeline_mode = #tpu.pipeline_mode<synchronous>, transform_indices = @transform_4, window_bounds = array<i64: 1, 256>}, {pipeline_mode = #tpu.pipeline_mode<synchronous>, transform_indices = @transform_5, window_bounds = array<i64: 1, 256>}]} {
    %get3A = arith.constant 0 : index
    %get3A_0 = arith.constant 0 : index
    %get3A_1 = vector.load %arg1[%get3A, %get3A_0] : memref<1024x128xf32, #tpu.memory_space<vmem>>, vector<1024x128xf32>
    %get3A_2 = arith.constant 0 : index
    %get3A_3 = arith.constant 0 : index
    %get3A_4 = vector.load %arg3[%get3A_2, %get3A_3] : memref<2x128xf32, #tpu.memory_space<vmem>>, vector<2x128xf32>
    %slice3A = vector.extract_strided_slice %get3A_4 {offsets = [0, 0], sizes = [1, 128], strides = [1, 1]} : vector<2x128xf32> to vector<1x128xf32>
    %mul3A = vector.broadcast %slice3A : vector<1x128xf32> to vector<1024x128xf32>
    %mul3A_5 = arith.mulf %get3A_1, %mul3A : vector<1024x128xf32>
    %slice3A_6 = vector.extract_strided_slice %get3A_4 {offsets = [1, 0], sizes = [1, 128], strides = [1, 1]} : vector<2x128xf32> to vector<1x128xf32>
    %add3A = vector.broadcast %slice3A_6 : vector<1x128xf32> to vector<1024x128xf32>
    %add3A_7 = arith.addf %mul3A_5, %add3A : vector<1024x128xf32>
    %max3A = arith.constant 0.000000e+00 : f32
    %max3A_8 = vector.broadcast %max3A : f32 to vector<1024x128xf32>
    %max3A_9 = arith.maximumf %add3A_7, %max3A_8 : vector<1024x128xf32>
    %get3A_10 = arith.constant 0 : index
    %get3A_11 = arith.constant 0 : index
    %get3A_12 = vector.load %arg2[%get3A_10, %get3A_11] : memref<128x256xf32, #tpu.memory_space<vmem>>, vector<128x256xf32>
    %dot_general3A = arith.constant dense<0.000000e+00> : vector<1024x256xf32>
    %dot_general3A_13 = tpu.matmul %max3A_9, %get3A_12, %dot_general3A {dimension_numbers = #tpu.dot_dimension_numbers<[1], [0], [0], [1], [0, 0, 1, 1], [], []>, transpose_lhs_hint = false} : vector<1024x128xf32>, vector<128x256xf32>, vector<1024x256xf32> -> vector<1024x256xf32>
    %swap3A = arith.constant 0 : index
    %swap3A_14 = arith.constant 0 : index
    %swap3A_15 = vector.load %arg4[%swap3A, %swap3A_14] : memref<1024x256xf32, #tpu.memory_space<vmem>>, vector<1024x256xf32>
    tpu.vector_store %arg4[%swap3A, %swap3A_14], %dot_general3A_13 {strides = array<i32>} : memref<1024x256xf32, #tpu.memory_space<vmem>>, vector<1024x256xf32>,
    %eq3A = arith.constant 0 : i32
    %eq3A_16 = arith.cmpi eq, %arg0, %eq3A : i32
    %convert_element_type3A = arith.extui %eq3A_16 : i1 to i32
    %cond3A = arith.constant 0 : i32
    %cond3A_17 = arith.cmpi ne, %convert_element_type3A, %cond3A : i32
    scf.if %cond3A_17 {
      %broadcast_in_dim3A_37 = arith.constant 0.000000e+00 : f32
      %broadcast_in_dim3A_38 = vector.broadcast %broadcast_in_dim3A_37 : f32 to vector<1x256xf32>
      %swap3A_39 = arith.constant 0 : index
      %swap3A_40 = arith.constant 0 : index
      %swap3A_41 = vector.load %arg5[%swap3A_39, %swap3A_40] : memref<1x256xf32, #tpu.memory_space<vmem>>, vector<1x256xf32>
      tpu.vector_store %arg5[%swap3A_39, %swap3A_40], %broadcast_in_dim3A_38 {strides = array<i32>} : memref<1x256xf32, #tpu.memory_space<vmem>>, vector<1x256xf32>,
      %broadcast_in_dim3A_42 = arith.constant 0.000000e+00 : f32
      %broadcast_in_dim3A_43 = vector.broadcast %broadcast_in_dim3A_42 : f32 to vector<1x256xf32>
      %swap3A_44 = arith.constant 0 : index
      %swap3A_45 = arith.constant 0 : index
      %swap3A_46 = vector.load %arg6[%swap3A_44, %swap3A_45] : memref<1x256xf32, #tpu.memory_space<vmem>>, vector<1x256xf32>
      tpu.vector_store %arg6[%swap3A_44, %swap3A_45], %broadcast_in_dim3A_43 {strides = array<i32>} : memref<1x256xf32, #tpu.memory_space<vmem>>, vector<1x256xf32>,
    } else {
    }
    %get3A_18 = arith.constant 0 : index
    %get3A_19 = arith.constant 0 : index
    %get3A_20 = vector.load %arg5[%get3A_18, %get3A_19] : memref<1x256xf32, #tpu.memory_space<vmem>>, vector<1x256xf32>
    %reduce_sum3A = arith.constant dense<0.000000e+00> : vector<256xf32>
    %reduce_sum3A_21 = vector.multi_reduction <add>, %dot_general3A_13, %reduce_sum3A [0] : vector<1024x256xf32> to vector<256xf32>
    %broadcast_in_dim3A = vector.shape_cast %reduce_sum3A_21 : vector<256xf32> to vector<1x256xf32>
    %add3A_22 = arith.addf %get3A_20, %broadcast_in_dim3A : vector<1x256xf32>
    %swap3A_23 = arith.constant 0 : index
    %swap3A_24 = arith.constant 0 : index
    %swap3A_25 = vector.load %arg5[%swap3A_23, %swap3A_24] : memref<1x256xf32, #tpu.memory_space<vmem>>, vector<1x256xf32>
    tpu.vector_store %arg5[%swap3A_23, %swap3A_24], %add3A_22 {strides = array<i32>} : memref<1x256xf32, #tpu.memory_space<vmem>>, vector<1x256xf32>,
    %get3A_26 = arith.constant 0 : index
    %get3A_27 = arith.constant 0 : index
    %get3A_28 = vector.load %arg6[%get3A_26, %get3A_27] : memref<1x256xf32, #tpu.memory_space<vmem>>, vector<1x256xf32>
    %mul3A_29 = arith.mulf %dot_general3A_13, %dot_general3A_13 : vector<1024x256xf32>
    %reduce_sum3A_30 = arith.constant dense<0.000000e+00> : vector<256xf32>
    %reduce_sum3A_31 = vector.multi_reduction <add>, %mul3A_29, %reduce_sum3A_30 [0] : vector<1024x256xf32> to vector<256xf32>
    %broadcast_in_dim3A_32 = vector.shape_cast %reduce_sum3A_31 : vector<256xf32> to vector<1x256xf32>
    %add3A_33 = arith.addf %get3A_28, %broadcast_in_dim3A_32 : vector<1x256xf32>
    %swap3A_34 = arith.constant 0 : index
    %swap3A_35 = arith.constant 0 : index
    %swap3A_36 = vector.load %arg6[%swap3A_34, %swap3A_35] : memref<1x256xf32, #tpu.memory_space<vmem>>, vector<1x256xf32>
    tpu.vector_store %arg6[%swap3A_34, %swap3A_35], %add3A_33 {strides = array<i32>} : memref<1x256xf32, #tpu.memory_space<vmem>>, vector<1x256xf32>,
    return
  }
  func.func @transform_0(%arg0: i32) -> (i32, i32) {
    %c0_i32 = arith.constant 0 : i32
    %c0_i32_0 = arith.constant 0 : i32
    return %arg0, %c0_i32 : i32, i32
  }
  func.func @transform_1(%arg0: i32) -> (i32, i32) {
    %c0_i32 = arith.constant 0 : i32
    %c0_i32_0 = arith.constant 0 : i32
    %c0_i32_1 = arith.constant 0 : i32
    return %c0_i32, %c0_i32_0 : i32, i32
  }
  func.func @transform_2(%arg0: i32) -> (i32, i32) {
    %c0_i32 = arith.constant 0 : i32
    %c0_i32_0 = arith.constant 0 : i32
    %c0_i32_1 = arith.constant 0 : i32
    return %c0_i32, %c0_i32_0 : i32, i32
  }
  func.func @transform_3(%arg0: i32) -> (i32, i32) {
    %c0_i32 = arith.constant 0 : i32
    %c0_i32_0 = arith.constant 0 : i32
    return %arg0, %c0_i32 : i32, i32
  }
  func.func @transform_4(%arg0: i32) -> (i32, i32) {
    %c0_i32 = arith.constant 0 : i32
    %c0_i32_0 = arith.constant 0 : i32
    %c0_i32_1 = arith.constant 0 : i32
    return %c0_i32, %c0_i32_0 : i32, i32
  }
  func.func @transform_5(%arg0: i32) -> (i32, i32) {
    %c0_i32 = arith.constant 0 : i32
    %c0_i32_0 = arith.constant 0 : i32
    %c0_i32_1 = arith.constant 0 : i32
    return %c0_i32, %c0_i32_0 : i32, i32
  }
}

module attributes {stable_mosaic.version = 14 : i64} {
  func.func @_pool_body(%arg0: i32, %arg1: memref<8x128x256xf32, #tpu.memory_space<vmem>>, %arg2: memref<2x256xf32, #tpu.memory_space<vmem>>, %arg3: memref<8x256xf32, #tpu.memory_space<vmem>>) attributes {dimension_semantics = [#tpu.dimension_semantics<arbitrary>], iteration_bounds = array<i64: 128>, scalar_prefetch = 0 : i64, scratch_operands = 0 : i64, tpu.core_type = #tpu.core_type<tc>, window_params = [{transform_indices = @transform_0, window_bounds = array<i64: 8, 128, 256>}, {pipeline_mode = #tpu.pipeline_mode<synchronous>, transform_indices = @transform_1, window_bounds = array<i64: 2, 256>}, {transform_indices = @transform_2, window_bounds = array<i64: 8, 256>}]} {
    %get3A = arith.constant 0 : index
    %get3A_0 = arith.constant 0 : index
    %get3A_1 = arith.constant 0 : index
    %get3A_2 = vector.load %arg1[%get3A, %get3A_0, %get3A_1] : memref<8x128x256xf32, #tpu.memory_space<vmem>>, vector<8x128x256xf32>
    %get3A_3 = arith.constant 0 : index
    %get3A_4 = arith.constant 0 : index
    %get3A_5 = vector.load %arg2[%get3A_3, %get3A_4] : memref<2x256xf32, #tpu.memory_space<vmem>>, vector<2x256xf32>
    %slice3A = vector.extract_strided_slice %get3A_5 {offsets = [0, 0], sizes = [1, 256], strides = [1, 1]} : vector<2x256xf32> to vector<1x256xf32>
    %broadcast_in_dim3A = vector.shape_cast %slice3A : vector<1x256xf32> to vector<1x1x256xf32>
    %mul3A = vector.broadcast %broadcast_in_dim3A : vector<1x1x256xf32> to vector<8x128x256xf32>
    %mul3A_6 = arith.mulf %get3A_2, %mul3A : vector<8x128x256xf32>
    %slice3A_7 = vector.extract_strided_slice %get3A_5 {offsets = [1, 0], sizes = [1, 256], strides = [1, 1]} : vector<2x256xf32> to vector<1x256xf32>
    %broadcast_in_dim3A_8 = vector.shape_cast %slice3A_7 : vector<1x256xf32> to vector<1x1x256xf32>
    %add3A = vector.broadcast %broadcast_in_dim3A_8 : vector<1x1x256xf32> to vector<8x128x256xf32>
    %add3A_9 = arith.addf %mul3A_6, %add3A : vector<8x128x256xf32>
    %max3A = arith.constant 0.000000e+00 : f32
    %max3A_10 = vector.broadcast %max3A : f32 to vector<8x128x256xf32>
    %max3A_11 = arith.maximumf %add3A_9, %max3A_10 : vector<8x128x256xf32>
    %reduce_max3A = arith.constant dense<0xFF800000> : vector<8x256xf32>
    %reduce_max3A_12 = vector.multi_reduction <maximumf>, %max3A_11, %reduce_max3A [1] : vector<8x128x256xf32> to vector<8x256xf32>
    %swap3A = arith.constant 0 : index
    %swap3A_13 = arith.constant 0 : index
    %swap3A_14 = vector.load %arg3[%swap3A, %swap3A_13] : memref<8x256xf32, #tpu.memory_space<vmem>>, vector<8x256xf32>
    tpu.vector_store %arg3[%swap3A, %swap3A_13], %reduce_max3A_12 {strides = array<i32>} : memref<8x256xf32, #tpu.memory_space<vmem>>, vector<8x256xf32>,
    return
  }
  func.func @transform_0(%arg0: i32) -> (i32, i32, i32) {
    %c0_i32 = arith.constant 0 : i32
    %c0_i32_0 = arith.constant 0 : i32
    %c0_i32_1 = arith.constant 0 : i32
    return %arg0, %c0_i32, %c0_i32_0 : i32, i32, i32
  }
  func.func @transform_1(%arg0: i32) -> (i32, i32) {
    %c0_i32 = arith.constant 0 : i32
    %c0_i32_0 = arith.constant 0 : i32
    %c0_i32_1 = arith.constant 0 : i32
    return %c0_i32, %c0_i32_0 : i32, i32
  }
  func.func @transform_2(%arg0: i32) -> (i32, i32) {
    %c0_i32 = arith.constant 0 : i32
    %c0_i32_0 = arith.constant 0 : i32
    return %arg0, %c0_i32 : i32, i32
  }
}

module attributes {stable_mosaic.version = 14 : i64} {
  func.func @_layer_body(%arg0: i32, %arg1: memref<1024x656xf32, #tpu.memory_space<vmem>>, %arg2: memref<656x256xf32, #tpu.memory_space<vmem>>, %arg3: memref<2x656xf32, #tpu.memory_space<vmem>>, %arg4: memref<1024x256xf32, #tpu.memory_space<vmem>>, %arg5: memref<1x256xf32, #tpu.memory_space<vmem>>, %arg6: memref<1x256xf32, #tpu.memory_space<vmem>>) attributes {dimension_semantics = [#tpu.dimension_semantics<arbitrary>], iteration_bounds = array<i64: 1>, scalar_prefetch = 0 : i64, scratch_operands = 0 : i64, tpu.core_type = #tpu.core_type<tc>, window_params = [{transform_indices = @transform_0, window_bounds = array<i64: 1024, 656>}, {pipeline_mode = #tpu.pipeline_mode<synchronous>, transform_indices = @transform_1, window_bounds = array<i64: 656, 256>}, {pipeline_mode = #tpu.pipeline_mode<synchronous>, transform_indices = @transform_2, window_bounds = array<i64: 2, 656>}, {transform_indices = @transform_3, window_bounds = array<i64: 1024, 256>}, {pipeline_mode = #tpu.pipeline_mode<synchronous>, transform_indices = @transform_4, window_bounds = array<i64: 1, 256>}, {pipeline_mode = #tpu.pipeline_mode<synchronous>, transform_indices = @transform_5, window_bounds = array<i64: 1, 256>}]} {
    %get3A = arith.constant 0 : index
    %get3A_0 = arith.constant 0 : index
    %get3A_1 = vector.load %arg1[%get3A, %get3A_0] : memref<1024x656xf32, #tpu.memory_space<vmem>>, vector<1024x656xf32>
    %get3A_2 = arith.constant 0 : index
    %get3A_3 = arith.constant 0 : index
    %get3A_4 = vector.load %arg2[%get3A_2, %get3A_3] : memref<656x256xf32, #tpu.memory_space<vmem>>, vector<656x256xf32>
    %dot_general3A = arith.constant dense<0.000000e+00> : vector<1024x256xf32>
    %dot_general3A_5 = tpu.matmul %get3A_1, %get3A_4, %dot_general3A {dimension_numbers = #tpu.dot_dimension_numbers<[1], [0], [0], [1], [0, 0, 1, 1], [], []>, transpose_lhs_hint = false} : vector<1024x656xf32>, vector<656x256xf32>, vector<1024x256xf32> -> vector<1024x256xf32>
    %swap3A = arith.constant 0 : index
    %swap3A_6 = arith.constant 0 : index
    %swap3A_7 = vector.load %arg4[%swap3A, %swap3A_6] : memref<1024x256xf32, #tpu.memory_space<vmem>>, vector<1024x256xf32>
    tpu.vector_store %arg4[%swap3A, %swap3A_6], %dot_general3A_5 {strides = array<i32>} : memref<1024x256xf32, #tpu.memory_space<vmem>>, vector<1024x256xf32>,
    %eq3A = arith.constant 0 : i32
    %eq3A_8 = arith.cmpi eq, %arg0, %eq3A : i32
    %convert_element_type3A = arith.extui %eq3A_8 : i1 to i32
    %cond3A = arith.constant 0 : i32
    %cond3A_9 = arith.cmpi ne, %convert_element_type3A, %cond3A : i32
    scf.if %cond3A_9 {
      %broadcast_in_dim3A_27 = arith.constant 0.000000e+00 : f32
      %broadcast_in_dim3A_28 = vector.broadcast %broadcast_in_dim3A_27 : f32 to vector<1x256xf32>
      %swap3A_29 = arith.constant 0 : index
      %swap3A_30 = arith.constant 0 : index
      %swap3A_31 = vector.load %arg5[%swap3A_29, %swap3A_30] : memref<1x256xf32, #tpu.memory_space<vmem>>, vector<1x256xf32>
      tpu.vector_store %arg5[%swap3A_29, %swap3A_30], %broadcast_in_dim3A_28 {strides = array<i32>} : memref<1x256xf32, #tpu.memory_space<vmem>>, vector<1x256xf32>,
      %broadcast_in_dim3A_32 = arith.constant 0.000000e+00 : f32
      %broadcast_in_dim3A_33 = vector.broadcast %broadcast_in_dim3A_32 : f32 to vector<1x256xf32>
      %swap3A_34 = arith.constant 0 : index
      %swap3A_35 = arith.constant 0 : index
      %swap3A_36 = vector.load %arg6[%swap3A_34, %swap3A_35] : memref<1x256xf32, #tpu.memory_space<vmem>>, vector<1x256xf32>
      tpu.vector_store %arg6[%swap3A_34, %swap3A_35], %broadcast_in_dim3A_33 {strides = array<i32>} : memref<1x256xf32, #tpu.memory_space<vmem>>, vector<1x256xf32>,
    } else {
    }
    %get3A_10 = arith.constant 0 : index
    %get3A_11 = arith.constant 0 : index
    %get3A_12 = vector.load %arg5[%get3A_10, %get3A_11] : memref<1x256xf32, #tpu.memory_space<vmem>>, vector<1x256xf32>
    %reduce_sum3A = arith.constant dense<0.000000e+00> : vector<256xf32>
    %reduce_sum3A_13 = vector.multi_reduction <add>, %dot_general3A_5, %reduce_sum3A [0] : vector<1024x256xf32> to vector<256xf32>
    %broadcast_in_dim3A = vector.shape_cast %reduce_sum3A_13 : vector<256xf32> to vector<1x256xf32>
    %add3A = arith.addf %get3A_12, %broadcast_in_dim3A : vector<1x256xf32>
    %swap3A_14 = arith.constant 0 : index
    %swap3A_15 = arith.constant 0 : index
    %swap3A_16 = vector.load %arg5[%swap3A_14, %swap3A_15] : memref<1x256xf32, #tpu.memory_space<vmem>>, vector<1x256xf32>
    tpu.vector_store %arg5[%swap3A_14, %swap3A_15], %add3A {strides = array<i32>} : memref<1x256xf32, #tpu.memory_space<vmem>>, vector<1x256xf32>,
    %get3A_17 = arith.constant 0 : index
    %get3A_18 = arith.constant 0 : index
    %get3A_19 = vector.load %arg6[%get3A_17, %get3A_18] : memref<1x256xf32, #tpu.memory_space<vmem>>, vector<1x256xf32>
    %mul3A = arith.mulf %dot_general3A_5, %dot_general3A_5 : vector<1024x256xf32>
    %reduce_sum3A_20 = arith.constant dense<0.000000e+00> : vector<256xf32>
    %reduce_sum3A_21 = vector.multi_reduction <add>, %mul3A, %reduce_sum3A_20 [0] : vector<1024x256xf32> to vector<256xf32>
    %broadcast_in_dim3A_22 = vector.shape_cast %reduce_sum3A_21 : vector<256xf32> to vector<1x256xf32>
    %add3A_23 = arith.addf %get3A_19, %broadcast_in_dim3A_22 : vector<1x256xf32>
    %swap3A_24 = arith.constant 0 : index
    %swap3A_25 = arith.constant 0 : index
    %swap3A_26 = vector.load %arg6[%swap3A_24, %swap3A_25] : memref<1x256xf32, #tpu.memory_space<vmem>>, vector<1x256xf32>
    tpu.vector_store %arg6[%swap3A_24, %swap3A_25], %add3A_23 {strides = array<i32>} : memref<1x256xf32, #tpu.memory_space<vmem>>, vector<1x256xf32>,
    return
  }
  func.func @transform_0(%arg0: i32) -> (i32, i32) {
    %c0_i32 = arith.constant 0 : i32
    %c0_i32_0 = arith.constant 0 : i32
    return %arg0, %c0_i32 : i32, i32
  }
  func.func @transform_1(%arg0: i32) -> (i32, i32) {
    %c0_i32 = arith.constant 0 : i32
    %c0_i32_0 = arith.constant 0 : i32
    %c0_i32_1 = arith.constant 0 : i32
    return %c0_i32, %c0_i32_0 : i32, i32
  }
  func.func @transform_2(%arg0: i32) -> (i32, i32) {
    %c0_i32 = arith.constant 0 : i32
    %c0_i32_0 = arith.constant 0 : i32
    %c0_i32_1 = arith.constant 0 : i32
    return %c0_i32, %c0_i32_0 : i32, i32
  }
  func.func @transform_3(%arg0: i32) -> (i32, i32) {
    %c0_i32 = arith.constant 0 : i32
    %c0_i32_0 = arith.constant 0 : i32
    return %arg0, %c0_i32 : i32, i32
  }
  func.func @transform_4(%arg0: i32) -> (i32, i32) {
    %c0_i32 = arith.constant 0 : i32
    %c0_i32_0 = arith.constant 0 : i32
    %c0_i32_1 = arith.constant 0 : i32
    return %c0_i32, %c0_i32_0 : i32, i32
  }
  func.func @transform_5(%arg0: i32) -> (i32, i32) {
    %c0_i32 = arith.constant 0 : i32
    %c0_i32_0 = arith.constant 0 : i32
    %c0_i32_1 = arith.constant 0 : i32
    return %c0_i32, %c0_i32_0 : i32, i32
  }
}

module attributes {stable_mosaic.version = 14 : i64} {
  func.func @_layer_body(%arg0: i32, %arg1: memref<1024x256xf32, #tpu.memory_space<vmem>>, %arg2: memref<256x512xf32, #tpu.memory_space<vmem>>, %arg3: memref<2x256xf32, #tpu.memory_space<vmem>>, %arg4: memref<1024x512xf32, #tpu.memory_space<vmem>>, %arg5: memref<1x512xf32, #tpu.memory_space<vmem>>, %arg6: memref<1x512xf32, #tpu.memory_space<vmem>>) attributes {dimension_semantics = [#tpu.dimension_semantics<arbitrary>], iteration_bounds = array<i64: 1>, scalar_prefetch = 0 : i64, scratch_operands = 0 : i64, tpu.core_type = #tpu.core_type<tc>, window_params = [{transform_indices = @transform_0, window_bounds = array<i64: 1024, 256>}, {pipeline_mode = #tpu.pipeline_mode<synchronous>, transform_indices = @transform_1, window_bounds = array<i64: 256, 512>}, {pipeline_mode = #tpu.pipeline_mode<synchronous>, transform_indices = @transform_2, window_bounds = array<i64: 2, 256>}, {transform_indices = @transform_3, window_bounds = array<i64: 1024, 512>}, {pipeline_mode = #tpu.pipeline_mode<synchronous>, transform_indices = @transform_4, window_bounds = array<i64: 1, 512>}, {pipeline_mode = #tpu.pipeline_mode<synchronous>, transform_indices = @transform_5, window_bounds = array<i64: 1, 512>}]} {
    %get3A = arith.constant 0 : index
    %get3A_0 = arith.constant 0 : index
    %get3A_1 = vector.load %arg1[%get3A, %get3A_0] : memref<1024x256xf32, #tpu.memory_space<vmem>>, vector<1024x256xf32>
    %get3A_2 = arith.constant 0 : index
    %get3A_3 = arith.constant 0 : index
    %get3A_4 = vector.load %arg3[%get3A_2, %get3A_3] : memref<2x256xf32, #tpu.memory_space<vmem>>, vector<2x256xf32>
    %slice3A = vector.extract_strided_slice %get3A_4 {offsets = [0, 0], sizes = [1, 256], strides = [1, 1]} : vector<2x256xf32> to vector<1x256xf32>
    %mul3A = vector.broadcast %slice3A : vector<1x256xf32> to vector<1024x256xf32>
    %mul3A_5 = arith.mulf %get3A_1, %mul3A : vector<1024x256xf32>
    %slice3A_6 = vector.extract_strided_slice %get3A_4 {offsets = [1, 0], sizes = [1, 256], strides = [1, 1]} : vector<2x256xf32> to vector<1x256xf32>
    %add3A = vector.broadcast %slice3A_6 : vector<1x256xf32> to vector<1024x256xf32>
    %add3A_7 = arith.addf %mul3A_5, %add3A : vector<1024x256xf32>
    %max3A = arith.constant 0.000000e+00 : f32
    %max3A_8 = vector.broadcast %max3A : f32 to vector<1024x256xf32>
    %max3A_9 = arith.maximumf %add3A_7, %max3A_8 : vector<1024x256xf32>
    %get3A_10 = arith.constant 0 : index
    %get3A_11 = arith.constant 0 : index
    %get3A_12 = vector.load %arg2[%get3A_10, %get3A_11] : memref<256x512xf32, #tpu.memory_space<vmem>>, vector<256x512xf32>
    %dot_general3A = arith.constant dense<0.000000e+00> : vector<1024x512xf32>
    %dot_general3A_13 = tpu.matmul %max3A_9, %get3A_12, %dot_general3A {dimension_numbers = #tpu.dot_dimension_numbers<[1], [0], [0], [1], [0, 0, 1, 1], [], []>, transpose_lhs_hint = false} : vector<1024x256xf32>, vector<256x512xf32>, vector<1024x512xf32> -> vector<1024x512xf32>
    %swap3A = arith.constant 0 : index
    %swap3A_14 = arith.constant 0 : index
    %swap3A_15 = vector.load %arg4[%swap3A, %swap3A_14] : memref<1024x512xf32, #tpu.memory_space<vmem>>, vector<1024x512xf32>
    tpu.vector_store %arg4[%swap3A, %swap3A_14], %dot_general3A_13 {strides = array<i32>} : memref<1024x512xf32, #tpu.memory_space<vmem>>, vector<1024x512xf32>,
    %eq3A = arith.constant 0 : i32
    %eq3A_16 = arith.cmpi eq, %arg0, %eq3A : i32
    %convert_element_type3A = arith.extui %eq3A_16 : i1 to i32
    %cond3A = arith.constant 0 : i32
    %cond3A_17 = arith.cmpi ne, %convert_element_type3A, %cond3A : i32
    scf.if %cond3A_17 {
      %broadcast_in_dim3A_37 = arith.constant 0.000000e+00 : f32
      %broadcast_in_dim3A_38 = vector.broadcast %broadcast_in_dim3A_37 : f32 to vector<1x512xf32>
      %swap3A_39 = arith.constant 0 : index
      %swap3A_40 = arith.constant 0 : index
      %swap3A_41 = vector.load %arg5[%swap3A_39, %swap3A_40] : memref<1x512xf32, #tpu.memory_space<vmem>>, vector<1x512xf32>
      tpu.vector_store %arg5[%swap3A_39, %swap3A_40], %broadcast_in_dim3A_38 {strides = array<i32>} : memref<1x512xf32, #tpu.memory_space<vmem>>, vector<1x512xf32>,
      %broadcast_in_dim3A_42 = arith.constant 0.000000e+00 : f32
      %broadcast_in_dim3A_43 = vector.broadcast %broadcast_in_dim3A_42 : f32 to vector<1x512xf32>
      %swap3A_44 = arith.constant 0 : index
      %swap3A_45 = arith.constant 0 : index
      %swap3A_46 = vector.load %arg6[%swap3A_44, %swap3A_45] : memref<1x512xf32, #tpu.memory_space<vmem>>, vector<1x512xf32>
      tpu.vector_store %arg6[%swap3A_44, %swap3A_45], %broadcast_in_dim3A_43 {strides = array<i32>} : memref<1x512xf32, #tpu.memory_space<vmem>>, vector<1x512xf32>,
    } else {
    }
    %get3A_18 = arith.constant 0 : index
    %get3A_19 = arith.constant 0 : index
    %get3A_20 = vector.load %arg5[%get3A_18, %get3A_19] : memref<1x512xf32, #tpu.memory_space<vmem>>, vector<1x512xf32>
    %reduce_sum3A = arith.constant dense<0.000000e+00> : vector<512xf32>
    %reduce_sum3A_21 = vector.multi_reduction <add>, %dot_general3A_13, %reduce_sum3A [0] : vector<1024x512xf32> to vector<512xf32>
    %broadcast_in_dim3A = vector.shape_cast %reduce_sum3A_21 : vector<512xf32> to vector<1x512xf32>
    %add3A_22 = arith.addf %get3A_20, %broadcast_in_dim3A : vector<1x512xf32>
    %swap3A_23 = arith.constant 0 : index
    %swap3A_24 = arith.constant 0 : index
    %swap3A_25 = vector.load %arg5[%swap3A_23, %swap3A_24] : memref<1x512xf32, #tpu.memory_space<vmem>>, vector<1x512xf32>
    tpu.vector_store %arg5[%swap3A_23, %swap3A_24], %add3A_22 {strides = array<i32>} : memref<1x512xf32, #tpu.memory_space<vmem>>, vector<1x512xf32>,
    %get3A_26 = arith.constant 0 : index
    %get3A_27 = arith.constant 0 : index
    %get3A_28 = vector.load %arg6[%get3A_26, %get3A_27] : memref<1x512xf32, #tpu.memory_space<vmem>>, vector<1x512xf32>
    %mul3A_29 = arith.mulf %dot_general3A_13, %dot_general3A_13 : vector<1024x512xf32>
    %reduce_sum3A_30 = arith.constant dense<0.000000e+00> : vector<512xf32>
    %reduce_sum3A_31 = vector.multi_reduction <add>, %mul3A_29, %reduce_sum3A_30 [0] : vector<1024x512xf32> to vector<512xf32>
    %broadcast_in_dim3A_32 = vector.shape_cast %reduce_sum3A_31 : vector<512xf32> to vector<1x512xf32>
    %add3A_33 = arith.addf %get3A_28, %broadcast_in_dim3A_32 : vector<1x512xf32>
    %swap3A_34 = arith.constant 0 : index
    %swap3A_35 = arith.constant 0 : index
    %swap3A_36 = vector.load %arg6[%swap3A_34, %swap3A_35] : memref<1x512xf32, #tpu.memory_space<vmem>>, vector<1x512xf32>
    tpu.vector_store %arg6[%swap3A_34, %swap3A_35], %add3A_33 {strides = array<i32>} : memref<1x512xf32, #tpu.memory_space<vmem>>, vector<1x512xf32>,
    return
  }
  func.func @transform_0(%arg0: i32) -> (i32, i32) {
    %c0_i32 = arith.constant 0 : i32
    %c0_i32_0 = arith.constant 0 : i32
    return %arg0, %c0_i32 : i32, i32
  }
  func.func @transform_1(%arg0: i32) -> (i32, i32) {
    %c0_i32 = arith.constant 0 : i32
    %c0_i32_0 = arith.constant 0 : i32
    %c0_i32_1 = arith.constant 0 : i32
    return %c0_i32, %c0_i32_0 : i32, i32
  }
  func.func @transform_2(%arg0: i32) -> (i32, i32) {
    %c0_i32 = arith.constant 0 : i32
    %c0_i32_0 = arith.constant 0 : i32
    %c0_i32_1 = arith.constant 0 : i32
    return %c0_i32, %c0_i32_0 : i32, i32
  }
  func.func @transform_3(%arg0: i32) -> (i32, i32) {
    %c0_i32 = arith.constant 0 : i32
    %c0_i32_0 = arith.constant 0 : i32
    return %arg0, %c0_i32 : i32, i32
  }
  func.func @transform_4(%arg0: i32) -> (i32, i32) {
    %c0_i32 = arith.constant 0 : i32
    %c0_i32_0 = arith.constant 0 : i32
    %c0_i32_1 = arith.constant 0 : i32
    return %c0_i32, %c0_i32_0 : i32, i32
  }
  func.func @transform_5(%arg0: i32) -> (i32, i32) {
    %c0_i32 = arith.constant 0 : i32
    %c0_i32_0 = arith.constant 0 : i32
    %c0_i32_1 = arith.constant 0 : i32
    return %c0_i32, %c0_i32_0 : i32, i32
  }
}

module attributes {stable_mosaic.version = 14 : i64} {
  func.func @_layer_body(%arg0: i32, %arg1: memref<1024x512xf32, #tpu.memory_space<vmem>>, %arg2: memref<512x1024xf32, #tpu.memory_space<vmem>>, %arg3: memref<2x512xf32, #tpu.memory_space<vmem>>, %arg4: memref<1024x1024xf32, #tpu.memory_space<vmem>>, %arg5: memref<1x1024xf32, #tpu.memory_space<vmem>>, %arg6: memref<1x1024xf32, #tpu.memory_space<vmem>>) attributes {dimension_semantics = [#tpu.dimension_semantics<arbitrary>], iteration_bounds = array<i64: 1>, scalar_prefetch = 0 : i64, scratch_operands = 0 : i64, tpu.core_type = #tpu.core_type<tc>, window_params = [{transform_indices = @transform_0, window_bounds = array<i64: 1024, 512>}, {pipeline_mode = #tpu.pipeline_mode<synchronous>, transform_indices = @transform_1, window_bounds = array<i64: 512, 1024>}, {pipeline_mode = #tpu.pipeline_mode<synchronous>, transform_indices = @transform_2, window_bounds = array<i64: 2, 512>}, {transform_indices = @transform_3, window_bounds = array<i64: 1024, 1024>}, {pipeline_mode = #tpu.pipeline_mode<synchronous>, transform_indices = @transform_4, window_bounds = array<i64: 1, 1024>}, {pipeline_mode = #tpu.pipeline_mode<synchronous>, transform_indices = @transform_5, window_bounds = array<i64: 1, 1024>}]} {
    %get3A = arith.constant 0 : index
    %get3A_0 = arith.constant 0 : index
    %get3A_1 = vector.load %arg1[%get3A, %get3A_0] : memref<1024x512xf32, #tpu.memory_space<vmem>>, vector<1024x512xf32>
    %get3A_2 = arith.constant 0 : index
    %get3A_3 = arith.constant 0 : index
    %get3A_4 = vector.load %arg3[%get3A_2, %get3A_3] : memref<2x512xf32, #tpu.memory_space<vmem>>, vector<2x512xf32>
    %slice3A = vector.extract_strided_slice %get3A_4 {offsets = [0, 0], sizes = [1, 512], strides = [1, 1]} : vector<2x512xf32> to vector<1x512xf32>
    %mul3A = vector.broadcast %slice3A : vector<1x512xf32> to vector<1024x512xf32>
    %mul3A_5 = arith.mulf %get3A_1, %mul3A : vector<1024x512xf32>
    %slice3A_6 = vector.extract_strided_slice %get3A_4 {offsets = [1, 0], sizes = [1, 512], strides = [1, 1]} : vector<2x512xf32> to vector<1x512xf32>
    %add3A = vector.broadcast %slice3A_6 : vector<1x512xf32> to vector<1024x512xf32>
    %add3A_7 = arith.addf %mul3A_5, %add3A : vector<1024x512xf32>
    %max3A = arith.constant 0.000000e+00 : f32
    %max3A_8 = vector.broadcast %max3A : f32 to vector<1024x512xf32>
    %max3A_9 = arith.maximumf %add3A_7, %max3A_8 : vector<1024x512xf32>
    %get3A_10 = arith.constant 0 : index
    %get3A_11 = arith.constant 0 : index
    %get3A_12 = vector.load %arg2[%get3A_10, %get3A_11] : memref<512x1024xf32, #tpu.memory_space<vmem>>, vector<512x1024xf32>
    %dot_general3A = arith.constant dense<0.000000e+00> : vector<1024x1024xf32>
    %dot_general3A_13 = tpu.matmul %max3A_9, %get3A_12, %dot_general3A {dimension_numbers = #tpu.dot_dimension_numbers<[1], [0], [0], [1], [0, 0, 1, 1], [], []>, transpose_lhs_hint = false} : vector<1024x512xf32>, vector<512x1024xf32>, vector<1024x1024xf32> -> vector<1024x1024xf32>
    %swap3A = arith.constant 0 : index
    %swap3A_14 = arith.constant 0 : index
    %swap3A_15 = vector.load %arg4[%swap3A, %swap3A_14] : memref<1024x1024xf32, #tpu.memory_space<vmem>>, vector<1024x1024xf32>
    tpu.vector_store %arg4[%swap3A, %swap3A_14], %dot_general3A_13 {strides = array<i32>} : memref<1024x1024xf32, #tpu.memory_space<vmem>>, vector<1024x1024xf32>,
    %eq3A = arith.constant 0 : i32
    %eq3A_16 = arith.cmpi eq, %arg0, %eq3A : i32
    %convert_element_type3A = arith.extui %eq3A_16 : i1 to i32
    %cond3A = arith.constant 0 : i32
    %cond3A_17 = arith.cmpi ne, %convert_element_type3A, %cond3A : i32
    scf.if %cond3A_17 {
      %broadcast_in_dim3A_37 = arith.constant 0.000000e+00 : f32
      %broadcast_in_dim3A_38 = vector.broadcast %broadcast_in_dim3A_37 : f32 to vector<1x1024xf32>
      %swap3A_39 = arith.constant 0 : index
      %swap3A_40 = arith.constant 0 : index
      %swap3A_41 = vector.load %arg5[%swap3A_39, %swap3A_40] : memref<1x1024xf32, #tpu.memory_space<vmem>>, vector<1x1024xf32>
      tpu.vector_store %arg5[%swap3A_39, %swap3A_40], %broadcast_in_dim3A_38 {strides = array<i32>} : memref<1x1024xf32, #tpu.memory_space<vmem>>, vector<1x1024xf32>,
      %broadcast_in_dim3A_42 = arith.constant 0.000000e+00 : f32
      %broadcast_in_dim3A_43 = vector.broadcast %broadcast_in_dim3A_42 : f32 to vector<1x1024xf32>
      %swap3A_44 = arith.constant 0 : index
      %swap3A_45 = arith.constant 0 : index
      %swap3A_46 = vector.load %arg6[%swap3A_44, %swap3A_45] : memref<1x1024xf32, #tpu.memory_space<vmem>>, vector<1x1024xf32>
      tpu.vector_store %arg6[%swap3A_44, %swap3A_45], %broadcast_in_dim3A_43 {strides = array<i32>} : memref<1x1024xf32, #tpu.memory_space<vmem>>, vector<1x1024xf32>,
    } else {
    }
    %get3A_18 = arith.constant 0 : index
    %get3A_19 = arith.constant 0 : index
    %get3A_20 = vector.load %arg5[%get3A_18, %get3A_19] : memref<1x1024xf32, #tpu.memory_space<vmem>>, vector<1x1024xf32>
    %reduce_sum3A = arith.constant dense<0.000000e+00> : vector<1024xf32>
    %reduce_sum3A_21 = vector.multi_reduction <add>, %dot_general3A_13, %reduce_sum3A [0] : vector<1024x1024xf32> to vector<1024xf32>
    %broadcast_in_dim3A = vector.shape_cast %reduce_sum3A_21 : vector<1024xf32> to vector<1x1024xf32>
    %add3A_22 = arith.addf %get3A_20, %broadcast_in_dim3A : vector<1x1024xf32>
    %swap3A_23 = arith.constant 0 : index
    %swap3A_24 = arith.constant 0 : index
    %swap3A_25 = vector.load %arg5[%swap3A_23, %swap3A_24] : memref<1x1024xf32, #tpu.memory_space<vmem>>, vector<1x1024xf32>
    tpu.vector_store %arg5[%swap3A_23, %swap3A_24], %add3A_22 {strides = array<i32>} : memref<1x1024xf32, #tpu.memory_space<vmem>>, vector<1x1024xf32>,
    %get3A_26 = arith.constant 0 : index
    %get3A_27 = arith.constant 0 : index
    %get3A_28 = vector.load %arg6[%get3A_26, %get3A_27] : memref<1x1024xf32, #tpu.memory_space<vmem>>, vector<1x1024xf32>
    %mul3A_29 = arith.mulf %dot_general3A_13, %dot_general3A_13 : vector<1024x1024xf32>
    %reduce_sum3A_30 = arith.constant dense<0.000000e+00> : vector<1024xf32>
    %reduce_sum3A_31 = vector.multi_reduction <add>, %mul3A_29, %reduce_sum3A_30 [0] : vector<1024x1024xf32> to vector<1024xf32>
    %broadcast_in_dim3A_32 = vector.shape_cast %reduce_sum3A_31 : vector<1024xf32> to vector<1x1024xf32>
    %add3A_33 = arith.addf %get3A_28, %broadcast_in_dim3A_32 : vector<1x1024xf32>
    %swap3A_34 = arith.constant 0 : index
    %swap3A_35 = arith.constant 0 : index
    %swap3A_36 = vector.load %arg6[%swap3A_34, %swap3A_35] : memref<1x1024xf32, #tpu.memory_space<vmem>>, vector<1x1024xf32>
    tpu.vector_store %arg6[%swap3A_34, %swap3A_35], %add3A_33 {strides = array<i32>} : memref<1x1024xf32, #tpu.memory_space<vmem>>, vector<1x1024xf32>,
    return
  }
  func.func @transform_0(%arg0: i32) -> (i32, i32) {
    %c0_i32 = arith.constant 0 : i32
    %c0_i32_0 = arith.constant 0 : i32
    return %arg0, %c0_i32 : i32, i32
  }
  func.func @transform_1(%arg0: i32) -> (i32, i32) {
    %c0_i32 = arith.constant 0 : i32
    %c0_i32_0 = arith.constant 0 : i32
    %c0_i32_1 = arith.constant 0 : i32
    return %c0_i32, %c0_i32_0 : i32, i32
  }
  func.func @transform_2(%arg0: i32) -> (i32, i32) {
    %c0_i32 = arith.constant 0 : i32
    %c0_i32_0 = arith.constant 0 : i32
    %c0_i32_1 = arith.constant 0 : i32
    return %c0_i32, %c0_i32_0 : i32, i32
  }
  func.func @transform_3(%arg0: i32) -> (i32, i32) {
    %c0_i32 = arith.constant 0 : i32
    %c0_i32_0 = arith.constant 0 : i32
    return %arg0, %c0_i32 : i32, i32
  }
  func.func @transform_4(%arg0: i32) -> (i32, i32) {
    %c0_i32 = arith.constant 0 : i32
    %c0_i32_0 = arith.constant 0 : i32
    %c0_i32_1 = arith.constant 0 : i32
    return %c0_i32, %c0_i32_0 : i32, i32
  }
  func.func @transform_5(%arg0: i32) -> (i32, i32) {
    %c0_i32 = arith.constant 0 : i32
    %c0_i32_0 = arith.constant 0 : i32
    %c0_i32_1 = arith.constant 0 : i32
    return %c0_i32, %c0_i32_0 : i32, i32
  }
}

module attributes {stable_mosaic.version = 14 : i64} {
  func.func @_pool_body(%arg0: i32, %arg1: memref<8x128x1024xf32, #tpu.memory_space<vmem>>, %arg2: memref<2x1024xf32, #tpu.memory_space<vmem>>, %arg3: memref<8x1024xf32, #tpu.memory_space<vmem>>) attributes {dimension_semantics = [#tpu.dimension_semantics<arbitrary>], iteration_bounds = array<i64: 1>, scalar_prefetch = 0 : i64, scratch_operands = 0 : i64, tpu.core_type = #tpu.core_type<tc>, window_params = [{transform_indices = @transform_0, window_bounds = array<i64: 8, 128, 1024>}, {pipeline_mode = #tpu.pipeline_mode<synchronous>, transform_indices = @transform_1, window_bounds = array<i64: 2, 1024>}, {transform_indices = @transform_2, window_bounds = array<i64: 8, 1024>}]} {
    %get3A = arith.constant 0 : index
    %get3A_0 = arith.constant 0 : index
    %get3A_1 = arith.constant 0 : index
    %get3A_2 = vector.load %arg1[%get3A, %get3A_0, %get3A_1] : memref<8x128x1024xf32, #tpu.memory_space<vmem>>, vector<8x128x1024xf32>
    %get3A_3 = arith.constant 0 : index
    %get3A_4 = arith.constant 0 : index
    %get3A_5 = vector.load %arg2[%get3A_3, %get3A_4] : memref<2x1024xf32, #tpu.memory_space<vmem>>, vector<2x1024xf32>
    %slice3A = vector.extract_strided_slice %get3A_5 {offsets = [0, 0], sizes = [1, 1024], strides = [1, 1]} : vector<2x1024xf32> to vector<1x1024xf32>
    %broadcast_in_dim3A = vector.shape_cast %slice3A : vector<1x1024xf32> to vector<1x1x1024xf32>
    %mul3A = vector.broadcast %broadcast_in_dim3A : vector<1x1x1024xf32> to vector<8x128x1024xf32>
    %mul3A_6 = arith.mulf %get3A_2, %mul3A : vector<8x128x1024xf32>
    %slice3A_7 = vector.extract_strided_slice %get3A_5 {offsets = [1, 0], sizes = [1, 1024], strides = [1, 1]} : vector<2x1024xf32> to vector<1x1024xf32>
    %broadcast_in_dim3A_8 = vector.shape_cast %slice3A_7 : vector<1x1024xf32> to vector<1x1x1024xf32>
    %add3A = vector.broadcast %broadcast_in_dim3A_8 : vector<1x1x1024xf32> to vector<8x128x1024xf32>
    %add3A_9 = arith.addf %mul3A_6, %add3A : vector<8x128x1024xf32>
    %max3A = arith.constant 0.000000e+00 : f32
    %max3A_10 = vector.broadcast %max3A : f32 to vector<8x128x1024xf32>
    %max3A_11 = arith.maximumf %add3A_9, %max3A_10 : vector<8x128x1024xf32>
    %reduce_max3A = arith.constant dense<0xFF800000> : vector<8x1024xf32>
    %reduce_max3A_12 = vector.multi_reduction <maximumf>, %max3A_11, %reduce_max3A [1] : vector<8x128x1024xf32> to vector<8x1024xf32>
    %swap3A = arith.constant 0 : index
    %swap3A_13 = arith.constant 0 : index
    %swap3A_14 = vector.load %arg3[%swap3A, %swap3A_13] : memref<8x1024xf32, #tpu.memory_space<vmem>>, vector<8x1024xf32>
    tpu.vector_store %arg3[%swap3A, %swap3A_13], %reduce_max3A_12 {strides = array<i32>} : memref<8x1024xf32, #tpu.memory_space<vmem>>, vector<8x1024xf32>,
    return
  }
  func.func @transform_0(%arg0: i32) -> (i32, i32, i32) {
    %c0_i32 = arith.constant 0 : i32
    %c0_i32_0 = arith.constant 0 : i32
    %c0_i32_1 = arith.constant 0 : i32
    return %arg0, %c0_i32, %c0_i32_0 : i32, i32, i32
  }
  func.func @transform_1(%arg0: i32) -> (i32, i32) {
    %c0_i32 = arith.constant 0 : i32
    %c0_i32_0 = arith.constant 0 : i32
    %c0_i32_1 = arith.constant 0 : i32
    return %c0_i32, %c0_i32_0 : i32, i32
  }
  func.func @transform_2(%arg0: i32) -> (i32, i32) {
    %c0_i32 = arith.constant 0 : i32
    %c0_i32_0 = arith.constant 0 : i32
    return %arg0, %c0_i32 : i32, i32
  }
}

</mosaic_0001>

<sc_bundles>
// kernel: kernel.34.cloned.1.call-start
scs
__scs_entry_jumppad:
0x0: {  	(pc) =	sbr.rel $0x88, $3  }
0x1: {  	(tag) =	ssettag $0x0;
	lr =	simm.s32 $0x1  }
0x2: {  	[smem:$0x3F5F] =	sst lr;
	_ =	strace $0xD0000000  }
0x3: {  	_ = 	snop  }
0x4: {  	_ = 	snop  }
0x5: {  	_ = 	snop  }
0x6: {  	_ = 	snop  }
0x7: {  	_ = 	snop  }
__scs_overlays_trampoline_lowered:
0x8: {  	[smem:$0x3F6E] =	sst s0  }
0x9: {  	[smem:$0x3F6F] =	sst s1  }
0xa: {  	[smem:$0x3F70] =	sst s2  }
0xb: {  	[smem:$0x3F71] =	sst s3  }
0xc: {  	[smem:$0x3F72] =	sst s4  }
0xd: {  	[smem:$0x3F73] =	sst s5  }
0xe: {  	[smem:$0x3F74] =	sst s6  }
0xf: {  	[smem:$0x3F75] =	sst s7  }
0x10: {  	[smem:$0x3F76] =	sst s8  }
0x11: {  	[smem:$0x3F77] =	sst s9;
	s0 =	simm.s32 @!p0 $0x0  }
0x12: {  	s1 =	sld [smem:$0x3F5D];
	s0 =	simm.s32 @p0 $0x1  }
0x13: {  	[smem:$0x3F78] =	sst s0;
	s0 =	simm.s32 @!p1 $0x0  }
0x14: {  	s2 =	sld [smem:$0x3F5C];
	s0 =	simm.s32 @p1 $0x1  }
0x15: {  	[smem:$0x3F79] =	sst s0;
	s0 =	simm.s32 @!p2 $0x0  }
0x16: {  	s3 =	sld [smem:$0x3FDB];
	s0 =	simm.s32 @p2 $0x1  }
0x17: {  	s4 =	simm.s32 $0x1BF5;
	[smem:$0x3F7B] =	sst s0  }
0x18: {  	s0 =	sld [smem:$0x3F5E];
	_ =	swait.ge [sflag:s4], $0x0  }
0x19: {  	s7 =	sld [smem:$0x3F5F]  }
0x1a: {  	s8 =	sadd.s32 $0xFFFFE003, lr  }
0x1b: {  	s9 =	sadd.s32 $0xFFFFFEF7, lr;
	s5 =	simm.s32 $0xFFFFFFFF;
	p2 =	slt.u32 s8, $0xFFFFF086  }
0x1c: {  	p1 =	slt.u32 s9, $0xF7A;
	s5 =	simm.s32 @!p2 $0x0  }
0x1d: {  	s5 =	simm.s32 @p1 $0x1;
	p0 =	seq.s32 s7, s2  }
0x1e: {  	s7 =	smul.u32 @!p0 $0xF7A, s2;
	p2 =	seq.s32 @!p0 s5, $0x0  }
0x1f: {  	s9 =	smul.u32 $0xF7A, s1;
	s8 =	simm.s32 @!p0 $0x1BF5;
	p2 =	por !p2, p0  }
0x20: {  	[sflag:s8] =	ssyncset.s32 @!p0 $0xFFFFF086;
	s6 =	sadd.s32 @!p0 s3, s7;
	s7 =	simm.s32 @!p0 $0x108  }
0x21: {  	s3 =	sadd.s32 s3, s9;
	s6 =	sadd.s32 @!p0 $0x88, s6;
	s7 =	simm.s32 @p2 $0x1082  }
0x22: {  	[simem:s7], [sflag:s8] =	dma.local @!p0 [hbm:s6], $0xF7A  }
0x23: {  	s9 =	sor.u32 $0xD0000000, s2;
	s6 =	simm.s32 $0x108;
	_ =	swait.ge @!p0 [sflag:s8], $0x0  }
0x24: {  	s3 =	sadd.s32 $0x88, s3;
	s6 =	simm.s32 @!p1 $0x1082;
	[sflag:s4] =	ssyncset.s32 $0xFFFFF086  }
0x25: {  	[simem:s6], [sflag:s4] =	dma.local [hbm:s3], $0xF7A  }
0x26: {  	[smem:$0x3F5F] =	sst s1;
	(tag) =	ssettag s2;
	_ =	strace s9  }
0x27: {  	s1 =	sld [smem:$0x3F6F]  }
0x28: {  	s2 =	sld [smem:$0x3F70]  }
0x29: {  	s4 =	sld [smem:$0x3F72]  }
0x2a: {  	p0 =	seq.s32 s5, $0x0;
	s5 =	sld [smem:$0x3F73]  }
0x2b: {  	s6 =	sld [smem:$0x3F74]  }
0x2c: {  	s7 =	sld [smem:$0x3F75]  }
0x2d: {  	s3 =	simm.s32 $0x108;
	s8 =	sld [smem:$0x3F76]  }
0x2e: {  	s3 =	simm.s32 @!p0 $0x1082;
	s9 =	sld [smem:$0x3F77]  }
0x2f: {  	lr =	sadd.s32 s0, s3;
	s0 =	sld [smem:$0x3F6E]  }
0x30: {  	s3 =	sld [smem:$0x3F71]  }
0x31: {  	[smem:$0x3F7A] =	sst s10  }
0x32: {  	s10 =	sld [smem:$0x3F78];
	_ =	sdelay $0x3  }
0x33: {  	p0 =	seq.s32 s10, $0x1;
	s10 =	sld [smem:$0x3F7A];
	_ =	sdelay $0x3  }
0x34: {  	[smem:$0x3F7A] =	sst s10  }
0x35: {  	s10 =	sld [smem:$0x3F79];
	_ =	sdelay $0x3  }
0x36: {  	p1 =	seq.s32 s10, $0x1;
	s10 =	sld [smem:$0x3F7A];
	_ =	sdelay $0x3  }
0x37: {  	[smem:$0x3F7A] =	sst s10  }
0x38: {  	s10 =	sld [smem:$0x3F7B]  }
0x39: {  	_ = 	snop;
	(pc) =	sbr.ind lr, $3  }
0x3a: {  	_ = 	snop  }
0x3b: {  	_ = 	snop  }
0x3c: {  	p2 =	seq.s32 s10, $0x1;
	s10 =	sld [smem:$0x3F7A]  }
0x3d: {  	_ =	shalt  }
0x3e: {  	_ =	shalt  }
0x3f: {  	_ =	shalt  }
0x40: {  	_ =	shalt  }
0x41: {  	_ =	shalt  }
0x42: {  	_ =	shalt  }
0x43: {  	_ =	shalt  }
0x44: {  	_ =	shalt  }
0x45: {  	_ =	shalt  }
0x46: {  	_ =	shalt  }
0x47: {  	_ =	shalt  }
0x48: {  	_ =	shalt  }
0x49: {  	_ =	shalt  }
0x4a: {  	_ =	shalt  }
0x4b: {  	_ =	shalt  }
0x4c: {  	_ =	shalt  }
0x4d: {  	_ =	shalt  }
0x4e: {  	_ =	shalt  }
0x4f: {  	_ =	shalt  }
0x50: {  	_ =	shalt  }
0x51: {  	_ =	shalt  }
0x52: {  	_ =	shalt  }
0x53: {  	_ =	shalt  }
0x54: {  	_ =	shalt  }
0x55: {  	_ =	shalt  }
0x56: {  	_ =	shalt  }
0x57: {  	_ =	shalt  }
0x58: {  	_ =	shalt  }
0x59: {  	_ =	shalt  }
0x5a: {  	_ =	shalt  }
0x5b: {  	_ =	shalt  }
0x5c: {  	_ =	shalt  }
0x5d: {  	_ =	shalt  }
0x5e: {  	_ =	shalt  }
0x5f: {  	_ =	shalt  }
0x60: {  	_ =	shalt  }
0x61: {  	_ =	shalt  }
0x62: {  	_ =	shalt  }
0x63: {  	_ =	shalt  }
0x64: {  	_ =	shalt  }
0x65: {  	_ =	shalt  }
0x66: {  	_ =	shalt  }
0x67: {  	_ =	shalt  }
0x68: {  	_ =	shalt  }
0x69: {  	_ =	shalt  }
0x6a: {  	_ =	shalt  }
0x6b: {  	_ =	shalt  }
0x6c: {  	_ =	shalt  }
0x6d: {  	_ =	shalt  }
0x6e: {  	_ =	shalt  }
0x6f: {  	_ =	shalt  }
0x70: {  	_ =	shalt  }
0x71: {  	_ =	shalt  }
0x72: {  	_ =	shalt  }
0x73: {  	_ =	shalt  }
0x74: {  	_ =	shalt  }
0x75: {  	_ =	shalt  }
0x76: {  	_ =	shalt  }
0x77: {  	_ =	shalt  }
0x78: {  	_ =	shalt  }
0x79: {  	_ =	shalt  }
0x7a: {  	_ =	shalt  }
0x7b: {  	_ =	shalt  }
0x7c: {  	_ =	shalt  }
0x7d: {  	_ =	shalt  }
0x7e: {  	_ =	shalt  }
0x7f: {  	_ =	shalt  }
0x80: {  	_ =	shalt  }
0x81: {  	_ =	shalt  }
0x82: {  	_ =	shalt  }
0x83: {  	_ =	shalt  }
0x84: {  	_ =	shalt  }
0x85: {  	_ =	shalt  }
0x86: {  	_ =	shalt  }
0x87: {  	_ =	shalt  }
.Lfunc_end0:
.L_simem_size_0:
called_computation_lowered:
.L_overlay_start_0:
0x88: {  	s2 =	sld [smem:$0x3FD9]  }
0x89: {  	s3 =	sld [smem:$0x3FFE];
	_ =	sdelay $0x1  }
0x8a: {  	s1 =	srdreg.scid  }
0x8b: {  	s0 =	sand.u32 $0x1, s1  }
0x8c: {  	s16 =	sshll.u32 s0, $0xA;
	s2 =	sadd.s32 s3, s2  }
0x8d: {  	s2 =	sadd.s32 s2, s16  }
0x8e: {  	[smem:$0x3F86] =	sst s2  }
0x8f: {  	_ = 	snop  }
0x90: {  	(tm) =	ssettm $0x1  }
0x91: {  	s17 =	sld [smem:$0x3FFB];
	_ =	sdelay $0x3  }
0x92: {  	_ =	strace s17  }
0x93: {  	s2 =	sld [smem:$0x3FFC];
	_ =	sdelay $0x3  }
0x94: {  	_ =	strace s2  }
0x95: {  	s2 =	sld [smem:$0x3FFD];
	_ =	sdelay $0x3  }
0x96: {  	_ =	strace s2  }
0x97: {  	_ =	strace $0x8FFFFFFF  }
0x98: {  	s18 =	sld [smem:$0x3FDB];
	_ =	sdelay $0x1  }
0x99: {  	s19 =	simm.s32 $_scs_section_size  }
0x9a: {  	s4 =	simm.s32 $_size__tile_overlayer_lowered;
	s5 =	simm.s32 $_tile_overlayer_lowered  }
0x9b: {  	s22 =	simm.s32 $0x1BFF;
	s21 =	sshll.u32 s5, $0x1;
	s2 =	sadd.s32 s19, s18  }
0x9c: {  	s6 =	simm.s32 $0x0;
	s20 =	sshll.u32 s4, $0x1;
	s4 =	sadd.s32 s21, s2  }
0x9d: {  	[timem:s6], [sflag:s22] =	dma.local [hbm:s4], s20  }
0x9e: {  	_ =	swait.ge [sflag:s22], s20  }
0x9f: {  	s3 =	ssub.s32 $0x0, s20;
	[sflag:s22] =	ssyncset.done $0x0  }
0xa0: {  	[sflag:s22] =	ssyncadd.s32 s3;
	_ =	sdelay $0x1  }
0xa1: {  	s23 =	simm.s32 $0x1B8B  }
0xa2: {  	_ =	swait.ge [sflag:s23], $0x1  }
0xa3: {  	[sflag:s23] =	ssyncset.done $0x0  }
0xa4: {  	s25 =	simm.s32 $0x1B8E;
	s24 =	sld [smem:$0x3FFE];
	[sflag:s23] =	ssyncadd.s32 $0xFFFFFFFF  }
0xa5: {  	s26 =	simm.s32 $execute0_lowered;
	[smem:$0x3FD2] =	sst s25  }
0xa6: {  	s4 =	sshll.u32 s26, $0x1;
	_ =	strace $0x80000046;
	[dreg:$0x1] =	wrdreg $0xFFFFFFFF  }
0xa7: {  	s28 =	simm.s32 $_size_execute0_lowered;
	s2 =	sadd.s32 s2, s4;
	[dreg:$0x0] =	wrdreg $0x0  }
0xa8: {  	s4 =	sshll.u32 s28, $0x1;
	[dreg:$0x2] =	wrdreg s2  }
0xa9: {  	[dreg:$0x3] =	wrdreg s4  }
0xaa: {  	[dreg:$0x4] =	wrdreg $0xC0  }
0xab: {  	_ =	task [dreg:s6], $0x5FFFF  }
0xac: {  	[dreg:$0x1] =	wrdreg $0xFFFFFFFF  }
0xad: {  	[dreg:$0x0] =	wrdreg $0x60  }
0xae: {  	[dreg:$0x2] =	wrdreg s24  }
0xaf: {  	[dreg:$0x3] =	wrdreg $0x9  }
0xb0: {  	_ =	task.clear_ibuf [dreg:s6], $0x4FFFF;
	_ =	strace $0x90000046  }
0xb1: {  	s29 =	simm.s32 $0x9;
	_ =	strace $0x80000048  }
0xb2: {  	_ =	swait.ge [sflag:s29], $0x1  }
0xb3: {  	[sflag:s29] =	ssyncadd.s32 $0xFFFFFFFF  }
0xb4: {  	_ =	strace $0x90000048  }
0xb5: {  	_ =	sfence  }
0xb6: {  	s30 =	sld [smem:$0x0];
	_ =	sdelay $0x2  }
0xb7: {  	s31 =	sshll.u32 s1, $0xD;
	s1 =	sshrl.u32 s1, $0x2  }
0xb8: {  	s3 =	sand.u32 $0x4000, s31;
	s1 =	sadd.s32 s1, s30  }
0xb9: {  	s0 =	sor.u32 s3, s0;
	s1 =	sshll.u32 s1, $0x11  }
0xba: {  	s0 =	sor.u32 s1, s0  }
0xbb: {  	s0 =	sadd.s32 $0x8F2B, s0  }
0xbc: {  	[sflag:s0] =	ssyncadd.remote.s32 $0x1  }
0xbd: {  	_ =	sfence.sel $0xFFFF  }
0xbe: {  	[dreg:$0x0] =	wrdreg $0xFFFFFFFF;
	(pc) =	sbr.abs _section_cstart, $3  }
0xbf: {  	[dreg:$0x1] =	wrdreg $0xFFFFFFFF  }
0xc0: {  	_ =	task.clear_ibuf [dreg:s6], $0x2FFFF;
	_ =	strace $0x9FFFFFFF  }
0xc1: {  	(tm) =	ssettm $0x7FFFFFFF  }
tec
execute0_lowered:
.L_overlay_start_1:
0x0: {  	(tag) =	ssettag $0x1  }
0x1: {  	s0 =	rddreg [dreg:$0x0];
	s4 =	stileid.u32  }
0x2: {  	s1 =	srdreg.scid;
	s2 =	simm.s32 $0x0;
	s3 =	sshrl.u32 s4, $0x1  }
0x3: {  	s1 =	sand.u32 $0x1, s1;
	s15 =	sshll.u32 s4, $0x8;
	[smem:$0x7FF] =	sst s2  }
0x4: {  	s6 =	sadd.s32 $0x3B400, s0;
	s18 =	sadd.s32 $0x5B400, s0;
	s30 =	smul.u32 $0x2800, s3  }
0x5: {  	s16 =	sshll.u32 s1, $0x7;
	_ =	strace $0x80000047;
	[dreg:$0x3] =	wrdreg s6  }
0x6: {  	[dreg:$0x4] =	wrdreg s18;
	s4 =	sor.u32 s16, s15  }
0x7: {  	s5 =	sadd.s32 $0x13400, s0;
	s17 =	sshrl.u32 s30, $0x3;
	[dreg:$0x2] =	wrdreg s4  }
0x8: {  	s4 =	sshrl.u32 s4, $0x3;
	s29 =	sor.u32 $0x10, s30;
	s3 =	sadd.s32 s17, s0  }
0x9: {  	s4 =	sadd.s32 s4, s0;
	s0 =	sadd.s32 $0x15AE00, s0;
	[dreg:$0xe] =	wrdreg s29  }
0xa: {  	s28 =	simm.s32 $0x7B90;
	[dreg:$0x5] =	wrdreg s0;
	s20 =	sadd.s32 $0x153400, s3  }
0xb: {  	s31 =	simm.s32 $0x7C90;
	s21 =	sadd.s32 $0x155C00, s3;
	[dreg:$0x6] =	wrdreg s20  }
0xc: {  	s9 =	simm.s32 $0x1;
	s22 =	sadd.s32 $0x158400, s3;
	[dreg:$0x7] =	wrdreg s21  }
0xd: {  	s1 =	ssub.s32 $0x2, s1;
	s23 =	sadd.s32 $0x15AC00, s4;
	[dreg:$0x8] =	wrdreg s22  }
.Ltmp0:
0xe: {  	s24 =	sadd.s32 $0x9B400, s4;
	[dreg:$0x9] =	wrdreg s23;
	(pc) =	sbr.rel .LBB2_1-.Ltmp0, $4  }
0xf: {  	s19 =	sshrl.u32 s1, $0x1;
	s25 =	sadd.s32 $0x9B600, s4;
	[dreg:$0xa] =	wrdreg s24  }
0x10: {  	s0 =	ssub.s32 s1, s19;
	s26 =	sadd.s32 $0x9B800, s4;
	[dreg:$0xb] =	wrdreg s25  }
0x11: {  	v0 =	vlaneseq.u32;
	s18 =	simm.s32 $0x2;
	[dreg:$0xc] =	wrdreg s26;
	s0 =	smax.u32 s0, $0x1  }
0x12: {  	vm0 =	vmxor vm0, vm0;
	v1 =	vor.u32 $0x80000000, v0;
	s1 =	simm.s32 $0x0;
	s21 =	simm.s32 $0x7E90;
	[dreg:$0xd] =	wrdreg s0  }
.LBB2_11:
0x13: {  	s0 =	rddreg [dreg:$0xa];
	s1 =	simm.s32 $0x7880  }
0x14: {  	[hbm4b:s0+s2] =	stream.linear.scatter [tilespmem:s1], [sflag:$0x2], $0x80, $0x38;
	[tilespmem:$0x8690] =	vst v63  }
0x15: {  	_ =	swait.ge [sflag:s18], $0x80  }
0x16: {  	[sflag:s18] =	ssyncset.done $0x0  }
0x17: {  	s23 =	simm.s32 $0x7900;
	s22 =	rddreg [dreg:$0xb];
	[sflag:s18] =	ssyncadd.s32 $0xFFFFFF80  }
0x18: {  	[hbm4b:s22+s2] =	stream.linear.scatter [tilespmem:s23], [sflag:$0x2], $0x80, $0x38;
	[tilespmem:$0x8690] =	vst v63  }
0x19: {  	_ =	swait.ge [sflag:s18], $0x80  }
0x1a: {  	[sflag:s18] =	ssyncset.done $0x0  }
0x1b: {  	s25 =	simm.s32 $0x7980;
	s24 =	rddreg [dreg:$0xc];
	[sflag:s18] =	ssyncadd.s32 $0xFFFFFF80  }
0x1c: {  	[hbm4b:s24+s2] =	stream.linear.scatter [tilespmem:s25], [sflag:$0x2], $0x80, $0x38;
	[tilespmem:$0x8690] =	vst v63  }
0x1d: {  	_ =	swait.ge [sflag:s18], $0x80  }
0x1e: {  	s26 =	rddreg [dreg:$0xf]  }
0x1f: {  	s29 =	rddreg [dreg:$0xd];
	s1 =	sadd.s32 $0x1, s26  }
0x20: {  	p0 =	sne.s32 s1, s29  }
.Ltmp1:
0x21: {  	_ = 	snop;
	(pc) =	sbr.rel @!p0 .LBB2_12-.Ltmp1, $3  }
0x22: {  	_ =	sdelay $0x1  }
0x23: {  	[sflag:s18] =	ssyncset.done $0x0  }
0x24: {  	[sflag:s18] =	ssyncadd.s32 $0xFFFFFF80  }
.LBB2_1:
0x25: {  	[dreg:$0xf] =	wrdreg s1  }
0x26: {  	s0 =	rddreg [dreg:$0x6]  }
0x27: {  	[tilespmem:s2], [sflag:$0x2] =	stream.linear.gather [hbm4b:s0+s2], $0x2800, $0x38;
	[tilespmem:$0x8690] =	vst v63  }
0x28: {  	_ =	swait.ge [sflag:s18], $0x2800  }
0x29: {  	[sflag:s18] =	ssyncset.done $0x0  }
0x2a: {  	s23 =	simm.s32 $0x2800;
	s22 =	rddreg [dreg:$0x7];
	[sflag:s18] =	ssyncadd.s32 $0xFFFFD800  }
0x2b: {  	[tilespmem:s23], [sflag:$0x2] =	stream.linear.gather [hbm4b:s22+s2], $0x2800, $0x38;
	[tilespmem:$0x8690] =	vst v63  }
0x2c: {  	_ =	swait.ge [sflag:s18], $0x2800  }
0x2d: {  	[sflag:s18] =	ssyncset.done $0x0  }
0x2e: {  	s25 =	simm.s32 $0x5000;
	s24 =	rddreg [dreg:$0x8];
	[sflag:s18] =	ssyncadd.s32 $0xFFFFD800  }
0x2f: {  	[tilespmem:s25], [sflag:$0x2] =	stream.linear.gather [hbm4b:s24+s2], $0x2800, $0x38;
	[tilespmem:$0x8690] =	vst v63  }
0x30: {  	_ =	swait.ge [sflag:s18], $0x2800  }
0x31: {  	s29 =	simm.s32 $0x7800;
	[sflag:s18] =	ssyncset.done $0x0  }
.Ltmp2:
0x32: {  	s26 =	rddreg [dreg:$0x9];
	[sflag:s18] =	ssyncadd.s32 $0xFFFFD800;
	(pc) =	sbr.rel .LBB2_2-.Ltmp2, $4  }
0x33: {  	[tilespmem:s29], [sflag:$0x2] =	stream.linear.gather [hbm4b:s26+s2], $0x80, $0x38;
	[tilespmem:$0x8690] =	vst v63  }
0x34: {  	_ =	swait.ge [sflag:s18], $0x80  }
0x35: {  	[sflag:s18] =	ssyncset.done $0x0  }
0x36: {  	s0 =	simm.s32 $0x0;
	[sflag:s18] =	ssyncadd.s32 $0xFFFFFF80  }
.LBB2_10:
0x37: {  	s0 =	rddreg [dreg:$0x10]  }
0x38: {  	s0 =	sadd.s32 $0x1, s0  }
0x39: {  	p0 =	sne.s32 s0, $0x8  }
.Ltmp3:
0x3a: {  	_ = 	snop;
	(pc) =	sbr.rel @!p0 .LBB2_11-.Ltmp3, $1  }
0x3b: {  	_ =	sdelay $0x3  }
.LBB2_2:
0x3c: {  	s12 =	sshll.u32 s0, $0x4  }
0x3d: {  	v2 =	vld [tilespmem:s12+$0x7800];
	_ =	sdelay $0x6  }
0x3e: {  	s13 =	simm.s32 $0x0  }
0x3f: {  	s25 =	simm.s32 $0x2800;
	v3 =	vld.idx.msk [tilespmem:v2+s13+$0x0], $0xffff  }
0x40: {  	s26 =	simm.s32 $0x5000;
	v4 =	vld.idx.msk [tilespmem:v2+s25+$0x0], $0xffff  }
0x41: {  	v2 =	vld.idx.msk [tilespmem:v2+s26+$0x0], $0xffff  }
.Ltmp4:
0x42: {  	_ = 	snop;
	(pc) =	sbr.rel .LBB2_3-.Ltmp4, $4  }
0x43: {  	_ = 	snop  }
0x44: {  	[tilespmem:s12+$0x7880] =	vst v3  }
0x45: {  	s29 =	rddreg [dreg:$0x2];
	[tilespmem:s12+$0x7900] =	vst v4  }
0x46: {  	[dreg:$0x10] =	wrdreg s0;
	s14 =	sor.u32 s29, s12;
	[tilespmem:s12+$0x7980] =	vst v2  }
.LBB2_6:
0x47: {  	s4 =	smov.u32 @p2 s4;
	s20 =	smov.u32 @p2 s20  }
.LBB2_9:
0x48: {  	p0 =	seq.s32 s20, $0x7FFFFFFF  }
0x49: {  	p1 =	seq.s32 s19, $0x7FFFFFFF;
	s20 =	smov.u32 @p0 s30;
	p0 =	slt.s32 s4, $0x10  }
0x4a: {  	s19 =	smov.u32 @p1 s30;
	s4 =	simm.s32 @!p0 $0x10;
	v2 =	vmov s20;
	p0 =	slt.s32 s10, $0x20  }
0x4b: {  	[tilespmem:s4+$0x7A00] =	vst v2;
	v2 =	vmov s19;
	s10 =	simm.s32 @!p0 $0x20;
	p0 =	seq.s32 s15, $0x7FFFFFFF  }
0x4c: {  	[tilespmem:s10+$0x7A30] =	vst v2;
	s15 =	smov.u32 @p0 s30;
	p0 =	slt.s32 s16, $0x80  }
0x4d: {  	[tilespmem:s10+$0x7A40] =	vst v2;
	v2 =	vmov s15;
	s16 =	simm.s32 @!p0 $0x80  }
0x4e: {  	[tilespmem:s16+$0x7A80] =	vst v2  }
0x4f: {  	[tilespmem:s16+$0x7A90] =	vst v2  }
0x50: {  	[tilespmem:s16+$0x7AA0] =	vst v2  }
0x51: {  	[tilespmem:s16+$0x7AB0] =	vst v2  }
0x52: {  	[tilespmem:s16+$0x7AC0] =	vst v2  }
0x53: {  	[tilespmem:s16+$0x7AD0] =	vst v2  }
0x54: {  	[tilespmem:s16+$0x7AE0] =	vst v2  }
0x55: {  	s0 =	simm.s32 $0x10;
	s1 =	simm.s32 $0x7A00;
	[tilespmem:s16+$0x7AF0] =	vst v2  }
0x56: {  	[tilespmem:s28], [sflag:$0x1] =	stream.indirect.gather [hbm4b:s5+s0], $0x10, s1, s0, $0xb8;
	[tilespmem:$0x8690] =	vst v63  }
0x57: {  	s17 =	simm.s32 $0x20;
	s19 =	simm.s32 $0x7A30  }
0x58: {  	[tilespmem:s31], [sflag:$0x1] =	stream.indirect.gather [hbm4b:s5+s17], $0x10, s19, s17, $0xb8;
	[tilespmem:$0x8690] =	vst v63  }
0x59: {  	s22 =	simm.s32 $0x7A80;
	s20 =	simm.s32 $0x80  }
0x5a: {  	[tilespmem:s21], [sflag:$0x1] =	stream.indirect.gather [hbm4b:s5+s20], $0x10, s22, s20, $0xb8;
	[tilespmem:$0x8690] =	vst v63  }
0x5b: {  	_ =	swait.ge [sflag:s9], $0x100  }
0x5c: {  	[sflag:s9] =	ssyncset.done $0x0  }
0x5d: {  	[sflag:s9] =	ssyncadd.s32 $0xFFFFFF00  }
0x5e: {  	_ =	swait.ge [sflag:s9], $0x200  }
0x5f: {  	[sflag:s9] =	ssyncset.done $0x0  }
0x60: {  	[sflag:s9] =	ssyncadd.s32 $0xFFFFFE00  }
0x61: {  	s23 =	sor.u32 s13, s14;
	_ =	swait.ge [sflag:s9], $0x800  }
0x62: {  	s24 =	sshll.u32 s23, $0x5;
	[sflag:s9] =	ssyncset.done $0x0;
	s3 =	rddreg [dreg:$0x3]  }
0x63: {  	[sflag:s9] =	ssyncadd.s32 $0xFFFFF800;
	s1 =	sadd.s32 s3, s24  }
0x64: {  	[hbm4b:s1+s2] =	stream.linear.scatter [tilespmem:s28], [sflag:$0x2], $0x100, $0x38;
	[tilespmem:$0x8690] =	vst v63  }
0x65: {  	_ =	swait.ge [sflag:s18], $0x100  }
0x66: {  	s25 =	sshll.u32 s23, $0x6;
	[sflag:s18] =	ssyncset.done $0x0;
	s26 =	rddreg [dreg:$0x4]  }
0x67: {  	s13 =	sadd.s32 $0x1, s13;
	[sflag:s18] =	ssyncadd.s32 $0xFFFFFF00;
	s1 =	sadd.s32 s26, s25  }
0x68: {  	[hbm4b:s1+s2] =	stream.linear.scatter [tilespmem:s31], [sflag:$0x2], $0x200, $0x38;
	[tilespmem:$0x8690] =	vst v63  }
0x69: {  	p0 =	sne.s32 s13, $0x10;
	_ =	swait.ge [sflag:s18], $0x200  }
0x6a: {  	s0 =	sshll.u32 s23, $0x8;
	[sflag:s18] =	ssyncset.done $0x0;
	s29 =	rddreg [dreg:$0x5]  }
.Ltmp5:
0x6b: {  	[sflag:s18] =	ssyncadd.s32 $0xFFFFFE00;
	s0 =	sadd.s32 s29, s0;
	(pc) =	sbr.rel @!p0 .LBB2_10-.Ltmp5, $4  }
0x6c: {  	[hbm4b:s0+s2] =	stream.linear.scatter [tilespmem:s21], [sflag:$0x2], $0x800, $0x38;
	[tilespmem:$0x8690] =	vst v63  }
0x6d: {  	_ =	swait.ge [sflag:s18], $0x800  }
0x6e: {  	[sflag:s18] =	ssyncset.done $0x0  }
0x6f: {  	[sflag:s18] =	ssyncadd.s32 $0xFFFFF800  }
.LBB2_3:
0x70: {  	s0 =	sor.u32 s12, s13  }
0x71: {  	v4 =	vmov s0  }
0x72: {  	s15 =	simm.s32 $0x7FFFFFFF;
	p0 =	por $0x1, $0x1  }
0x73: {  	s22 =	simm.s32 $0x2800;
	s23 =	simm.s32 $0x5000;
	s1 =	simm.s32 $0x10  }
0x74: {  	s6 =	simm.s32 $0x2810;
	s25 =	simm.s32 $0x7880;
	s7 =	simm.s32 $0x5010  }
0x75: {  	s24 =	simm.s32 $0x0;
	p1 =	por $0x1, $0x1;
	s26 =	simm.s32 $0x7900  }
0x76: {  	s19 =	simm.s32 $0x7FFFFFFF;
	s20 =	simm.s32 $0x7FFFFFFF;
	s16 =	simm.s32 $0x0;
	v2 =	vld.idx.msk [tilespmem:v4+s25+$0x0], $0xffff  }
0x77: {  	s29 =	simm.s32 $0x7980;
	s3 =	smov.u32 s30;
	s10 =	simm.s32 $0x0;
	v3 =	vld.idx.msk [tilespmem:v4+s26+$0x0], $0xffff  }
0x78: {  	s4 =	simm.s32 $0x0;
	s11 =	simm.s32 $0x0;
	s0 =	rddreg [dreg:$0xe];
	v4 =	vld.idx.msk [tilespmem:v4+s29+$0x0], $0xffff  }
.LBB2_4:
0x79: {  	v5 =	vld [tilespmem:s24+$0x0]  }
0x7a: {  	v6 =	vld [tilespmem:s22+$0x0];
	_ =	sdelay $0x1  }
0x7b: {  	v7 =	vld [tilespmem:s23+$0x0];
	_ =	sdelay $0x2  }
0x7c: {  	v5 =	vsub.f32 v5, v2;
	v6 =	vsub.f32 v6, v3;
	_ =	sdelay $0x1  }
0x7d: {  	v7 =	vsub.f32 v7, v4;
	v5 =	vmul.f32 v5, v5;
	v6 =	vmul.f32 v6, v6;
	_ =	sdelay $0x1  }
0x7e: {  	v5 =	vadd.f32 v6, v5;
	v6 =	vmul.f32 v7, v7;
	_ =	sdelay $0x1  }
0x7f: {  	v5 =	vadd.f32 v6, v5  }
0x80: {  	p2 =	slt.s32 s4, $0x10;
	vm1 =	vmmov vm0  }
0x81: {  	vm1 =	vmneg @p2 vm1;
	vm3 =	vlt.f32 v5, $9.999999770e-03  }
0x82: {  	vm2 =	vmmov vm0;
	vm5 =	vmmov vm0;
	vm1 =	vmand vm1, vm3  }
0x83: {  	vm2 =	vmneg @p1 vm2;
	vm4 =	vlt.f32 v5, $3.999999910e-02;
	v6 =	vmpcnt.ones.xlane vm1  }
0x84: {  	vm5 =	vmneg @p0 vm5;
	v7 =	vor.u32 s3, v1;
	vm2 =	vmand vm2, vm4  }
0x85: {  	vm6 =	vlt.f32 v5, $1.599999960e-01;
	v8 =	vmpcnt.ones.xlane vm2;
	v6 =	vxor.u32 $0x80000000, v6  }
0x86: {  	v5 =	vnsel vm3, $0xFFFFFFFF, v7;
	vm3 =	vmand vm5, vm6;
	(xrf0) =	vmax.scan.msk.u32 $0xffff, v6  }
0x87: {  	v6 =	vmpcnt.ones.xlane vm3;
	(xrf0) =	vmin.scan.msk.u32 $0xffff, v5;
	v5 =	vxor.u32 $0x80000000, v8  }
0x88: {  	v63 =	vnsel vm4, $0xFFFFFFFF, v7;
	(xrf0) =	vmax.scan.msk.u32 $0xffff, v5  }
0x89: {  	v5 =	vxor.u32 $0x80000000, v6;
	(xrf0) =	vmin.scan.msk.u32 $0xffff, v63  }
0x8a: {  	(xrf0) =	vmax.scan.msk.u32 $0xffff, v5;
	v5 =	vnsel vm6, $0xFFFFFFFF, v7;
	_ =	sdelay $0x1  }
0x8b: {  	v6, _, _ =	vpop (xrf0);
	(xrf0) =	vmin.scan.msk.u32 $0xffff, v5  }
0x8c: {  	v5, _, _ =	vpop (xrf0);
	(v2sf) =	vpush v6, $0xF  }
0x8d: {  	v6, _, _ =	vpop (xrf0);
	(v2sf) =	vpush v5, $0xF  }
0x8e: {  	v5, _, _ =	vpop (xrf0);
	(v2sf) =	vpush v6, $0xF  }
0x8f: {  	(v2sf) =	vpush v5, $0xF  }
0x90: {  	v6, _, _ =	vpop (xrf0)  }
0x91: {  	(v2sf) =	vpush v6, $0xF;
	v5, _, _ =	vpop (xrf0)  }
0x92: {  	(v2sf) =	vpush v5, $0xF;
	_ =	sdelay $0x8  }
0x93: {  	s17 =	spop (v2sf)  }
0x94: {  	v5 =	vor.u32 s3, v0;
	s25 =	spop (v2sf)  }
0x95: {  	s29 =	smov.u32 s20;
	[tilespmem:s4+$0x7A00] =	vst.msk vm1, v5;
	s4 =	sadd.s32 s17, s4;
	s26 =	spop (v2sf)  }
0x96: {  	s20 =	sxor.u32 $0x80000000, s25;
	s25 =	smov.u32 s19;
	s8 =	spop (v2sf)  }
0x97: {  	p0 =	slt.s32 s29, s20;
	s19 =	sadd.s32 s26, s10;
	s26 =	smov.u32 s15  }
0x98: {  	[tilespmem:s10+$0x7A30] =	vst.msk vm2, v5;
	s17 =	spop (v2sf);
	s10 =	sadd.s32 $0x80000000, s19;
	s19 =	sxor.u32 $0x80000000, s8  }
0x99: {  	s20 =	smov.u32 @p0 s29;
	p0 =	slt.s32 s25, s19;
	s15 =	spop (v2sf)  }
0x9a: {  	s17 =	sadd.s32 s17, s16;
	p1 =	slt.s32 s10, $0x20;
	s15 =	sxor.u32 $0x80000000, s15  }
0x9b: {  	[tilespmem:s16+$0x7A80] =	vst.msk vm3, v5;
	s19 =	smov.u32 @p0 s25;
	s16 =	sadd.s32 $0x80000000, s17;
	p0 =	slt.s32 s26, s15  }
0x9c: {  	s25 =	smov.u32 s11;
	s15 =	smov.u32 @p0 s26;
	p0 =	slt.s32 s16, $0x80  }
0x9d: {  	p2 =	sgt.u32 s25, $0x27E;
	p3 =	por p1, p0  }
0x9e: {  	p3 =	por p2, !p3  }
.Ltmp6:
0x9f: {  	s24 =	sadd.s32 $0x10, s24;
	s22 =	sadd.s32 $0x10, s22;
	(pc) =	sbr.rel @!p3 .LBB2_4-.Ltmp6, $4  }
0xa0: {  	s23 =	sadd.s32 $0x10, s23;
	s3 =	sadd.s32 $0x10, s3;
	s4 =	sadd.s32 $0x80000000, s4  }
0xa1: {  	s29 =	smov.u32 s7;
	s7 =	sadd.s32 $0x10, s7;
	s11 =	sadd.s32 $0x1, s11  }
0xa2: {  	s17 =	smov.u32 s0;
	s0 =	sadd.s32 $0x10, s0;
	s25 =	smov.u32 s6  }
0xa3: {  	s6 =	sadd.s32 $0x10, s6;
	s26 =	smov.u32 s1;
	s1 =	sadd.s32 $0x10, s1  }
0xa4: {  	p0 =	slt.s32 @!p2 s4, $0x10  }
0xa5: {  	p0 =	por p2, !p0  }
.Ltmp7:
0xa6: {  	_ = 	snop;
	(pc) =	sbr.rel @p0 .LBB2_6-.Ltmp7, $1  }
0xa7: {  	_ =	sdelay $0x3  }
.LBB2_7:
0xa8: {  	v5 =	vld [tilespmem:s26+$0x0]  }
0xa9: {  	v6 =	vld [tilespmem:s25+$0x0];
	_ =	sdelay $0x1  }
0xaa: {  	v7 =	vld [tilespmem:s29+$0x0];
	_ =	sdelay $0x2  }
0xab: {  	v5 =	vsub.f32 v5, v2;
	v6 =	vsub.f32 v6, v3;
	_ =	sdelay $0x1  }
0xac: {  	v7 =	vsub.f32 v7, v4;
	v5 =	vmul.f32 v5, v5;
	v6 =	vmul.f32 v6, v6;
	_ =	sdelay $0x1  }
0xad: {  	v5 =	vadd.f32 v6, v5;
	v6 =	vmul.f32 v7, v7;
	_ =	sdelay $0x1  }
0xae: {  	v5 =	vadd.f32 v6, v5;
	_ =	sdelay $0x1  }
0xaf: {  	vm1 =	vlt.f32 v5, $9.999999770e-03  }
0xb0: {  	v6 =	vor.u32 s17, v1;
	v5 =	vmpcnt.ones.xlane vm1  }
0xb1: {  	v6 =	vnsel vm1, $0xFFFFFFFF, v6  }
0xb2: {  	(xrf0) =	vmin.scan.msk.u32 $0xffff, v6;
	v5 =	vxor.u32 $0x80000000, v5  }
0xb3: {  	(xrf0) =	vmax.scan.msk.u32 $0xffff, v5;
	_ =	sdelay $0x4  }
0xb4: {  	v5, _, _ =	vpop (xrf0)  }
0xb5: {  	(v2sf) =	vpush v5, $0xF;
	v5, _, _ =	vpop (xrf0)  }
0xb6: {  	(v2sf) =	vpush v5, $0xF;
	_ =	sdelay $0xd  }
0xb7: {  	s0 =	spop (v2sf)  }
0xb8: {  	s3 =	spop (v2sf)  }
0xb9: {  	s1 =	smov.u32 s20;
	v5 =	vor.u32 s17, v0;
	s20 =	sxor.u32 $0x80000000, s0;
	s24 =	sadd.s32 s3, s4  }
0xba: {  	p0 =	sgt.u32 s11, $0x27E;
	[tilespmem:s4+$0x7A00] =	vst.msk vm1, v5;
	p1 =	slt.s32 s1, s20;
	s4 =	sadd.s32 $0x80000000, s24  }
0xbb: {  	s20 =	smov.u32 @p1 s1;
	p1 =	slt.s32 @!p0 s4, $0x10  }
0xbc: {  	p1 =	por p0, !p1  }
.Ltmp8:
0xbd: {  	_ = 	snop;
	(pc) =	sbr.rel @!p1 .LBB2_7-.Ltmp8, $3  }
0xbe: {  	_ =	sdelay $0x1  }
0xbf: {  	s11 =	sadd.s32 $0x1, s11;
	s26 =	sadd.s32 $0x10, s26  }
0xc0: {  	s25 =	sadd.s32 $0x10, s25;
	s29 =	sadd.s32 $0x10, s29;
	s17 =	sadd.s32 $0x10, s17  }
.Ltmp9:
0xc1: {  	(pc) =	sbr.rel .LBB2_9-.Ltmp9, $2  }
0xc2: {  	_ =	sdelay $0x2  }
0xc3: {  	s4 =	smov.u32 @p0 s4;
	s20 =	smov.u32 @p0 s20  }
.LBB2_12:
0xc4: {  	_ =	sfence.sel $0x180000  }
0xc5: {  	[bflag:$0x0] =	sbarrier.arrive $0xFFFF  }
0xc6: {  	_ =	strace $0x90000047  }
0xc7: {  	s0 =	stileid.u32;
	[bflag:$0x2] =	sbarrier.arrive $0xFFFF  }
0xc8: {  	p0 =	sne.s32 s0, $0x0;
	s0 =	rddreg [dreg:$0x1]  }
0xc9: {  	s0 =	sadd.s32 @!p0 $0x100000, s0  }
0xca: {  	[sflag:s0] =	ssyncadd.tile.s32 @!p0 $0x1;
	_ =	shalt  }
.Lfunc_end2:
_tile_overlayer_lowered:
.L_overlay_start_2:
0xcb: {  	(tag) =	ssettag $0x2  }
0xcc: {  	s0 =	rddreg [dreg:$0x0];
	s2 =	stileid.u32  }
0xcd: {  	s1 =	rddreg [dreg:$0x1];
	p0 =	sne.s32 s2, $0x0  }
0xce: {  	s3 =	rddreg [dreg:$0x2];
	[bflag:$0x3] =	sbarrier.arrive $0xFFFF;
	s2 =	simm.s32 @!p0 $0x1C02  }
0xcf: {  	[timem:s3], [sflag:s2] =	dma.local @!p0 [hbm:s0], s1  }
0xd0: {  	s0 =	simm.s32 @!p0 $0x2  }
0xd1: {  	_ =	swait.ge @!p0 [sflag:s0], s1  }
0xd2: {  	s1 =	ssub.s32 @!p0 $0x0, s1;
	[sflag:s0] =	ssyncset.done @!p0 $0x0  }
0xd3: {  	[sflag:s0] =	ssyncadd.s32 @!p0 s1  }
0xd4: {  	[bflag:$0x3] =	sbarrier.arrive $0xFFFF  }
0xd5: {  	_ =	shalt  }

// kernel: kernel.37.cloned.1.call-start
scs
__scs_entry_jumppad:
0x0: {  	(pc) =	sbr.rel $0x88, $3  }
0x1: {  	(tag) =	ssettag $0x0;
	lr =	simm.s32 $0x1  }
0x2: {  	[smem:$0x3F5F] =	sst lr;
	_ =	strace $0xD0000000  }
0x3: {  	_ = 	snop  }
0x4: {  	_ = 	snop  }
0x5: {  	_ = 	snop  }
0x6: {  	_ = 	snop  }
0x7: {  	_ = 	snop  }
__scs_overlays_trampoline_lowered:
0x8: {  	[smem:$0x3F6E] =	sst s0  }
0x9: {  	[smem:$0x3F6F] =	sst s1  }
0xa: {  	[smem:$0x3F70] =	sst s2  }
0xb: {  	[smem:$0x3F71] =	sst s3  }
0xc: {  	[smem:$0x3F72] =	sst s4  }
0xd: {  	[smem:$0x3F73] =	sst s5  }
0xe: {  	[smem:$0x3F74] =	sst s6  }
0xf: {  	[smem:$0x3F75] =	sst s7  }
0x10: {  	[smem:$0x3F76] =	sst s8  }
0x11: {  	[smem:$0x3F77] =	sst s9;
	s0 =	simm.s32 @!p0 $0x0  }
0x12: {  	s1 =	sld [smem:$0x3F5D];
	s0 =	simm.s32 @p0 $0x1  }
0x13: {  	[smem:$0x3F78] =	sst s0;
	s0 =	simm.s32 @!p1 $0x0  }
0x14: {  	s2 =	sld [smem:$0x3F5C];
	s0 =	simm.s32 @p1 $0x1  }
0x15: {  	[smem:$0x3F79] =	sst s0;
	s0 =	simm.s32 @!p2 $0x0  }
0x16: {  	s3 =	sld [smem:$0x3FDB];
	s0 =	simm.s32 @p2 $0x1  }
0x17: {  	s4 =	simm.s32 $0x1BF5;
	[smem:$0x3F7B] =	sst s0  }
0x18: {  	s0 =	sld [smem:$0x3F5E];
	_ =	swait.ge [sflag:s4], $0x0  }
0x19: {  	s7 =	sld [smem:$0x3F5F]  }
0x1a: {  	s8 =	sadd.s32 $0xFFFFE003, lr  }
0x1b: {  	s9 =	sadd.s32 $0xFFFFFEF7, lr;
	s5 =	simm.s32 $0xFFFFFFFF;
	p2 =	slt.u32 s8, $0xFFFFF086  }
0x1c: {  	p1 =	slt.u32 s9, $0xF7A;
	s5 =	simm.s32 @!p2 $0x0  }
0x1d: {  	s5 =	simm.s32 @p1 $0x1;
	p0 =	seq.s32 s7, s2  }
0x1e: {  	s7 =	smul.u32 @!p0 $0xF7A, s2;
	p2 =	seq.s32 @!p0 s5, $0x0  }
0x1f: {  	s9 =	smul.u32 $0xF7A, s1;
	s8 =	simm.s32 @!p0 $0x1BF5;
	p2 =	por !p2, p0  }
0x20: {  	[sflag:s8] =	ssyncset.s32 @!p0 $0xFFFFF086;
	s6 =	sadd.s32 @!p0 s3, s7;
	s7 =	simm.s32 @!p0 $0x108  }
0x21: {  	s3 =	sadd.s32 s3, s9;
	s6 =	sadd.s32 @!p0 $0x88, s6;
	s7 =	simm.s32 @p2 $0x1082  }
0x22: {  	[simem:s7], [sflag:s8] =	dma.local @!p0 [hbm:s6], $0xF7A  }
0x23: {  	s9 =	sor.u32 $0xD0000000, s2;
	s6 =	simm.s32 $0x108;
	_ =	swait.ge @!p0 [sflag:s8], $0x0  }
0x24: {  	s3 =	sadd.s32 $0x88, s3;
	s6 =	simm.s32 @!p1 $0x1082;
	[sflag:s4] =	ssyncset.s32 $0xFFFFF086  }
0x25: {  	[simem:s6], [sflag:s4] =	dma.local [hbm:s3], $0xF7A  }
0x26: {  	[smem:$0x3F5F] =	sst s1;
	(tag) =	ssettag s2;
	_ =	strace s9  }
0x27: {  	s1 =	sld [smem:$0x3F6F]  }
0x28: {  	s2 =	sld [smem:$0x3F70]  }
0x29: {  	s4 =	sld [smem:$0x3F72]  }
0x2a: {  	p0 =	seq.s32 s5, $0x0;
	s5 =	sld [smem:$0x3F73]  }
0x2b: {  	s6 =	sld [smem:$0x3F74]  }
0x2c: {  	s7 =	sld [smem:$0x3F75]  }
0x2d: {  	s3 =	simm.s32 $0x108;
	s8 =	sld [smem:$0x3F76]  }
0x2e: {  	s3 =	simm.s32 @!p0 $0x1082;
	s9 =	sld [smem:$0x3F77]  }
0x2f: {  	lr =	sadd.s32 s0, s3;
	s0 =	sld [smem:$0x3F6E]  }
0x30: {  	s3 =	sld [smem:$0x3F71]  }
0x31: {  	[smem:$0x3F7A] =	sst s10  }
0x32: {  	s10 =	sld [smem:$0x3F78];
	_ =	sdelay $0x3  }
0x33: {  	p0 =	seq.s32 s10, $0x1;
	s10 =	sld [smem:$0x3F7A];
	_ =	sdelay $0x3  }
0x34: {  	[smem:$0x3F7A] =	sst s10  }
0x35: {  	s10 =	sld [smem:$0x3F79];
	_ =	sdelay $0x3  }
0x36: {  	p1 =	seq.s32 s10, $0x1;
	s10 =	sld [smem:$0x3F7A];
	_ =	sdelay $0x3  }
0x37: {  	[smem:$0x3F7A] =	sst s10  }
0x38: {  	s10 =	sld [smem:$0x3F7B]  }
0x39: {  	_ = 	snop;
	(pc) =	sbr.ind lr, $3  }
0x3a: {  	_ = 	snop  }
0x3b: {  	_ = 	snop  }
0x3c: {  	p2 =	seq.s32 s10, $0x1;
	s10 =	sld [smem:$0x3F7A]  }
0x3d: {  	_ =	shalt  }
0x3e: {  	_ =	shalt  }
0x3f: {  	_ =	shalt  }
0x40: {  	_ =	shalt  }
0x41: {  	_ =	shalt  }
0x42: {  	_ =	shalt  }
0x43: {  	_ =	shalt  }
0x44: {  	_ =	shalt  }
0x45: {  	_ =	shalt  }
0x46: {  	_ =	shalt  }
0x47: {  	_ =	shalt  }
0x48: {  	_ =	shalt  }
0x49: {  	_ =	shalt  }
0x4a: {  	_ =	shalt  }
0x4b: {  	_ =	shalt  }
0x4c: {  	_ =	shalt  }
0x4d: {  	_ =	shalt  }
0x4e: {  	_ =	shalt  }
0x4f: {  	_ =	shalt  }
0x50: {  	_ =	shalt  }
0x51: {  	_ =	shalt  }
0x52: {  	_ =	shalt  }
0x53: {  	_ =	shalt  }
0x54: {  	_ =	shalt  }
0x55: {  	_ =	shalt  }
0x56: {  	_ =	shalt  }
0x57: {  	_ =	shalt  }
0x58: {  	_ =	shalt  }
0x59: {  	_ =	shalt  }
0x5a: {  	_ =	shalt  }
0x5b: {  	_ =	shalt  }
0x5c: {  	_ =	shalt  }
0x5d: {  	_ =	shalt  }
0x5e: {  	_ =	shalt  }
0x5f: {  	_ =	shalt  }
0x60: {  	_ =	shalt  }
0x61: {  	_ =	shalt  }
0x62: {  	_ =	shalt  }
0x63: {  	_ =	shalt  }
0x64: {  	_ =	shalt  }
0x65: {  	_ =	shalt  }
0x66: {  	_ =	shalt  }
0x67: {  	_ =	shalt  }
0x68: {  	_ =	shalt  }
0x69: {  	_ =	shalt  }
0x6a: {  	_ =	shalt  }
0x6b: {  	_ =	shalt  }
0x6c: {  	_ =	shalt  }
0x6d: {  	_ =	shalt  }
0x6e: {  	_ =	shalt  }
0x6f: {  	_ =	shalt  }
0x70: {  	_ =	shalt  }
0x71: {  	_ =	shalt  }
0x72: {  	_ =	shalt  }
0x73: {  	_ =	shalt  }
0x74: {  	_ =	shalt  }
0x75: {  	_ =	shalt  }
0x76: {  	_ =	shalt  }
0x77: {  	_ =	shalt  }
0x78: {  	_ =	shalt  }
0x79: {  	_ =	shalt  }
0x7a: {  	_ =	shalt  }
0x7b: {  	_ =	shalt  }
0x7c: {  	_ =	shalt  }
0x7d: {  	_ =	shalt  }
0x7e: {  	_ =	shalt  }
0x7f: {  	_ =	shalt  }
0x80: {  	_ =	shalt  }
0x81: {  	_ =	shalt  }
0x82: {  	_ =	shalt  }
0x83: {  	_ =	shalt  }
0x84: {  	_ =	shalt  }
0x85: {  	_ =	shalt  }
0x86: {  	_ =	shalt  }
0x87: {  	_ =	shalt  }
.Lfunc_end0:
.L_simem_size_0:
called_computation.1_lowered:
.L_overlay_start_0:
0x88: {  	s2 =	sld [smem:$0x3FD9]  }
0x89: {  	s3 =	sld [smem:$0x3FFE];
	_ =	sdelay $0x1  }
0x8a: {  	s1 =	srdreg.scid  }
0x8b: {  	s0 =	sand.u32 $0x1, s1  }
0x8c: {  	s16 =	sshll.u32 s0, $0xA;
	s2 =	sadd.s32 s3, s2  }
0x8d: {  	s2 =	sadd.s32 s2, s16  }
0x8e: {  	[smem:$0x3F86] =	sst s2  }
0x8f: {  	_ = 	snop  }
0x90: {  	(tm) =	ssettm $0x1  }
0x91: {  	s17 =	sld [smem:$0x3FFB];
	_ =	sdelay $0x3  }
0x92: {  	_ =	strace s17  }
0x93: {  	s2 =	sld [smem:$0x3FFC];
	_ =	sdelay $0x3  }
0x94: {  	_ =	strace s2  }
0x95: {  	s2 =	sld [smem:$0x3FFD];
	_ =	sdelay $0x3  }
0x96: {  	_ =	strace s2  }
0x97: {  	_ =	strace $0x8FFFFFFF  }
0x98: {  	s18 =	sld [smem:$0x3FDB];
	_ =	sdelay $0x1  }
0x99: {  	s19 =	simm.s32 $_scs_section_size  }
0x9a: {  	s4 =	simm.s32 $_size__tile_overlayer_lowered;
	s5 =	simm.s32 $_tile_overlayer_lowered  }
0x9b: {  	s22 =	simm.s32 $0x1BFF;
	s21 =	sshll.u32 s5, $0x1;
	s2 =	sadd.s32 s19, s18  }
0x9c: {  	s6 =	simm.s32 $0x0;
	s20 =	sshll.u32 s4, $0x1;
	s4 =	sadd.s32 s21, s2  }
0x9d: {  	[timem:s6], [sflag:s22] =	dma.local [hbm:s4], s20  }
0x9e: {  	_ =	swait.ge [sflag:s22], s20  }
0x9f: {  	s3 =	ssub.s32 $0x0, s20;
	[sflag:s22] =	ssyncset.done $0x0  }
0xa0: {  	[sflag:s22] =	ssyncadd.s32 s3;
	_ =	sdelay $0x1  }
0xa1: {  	s23 =	simm.s32 $0x1B8B  }
0xa2: {  	_ =	swait.ge [sflag:s23], $0x1  }
0xa3: {  	[sflag:s23] =	ssyncset.done $0x0  }
0xa4: {  	s25 =	simm.s32 $0x1B8E;
	s24 =	sld [smem:$0x3FFE];
	[sflag:s23] =	ssyncadd.s32 $0xFFFFFFFF  }
0xa5: {  	s26 =	simm.s32 $execute0_lowered;
	[smem:$0x3FD2] =	sst s25  }
0xa6: {  	s4 =	sshll.u32 s26, $0x1;
	_ =	strace $0x80000049;
	[dreg:$0x1] =	wrdreg $0xFFFFFFFF  }
0xa7: {  	s28 =	simm.s32 $_size_execute0_lowered;
	s2 =	sadd.s32 s2, s4;
	[dreg:$0x0] =	wrdreg $0x0  }
0xa8: {  	s4 =	sshll.u32 s28, $0x1;
	[dreg:$0x2] =	wrdreg s2  }
0xa9: {  	[dreg:$0x3] =	wrdreg s4  }
0xaa: {  	[dreg:$0x4] =	wrdreg $0xC0  }
0xab: {  	_ =	task [dreg:s6], $0x5FFFF  }
0xac: {  	[dreg:$0x1] =	wrdreg $0xFFFFFFFF  }
0xad: {  	[dreg:$0x0] =	wrdreg $0x60  }
0xae: {  	[dreg:$0x2] =	wrdreg s24  }
0xaf: {  	[dreg:$0x3] =	wrdreg $0x9  }
0xb0: {  	_ =	task.clear_ibuf [dreg:s6], $0x4FFFF;
	_ =	strace $0x90000049  }
0xb1: {  	s29 =	simm.s32 $0x9;
	_ =	strace $0x8000004B  }
0xb2: {  	_ =	swait.ge [sflag:s29], $0x1  }
0xb3: {  	[sflag:s29] =	ssyncadd.s32 $0xFFFFFFFF  }
0xb4: {  	_ =	strace $0x9000004B  }
0xb5: {  	_ =	sfence  }
0xb6: {  	s30 =	sld [smem:$0x0];
	_ =	sdelay $0x2  }
0xb7: {  	s31 =	sshll.u32 s1, $0xD;
	s1 =	sshrl.u32 s1, $0x2  }
0xb8: {  	s3 =	sand.u32 $0x4000, s31;
	s1 =	sadd.s32 s1, s30  }
0xb9: {  	s0 =	sor.u32 s3, s0;
	s1 =	sshll.u32 s1, $0x11  }
0xba: {  	s0 =	sor.u32 s1, s0  }
0xbb: {  	s0 =	sadd.s32 $0x8F2B, s0  }
0xbc: {  	[sflag:s0] =	ssyncadd.remote.s32 $0x1  }
0xbd: {  	_ =	sfence.sel $0xFFFF  }
0xbe: {  	[dreg:$0x0] =	wrdreg $0xFFFFFFFF;
	(pc) =	sbr.abs _section_cstart, $3  }
0xbf: {  	[dreg:$0x1] =	wrdreg $0xFFFFFFFF  }
0xc0: {  	_ =	task.clear_ibuf [dreg:s6], $0x2FFFF;
	_ =	strace $0x9FFFFFFF  }
0xc1: {  	(tm) =	ssettm $0x7FFFFFFF  }
tec
execute0_lowered:
.L_overlay_start_1:
0x0: {  	(tag) =	ssettag $0x1  }
0x1: {  	s0 =	rddreg [dreg:$0x0]  }
0x2: {  	s4 =	stileid.u32;
	s2 =	simm.s32 $0x0;
	s3 =	srdreg.scid  }
0x3: {  	s1 =	sshll.u32 s4, $0x8;
	[smem:$0x7FF] =	sst s2;
	s17 =	sand.u32 $0x1, s3  }
0x4: {  	s4 =	sshll.u32 s4, $0x6;
	s6 =	sadd.s32 $0x9BA00, s0;
	s7 =	sadd.s32 $0x1EBA00, s0  }
0x5: {  	s30 =	sand.u32 $0xE00, s1;
	_ =	strace $0x8000004A;
	[dreg:$0x3] =	wrdreg s6  }
0x6: {  	s5 =	sshll.u32 s17, $0x5;
	[dreg:$0x4] =	wrdreg s7;
	s18 =	sshrl.u32 s30, $0x3  }
0x7: {  	s4 =	sor.u32 s5, s4;
	s5 =	sadd.s32 $0x33A00, s0;
	s29 =	sor.u32 $0x10, s30  }
0x8: {  	s3 =	sadd.s32 s18, s0;
	[dreg:$0x2] =	wrdreg s4;
	s4 =	sshrl.u32 s4, $0x3  }
0x9: {  	[dreg:$0xe] =	wrdreg s29;
	s4 =	sadd.s32 s4, s0;
	s0 =	sadd.s32 $0x48BA00, s0  }
0xa: {  	s21 =	sadd.s32 $0x9B400, s3;
	[dreg:$0x5] =	wrdreg s0  }
0xb: {  	s31 =	simm.s32 $0x3270;
	s22 =	sadd.s32 $0x9B600, s3;
	[dreg:$0x6] =	wrdreg s21  }
0xc: {  	s9 =	simm.s32 $0x1;
	s23 =	sadd.s32 $0x9B800, s3;
	[dreg:$0x7] =	wrdreg s22  }
0xd: {  	s1 =	ssub.s32 $0x2, s17;
	[dreg:$0x8] =	wrdreg s23;
	s24 =	sadd.s32 $0x13400, s4  }
.Ltmp0:
0xe: {  	s25 =	sadd.s32 $0x13600, s4;
	[dreg:$0x9] =	wrdreg s24;
	(pc) =	sbr.rel .LBB2_1-.Ltmp0, $4  }
0xf: {  	s19 =	sshrl.u32 s1, $0x1;
	s26 =	sadd.s32 $0x13800, s4;
	[dreg:$0xa] =	wrdreg s25  }
0x10: {  	s20 =	ssub.s32 s1, s19;
	s28 =	sadd.s32 $0x13A00, s4;
	[dreg:$0xb] =	wrdreg s26  }
0x11: {  	v0 =	vlaneseq.u32;
	s18 =	simm.s32 $0x2;
	s0 =	smax.u32 s20, $0x1;
	[dreg:$0xc] =	wrdreg s28  }
0x12: {  	vm0 =	vmxor vm0, vm0;
	v1 =	vor.u32 $0x80000000, v0;
	s1 =	simm.s32 $0x0;
	s21 =	simm.s32 $0x8670;
	[dreg:$0xd] =	wrdreg s0  }
.LBB2_11:
0x13: {  	s0 =	rddreg [dreg:$0xa];
	s1 =	simm.s32 $0x620  }
0x14: {  	[hbm4b:s0+s2] =	stream.linear.scatter [tilespmem:s1], [sflag:$0x2], $0x20, $0x38;
	[tilespmem:$0x12E70] =	vst v63  }
0x15: {  	_ =	swait.ge [sflag:s18], $0x20  }
0x16: {  	[sflag:s18] =	ssyncset.done $0x0  }
0x17: {  	s24 =	simm.s32 $0x640;
	s23 =	rddreg [dreg:$0xb];
	[sflag:s18] =	ssyncadd.s32 $0xFFFFFFE0  }
0x18: {  	[hbm4b:s23+s2] =	stream.linear.scatter [tilespmem:s24], [sflag:$0x2], $0x20, $0x38;
	[tilespmem:$0x12E70] =	vst v63  }
0x19: {  	_ =	swait.ge [sflag:s18], $0x20  }
0x1a: {  	[sflag:s18] =	ssyncset.done $0x0  }
0x1b: {  	s26 =	simm.s32 $0x660;
	s25 =	rddreg [dreg:$0xc];
	[sflag:s18] =	ssyncadd.s32 $0xFFFFFFE0  }
0x1c: {  	[hbm4b:s25+s2] =	stream.linear.scatter [tilespmem:s26], [sflag:$0x2], $0x20, $0x38;
	[tilespmem:$0x12E70] =	vst v63  }
0x1d: {  	_ =	swait.ge [sflag:s18], $0x20  }
0x1e: {  	s28 =	rddreg [dreg:$0xf]  }
0x1f: {  	s29 =	rddreg [dreg:$0xd];
	s1 =	sadd.s32 $0x1, s28  }
0x20: {  	p0 =	sne.s32 s1, s29  }
.Ltmp1:
0x21: {  	_ = 	snop;
	(pc) =	sbr.rel @!p0 .LBB2_12-.Ltmp1, $3  }
0x22: {  	_ =	sdelay $0x1  }
0x23: {  	[sflag:s18] =	ssyncset.done $0x0  }
0x24: {  	[sflag:s18] =	ssyncadd.s32 $0xFFFFFFE0  }
.LBB2_1:
0x25: {  	[dreg:$0xf] =	wrdreg s1  }
0x26: {  	s0 =	rddreg [dreg:$0x6]  }
0x27: {  	[tilespmem:s2], [sflag:$0x2] =	stream.linear.gather [hbm4b:s0+s2], $0x200, $0x38;
	[tilespmem:$0x12E70] =	vst v63  }
0x28: {  	_ =	swait.ge [sflag:s18], $0x200  }
0x29: {  	[sflag:s18] =	ssyncset.done $0x0  }
0x2a: {  	s24 =	simm.s32 $0x200;
	s23 =	rddreg [dreg:$0x7];
	[sflag:s18] =	ssyncadd.s32 $0xFFFFFE00  }
0x2b: {  	[tilespmem:s24], [sflag:$0x2] =	stream.linear.gather [hbm4b:s23+s2], $0x200, $0x38;
	[tilespmem:$0x12E70] =	vst v63  }
0x2c: {  	_ =	swait.ge [sflag:s18], $0x200  }
0x2d: {  	[sflag:s18] =	ssyncset.done $0x0  }
0x2e: {  	s26 =	simm.s32 $0x400;
	s25 =	rddreg [dreg:$0x8];
	[sflag:s18] =	ssyncadd.s32 $0xFFFFFE00  }
0x2f: {  	[tilespmem:s26], [sflag:$0x2] =	stream.linear.gather [hbm4b:s25+s2], $0x200, $0x38;
	[tilespmem:$0x12E70] =	vst v63  }
0x30: {  	_ =	swait.ge [sflag:s18], $0x200  }
0x31: {  	s29 =	simm.s32 $0x600;
	[sflag:s18] =	ssyncset.done $0x0  }
.Ltmp2:
0x32: {  	s28 =	rddreg [dreg:$0x9];
	[sflag:s18] =	ssyncadd.s32 $0xFFFFFE00;
	(pc) =	sbr.rel .LBB2_2-.Ltmp2, $4  }
0x33: {  	[tilespmem:s29], [sflag:$0x2] =	stream.linear.gather [hbm4b:s28+s2], $0x20, $0x38;
	[tilespmem:$0x12E70] =	vst v63  }
0x34: {  	_ =	swait.ge [sflag:s18], $0x20  }
0x35: {  	[sflag:s18] =	ssyncset.done $0x0  }
0x36: {  	p1 =	por $0x1, $0x1;
	s11 =	simm.s32 $0x0;
	[sflag:s18] =	ssyncadd.s32 $0xFFFFFFE0  }
.LBB2_10:
.Ltmp3:
0x37: {  	(pc) =	sbr.rel @!p0 .LBB2_11-.Ltmp3, $2  }
0x38: {  	_ =	sdelay $0x2  }
0x39: {  	s11 =	simm.s32 $0x10;
	p1 =	por $0x0, $0x0  }
.LBB2_2:
0x3a: {  	v2 =	vld [tilespmem:s11+$0x600];
	_ =	sdelay $0x6  }
0x3b: {  	s12 =	simm.s32 $0x0  }
0x3c: {  	s0 =	simm.s32 $0x200;
	v3 =	vld.idx.msk [tilespmem:v2+s12+$0x0], $0xffff  }
0x3d: {  	s28 =	simm.s32 $0x400;
	v4 =	vld.idx.msk [tilespmem:v2+s0+$0x0], $0xffff  }
0x3e: {  	v2 =	vld.idx.msk [tilespmem:v2+s28+$0x0], $0xffff  }
.Ltmp4:
0x3f: {  	_ = 	snop;
	(pc) =	sbr.rel .LBB2_3-.Ltmp4, $4  }
0x40: {  	_ = 	snop  }
0x41: {  	[tilespmem:s11+$0x620] =	vst v3  }
0x42: {  	s29 =	rddreg [dreg:$0x2];
	[tilespmem:s11+$0x640] =	vst v4  }
0x43: {  	p0 =	por p1, p1;
	s13 =	sor.u32 s29, s11;
	[tilespmem:s11+$0x660] =	vst v2  }
.LBB2_6:
0x44: {  	s19 =	smov.u32 @p3 s19;
	s20 =	smov.u32 @p3 s20  }
.LBB2_9:
0x45: {  	p1 =	seq.s32 s20, $0x7FFFFFFF  }
0x46: {  	s20 =	smov.u32 @p1 s30;
	p1 =	slt.s32 s19, $0x20  }
0x47: {  	v2 =	vmov s20;
	s19 =	simm.s32 @!p1 $0x20;
	p1 =	seq.s32 s28, $0x7FFFFFFF  }
0x48: {  	[tilespmem:s19+$0x680] =	vst v2;
	s28 =	smov.u32 @p1 s30;
	p1 =	slt.s32 s16, $0x40  }
0x49: {  	[tilespmem:s19+$0x690] =	vst v2;
	v2 =	vmov s28;
	s16 =	simm.s32 @!p1 $0x40  }
0x4a: {  	[tilespmem:s16+$0x6D0] =	vst v2  }
0x4b: {  	p1 =	seq.s32 s14, $0x7FFFFFFF;
	[tilespmem:s16+$0x6E0] =	vst v2  }
0x4c: {  	[tilespmem:s16+$0x6F0] =	vst v2;
	s14 =	smov.u32 @p1 s30;
	p1 =	slt.s32 s15, $0x80  }
0x4d: {  	[tilespmem:s16+$0x700] =	vst v2;
	v2 =	vmov s14;
	s15 =	simm.s32 @!p1 $0x80  }
0x4e: {  	[tilespmem:s15+$0x760] =	vst v2  }
0x4f: {  	[tilespmem:s15+$0x770] =	vst v2  }
0x50: {  	[tilespmem:s15+$0x780] =	vst v2  }
0x51: {  	[tilespmem:s15+$0x790] =	vst v2  }
0x52: {  	[tilespmem:s15+$0x7A0] =	vst v2  }
0x53: {  	[tilespmem:s15+$0x7B0] =	vst v2  }
0x54: {  	[tilespmem:s15+$0x7C0] =	vst v2  }
0x55: {  	s0 =	simm.s32 $0x20;
	s1 =	simm.s32 $0x680;
	s4 =	simm.s32 $0x870;
	[tilespmem:s15+$0x7D0] =	vst v2  }
0x56: {  	[tilespmem:s4], [sflag:$0x1] =	stream.indirect.gather [hbm4b:s5+s0], $0x150, s1, s0, $0xb8;
	[tilespmem:$0x12E70] =	vst v63  }
0x57: {  	s20 =	simm.s32 $0x6D0;
	s19 =	simm.s32 $0x40  }
0x58: {  	[tilespmem:s31], [sflag:$0x1] =	stream.indirect.gather [hbm4b:s5+s19], $0x150, s20, s19, $0xb8;
	[tilespmem:$0x12E70] =	vst v63  }
0x59: {  	s22 =	simm.s32 $0x80;
	s23 =	simm.s32 $0x760  }
0x5a: {  	[tilespmem:s21], [sflag:$0x1] =	stream.indirect.gather [hbm4b:s5+s22], $0x150, s23, s22, $0xb8;
	[tilespmem:$0x12E70] =	vst v63  }
0x5b: {  	_ =	swait.ge [sflag:s9], $0x2A00  }
0x5c: {  	[sflag:s9] =	ssyncset.done $0x0  }
0x5d: {  	[sflag:s9] =	ssyncadd.s32 $0xFFFFD600  }
0x5e: {  	_ =	swait.ge [sflag:s9], $0x5400  }
0x5f: {  	[sflag:s9] =	ssyncset.done $0x0  }
0x60: {  	s24 =	sor.u32 s12, s13;
	[sflag:s9] =	ssyncadd.s32 $0xFFFFAC00  }
0x61: {  	s25 =	smul.u32 $0x540, s24;
	_ =	swait.ge [sflag:s9], $0xA800  }
0x62: {  	[sflag:s9] =	ssyncset.done $0x0;
	s3 =	rddreg [dreg:$0x3]  }
0x63: {  	[sflag:s9] =	ssyncadd.s32 $0xFFFF5800;
	s1 =	sadd.s32 s3, s25  }
0x64: {  	[hbm4b:s1+s2] =	stream.linear.scatter [tilespmem:s4], [sflag:$0x2], $0x2A00, $0x38;
	[tilespmem:$0x12E70] =	vst v63  }
0x65: {  	s26 =	smul.u32 $0xA80, s24;
	_ =	swait.ge [sflag:s18], $0x2A00  }
0x66: {  	[sflag:s18] =	ssyncset.done $0x0;
	s28 =	rddreg [dreg:$0x4]  }
0x67: {  	[sflag:s18] =	ssyncadd.s32 $0xFFFFD600;
	s1 =	sadd.s32 s28, s26  }
0x68: {  	[hbm4b:s1+s2] =	stream.linear.scatter [tilespmem:s31], [sflag:$0x2], $0x5400, $0x38;
	[tilespmem:$0x12E70] =	vst v63  }
0x69: {  	s12 =	sadd.s32 $0x1, s12;
	s0 =	smul.u32 $0x1500, s24;
	_ =	swait.ge [sflag:s18], $0x5400  }
0x6a: {  	p1 =	sne.s32 s12, $0x10;
	[sflag:s18] =	ssyncset.done $0x0;
	s29 =	rddreg [dreg:$0x5]  }
.Ltmp5:
0x6b: {  	[sflag:s18] =	ssyncadd.s32 $0xFFFFAC00;
	s0 =	sadd.s32 s29, s0;
	(pc) =	sbr.rel @!p1 .LBB2_10-.Ltmp5, $4  }
0x6c: {  	[hbm4b:s0+s2] =	stream.linear.scatter [tilespmem:s21], [sflag:$0x2], $0xA800, $0x38;
	[tilespmem:$0x12E70] =	vst v63  }
0x6d: {  	_ =	swait.ge [sflag:s18], $0xA800  }
0x6e: {  	[sflag:s18] =	ssyncset.done $0x0  }
0x6f: {  	[sflag:s18] =	ssyncadd.s32 $0xFFFF5800  }
.LBB2_3:
0x70: {  	s0 =	sor.u32 s11, s12  }
0x71: {  	v4 =	vmov s0  }
0x72: {  	s14 =	simm.s32 $0x7FFFFFFF;
	p1 =	por $0x1, $0x1  }
0x73: {  	s22 =	simm.s32 $0x200;
	s23 =	simm.s32 $0x400;
	s6 =	simm.s32 $0x10  }
0x74: {  	s7 =	simm.s32 $0x210;
	s25 =	simm.s32 $0x620;
	s8 =	simm.s32 $0x410  }
0x75: {  	s24 =	simm.s32 $0x0;
	p2 =	por $0x1, $0x1;
	s26 =	simm.s32 $0x640  }
0x76: {  	s28 =	simm.s32 $0x7FFFFFFF;
	s20 =	simm.s32 $0x7FFFFFFF;
	s15 =	simm.s32 $0x0;
	v2 =	vld.idx.msk [tilespmem:v4+s25+$0x0], $0xffff  }
0x77: {  	s29 =	simm.s32 $0x660;
	s3 =	smov.u32 s30;
	s16 =	simm.s32 $0x0;
	v3 =	vld.idx.msk [tilespmem:v4+s26+$0x0], $0xffff  }
0x78: {  	s19 =	simm.s32 $0x0;
	s4 =	simm.s32 $0x0;
	s0 =	rddreg [dreg:$0xe];
	v4 =	vld.idx.msk [tilespmem:v4+s29+$0x0], $0xffff  }
.LBB2_4:
0x79: {  	v5 =	vld [tilespmem:s24+$0x0]  }
0x7a: {  	v6 =	vld [tilespmem:s22+$0x0];
	_ =	sdelay $0x1  }
0x7b: {  	v7 =	vld [tilespmem:s23+$0x0];
	_ =	sdelay $0x2  }
0x7c: {  	v5 =	vsub.f32 v5, v2;
	v6 =	vsub.f32 v6, v3;
	_ =	sdelay $0x1  }
0x7d: {  	v7 =	vsub.f32 v7, v4;
	v5 =	vmul.f32 v5, v5;
	v6 =	vmul.f32 v6, v6;
	_ =	sdelay $0x1  }
0x7e: {  	v5 =	vadd.f32 v6, v5;
	v6 =	vmul.f32 v7, v7;
	_ =	sdelay $0x1  }
0x7f: {  	v5 =	vadd.f32 v6, v5  }
0x80: {  	p3 =	slt.s32 s19, $0x20;
	vm1 =	vmmov vm0  }
0x81: {  	vm1 =	vmneg @p3 vm1;
	vm3 =	vlt.f32 v5, $3.999999910e-02  }
0x82: {  	vm2 =	vmmov vm0;
	vm5 =	vmmov vm0;
	vm1 =	vmand vm1, vm3  }
0x83: {  	vm2 =	vmneg @p2 vm2;
	vm4 =	vlt.f32 v5, $1.599999960e-01;
	v6 =	vmpcnt.ones.xlane vm1  }
0x84: {  	vm5 =	vmneg @p1 vm5;
	v7 =	vor.u32 s3, v1;
	vm2 =	vmand vm2, vm4  }
0x85: {  	vm6 =	vlt.f32 v5, $6.399999860e-01;
	v8 =	vmpcnt.ones.xlane vm2;
	v6 =	vxor.u32 $0x80000000, v6  }
0x86: {  	v5 =	vnsel vm3, $0xFFFFFFFF, v7;
	vm3 =	vmand vm5, vm6;
	(xrf0) =	vmax.scan.msk.u32 $0xffff, v6  }
0x87: {  	v6 =	vmpcnt.ones.xlane vm3;
	(xrf0) =	vmin.scan.msk.u32 $0xffff, v5;
	v5 =	vxor.u32 $0x80000000, v8  }
0x88: {  	v63 =	vnsel vm4, $0xFFFFFFFF, v7;
	(xrf0) =	vmax.scan.msk.u32 $0xffff, v5  }
0x89: {  	v5 =	vxor.u32 $0x80000000, v6;
	(xrf0) =	vmin.scan.msk.u32 $0xffff, v63  }
0x8a: {  	(xrf0) =	vmax.scan.msk.u32 $0xffff, v5;
	v5 =	vnsel vm6, $0xFFFFFFFF, v7;
	_ =	sdelay $0x1  }
0x8b: {  	v6, _, _ =	vpop (xrf0);
	(xrf0) =	vmin.scan.msk.u32 $0xffff, v5  }
0x8c: {  	v5, _, _ =	vpop (xrf0);
	(v2sf) =	vpush v6, $0xF  }
0x8d: {  	v6, _, _ =	vpop (xrf0);
	(v2sf) =	vpush v5, $0xF  }
0x8e: {  	(v2sf) =	vpush v6, $0xF  }
0x8f: {  	v5, _, _ =	vpop (xrf0)  }
0x90: {  	v6, _, _ =	vpop (xrf0);
	(v2sf) =	vpush v5, $0xF  }
0x91: {  	(v2sf) =	vpush v6, $0xF;
	v5, _, _ =	vpop (xrf0)  }
0x92: {  	(v2sf) =	vpush v5, $0xF;
	_ =	sdelay $0x8  }
0x93: {  	s17 =	spop (v2sf)  }
0x94: {  	s29 =	smov.u32 s20;
	s25 =	spop (v2sf)  }
0x95: {  	s10 =	smov.u32 s28;
	v5 =	vor.u32 s3, v0;
	s17 =	sadd.s32 s17, s19;
	s26 =	spop (v2sf)  }
0x96: {  	[tilespmem:s19+$0x680] =	vst.msk vm1, v5;
	s20 =	sxor.u32 $0x80000000, s25;
	s19 =	sadd.s32 $0x80000000, s17;
	s17 =	smov.u32 s14  }
0x97: {  	s1 =	spop (v2sf);
	p1 =	slt.s32 s29, s20;
	s26 =	sadd.s32 s26, s16  }
0x98: {  	[tilespmem:s16+$0x6D0] =	vst.msk vm2, v5;
	s25 =	spop (v2sf);
	s20 =	smov.u32 @p1 s29;
	s16 =	sadd.s32 $0x80000000, s26  }
0x99: {  	s28 =	sxor.u32 $0x80000000, s1;
	s26 =	smov.u32 s4;
	s14 =	spop (v2sf)  }
0x9a: {  	p1 =	slt.s32 s10, s28;
	s25 =	sadd.s32 s25, s15;
	s14 =	sxor.u32 $0x80000000, s14  }
0x9b: {  	[tilespmem:s15+$0x760] =	vst.msk vm3, v5;
	s28 =	smov.u32 @p1 s10;
	s15 =	sadd.s32 $0x80000000, s25;
	p1 =	slt.s32 s17, s14  }
0x9c: {  	p2 =	slt.s32 s16, $0x40;
	s14 =	smov.u32 @p1 s17;
	p1 =	slt.s32 s15, $0x80  }
0x9d: {  	p3 =	sgt.u32 s26, $0x1E;
	p4 =	por p2, p1  }
0x9e: {  	p4 =	por p3, !p4  }
.Ltmp6:
0x9f: {  	s24 =	sadd.s32 $0x10, s24;
	(pc) =	sbr.rel @!p4 .LBB2_4-.Ltmp6, $4  }
0xa0: {  	s22 =	sadd.s32 $0x10, s22;
	s23 =	sadd.s32 $0x10, s23;
	s3 =	sadd.s32 $0x10, s3  }
0xa1: {  	s4 =	sadd.s32 $0x1, s4;
	s29 =	smov.u32 s8;
	s8 =	sadd.s32 $0x10, s8  }
0xa2: {  	s26 =	smov.u32 s7;
	s7 =	sadd.s32 $0x10, s7;
	s25 =	smov.u32 s6  }
0xa3: {  	s6 =	sadd.s32 $0x10, s6;
	s17 =	smov.u32 s0;
	s0 =	sadd.s32 $0x10, s0  }
0xa4: {  	p1 =	slt.s32 @!p3 s19, $0x20  }
0xa5: {  	p1 =	por p3, !p1  }
.Ltmp7:
0xa6: {  	_ = 	snop;
	(pc) =	sbr.rel @p1 .LBB2_6-.Ltmp7, $1  }
0xa7: {  	_ =	sdelay $0x3  }
.LBB2_7:
0xa8: {  	v5 =	vld [tilespmem:s25+$0x0]  }
0xa9: {  	v6 =	vld [tilespmem:s26+$0x0];
	_ =	sdelay $0x1  }
0xaa: {  	v7 =	vld [tilespmem:s29+$0x0];
	_ =	sdelay $0x2  }
0xab: {  	v5 =	vsub.f32 v5, v2;
	v6 =	vsub.f32 v6, v3;
	_ =	sdelay $0x1  }
0xac: {  	v7 =	vsub.f32 v7, v4;
	v5 =	vmul.f32 v5, v5;
	v6 =	vmul.f32 v6, v6;
	_ =	sdelay $0x1  }
0xad: {  	v5 =	vadd.f32 v6, v5;
	v6 =	vmul.f32 v7, v7;
	_ =	sdelay $0x1  }
0xae: {  	v5 =	vadd.f32 v6, v5;
	_ =	sdelay $0x1  }
0xaf: {  	vm1 =	vlt.f32 v5, $3.999999910e-02  }
0xb0: {  	v6 =	vor.u32 s17, v1;
	v5 =	vmpcnt.ones.xlane vm1  }
0xb1: {  	v6 =	vnsel vm1, $0xFFFFFFFF, v6  }
0xb2: {  	(xrf0) =	vmin.scan.msk.u32 $0xffff, v6;
	v5 =	vxor.u32 $0x80000000, v5  }
0xb3: {  	(xrf0) =	vmax.scan.msk.u32 $0xffff, v5;
	_ =	sdelay $0x4  }
0xb4: {  	v5, _, _ =	vpop (xrf0)  }
0xb5: {  	(v2sf) =	vpush v5, $0xF;
	v5, _, _ =	vpop (xrf0)  }
0xb6: {  	(v2sf) =	vpush v5, $0xF;
	_ =	sdelay $0xd  }
0xb7: {  	s0 =	spop (v2sf)  }
0xb8: {  	s3 =	spop (v2sf)  }
0xb9: {  	s1 =	smov.u32 s20;
	v5 =	vor.u32 s17, v0;
	s20 =	sxor.u32 $0x80000000, s0;
	s24 =	sadd.s32 s3, s19  }
0xba: {  	p1 =	sgt.u32 s4, $0x1E;
	[tilespmem:s19+$0x680] =	vst.msk vm1, v5;
	p2 =	slt.s32 s1, s20;
	s19 =	sadd.s32 $0x80000000, s24  }
0xbb: {  	s20 =	smov.u32 @p2 s1;
	p2 =	slt.s32 @!p1 s19, $0x20  }
0xbc: {  	p2 =	por p1, !p2  }
.Ltmp8:
0xbd: {  	_ = 	snop;
	(pc) =	sbr.rel @!p2 .LBB2_7-.Ltmp8, $3  }
0xbe: {  	_ =	sdelay $0x1  }
0xbf: {  	s4 =	sadd.s32 $0x1, s4;
	s25 =	sadd.s32 $0x10, s25  }
0xc0: {  	s26 =	sadd.s32 $0x10, s26;
	s29 =	sadd.s32 $0x10, s29;
	s17 =	sadd.s32 $0x10, s17  }
.Ltmp9:
0xc1: {  	(pc) =	sbr.rel .LBB2_9-.Ltmp9, $2  }
0xc2: {  	_ =	sdelay $0x2  }
0xc3: {  	s19 =	smov.u32 @p1 s19;
	s20 =	smov.u32 @p1 s20  }
.LBB2_12:
0xc4: {  	_ =	sfence.sel $0x180000  }
0xc5: {  	[bflag:$0x0] =	sbarrier.arrive $0xFFFF  }
0xc6: {  	_ =	strace $0x9000004A  }
0xc7: {  	s0 =	stileid.u32;
	[bflag:$0x2] =	sbarrier.arrive $0xFFFF  }
0xc8: {  	p0 =	sne.s32 s0, $0x0;
	s0 =	rddreg [dreg:$0x1]  }
0xc9: {  	s0 =	sadd.s32 @!p0 $0x100000, s0  }
0xca: {  	[sflag:s0] =	ssyncadd.tile.s32 @!p0 $0x1;
	_ =	shalt  }
.Lfunc_end2:
_tile_overlayer_lowered:
.L_overlay_start_2:
0xcb: {  	(tag) =	ssettag $0x2  }
0xcc: {  	s0 =	rddreg [dreg:$0x0];
	s2 =	stileid.u32  }
0xcd: {  	s1 =	rddreg [dreg:$0x1];
	p0 =	sne.s32 s2, $0x0  }
0xce: {  	s3 =	rddreg [dreg:$0x2];
	[bflag:$0x3] =	sbarrier.arrive $0xFFFF;
	s2 =	simm.s32 @!p0 $0x1C02  }
0xcf: {  	[timem:s3], [sflag:s2] =	dma.local @!p0 [hbm:s0], s1  }
0xd0: {  	s0 =	simm.s32 @!p0 $0x2  }
0xd1: {  	_ =	swait.ge @!p0 [sflag:s0], s1  }
0xd2: {  	s1 =	ssub.s32 @!p0 $0x0, s1;
	[sflag:s0] =	ssyncset.done @!p0 $0x0  }
0xd3: {  	[sflag:s0] =	ssyncadd.s32 @!p0 s1  }
0xd4: {  	[bflag:$0x3] =	sbarrier.arrive $0xFFFF  }
0xd5: {  	_ =	shalt  }

</sc_bundles>
